<compile_context>
chip_gen: v7x
topology: tpu7x:2x2x1
jax: 0.10.2.dev20260603
libtpu: 0.0.44.dev20260713+nightly
codegen_flags: <defaults>
</compile_context>

<pallas_src>
import functools

import jax
import jax.numpy as jnp
from jax import lax
from jax.experimental import pallas as pl
from jax.experimental.pallas import tpu as pltpu
from jax.experimental.pallas import tpu_sc as plsc

T, V = 64, 25
NL, NU = 12, 13
H = 64
NC = 60
EPS = 1e-5
F32 = jnp.float32


def _make_sc_builder(N, E):
    NW = 32
    RPT = N // NW
    RSZ = RPT * N
    CH = E // 4
    RPTP = ((RPT + 15) // 16) * 16
    mesh = plsc.VectorSubcoreMesh(core_axis_name="c", subcore_axis_name="s")

    @functools.partial(
        pl.kernel,
        out_type=jax.ShapeDtypeStruct((N * N,), F32),
        mesh=mesh,
        compiler_params=pltpu.CompilerParams(needs_layout_passes=False),
        scratch_types=[
            pltpu.VMEM((CH,), jnp.int32),
            pltpu.VMEM((CH,), jnp.int32),
            pltpu.VMEM((N,), F32),
            pltpu.VMEM((RSZ,), F32),
        ],
    )
    def build(src_hbm, dst_hbm, valid_hbm, out_hbm, src_v, dst_v,
              valid_v, U_v):
        c = lax.axis_index("c")
        s = lax.axis_index("s")
        w = c * 16 + s
        r0 = w * RPT
        zf = jnp.zeros((16,), F32)

        pltpu.sync_copy(valid_hbm, valid_v)

        def zstep(i, _):
            o = pl.multiple_of(i * 16, 16)
            U_v[pl.ds(o, 16)] = zf
            return 0
        lax.fori_loop(0, RSZ // 16, zstep, 0)

        for k in range(E // CH):
            pltpu.sync_copy(src_hbm.at[pl.ds(k * CH, CH)], src_v)
            pltpu.sync_copy(dst_hbm.at[pl.ds(k * CH, CH)], dst_v)

            def p2(i, _):
                o = pl.multiple_of(i * 16, 16)
                sv = src_v[pl.ds(o, 16)]
                dv = dst_v[pl.ds(o, 16)]
                ew = (plsc.load_gather(valid_v, [sv])
                      * plsc.load_gather(valid_v, [dv]))
                inr = jnp.logical_and(dv >= r0, dv < r0 + RPT)
                lidx = (dv - r0) * N + sv
                lidx = jnp.where(inr, lidx, 0)
                plsc.addupdate_scatter(U_v, [lidx], ew, mask=inr)
                return 0
            lax.fori_loop(0, CH // 16, p2, 0)

        onef = jnp.full((16,), 1.0, F32)
        for j in range(0, RPTP, 16):
            lane = lax.iota(jnp.int32, 16) + j
            ok = lane < RPT
            rg = jnp.minimum(r0 + lane, N - 1)
            lidx = jnp.where(ok, lane * N + rg, 0)
            plsc.addupdate_scatter(U_v, [lidx], onef, mask=ok)

        h0 = pl.multiple_of(r0 * N, 16)
        pltpu.sync_copy(U_v, out_hbm.at[pl.ds(h0, RSZ)])

    return build


def _dinv_body(U_ref, d_ref):
    deg = jnp.sum(U_ref[...], axis=1, keepdims=True)
    d_ref[...] = jax.lax.rsqrt(deg)


def _build_U(edge_index, valid, N):
    E = edge_index.shape[1]
    flat = _make_sc_builder(N, E)(edge_index[0], edge_index[1], valid)
    U = flat.reshape(N, N)
    dinv = pl.pallas_call(
        _dinv_body,
        out_shape=jax.ShapeDtypeStruct((N, 1), F32),
    )(U)
    return U, dinv


C = 4


def _l1p_body(lab_ref, x0_ref, x1_ref, x2_ref, x3_ref, Wc_ref, bc_ref,
              h_ref):
    Wc = Wc_ref[...]
    bc = bc_ref[...]
    hs = [x_ref[0] @ Wc + bc for x_ref in (x0_ref, x1_ref, x2_ref, x3_ref)]
    h_ref[...] = jnp.concatenate(hs, axis=1)


def _lay_body(zin_ref, st_ref, g_ref, be_ref, A_ref, d_ref, W_ref, b_ref,
              R_ref, z_ref, stout_ref, acc_ref, *, SN, has_bn):
    s = pl.program_id(0)
    zp = zin_ref[...]
    if has_bn:
        m = jnp.tile(st_ref[0:1, :] / SN, (1, C))
        var = jnp.tile(st_ref[1:2, :] / SN, (1, C)) - m * m
        gt = jnp.tile(g_ref[...], (1, C))
        bt = jnp.tile(be_ref[...], (1, C))
        xn = jax.nn.relu(gt * (zp - m) * jax.lax.rsqrt(var + EPS) + bt)
        h = xn @ W_ref[...] + jnp.tile(b_ref[...], (1, C))
    else:
        h = zp
    d = d_ref[...]
    z = d * (A_ref[...] @ (d * h))

    @pl.when(s == 0)
    def _():
        acc_ref[...] = jnp.zeros_like(acc_ref)

    acc_ref[0:1, :] += jnp.sum(z, axis=0, keepdims=True)
    acc_ref[1:2, :] += jnp.sum(z * z, axis=0, keepdims=True)
    z_ref[...] = z

    @pl.when(s == pl.num_programs(0) - 1)
    def _():
        stout_ref[...] = acc_ref[...] @ R_ref[...]


def _fin_body(zin_ref, st_ref, g_ref, be_ref, Wfb_ref, bfb_ref, o_ref, *,
              SN, N):
    zp = zin_ref[...]
    m = jnp.tile(st_ref[0:1, :] / SN, (1, C))
    var = jnp.tile(st_ref[1:2, :] / SN, (1, C)) - m * m
    gt = jnp.tile(g_ref[...], (1, C))
    bt = jnp.tile(be_ref[...], (1, C))
    xn = jax.nn.relu(gt * (zp - m) * jax.lax.rsqrt(var + EPS) + bt)
    pooled = jnp.sum(xn, axis=0, keepdims=True) * (1.0 / N)
    o_ref[0] = pooled @ Wfb_ref[...] + bfb_ref[...]


def _run_branch(xin, lab, A, dinv, p, enc_W, enc_b, S, N):
    SN = float(S * N)
    SC_ = S // C
    Wc = enc_W @ p['W1']
    bc = (enc_b @ p['W1'] + p['b1'])[None, :]
    eyeH = jnp.eye(H, dtype=F32)
    R = jnp.tile(eyeH, (C, 1))

    def _xspec(j):
        return pl.BlockSpec((1, N, 3), lambda s, lab: (lab[C * s + j], 0, 0))

    l1p = pl.pallas_call(
        _l1p_body,
        grid_spec=pltpu.PrefetchScalarGridSpec(
            num_scalar_prefetch=1,
            grid=(SC_,),
            in_specs=[
                _xspec(0), _xspec(1), _xspec(2), _xspec(3),
                pl.BlockSpec((3, H), lambda s, lab: (0, 0)),
                pl.BlockSpec((1, H), lambda s, lab: (0, 0)),
            ],
            out_specs=pl.BlockSpec((N, C * H), lambda s, lab: (0, s)),
        ),
        out_shape=jax.ShapeDtypeStruct((N, S * H), F32),
    )
    h1 = l1p(lab, xin, xin, xin, xin, Wc, bc)

    def layer_call(zin, st, g, be, W, b, has_bn):
        args = [
            pl.BlockSpec((N, C * H), lambda s: (0, s)),
            pl.BlockSpec((2, H), lambda s: (0, 0)),
            pl.BlockSpec((1, H), lambda s: (0, 0)),
            pl.BlockSpec((1, H), lambda s: (0, 0)),
            pl.BlockSpec((N, N), lambda s: (0, 0)),
            pl.BlockSpec((N, 1), lambda s: (0, 0)),
            pl.BlockSpec((C * H, C * H), lambda s: (0, 0)),
            pl.BlockSpec((1, H), lambda s: (0, 0)),
            pl.BlockSpec((C * H, H), lambda s: (0, 0)),
        ]
        lay = pl.pallas_call(
            functools.partial(_lay_body, SN=SN, has_bn=has_bn),
            grid=(SC_,),
            in_specs=args,
            out_specs=[
                pl.BlockSpec((N, C * H), lambda s: (0, s)),
                pl.BlockSpec((2, H), lambda s: (0, 0)),
            ],
            out_shape=[jax.ShapeDtypeStruct((N, S * H), F32),
                       jax.ShapeDtypeStruct((2, H), F32)],
            scratch_shapes=[pltpu.VMEM((2, C * H), F32)],
        )
        return lay(zin, st, g, be, A, dinv, W, b, R)

    zeroH = jnp.zeros((1, H), F32)
    Wblk = {}
    for i in (2, 3):
        Wblk[i] = jnp.kron(jnp.eye(C, dtype=F32), p['W%d' % i])

    z, st = layer_call(h1, jnp.ones((2, H), F32), zeroH, zeroH,
                       jnp.zeros((C * H, C * H), F32), zeroH, has_bn=False)
    z, st = layer_call(z, st, p['g1'][None, :], p['be1'][None, :],
                       Wblk[2], p['b2'][None, :], has_bn=True)
    z, st = layer_call(z, st, p['g2'][None, :], p['be2'][None, :],
                       Wblk[3], p['b3'][None, :], has_bn=True)

    Wfb = jnp.kron(jnp.eye(C, dtype=F32), p['Wf'])
    bfb = jnp.tile(p['bf'][None, :], (1, C))
    fin = pl.pallas_call(
        functools.partial(_fin_body, SN=SN, N=N),
        grid=(SC_,),
        in_specs=[
            pl.BlockSpec((N, C * H), lambda s: (0, s)),
            pl.BlockSpec((2, H), lambda s: (0, 0)),
            pl.BlockSpec((1, H), lambda s: (0, 0)),
            pl.BlockSpec((1, H), lambda s: (0, 0)),
            pl.BlockSpec((C * H, C * NC), lambda s: (0, 0)),
            pl.BlockSpec((1, C * NC), lambda s: (0, 0)),
        ],
        out_specs=pl.BlockSpec((1, 1, C * NC), lambda s: (s, 0, 0)),
        out_shape=jax.ShapeDtypeStruct((SC_, 1, C * NC), F32),
    )
    o = fin(z, st, p['g3'][None, :], p['be3'][None, :], Wfb, bfb)
    return o.reshape(S, NC)


def _loss_body(osup_ref, ol_ref, ou_ref, y_ref, lab_ref,
               ypred_ref, yl_ref, yu_ref, lsup_ref, llow_ref, lup_ref):
    def logsm(o):
        mx = jnp.max(o, axis=1, keepdims=True)
        return o - mx - jnp.log(jnp.sum(jnp.exp(o - mx), axis=1,
                                        keepdims=True))

    def amax(o):
        mx = jnp.max(o, axis=1, keepdims=True)
        io = jax.lax.broadcasted_iota(jnp.int32, o.shape, 1)
        return jnp.min(jnp.where(o >= mx, io, NC), axis=1)

    def pick_mean(olog, idx):
        io = jax.lax.broadcasted_iota(jnp.int32, olog.shape, 1)
        p = jnp.sum(jnp.where(io == idx[:, None], olog, 0.0), axis=1)
        return jnp.mean(p)

    olog = logsm(osup_ref[...])
    ollog = logsm(ol_ref[...])
    oulog = logsm(ou_ref[...])
    ypred = amax(olog)
    yl = amax(ollog)
    yu = amax(oulog)
    ypred_ref[...] = ypred[None, :]
    yl_ref[...] = yl[None, :]
    yu_ref[...] = yu[None, :]

    S = olog.shape[0]
    lab = lab_ref[...].reshape(S, 1)
    iob = jax.lax.broadcasted_iota(jnp.int32, (S, y_ref.shape[1]), 1)
    yb = jnp.broadcast_to(y_ref[...], (S, y_ref.shape[1]))
    y_lab = jnp.sum(jnp.where(iob == lab, yb, 0), axis=1)

    lsup_ref[...] = jnp.reshape(-pick_mean(olog, y_lab), (1, 1))
    llow_ref[...] = jnp.reshape(-pick_mean(ollog, yu), (1, 1))
    lup_ref[...] = jnp.reshape(-pick_mean(oulog, yl), (1, 1))


def _losses(o_sup, o_low, o_up, y, labeled):
    S = o_sup.shape[0]
    B = y.shape[0]
    out = pl.pallas_call(
        _loss_body,
        out_shape=[
            jax.ShapeDtypeStruct((1, S), jnp.int32),
            jax.ShapeDtypeStruct((1, B), jnp.int32),
            jax.ShapeDtypeStruct((1, B), jnp.int32),
            jax.ShapeDtypeStruct((1, 1), F32),
            jax.ShapeDtypeStruct((1, 1), F32),
            jax.ShapeDtypeStruct((1, 1), F32),
        ],
    )(o_sup, o_low, o_up, y[None, :], labeled[None, :])
    ypred, yl, yu, lsup, llow, lup = out
    return (ypred.reshape(S), yl.reshape(B), yu.reshape(B),
            lsup[0, 0], llow[0, 0], lup[0, 0])


def kernel(x, edge_index, edge_index_upper, edge_index_lower, y, node_invalid,
           labeled, enc_W, enc_b, params_sup, params_low, params_up):
    B = x.shape[0]
    N_full, N_low, N_up = T * V, T * NL, T * NU

    valid = jnp.logical_not(node_invalid).astype(F32)
    valid2 = valid.reshape(T, V)
    valid_low = valid2[:, :NL].reshape(-1)
    valid_up = valid2[:, NL:].reshape(-1)

    U_full, d_full = _build_U(edge_index, valid, N_full)
    U_low, d_low = _build_U(edge_index_lower, valid_low, N_low)
    U_up, d_up = _build_U(edge_index_upper, valid_up, N_up)

    x_full = x.reshape(B, N_full, 3)
    x_low = x[:, :, :NL, :].reshape(B, N_low, 3)
    x_up = x[:, :, NL:, :].reshape(B, N_up, 3)

    S = labeled.shape[0]
    ident = jnp.arange(B, dtype=jnp.int32)

    o_sup = _run_branch(x_full, labeled.astype(jnp.int32), U_full, d_full,
                        params_sup, enc_W, enc_b, S, N_full)
    o_low = _run_branch(x_low, ident, U_low, d_low, params_low, enc_W, enc_b,
                        B, N_low)
    o_up = _run_branch(x_up, ident, U_up, d_up, params_up, enc_W, enc_b,
                       B, N_up)

    return _losses(o_sup, o_low, o_up, y, labeled)

# --- scband reference (transcript-rebuilt; emitter-appended) ---
"""Pipeline reference for scband-gcnsemi-supervised-55714315763966 (READ-ONLY COPY).

The authoritative reference and input builder live on the scoring server;
editing this copy changes nothing except your own understanding.
"""

import jax, jax.numpy as jnp
import numpy as np

T, V = 64, 25
NL, NU = 12, 13
H = 64
NC = 60

def _edge_weight(edge_index, node_valid):
    row, col = edge_index[0], edge_index[1]
    return jnp.logical_and(node_valid[row], node_valid[col]).astype(jnp.float32)

def _gcn_conv(x, edge_index, edge_weight, W, b):
    N = x.shape[0]
    src, dst = edge_index[0], edge_index[1]
    loop = jnp.arange(N)
    src_f = jnp.concatenate([src, loop])
    dst_f = jnp.concatenate([dst, loop])
    ew = jnp.concatenate([edge_weight, jnp.ones((N,), x.dtype)])
    deg = jnp.zeros((N,), x.dtype).at[dst_f].add(ew)
    dinv = jnp.where(deg > 0, 1.0 / jnp.sqrt(jnp.maximum(deg, 1e-12)), 0.0)
    norm = dinv[src_f] * dinv[dst_f] * ew
    h = x @ W + b
    out = jnp.zeros((N, W.shape[1]), x.dtype).at[dst_f].add(norm[:, None] * h[src_f])
    return out

def _bn(x, g, b):
    m = x.mean(axis=(0, 1), keepdims=True)
    v = x.var(axis=(0, 1), keepdims=True)
    return g * (x - m) / jnp.sqrt(v + 1e-5) + b

def _gcn_3l_bn(xb, edge_index, edge_weight, p):
    h = xb
    for i in (1, 2, 3):
        conv = jax.vmap(lambda z: _gcn_conv(z, edge_index, edge_weight, p['W%d' % i], p['b%d' % i]))
        h = conv(h)
        h = jax.nn.relu(_bn(h, p['g%d' % i], p['be%d' % i]))
    pooled = h.mean(axis=1)
    return pooled @ p['Wf'] + p['bf']

def _make_gcn_params(key, d, nc):
    ks = jax.random.split(key, 4)
    p = {}
    for i in (1, 2, 3):
        p['W%d' % i] = jax.random.normal(ks[i - 1], (d, d), jnp.float32) * 0.1
        p['b%d' % i] = jnp.zeros((d,), jnp.float32)
        p['g%d' % i] = jnp.ones((d,), jnp.float32)
        p['be%d' % i] = jnp.zeros((d,), jnp.float32)
    p['Wf'] = jax.random.normal(ks[3], (d, nc), jnp.float32) * 0.1
    p['bf'] = jnp.zeros((nc,), jnp.float32)
    return p

def setup_inputs(seed: int = 0):
    key = jax.random.key(seed)
    ks = jax.random.split(key, 12)
    B = 128
    x = jax.random.normal(ks[0], (B, T, V, 3), jnp.float32)
    edge_index = jax.random.randint(ks[1], (2, 25600), 0, T * V)
    edge_index_upper = jax.random.randint(ks[2], (2, 13312), 0, T * NU)
    edge_index_lower = jax.random.randint(ks[3], (2, 12288), 0, T * NL)
    y = jax.random.randint(ks[4], (B,), 0, NC)
    node_invalid = jax.random.randint(ks[5], (T * V,), 0, 2).astype(bool)
    labeled = jnp.sort(jax.random.randint(ks[6], (64,), 0, B))
    enc_W = jax.random.normal(ks[7], (3, H), jnp.float32) * 0.1
    enc_b = jnp.zeros((H,), jnp.float32)
    params_sup = _make_gcn_params(ks[8], H, NC)
    params_low = _make_gcn_params(ks[9], H, NC)
    params_up = _make_gcn_params(ks[10], H, NC)
    return dict(x=x, edge_index=edge_index, edge_index_upper=edge_index_upper,
                edge_index_lower=edge_index_lower, y=y, node_invalid=node_invalid,
                labeled=labeled, enc_W=enc_W, enc_b=enc_b, params_sup=params_sup,
                params_low=params_low, params_up=params_up)

def reference(x, edge_index, edge_index_upper, edge_index_lower, y, node_invalid, labeled,
              enc_W, enc_b, params_sup, params_low, params_up):
    B = x.shape[0]
    xh = x @ enc_W + enc_b
    node_valid = jnp.logical_not(node_invalid)
    valid2 = node_valid.reshape(T, V)
    ew_full = _edge_weight(edge_index, node_valid)
    ew_low = _edge_weight(edge_index_lower, valid2[:, :NL].reshape(-1))
    ew_up = _edge_weight(edge_index_upper, valid2[:, NL:].reshape(-1))
    x_lower = xh[:, :, :NL].reshape(B, T * NL, H)
    x_upper = xh[:, :, NL:].reshape(B, T * NU, H)
    x_lab = xh[labeled].reshape(labeled.shape[0], T * V, H)
    o_sup = _gcn_3l_bn(x_lab, edge_index, ew_full, params_sup)
    ol = _gcn_3l_bn(x_lower, edge_index_lower, ew_low, params_low)
    ou = _gcn_3l_bn(x_upper, edge_index_upper, ew_up, params_up)
    olog = jax.nn.log_softmax(o_sup, axis=-1)
    y_pred = jnp.argmax(olog, axis=1)
    ollog = jax.nn.log_softmax(ol, axis=-1)
    oulog = jax.nn.log_softmax(ou, axis=-1)
    idx = jnp.arange(olog.shape[0])
    sup_loss = -jnp.mean(olog[idx, y[labeled]])
    yl = jnp.argmax(ollog, axis=1)
    yu = jnp.argmax(oulog, axis=1)
    idx2 = jnp.arange(yl.shape[0])
    unsup_lower = -jnp.mean(ollog[idx2, yu])
    unsup_upper = -jnp.mean(oulog[idx2, yl])
    return (y_pred, yl, yu, sup_loss, unsup_lower, unsup_upper)

if __name__ == "__main__":
    import jax
    _d = setup_inputs()
    print(jax.jit(kernel)(*tuple(_d.values())))

</pallas_src>

<mosaic_0001>
#map = affine_map<(d0, d1) -> (0)>
module attributes {stable_mosaic.version = 14 : i64} {
  func.func @build(%arg0: i32, %arg1: i32, %arg2: memref<25600xi32, #tpu.memory_space<hbm>>, %arg3: memref<25600xi32, #tpu.memory_space<hbm>>, %arg4: memref<1600xf32, #tpu.memory_space<hbm>>, %arg5: memref<2560000xf32, #tpu.memory_space<hbm>>, %arg6: memref<6400xi32, #tpu.memory_space<vmem>>, %arg7: memref<6400xi32, #tpu.memory_space<vmem>>, %arg8: memref<1600xf32, #tpu.memory_space<vmem>>, %arg9: memref<80000xf32, #tpu.memory_space<vmem>>) attributes {dimension_semantics = [#tpu.dimension_semantics<core_parallel>, #tpu.dimension_semantics<subcore_parallel>], iteration_bounds = array<i64: 2, 16>, scalar_prefetch = 0 : i64, scratch_operands = 4 : i64, tpu.core_type = #tpu.core_type<sc_vector_subcore>, window_params = [{transform_indices = #map}, {transform_indices = #map}, {transform_indices = #map}, {transform_indices = #map}]} {
    %mul3A = arith.constant 16 : i32
    %mul3A_0 = arith.muli %arg0, %mul3A : i32
    %add3A = arith.addi %mul3A_0, %arg1 : i32
    %mul3A_1 = arith.constant 50 : i32
    %mul3A_2 = arith.muli %add3A, %mul3A_1 : i32
    %broadcast_in_dim3A = arith.constant 0.000000e+00 : f32
    %broadcast_in_dim3A_3 = vector.broadcast %broadcast_in_dim3A : f32 to vector<16xf32>
    "tpu.region"() ({
      %run_scoped3A = tpu.sem_alloc : memref<!tpu.dma_semaphore, #tpu.memory_space<semaphore_mem>>
      tpu.enqueue_dma source(%arg4 : memref<1600xf32, #tpu.memory_space<hbm>>) target(%arg8 : memref<1600xf32, #tpu.memory_space<vmem>>) target_semaphore(%run_scoped3A : memref<!tpu.dma_semaphore, #tpu.memory_space<semaphore_mem>>)
      tpu.wait_dma2 semaphore(%run_scoped3A : memref<!tpu.dma_semaphore, #tpu.memory_space<semaphore_mem>>) src(%arg4 : memref<1600xf32, #tpu.memory_space<hbm>>) dst(%arg8 : memref<1600xf32, #tpu.memory_space<vmem>>)
      tpu.yield
    }) : () -> ()
    %scan3A = arith.constant 0 : i32
    %scan3A_4 = arith.constant 0 : i32
    %scan3A_5 = arith.constant 5000 : i32
    %scan3A_6 = arith.addi %scan3A_4, %scan3A_5 : i32
    %scan3A_7 = arith.constant 1 : i32
    %scan3A_8 = scf.for %scan3A_113 = %scan3A_4 to %scan3A_6 step %scan3A_7 iter_args(%scan3A_114 = %scan3A) -> (i32)  : i32 {
      %mul3A_115 = arith.constant 16 : i32
      %mul3A_116 = arith.muli %scan3A_113, %mul3A_115 : i32
      %multiple_of3A_117 = tpu.assume_multiple %mul3A_116, 16 : i32
      %swap3A = arith.index_cast %multiple_of3A_117 : i32 to index
      %swap3A_118 = tpu.vector_load %arg9[%swap3A] {strides = array<i32>} : memref<80000xf32, #tpu.memory_space<vmem>>, vector<16xf32>,
      tpu.vector_store %arg9[%swap3A], %broadcast_in_dim3A_3 {strides = array<i32>} : memref<80000xf32, #tpu.memory_space<vmem>>, vector<16xf32>,
      %scan3A_119 = arith.constant 0 : i32
      scf.yield %scan3A_119 : i32
    }
    %scan3A_9 = arith.constant 5000 : i32
    "tpu.region"() ({
      %run_scoped3A = tpu.sem_alloc : memref<!tpu.dma_semaphore, #tpu.memory_space<semaphore_mem>>
      %dma_start3A = arith.constant 0 : i32
      %dma_start3A_113 = tpu.memref_slice %arg2[%dma_start3A] : memref<25600xi32, #tpu.memory_space<hbm>> -> memref<6400xi32, #tpu.memory_space<hbm>>
      %dma_start3A_114 = arith.constant 0 : i32
      %dma_start3A_115 = tpu.memref_slice %arg2[%dma_start3A_114] : memref<25600xi32, #tpu.memory_space<hbm>> -> memref<6400xi32, #tpu.memory_space<hbm>>
      tpu.enqueue_dma source(%dma_start3A_115 : memref<6400xi32, #tpu.memory_space<hbm>>) target(%arg6 : memref<6400xi32, #tpu.memory_space<vmem>>) target_semaphore(%run_scoped3A : memref<!tpu.dma_semaphore, #tpu.memory_space<semaphore_mem>>)
      %dma_wait3A = arith.constant 0 : i32
      %dma_wait3A_116 = tpu.memref_slice %arg2[%dma_wait3A] : memref<25600xi32, #tpu.memory_space<hbm>> -> memref<6400xi32, #tpu.memory_space<hbm>>
      %dma_wait3A_117 = arith.constant 0 : i32
      %dma_wait3A_118 = tpu.memref_slice %arg2[%dma_wait3A_117] : memref<25600xi32, #tpu.memory_space<hbm>> -> memref<6400xi32, #tpu.memory_space<hbm>>
      tpu.wait_dma2 semaphore(%run_scoped3A : memref<!tpu.dma_semaphore, #tpu.memory_space<semaphore_mem>>) src(%dma_wait3A_118 : memref<6400xi32, #tpu.memory_space<hbm>>) dst(%arg6 : memref<6400xi32, #tpu.memory_space<vmem>>)
      tpu.yield
    }) : () -> ()
    "tpu.region"() ({
      %run_scoped3A = tpu.sem_alloc : memref<!tpu.dma_semaphore, #tpu.memory_space<semaphore_mem>>
      %dma_start3A = arith.constant 0 : i32
      %dma_start3A_113 = tpu.memref_slice %arg3[%dma_start3A] : memref<25600xi32, #tpu.memory_space<hbm>> -> memref<6400xi32, #tpu.memory_space<hbm>>
      %dma_start3A_114 = arith.constant 0 : i32
      %dma_start3A_115 = tpu.memref_slice %arg3[%dma_start3A_114] : memref<25600xi32, #tpu.memory_space<hbm>> -> memref<6400xi32, #tpu.memory_space<hbm>>
      tpu.enqueue_dma source(%dma_start3A_115 : memref<6400xi32, #tpu.memory_space<hbm>>) target(%arg7 : memref<6400xi32, #tpu.memory_space<vmem>>) target_semaphore(%run_scoped3A : memref<!tpu.dma_semaphore, #tpu.memory_space<semaphore_mem>>)
      %dma_wait3A = arith.constant 0 : i32
      %dma_wait3A_116 = tpu.memref_slice %arg3[%dma_wait3A] : memref<25600xi32, #tpu.memory_space<hbm>> -> memref<6400xi32, #tpu.memory_space<hbm>>
      %dma_wait3A_117 = arith.constant 0 : i32
      %dma_wait3A_118 = tpu.memref_slice %arg3[%dma_wait3A_117] : memref<25600xi32, #tpu.memory_space<hbm>> -> memref<6400xi32, #tpu.memory_space<hbm>>
      tpu.wait_dma2 semaphore(%run_scoped3A : memref<!tpu.dma_semaphore, #tpu.memory_space<semaphore_mem>>) src(%dma_wait3A_118 : memref<6400xi32, #tpu.memory_space<hbm>>) dst(%arg7 : memref<6400xi32, #tpu.memory_space<vmem>>)
      tpu.yield
    }) : () -> ()
    %scan3A_10 = arith.constant 0 : i32
    %scan3A_11 = arith.constant 0 : i32
    %scan3A_12 = arith.constant 400 : i32
    %scan3A_13 = arith.addi %scan3A_11, %scan3A_12 : i32
    %scan3A_14 = arith.constant 1 : i32
    %scan3A_15 = scf.for %scan3A_113 = %scan3A_11 to %scan3A_13 step %scan3A_14 iter_args(%scan3A_114 = %scan3A_10) -> (i32)  : i32 {
      %mul3A_115 = arith.constant 16 : i32
      %mul3A_116 = arith.muli %scan3A_113, %mul3A_115 : i32
      %multiple_of3A_117 = tpu.assume_multiple %mul3A_116, 16 : i32
      %get3A = arith.index_cast %multiple_of3A_117 : i32 to index
      %get3A_118 = tpu.vector_load %arg6[%get3A] {strides = array<i32>} : memref<6400xi32, #tpu.memory_space<vmem>>, vector<16xi32>,
      %get3A_119 = arith.index_cast %multiple_of3A_117 : i32 to index
      %get3A_120 = tpu.vector_load %arg7[%get3A_119] {strides = array<i32>} : memref<6400xi32, #tpu.memory_space<vmem>>, vector<16xi32>,
      %gather3A = tpu.vector_load_idx %arg8[%get3A_118] : memref<1600xf32, #tpu.memory_space<vmem>>[vector<16xi32>], vector<16xf32>,
      %gather3A_121 = tpu.vector_load_idx %arg8[%get3A_120] : memref<1600xf32, #tpu.memory_space<vmem>>[vector<16xi32>], vector<16xf32>,
      %mul3A_122 = arith.mulf %gather3A, %gather3A_121 : vector<16xf32>
      %ge3A = vector.broadcast %mul3A_2 : i32 to vector<16xi32>
      %ge3A_123 = arith.cmpi sge, %get3A_120, %ge3A : vector<16xi32>
      %add3A_124 = arith.constant 50 : i32
      %add3A_125 = arith.addi %mul3A_2, %add3A_124 : i32
      %lt3A_126 = vector.broadcast %add3A_125 : i32 to vector<16xi32>
      %lt3A_127 = arith.cmpi slt, %get3A_120, %lt3A_126 : vector<16xi32>
      %and3A = arith.andi %ge3A_123, %lt3A_127 : vector<16xi1>
      %sub3A = vector.broadcast %mul3A_2 : i32 to vector<16xi32>
      %sub3A_128 = arith.subi %get3A_120, %sub3A : vector<16xi32>
      %mul3A_129 = arith.constant 1600 : i32
      %mul3A_130 = vector.broadcast %mul3A_129 : i32 to vector<16xi32>
      %mul3A_131 = arith.muli %sub3A_128, %mul3A_130 : vector<16xi32>
      %add3A_132 = arith.addi %mul3A_131, %get3A_118 : vector<16xi32>
      %jit3A_133 = arith.constant 0 : i32
      %broadcast_in_dim3A_134 = vector.broadcast %jit3A_133 : i32 to vector<16xi32>
      %select_n3A_135 = arith.select %and3A, %add3A_132, %broadcast_in_dim3A_134 : vector<16xi1>, vector<16xi32>
      tpu.vector_store_idx %arg9[%select_n3A_135], %mul3A_122 masked %and3A {add = true} : memref<80000xf32, #tpu.memory_space<vmem>>[vector<16xi32>], vector<16xf32>, vector<16xi1>
      %scan3A_136 = arith.constant 0 : i32
      scf.yield %scan3A_136 : i32
    }
    %scan3A_16 = arith.constant 400 : i32
    "tpu.region"() ({
      %run_scoped3A = tpu.sem_alloc : memref<!tpu.dma_semaphore, #tpu.memory_space<semaphore_mem>>
      %dma_start3A = arith.constant 6400 : i32
      %dma_start3A_113 = tpu.memref_slice %arg2[%dma_start3A] : memref<25600xi32, #tpu.memory_space<hbm>> -> memref<6400xi32, #tpu.memory_space<hbm>>
      %dma_start3A_114 = arith.constant 6400 : i32
      %dma_start3A_115 = tpu.memref_slice %arg2[%dma_start3A_114] : memref<25600xi32, #tpu.memory_space<hbm>> -> memref<6400xi32, #tpu.memory_space<hbm>>
      tpu.enqueue_dma source(%dma_start3A_115 : memref<6400xi32, #tpu.memory_space<hbm>>) target(%arg6 : memref<6400xi32, #tpu.memory_space<vmem>>) target_semaphore(%run_scoped3A : memref<!tpu.dma_semaphore, #tpu.memory_space<semaphore_mem>>)
      %dma_wait3A = arith.constant 6400 : i32
      %dma_wait3A_116 = tpu.memref_slice %arg2[%dma_wait3A] : memref<25600xi32, #tpu.memory_space<hbm>> -> memref<6400xi32, #tpu.memory_space<hbm>>
      %dma_wait3A_117 = arith.constant 6400 : i32
      %dma_wait3A_118 = tpu.memref_slice %arg2[%dma_wait3A_117] : memref<25600xi32, #tpu.memory_space<hbm>> -> memref<6400xi32, #tpu.memory_space<hbm>>
      tpu.wait_dma2 semaphore(%run_scoped3A : memref<!tpu.dma_semaphore, #tpu.memory_space<semaphore_mem>>) src(%dma_wait3A_118 : memref<6400xi32, #tpu.memory_space<hbm>>) dst(%arg6 : memref<6400xi32, #tpu.memory_space<vmem>>)
      tpu.yield
    }) : () -> ()
    "tpu.region"() ({
      %run_scoped3A = tpu.sem_alloc : memref<!tpu.dma_semaphore, #tpu.memory_space<semaphore_mem>>
      %dma_start3A = arith.constant 6400 : i32
      %dma_start3A_113 = tpu.memref_slice %arg3[%dma_start3A] : memref<25600xi32, #tpu.memory_space<hbm>> -> memref<6400xi32, #tpu.memory_space<hbm>>
      %dma_start3A_114 = arith.constant 6400 : i32
      %dma_start3A_115 = tpu.memref_slice %arg3[%dma_start3A_114] : memref<25600xi32, #tpu.memory_space<hbm>> -> memref<6400xi32, #tpu.memory_space<hbm>>
      tpu.enqueue_dma source(%dma_start3A_115 : memref<6400xi32, #tpu.memory_space<hbm>>) target(%arg7 : memref<6400xi32, #tpu.memory_space<vmem>>) target_semaphore(%run_scoped3A : memref<!tpu.dma_semaphore, #tpu.memory_space<semaphore_mem>>)
      %dma_wait3A = arith.constant 6400 : i32
      %dma_wait3A_116 = tpu.memref_slice %arg3[%dma_wait3A] : memref<25600xi32, #tpu.memory_space<hbm>> -> memref<6400xi32, #tpu.memory_space<hbm>>
      %dma_wait3A_117 = arith.constant 6400 : i32
      %dma_wait3A_118 = tpu.memref_slice %arg3[%dma_wait3A_117] : memref<25600xi32, #tpu.memory_space<hbm>> -> memref<6400xi32, #tpu.memory_space<hbm>>
      tpu.wait_dma2 semaphore(%run_scoped3A : memref<!tpu.dma_semaphore, #tpu.memory_space<semaphore_mem>>) src(%dma_wait3A_118 : memref<6400xi32, #tpu.memory_space<hbm>>) dst(%arg7 : memref<6400xi32, #tpu.memory_space<vmem>>)
      tpu.yield
    }) : () -> ()
    %scan3A_17 = arith.constant 0 : i32
    %scan3A_18 = arith.constant 0 : i32
    %scan3A_19 = arith.constant 400 : i32
    %scan3A_20 = arith.addi %scan3A_18, %scan3A_19 : i32
    %scan3A_21 = arith.constant 1 : i32
    %scan3A_22 = scf.for %scan3A_113 = %scan3A_18 to %scan3A_20 step %scan3A_21 iter_args(%scan3A_114 = %scan3A_17) -> (i32)  : i32 {
      %mul3A_115 = arith.constant 16 : i32
      %mul3A_116 = arith.muli %scan3A_113, %mul3A_115 : i32
      %multiple_of3A_117 = tpu.assume_multiple %mul3A_116, 16 : i32
      %get3A = arith.index_cast %multiple_of3A_117 : i32 to index
      %get3A_118 = tpu.vector_load %arg6[%get3A] {strides = array<i32>} : memref<6400xi32, #tpu.memory_space<vmem>>, vector<16xi32>,
      %get3A_119 = arith.index_cast %multiple_of3A_117 : i32 to index
      %get3A_120 = tpu.vector_load %arg7[%get3A_119] {strides = array<i32>} : memref<6400xi32, #tpu.memory_space<vmem>>, vector<16xi32>,
      %gather3A = tpu.vector_load_idx %arg8[%get3A_118] : memref<1600xf32, #tpu.memory_space<vmem>>[vector<16xi32>], vector<16xf32>,
      %gather3A_121 = tpu.vector_load_idx %arg8[%get3A_120] : memref<1600xf32, #tpu.memory_space<vmem>>[vector<16xi32>], vector<16xf32>,
      %mul3A_122 = arith.mulf %gather3A, %gather3A_121 : vector<16xf32>
      %ge3A = vector.broadcast %mul3A_2 : i32 to vector<16xi32>
      %ge3A_123 = arith.cmpi sge, %get3A_120, %ge3A : vector<16xi32>
      %add3A_124 = arith.constant 50 : i32
      %add3A_125 = arith.addi %mul3A_2, %add3A_124 : i32
      %lt3A_126 = vector.broadcast %add3A_125 : i32 to vector<16xi32>
      %lt3A_127 = arith.cmpi slt, %get3A_120, %lt3A_126 : vector<16xi32>
      %and3A = arith.andi %ge3A_123, %lt3A_127 : vector<16xi1>
      %sub3A = vector.broadcast %mul3A_2 : i32 to vector<16xi32>
      %sub3A_128 = arith.subi %get3A_120, %sub3A : vector<16xi32>
      %mul3A_129 = arith.constant 1600 : i32
      %mul3A_130 = vector.broadcast %mul3A_129 : i32 to vector<16xi32>
      %mul3A_131 = arith.muli %sub3A_128, %mul3A_130 : vector<16xi32>
      %add3A_132 = arith.addi %mul3A_131, %get3A_118 : vector<16xi32>
      %jit3A_133 = arith.constant 0 : i32
      %broadcast_in_dim3A_134 = vector.broadcast %jit3A_133 : i32 to vector<16xi32>
      %select_n3A_135 = arith.select %and3A, %add3A_132, %broadcast_in_dim3A_134 : vector<16xi1>, vector<16xi32>
      tpu.vector_store_idx %arg9[%select_n3A_135], %mul3A_122 masked %and3A {add = true} : memref<80000xf32, #tpu.memory_space<vmem>>[vector<16xi32>], vector<16xf32>, vector<16xi1>
      %scan3A_136 = arith.constant 0 : i32
      scf.yield %scan3A_136 : i32
    }
    %scan3A_23 = arith.constant 400 : i32
    "tpu.region"() ({
      %run_scoped3A = tpu.sem_alloc : memref<!tpu.dma_semaphore, #tpu.memory_space<semaphore_mem>>
      %dma_start3A = arith.constant 12800 : i32
      %dma_start3A_113 = tpu.memref_slice %arg2[%dma_start3A] : memref<25600xi32, #tpu.memory_space<hbm>> -> memref<6400xi32, #tpu.memory_space<hbm>>
      %dma_start3A_114 = arith.constant 12800 : i32
      %dma_start3A_115 = tpu.memref_slice %arg2[%dma_start3A_114] : memref<25600xi32, #tpu.memory_space<hbm>> -> memref<6400xi32, #tpu.memory_space<hbm>>
      tpu.enqueue_dma source(%dma_start3A_115 : memref<6400xi32, #tpu.memory_space<hbm>>) target(%arg6 : memref<6400xi32, #tpu.memory_space<vmem>>) target_semaphore(%run_scoped3A : memref<!tpu.dma_semaphore, #tpu.memory_space<semaphore_mem>>)
      %dma_wait3A = arith.constant 12800 : i32
      %dma_wait3A_116 = tpu.memref_slice %arg2[%dma_wait3A] : memref<25600xi32, #tpu.memory_space<hbm>> -> memref<6400xi32, #tpu.memory_space<hbm>>
      %dma_wait3A_117 = arith.constant 12800 : i32
      %dma_wait3A_118 = tpu.memref_slice %arg2[%dma_wait3A_117] : memref<25600xi32, #tpu.memory_space<hbm>> -> memref<6400xi32, #tpu.memory_space<hbm>>
      tpu.wait_dma2 semaphore(%run_scoped3A : memref<!tpu.dma_semaphore, #tpu.memory_space<semaphore_mem>>) src(%dma_wait3A_118 : memref<6400xi32, #tpu.memory_space<hbm>>) dst(%arg6 : memref<6400xi32, #tpu.memory_space<vmem>>)
      tpu.yield
    }) : () -> ()
    "tpu.region"() ({
      %run_scoped3A = tpu.sem_alloc : memref<!tpu.dma_semaphore, #tpu.memory_space<semaphore_mem>>
      %dma_start3A = arith.constant 12800 : i32
      %dma_start3A_113 = tpu.memref_slice %arg3[%dma_start3A] : memref<25600xi32, #tpu.memory_space<hbm>> -> memref<6400xi32, #tpu.memory_space<hbm>>
      %dma_start3A_114 = arith.constant 12800 : i32
      %dma_start3A_115 = tpu.memref_slice %arg3[%dma_start3A_114] : memref<25600xi32, #tpu.memory_space<hbm>> -> memref<6400xi32, #tpu.memory_space<hbm>>
      tpu.enqueue_dma source(%dma_start3A_115 : memref<6400xi32, #tpu.memory_space<hbm>>) target(%arg7 : memref<6400xi32, #tpu.memory_space<vmem>>) target_semaphore(%run_scoped3A : memref<!tpu.dma_semaphore, #tpu.memory_space<semaphore_mem>>)
      %dma_wait3A = arith.constant 12800 : i32
      %dma_wait3A_116 = tpu.memref_slice %arg3[%dma_wait3A] : memref<25600xi32, #tpu.memory_space<hbm>> -> memref<6400xi32, #tpu.memory_space<hbm>>
      %dma_wait3A_117 = arith.constant 12800 : i32
      %dma_wait3A_118 = tpu.memref_slice %arg3[%dma_wait3A_117] : memref<25600xi32, #tpu.memory_space<hbm>> -> memref<6400xi32, #tpu.memory_space<hbm>>
      tpu.wait_dma2 semaphore(%run_scoped3A : memref<!tpu.dma_semaphore, #tpu.memory_space<semaphore_mem>>) src(%dma_wait3A_118 : memref<6400xi32, #tpu.memory_space<hbm>>) dst(%arg7 : memref<6400xi32, #tpu.memory_space<vmem>>)
      tpu.yield
    }) : () -> ()
    %scan3A_24 = arith.constant 0 : i32
    %scan3A_25 = arith.constant 0 : i32
    %scan3A_26 = arith.constant 400 : i32
    %scan3A_27 = arith.addi %scan3A_25, %scan3A_26 : i32
    %scan3A_28 = arith.constant 1 : i32
    %scan3A_29 = scf.for %scan3A_113 = %scan3A_25 to %scan3A_27 step %scan3A_28 iter_args(%scan3A_114 = %scan3A_24) -> (i32)  : i32 {
      %mul3A_115 = arith.constant 16 : i32
      %mul3A_116 = arith.muli %scan3A_113, %mul3A_115 : i32
      %multiple_of3A_117 = tpu.assume_multiple %mul3A_116, 16 : i32
      %get3A = arith.index_cast %multiple_of3A_117 : i32 to index
      %get3A_118 = tpu.vector_load %arg6[%get3A] {strides = array<i32>} : memref<6400xi32, #tpu.memory_space<vmem>>, vector<16xi32>,
      %get3A_119 = arith.index_cast %multiple_of3A_117 : i32 to index
      %get3A_120 = tpu.vector_load %arg7[%get3A_119] {strides = array<i32>} : memref<6400xi32, #tpu.memory_space<vmem>>, vector<16xi32>,
      %gather3A = tpu.vector_load_idx %arg8[%get3A_118] : memref<1600xf32, #tpu.memory_space<vmem>>[vector<16xi32>], vector<16xf32>,
      %gather3A_121 = tpu.vector_load_idx %arg8[%get3A_120] : memref<1600xf32, #tpu.memory_space<vmem>>[vector<16xi32>], vector<16xf32>,
      %mul3A_122 = arith.mulf %gather3A, %gather3A_121 : vector<16xf32>
      %ge3A = vector.broadcast %mul3A_2 : i32 to vector<16xi32>
      %ge3A_123 = arith.cmpi sge, %get3A_120, %ge3A : vector<16xi32>
      %add3A_124 = arith.constant 50 : i32
      %add3A_125 = arith.addi %mul3A_2, %add3A_124 : i32
      %lt3A_126 = vector.broadcast %add3A_125 : i32 to vector<16xi32>
      %lt3A_127 = arith.cmpi slt, %get3A_120, %lt3A_126 : vector<16xi32>
      %and3A = arith.andi %ge3A_123, %lt3A_127 : vector<16xi1>
      %sub3A = vector.broadcast %mul3A_2 : i32 to vector<16xi32>
      %sub3A_128 = arith.subi %get3A_120, %sub3A : vector<16xi32>
      %mul3A_129 = arith.constant 1600 : i32
      %mul3A_130 = vector.broadcast %mul3A_129 : i32 to vector<16xi32>
      %mul3A_131 = arith.muli %sub3A_128, %mul3A_130 : vector<16xi32>
      %add3A_132 = arith.addi %mul3A_131, %get3A_118 : vector<16xi32>
      %jit3A_133 = arith.constant 0 : i32
      %broadcast_in_dim3A_134 = vector.broadcast %jit3A_133 : i32 to vector<16xi32>
      %select_n3A_135 = arith.select %and3A, %add3A_132, %broadcast_in_dim3A_134 : vector<16xi1>, vector<16xi32>
      tpu.vector_store_idx %arg9[%select_n3A_135], %mul3A_122 masked %and3A {add = true} : memref<80000xf32, #tpu.memory_space<vmem>>[vector<16xi32>], vector<16xf32>, vector<16xi1>
      %scan3A_136 = arith.constant 0 : i32
      scf.yield %scan3A_136 : i32
    }
    %scan3A_30 = arith.constant 400 : i32
    "tpu.region"() ({
      %run_scoped3A = tpu.sem_alloc : memref<!tpu.dma_semaphore, #tpu.memory_space<semaphore_mem>>
      %dma_start3A = arith.constant 19200 : i32
      %dma_start3A_113 = tpu.memref_slice %arg2[%dma_start3A] : memref<25600xi32, #tpu.memory_space<hbm>> -> memref<6400xi32, #tpu.memory_space<hbm>>
      %dma_start3A_114 = arith.constant 19200 : i32
      %dma_start3A_115 = tpu.memref_slice %arg2[%dma_start3A_114] : memref<25600xi32, #tpu.memory_space<hbm>> -> memref<6400xi32, #tpu.memory_space<hbm>>
      tpu.enqueue_dma source(%dma_start3A_115 : memref<6400xi32, #tpu.memory_space<hbm>>) target(%arg6 : memref<6400xi32, #tpu.memory_space<vmem>>) target_semaphore(%run_scoped3A : memref<!tpu.dma_semaphore, #tpu.memory_space<semaphore_mem>>)
      %dma_wait3A = arith.constant 19200 : i32
      %dma_wait3A_116 = tpu.memref_slice %arg2[%dma_wait3A] : memref<25600xi32, #tpu.memory_space<hbm>> -> memref<6400xi32, #tpu.memory_space<hbm>>
      %dma_wait3A_117 = arith.constant 19200 : i32
      %dma_wait3A_118 = tpu.memref_slice %arg2[%dma_wait3A_117] : memref<25600xi32, #tpu.memory_space<hbm>> -> memref<6400xi32, #tpu.memory_space<hbm>>
      tpu.wait_dma2 semaphore(%run_scoped3A : memref<!tpu.dma_semaphore, #tpu.memory_space<semaphore_mem>>) src(%dma_wait3A_118 : memref<6400xi32, #tpu.memory_space<hbm>>) dst(%arg6 : memref<6400xi32, #tpu.memory_space<vmem>>)
      tpu.yield
    }) : () -> ()
    "tpu.region"() ({
      %run_scoped3A = tpu.sem_alloc : memref<!tpu.dma_semaphore, #tpu.memory_space<semaphore_mem>>
      %dma_start3A = arith.constant 19200 : i32
      %dma_start3A_113 = tpu.memref_slice %arg3[%dma_start3A] : memref<25600xi32, #tpu.memory_space<hbm>> -> memref<6400xi32, #tpu.memory_space<hbm>>
      %dma_start3A_114 = arith.constant 19200 : i32
      %dma_start3A_115 = tpu.memref_slice %arg3[%dma_start3A_114] : memref<25600xi32, #tpu.memory_space<hbm>> -> memref<6400xi32, #tpu.memory_space<hbm>>
      tpu.enqueue_dma source(%dma_start3A_115 : memref<6400xi32, #tpu.memory_space<hbm>>) target(%arg7 : memref<6400xi32, #tpu.memory_space<vmem>>) target_semaphore(%run_scoped3A : memref<!tpu.dma_semaphore, #tpu.memory_space<semaphore_mem>>)
      %dma_wait3A = arith.constant 19200 : i32
      %dma_wait3A_116 = tpu.memref_slice %arg3[%dma_wait3A] : memref<25600xi32, #tpu.memory_space<hbm>> -> memref<6400xi32, #tpu.memory_space<hbm>>
      %dma_wait3A_117 = arith.constant 19200 : i32
      %dma_wait3A_118 = tpu.memref_slice %arg3[%dma_wait3A_117] : memref<25600xi32, #tpu.memory_space<hbm>> -> memref<6400xi32, #tpu.memory_space<hbm>>
      tpu.wait_dma2 semaphore(%run_scoped3A : memref<!tpu.dma_semaphore, #tpu.memory_space<semaphore_mem>>) src(%dma_wait3A_118 : memref<6400xi32, #tpu.memory_space<hbm>>) dst(%arg7 : memref<6400xi32, #tpu.memory_space<vmem>>)
      tpu.yield
    }) : () -> ()
    %scan3A_31 = arith.constant 0 : i32
    %scan3A_32 = arith.constant 0 : i32
    %scan3A_33 = arith.constant 400 : i32
    %scan3A_34 = arith.addi %scan3A_32, %scan3A_33 : i32
    %scan3A_35 = arith.constant 1 : i32
    %scan3A_36 = scf.for %scan3A_113 = %scan3A_32 to %scan3A_34 step %scan3A_35 iter_args(%scan3A_114 = %scan3A_31) -> (i32)  : i32 {
      %mul3A_115 = arith.constant 16 : i32
      %mul3A_116 = arith.muli %scan3A_113, %mul3A_115 : i32
      %multiple_of3A_117 = tpu.assume_multiple %mul3A_116, 16 : i32
      %get3A = arith.index_cast %multiple_of3A_117 : i32 to index
      %get3A_118 = tpu.vector_load %arg6[%get3A] {strides = array<i32>} : memref<6400xi32, #tpu.memory_space<vmem>>, vector<16xi32>,
      %get3A_119 = arith.index_cast %multiple_of3A_117 : i32 to index
      %get3A_120 = tpu.vector_load %arg7[%get3A_119] {strides = array<i32>} : memref<6400xi32, #tpu.memory_space<vmem>>, vector<16xi32>,
      %gather3A = tpu.vector_load_idx %arg8[%get3A_118] : memref<1600xf32, #tpu.memory_space<vmem>>[vector<16xi32>], vector<16xf32>,
      %gather3A_121 = tpu.vector_load_idx %arg8[%get3A_120] : memref<1600xf32, #tpu.memory_space<vmem>>[vector<16xi32>], vector<16xf32>,
      %mul3A_122 = arith.mulf %gather3A, %gather3A_121 : vector<16xf32>
      %ge3A = vector.broadcast %mul3A_2 : i32 to vector<16xi32>
      %ge3A_123 = arith.cmpi sge, %get3A_120, %ge3A : vector<16xi32>
      %add3A_124 = arith.constant 50 : i32
      %add3A_125 = arith.addi %mul3A_2, %add3A_124 : i32
      %lt3A_126 = vector.broadcast %add3A_125 : i32 to vector<16xi32>
      %lt3A_127 = arith.cmpi slt, %get3A_120, %lt3A_126 : vector<16xi32>
      %and3A = arith.andi %ge3A_123, %lt3A_127 : vector<16xi1>
      %sub3A = vector.broadcast %mul3A_2 : i32 to vector<16xi32>
      %sub3A_128 = arith.subi %get3A_120, %sub3A : vector<16xi32>
      %mul3A_129 = arith.constant 1600 : i32
      %mul3A_130 = vector.broadcast %mul3A_129 : i32 to vector<16xi32>
      %mul3A_131 = arith.muli %sub3A_128, %mul3A_130 : vector<16xi32>
      %add3A_132 = arith.addi %mul3A_131, %get3A_118 : vector<16xi32>
      %jit3A_133 = arith.constant 0 : i32
      %broadcast_in_dim3A_134 = vector.broadcast %jit3A_133 : i32 to vector<16xi32>
      %select_n3A_135 = arith.select %and3A, %add3A_132, %broadcast_in_dim3A_134 : vector<16xi1>, vector<16xi32>
      tpu.vector_store_idx %arg9[%select_n3A_135], %mul3A_122 masked %and3A {add = true} : memref<80000xf32, #tpu.memory_space<vmem>>[vector<16xi32>], vector<16xf32>, vector<16xi1>
      %scan3A_136 = arith.constant 0 : i32
      scf.yield %scan3A_136 : i32
    }
    %scan3A_37 = arith.constant 400 : i32
    %broadcast_in_dim3A_38 = arith.constant 1.000000e+00 : f32
    %broadcast_in_dim3A_39 = vector.broadcast %broadcast_in_dim3A_38 : f32 to vector<16xf32>
    %iota3A = tpu.iota {dimensions = array<i32: 0>} : vector<16xi32>
    %add3A_40 = arith.constant 0 : i32
    %add3A_41 = vector.broadcast %add3A_40 : i32 to vector<16xi32>
    %add3A_42 = arith.addi %iota3A, %add3A_41 : vector<16xi32>
    %lt3A = arith.constant 50 : i32
    %lt3A_43 = vector.broadcast %lt3A : i32 to vector<16xi32>
    %lt3A_44 = arith.cmpi slt, %add3A_42, %lt3A_43 : vector<16xi32>
    %add3A_45 = vector.broadcast %mul3A_2 : i32 to vector<16xi32>
    %add3A_46 = arith.addi %add3A_45, %add3A_42 : vector<16xi32>
    %min3A = arith.constant 1599 : i32
    %min3A_47 = vector.broadcast %min3A : i32 to vector<16xi32>
    %min3A_48 = arith.minsi %add3A_46, %min3A_47 : vector<16xi32>
    %mul3A_49 = arith.constant 1600 : i32
    %mul3A_50 = vector.broadcast %mul3A_49 : i32 to vector<16xi32>
    %mul3A_51 = arith.muli %add3A_42, %mul3A_50 : vector<16xi32>
    %add3A_52 = arith.addi %mul3A_51, %min3A_48 : vector<16xi32>
    %jit3A = arith.constant 0 : i32
    %broadcast_in_dim3A_53 = vector.broadcast %jit3A : i32 to vector<16xi32>
    %select_n3A = arith.select %lt3A_44, %add3A_52, %broadcast_in_dim3A_53 : vector<16xi1>, vector<16xi32>
    tpu.vector_store_idx %arg9[%select_n3A], %broadcast_in_dim3A_39 masked %lt3A_44 {add = true} : memref<80000xf32, #tpu.memory_space<vmem>>[vector<16xi32>], vector<16xf32>, vector<16xi1>
    %iota3A_54 = tpu.iota {dimensions = array<i32: 0>} : vector<16xi32>
    %add3A_55 = arith.constant 16 : i32
    %add3A_56 = vector.broadcast %add3A_55 : i32 to vector<16xi32>
    %add3A_57 = arith.addi %iota3A_54, %add3A_56 : vector<16xi32>
    %lt3A_58 = arith.constant 50 : i32
    %lt3A_59 = vector.broadcast %lt3A_58 : i32 to vector<16xi32>
    %lt3A_60 = arith.cmpi slt, %add3A_57, %lt3A_59 : vector<16xi32>
    %add3A_61 = vector.broadcast %mul3A_2 : i32 to vector<16xi32>
    %add3A_62 = arith.addi %add3A_61, %add3A_57 : vector<16xi32>
    %min3A_63 = arith.constant 1599 : i32
    %min3A_64 = vector.broadcast %min3A_63 : i32 to vector<16xi32>
    %min3A_65 = arith.minsi %add3A_62, %min3A_64 : vector<16xi32>
    %mul3A_66 = arith.constant 1600 : i32
    %mul3A_67 = vector.broadcast %mul3A_66 : i32 to vector<16xi32>
    %mul3A_68 = arith.muli %add3A_57, %mul3A_67 : vector<16xi32>
    %add3A_69 = arith.addi %mul3A_68, %min3A_65 : vector<16xi32>
    %jit3A_70 = arith.constant 0 : i32
    %broadcast_in_dim3A_71 = vector.broadcast %jit3A_70 : i32 to vector<16xi32>
    %select_n3A_72 = arith.select %lt3A_60, %add3A_69, %broadcast_in_dim3A_71 : vector<16xi1>, vector<16xi32>
    tpu.vector_store_idx %arg9[%select_n3A_72], %broadcast_in_dim3A_39 masked %lt3A_60 {add = true} : memref<80000xf32, #tpu.memory_space<vmem>>[vector<16xi32>], vector<16xf32>, vector<16xi1>
    %iota3A_73 = tpu.iota {dimensions = array<i32: 0>} : vector<16xi32>
    %add3A_74 = arith.constant 32 : i32
    %add3A_75 = vector.broadcast %add3A_74 : i32 to vector<16xi32>
    %add3A_76 = arith.addi %iota3A_73, %add3A_75 : vector<16xi32>
    %lt3A_77 = arith.constant 50 : i32
    %lt3A_78 = vector.broadcast %lt3A_77 : i32 to vector<16xi32>
    %lt3A_79 = arith.cmpi slt, %add3A_76, %lt3A_78 : vector<16xi32>
    %add3A_80 = vector.broadcast %mul3A_2 : i32 to vector<16xi32>
    %add3A_81 = arith.addi %add3A_80, %add3A_76 : vector<16xi32>
    %min3A_82 = arith.constant 1599 : i32
    %min3A_83 = vector.broadcast %min3A_82 : i32 to vector<16xi32>
    %min3A_84 = arith.minsi %add3A_81, %min3A_83 : vector<16xi32>
    %mul3A_85 = arith.constant 1600 : i32
    %mul3A_86 = vector.broadcast %mul3A_85 : i32 to vector<16xi32>
    %mul3A_87 = arith.muli %add3A_76, %mul3A_86 : vector<16xi32>
    %add3A_88 = arith.addi %mul3A_87, %min3A_84 : vector<16xi32>
    %jit3A_89 = arith.constant 0 : i32
    %broadcast_in_dim3A_90 = vector.broadcast %jit3A_89 : i32 to vector<16xi32>
    %select_n3A_91 = arith.select %lt3A_79, %add3A_88, %broadcast_in_dim3A_90 : vector<16xi1>, vector<16xi32>
    tpu.vector_store_idx %arg9[%select_n3A_91], %broadcast_in_dim3A_39 masked %lt3A_79 {add = true} : memref<80000xf32, #tpu.memory_space<vmem>>[vector<16xi32>], vector<16xf32>, vector<16xi1>
    %iota3A_92 = tpu.iota {dimensions = array<i32: 0>} : vector<16xi32>
    %add3A_93 = arith.constant 48 : i32
    %add3A_94 = vector.broadcast %add3A_93 : i32 to vector<16xi32>
    %add3A_95 = arith.addi %iota3A_92, %add3A_94 : vector<16xi32>
    %lt3A_96 = arith.constant 50 : i32
    %lt3A_97 = vector.broadcast %lt3A_96 : i32 to vector<16xi32>
    %lt3A_98 = arith.cmpi slt, %add3A_95, %lt3A_97 : vector<16xi32>
    %add3A_99 = vector.broadcast %mul3A_2 : i32 to vector<16xi32>
    %add3A_100 = arith.addi %add3A_99, %add3A_95 : vector<16xi32>
    %min3A_101 = arith.constant 1599 : i32
    %min3A_102 = vector.broadcast %min3A_101 : i32 to vector<16xi32>
    %min3A_103 = arith.minsi %add3A_100, %min3A_102 : vector<16xi32>
    %mul3A_104 = arith.constant 1600 : i32
    %mul3A_105 = vector.broadcast %mul3A_104 : i32 to vector<16xi32>
    %mul3A_106 = arith.muli %add3A_95, %mul3A_105 : vector<16xi32>
    %add3A_107 = arith.addi %mul3A_106, %min3A_103 : vector<16xi32>
    %jit3A_108 = arith.constant 0 : i32
    %broadcast_in_dim3A_109 = vector.broadcast %jit3A_108 : i32 to vector<16xi32>
    %select_n3A_110 = arith.select %lt3A_98, %add3A_107, %broadcast_in_dim3A_109 : vector<16xi1>, vector<16xi32>
    tpu.vector_store_idx %arg9[%select_n3A_110], %broadcast_in_dim3A_39 masked %lt3A_98 {add = true} : memref<80000xf32, #tpu.memory_space<vmem>>[vector<16xi32>], vector<16xf32>, vector<16xi1>
    %mul3A_111 = arith.constant 1600 : i32
    %mul3A_112 = arith.muli %mul3A_2, %mul3A_111 : i32
    %multiple_of3A = tpu.assume_multiple %mul3A_112, 16 : i32
    "tpu.region"() ({
      %run_scoped3A = tpu.sem_alloc : memref<!tpu.dma_semaphore, #tpu.memory_space<semaphore_mem>>
      %dma_start3A = tpu.memref_slice %arg5[%multiple_of3A] : memref<2560000xf32, #tpu.memory_space<hbm>> -> memref<80000xf32, #tpu.memory_space<hbm>>
      %dma_start3A_113 = tpu.memref_slice %arg5[%multiple_of3A] : memref<2560000xf32, #tpu.memory_space<hbm>> -> memref<80000xf32, #tpu.memory_space<hbm>>
      tpu.enqueue_dma source(%arg9 : memref<80000xf32, #tpu.memory_space<vmem>>) target(%dma_start3A_113 : memref<80000xf32, #tpu.memory_space<hbm>>) target_semaphore(%run_scoped3A : memref<!tpu.dma_semaphore, #tpu.memory_space<semaphore_mem>>)
      %dma_wait3A = tpu.memref_slice %arg5[%multiple_of3A] : memref<2560000xf32, #tpu.memory_space<hbm>> -> memref<80000xf32, #tpu.memory_space<hbm>>
      %dma_wait3A_114 = tpu.memref_slice %arg5[%multiple_of3A] : memref<2560000xf32, #tpu.memory_space<hbm>> -> memref<80000xf32, #tpu.memory_space<hbm>>
      tpu.wait_dma2 semaphore(%run_scoped3A : memref<!tpu.dma_semaphore, #tpu.memory_space<semaphore_mem>>) src(%arg9 : memref<80000xf32, #tpu.memory_space<vmem>>) dst(%dma_wait3A_114 : memref<80000xf32, #tpu.memory_space<hbm>>)
      tpu.yield
    }) : () -> ()
    return
  }
}

#map = affine_map<(d0, d1) -> (0)>
module attributes {stable_mosaic.version = 14 : i64} {
  func.func @build(%arg0: i32, %arg1: i32, %arg2: memref<12288xi32, #tpu.memory_space<hbm>>, %arg3: memref<12288xi32, #tpu.memory_space<hbm>>, %arg4: memref<768xf32, #tpu.memory_space<hbm>>, %arg5: memref<589824xf32, #tpu.memory_space<hbm>>, %arg6: memref<3072xi32, #tpu.memory_space<vmem>>, %arg7: memref<3072xi32, #tpu.memory_space<vmem>>, %arg8: memref<768xf32, #tpu.memory_space<vmem>>, %arg9: memref<18432xf32, #tpu.memory_space<vmem>>) attributes {dimension_semantics = [#tpu.dimension_semantics<core_parallel>, #tpu.dimension_semantics<subcore_parallel>], iteration_bounds = array<i64: 2, 16>, scalar_prefetch = 0 : i64, scratch_operands = 4 : i64, tpu.core_type = #tpu.core_type<sc_vector_subcore>, window_params = [{transform_indices = #map}, {transform_indices = #map}, {transform_indices = #map}, {transform_indices = #map}]} {
    %mul3A = arith.constant 16 : i32
    %mul3A_0 = arith.muli %arg0, %mul3A : i32
    %add3A = arith.addi %mul3A_0, %arg1 : i32
    %mul3A_1 = arith.constant 24 : i32
    %mul3A_2 = arith.muli %add3A, %mul3A_1 : i32
    %broadcast_in_dim3A = arith.constant 0.000000e+00 : f32
    %broadcast_in_dim3A_3 = vector.broadcast %broadcast_in_dim3A : f32 to vector<16xf32>
    "tpu.region"() ({
      %run_scoped3A = tpu.sem_alloc : memref<!tpu.dma_semaphore, #tpu.memory_space<semaphore_mem>>
      tpu.enqueue_dma source(%arg4 : memref<768xf32, #tpu.memory_space<hbm>>) target(%arg8 : memref<768xf32, #tpu.memory_space<vmem>>) target_semaphore(%run_scoped3A : memref<!tpu.dma_semaphore, #tpu.memory_space<semaphore_mem>>)
      tpu.wait_dma2 semaphore(%run_scoped3A : memref<!tpu.dma_semaphore, #tpu.memory_space<semaphore_mem>>) src(%arg4 : memref<768xf32, #tpu.memory_space<hbm>>) dst(%arg8 : memref<768xf32, #tpu.memory_space<vmem>>)
      tpu.yield
    }) : () -> ()
    %scan3A = arith.constant 0 : i32
    %scan3A_4 = arith.constant 0 : i32
    %scan3A_5 = arith.constant 1152 : i32
    %scan3A_6 = arith.addi %scan3A_4, %scan3A_5 : i32
    %scan3A_7 = arith.constant 1 : i32
    %scan3A_8 = scf.for %scan3A_75 = %scan3A_4 to %scan3A_6 step %scan3A_7 iter_args(%scan3A_76 = %scan3A) -> (i32)  : i32 {
      %mul3A_77 = arith.constant 16 : i32
      %mul3A_78 = arith.muli %scan3A_75, %mul3A_77 : i32
      %multiple_of3A_79 = tpu.assume_multiple %mul3A_78, 16 : i32
      %swap3A = arith.index_cast %multiple_of3A_79 : i32 to index
      %swap3A_80 = tpu.vector_load %arg9[%swap3A] {strides = array<i32>} : memref<18432xf32, #tpu.memory_space<vmem>>, vector<16xf32>,
      tpu.vector_store %arg9[%swap3A], %broadcast_in_dim3A_3 {strides = array<i32>} : memref<18432xf32, #tpu.memory_space<vmem>>, vector<16xf32>,
      %scan3A_81 = arith.constant 0 : i32
      scf.yield %scan3A_81 : i32
    }
    %scan3A_9 = arith.constant 1152 : i32
    "tpu.region"() ({
      %run_scoped3A = tpu.sem_alloc : memref<!tpu.dma_semaphore, #tpu.memory_space<semaphore_mem>>
      %dma_start3A = arith.constant 0 : i32
      %dma_start3A_75 = tpu.memref_slice %arg2[%dma_start3A] : memref<12288xi32, #tpu.memory_space<hbm>> -> memref<3072xi32, #tpu.memory_space<hbm>>
      %dma_start3A_76 = arith.constant 0 : i32
      %dma_start3A_77 = tpu.memref_slice %arg2[%dma_start3A_76] : memref<12288xi32, #tpu.memory_space<hbm>> -> memref<3072xi32, #tpu.memory_space<hbm>>
      tpu.enqueue_dma source(%dma_start3A_77 : memref<3072xi32, #tpu.memory_space<hbm>>) target(%arg6 : memref<3072xi32, #tpu.memory_space<vmem>>) target_semaphore(%run_scoped3A : memref<!tpu.dma_semaphore, #tpu.memory_space<semaphore_mem>>)
      %dma_wait3A = arith.constant 0 : i32
      %dma_wait3A_78 = tpu.memref_slice %arg2[%dma_wait3A] : memref<12288xi32, #tpu.memory_space<hbm>> -> memref<3072xi32, #tpu.memory_space<hbm>>
      %dma_wait3A_79 = arith.constant 0 : i32
      %dma_wait3A_80 = tpu.memref_slice %arg2[%dma_wait3A_79] : memref<12288xi32, #tpu.memory_space<hbm>> -> memref<3072xi32, #tpu.memory_space<hbm>>
      tpu.wait_dma2 semaphore(%run_scoped3A : memref<!tpu.dma_semaphore, #tpu.memory_space<semaphore_mem>>) src(%dma_wait3A_80 : memref<3072xi32, #tpu.memory_space<hbm>>) dst(%arg6 : memref<3072xi32, #tpu.memory_space<vmem>>)
      tpu.yield
    }) : () -> ()
    "tpu.region"() ({
      %run_scoped3A = tpu.sem_alloc : memref<!tpu.dma_semaphore, #tpu.memory_space<semaphore_mem>>
      %dma_start3A = arith.constant 0 : i32
      %dma_start3A_75 = tpu.memref_slice %arg3[%dma_start3A] : memref<12288xi32, #tpu.memory_space<hbm>> -> memref<3072xi32, #tpu.memory_space<hbm>>
      %dma_start3A_76 = arith.constant 0 : i32
      %dma_start3A_77 = tpu.memref_slice %arg3[%dma_start3A_76] : memref<12288xi32, #tpu.memory_space<hbm>> -> memref<3072xi32, #tpu.memory_space<hbm>>
      tpu.enqueue_dma source(%dma_start3A_77 : memref<3072xi32, #tpu.memory_space<hbm>>) target(%arg7 : memref<3072xi32, #tpu.memory_space<vmem>>) target_semaphore(%run_scoped3A : memref<!tpu.dma_semaphore, #tpu.memory_space<semaphore_mem>>)
      %dma_wait3A = arith.constant 0 : i32
      %dma_wait3A_78 = tpu.memref_slice %arg3[%dma_wait3A] : memref<12288xi32, #tpu.memory_space<hbm>> -> memref<3072xi32, #tpu.memory_space<hbm>>
      %dma_wait3A_79 = arith.constant 0 : i32
      %dma_wait3A_80 = tpu.memref_slice %arg3[%dma_wait3A_79] : memref<12288xi32, #tpu.memory_space<hbm>> -> memref<3072xi32, #tpu.memory_space<hbm>>
      tpu.wait_dma2 semaphore(%run_scoped3A : memref<!tpu.dma_semaphore, #tpu.memory_space<semaphore_mem>>) src(%dma_wait3A_80 : memref<3072xi32, #tpu.memory_space<hbm>>) dst(%arg7 : memref<3072xi32, #tpu.memory_space<vmem>>)
      tpu.yield
    }) : () -> ()
    %scan3A_10 = arith.constant 0 : i32
    %scan3A_11 = arith.constant 0 : i32
    %scan3A_12 = arith.constant 192 : i32
    %scan3A_13 = arith.addi %scan3A_11, %scan3A_12 : i32
    %scan3A_14 = arith.constant 1 : i32
    %scan3A_15 = scf.for %scan3A_75 = %scan3A_11 to %scan3A_13 step %scan3A_14 iter_args(%scan3A_76 = %scan3A_10) -> (i32)  : i32 {
      %mul3A_77 = arith.constant 16 : i32
      %mul3A_78 = arith.muli %scan3A_75, %mul3A_77 : i32
      %multiple_of3A_79 = tpu.assume_multiple %mul3A_78, 16 : i32
      %get3A = arith.index_cast %multiple_of3A_79 : i32 to index
      %get3A_80 = tpu.vector_load %arg6[%get3A] {strides = array<i32>} : memref<3072xi32, #tpu.memory_space<vmem>>, vector<16xi32>,
      %get3A_81 = arith.index_cast %multiple_of3A_79 : i32 to index
      %get3A_82 = tpu.vector_load %arg7[%get3A_81] {strides = array<i32>} : memref<3072xi32, #tpu.memory_space<vmem>>, vector<16xi32>,
      %gather3A = tpu.vector_load_idx %arg8[%get3A_80] : memref<768xf32, #tpu.memory_space<vmem>>[vector<16xi32>], vector<16xf32>,
      %gather3A_83 = tpu.vector_load_idx %arg8[%get3A_82] : memref<768xf32, #tpu.memory_space<vmem>>[vector<16xi32>], vector<16xf32>,
      %mul3A_84 = arith.mulf %gather3A, %gather3A_83 : vector<16xf32>
      %ge3A = vector.broadcast %mul3A_2 : i32 to vector<16xi32>
      %ge3A_85 = arith.cmpi sge, %get3A_82, %ge3A : vector<16xi32>
      %add3A_86 = arith.constant 24 : i32
      %add3A_87 = arith.addi %mul3A_2, %add3A_86 : i32
      %lt3A_88 = vector.broadcast %add3A_87 : i32 to vector<16xi32>
      %lt3A_89 = arith.cmpi slt, %get3A_82, %lt3A_88 : vector<16xi32>
      %and3A = arith.andi %ge3A_85, %lt3A_89 : vector<16xi1>
      %sub3A = vector.broadcast %mul3A_2 : i32 to vector<16xi32>
      %sub3A_90 = arith.subi %get3A_82, %sub3A : vector<16xi32>
      %mul3A_91 = arith.constant 768 : i32
      %mul3A_92 = vector.broadcast %mul3A_91 : i32 to vector<16xi32>
      %mul3A_93 = arith.muli %sub3A_90, %mul3A_92 : vector<16xi32>
      %add3A_94 = arith.addi %mul3A_93, %get3A_80 : vector<16xi32>
      %jit3A_95 = arith.constant 0 : i32
      %broadcast_in_dim3A_96 = vector.broadcast %jit3A_95 : i32 to vector<16xi32>
      %select_n3A_97 = arith.select %and3A, %add3A_94, %broadcast_in_dim3A_96 : vector<16xi1>, vector<16xi32>
      tpu.vector_store_idx %arg9[%select_n3A_97], %mul3A_84 masked %and3A {add = true} : memref<18432xf32, #tpu.memory_space<vmem>>[vector<16xi32>], vector<16xf32>, vector<16xi1>
      %scan3A_98 = arith.constant 0 : i32
      scf.yield %scan3A_98 : i32
    }
    %scan3A_16 = arith.constant 192 : i32
    "tpu.region"() ({
      %run_scoped3A = tpu.sem_alloc : memref<!tpu.dma_semaphore, #tpu.memory_space<semaphore_mem>>
      %dma_start3A = arith.constant 3072 : i32
      %dma_start3A_75 = tpu.memref_slice %arg2[%dma_start3A] : memref<12288xi32, #tpu.memory_space<hbm>> -> memref<3072xi32, #tpu.memory_space<hbm>>
      %dma_start3A_76 = arith.constant 3072 : i32
      %dma_start3A_77 = tpu.memref_slice %arg2[%dma_start3A_76] : memref<12288xi32, #tpu.memory_space<hbm>> -> memref<3072xi32, #tpu.memory_space<hbm>>
      tpu.enqueue_dma source(%dma_start3A_77 : memref<3072xi32, #tpu.memory_space<hbm>>) target(%arg6 : memref<3072xi32, #tpu.memory_space<vmem>>) target_semaphore(%run_scoped3A : memref<!tpu.dma_semaphore, #tpu.memory_space<semaphore_mem>>)
      %dma_wait3A = arith.constant 3072 : i32
      %dma_wait3A_78 = tpu.memref_slice %arg2[%dma_wait3A] : memref<12288xi32, #tpu.memory_space<hbm>> -> memref<3072xi32, #tpu.memory_space<hbm>>
      %dma_wait3A_79 = arith.constant 3072 : i32
      %dma_wait3A_80 = tpu.memref_slice %arg2[%dma_wait3A_79] : memref<12288xi32, #tpu.memory_space<hbm>> -> memref<3072xi32, #tpu.memory_space<hbm>>
      tpu.wait_dma2 semaphore(%run_scoped3A : memref<!tpu.dma_semaphore, #tpu.memory_space<semaphore_mem>>) src(%dma_wait3A_80 : memref<3072xi32, #tpu.memory_space<hbm>>) dst(%arg6 : memref<3072xi32, #tpu.memory_space<vmem>>)
      tpu.yield
    }) : () -> ()
    "tpu.region"() ({
      %run_scoped3A = tpu.sem_alloc : memref<!tpu.dma_semaphore, #tpu.memory_space<semaphore_mem>>
      %dma_start3A = arith.constant 3072 : i32
      %dma_start3A_75 = tpu.memref_slice %arg3[%dma_start3A] : memref<12288xi32, #tpu.memory_space<hbm>> -> memref<3072xi32, #tpu.memory_space<hbm>>
      %dma_start3A_76 = arith.constant 3072 : i32
      %dma_start3A_77 = tpu.memref_slice %arg3[%dma_start3A_76] : memref<12288xi32, #tpu.memory_space<hbm>> -> memref<3072xi32, #tpu.memory_space<hbm>>
      tpu.enqueue_dma source(%dma_start3A_77 : memref<3072xi32, #tpu.memory_space<hbm>>) target(%arg7 : memref<3072xi32, #tpu.memory_space<vmem>>) target_semaphore(%run_scoped3A : memref<!tpu.dma_semaphore, #tpu.memory_space<semaphore_mem>>)
      %dma_wait3A = arith.constant 3072 : i32
      %dma_wait3A_78 = tpu.memref_slice %arg3[%dma_wait3A] : memref<12288xi32, #tpu.memory_space<hbm>> -> memref<3072xi32, #tpu.memory_space<hbm>>
      %dma_wait3A_79 = arith.constant 3072 : i32
      %dma_wait3A_80 = tpu.memref_slice %arg3[%dma_wait3A_79] : memref<12288xi32, #tpu.memory_space<hbm>> -> memref<3072xi32, #tpu.memory_space<hbm>>
      tpu.wait_dma2 semaphore(%run_scoped3A : memref<!tpu.dma_semaphore, #tpu.memory_space<semaphore_mem>>) src(%dma_wait3A_80 : memref<3072xi32, #tpu.memory_space<hbm>>) dst(%arg7 : memref<3072xi32, #tpu.memory_space<vmem>>)
      tpu.yield
    }) : () -> ()
    %scan3A_17 = arith.constant 0 : i32
    %scan3A_18 = arith.constant 0 : i32
    %scan3A_19 = arith.constant 192 : i32
    %scan3A_20 = arith.addi %scan3A_18, %scan3A_19 : i32
    %scan3A_21 = arith.constant 1 : i32
    %scan3A_22 = scf.for %scan3A_75 = %scan3A_18 to %scan3A_20 step %scan3A_21 iter_args(%scan3A_76 = %scan3A_17) -> (i32)  : i32 {
      %mul3A_77 = arith.constant 16 : i32
      %mul3A_78 = arith.muli %scan3A_75, %mul3A_77 : i32
      %multiple_of3A_79 = tpu.assume_multiple %mul3A_78, 16 : i32
      %get3A = arith.index_cast %multiple_of3A_79 : i32 to index
      %get3A_80 = tpu.vector_load %arg6[%get3A] {strides = array<i32>} : memref<3072xi32, #tpu.memory_space<vmem>>, vector<16xi32>,
      %get3A_81 = arith.index_cast %multiple_of3A_79 : i32 to index
      %get3A_82 = tpu.vector_load %arg7[%get3A_81] {strides = array<i32>} : memref<3072xi32, #tpu.memory_space<vmem>>, vector<16xi32>,
      %gather3A = tpu.vector_load_idx %arg8[%get3A_80] : memref<768xf32, #tpu.memory_space<vmem>>[vector<16xi32>], vector<16xf32>,
      %gather3A_83 = tpu.vector_load_idx %arg8[%get3A_82] : memref<768xf32, #tpu.memory_space<vmem>>[vector<16xi32>], vector<16xf32>,
      %mul3A_84 = arith.mulf %gather3A, %gather3A_83 : vector<16xf32>
      %ge3A = vector.broadcast %mul3A_2 : i32 to vector<16xi32>
      %ge3A_85 = arith.cmpi sge, %get3A_82, %ge3A : vector<16xi32>
      %add3A_86 = arith.constant 24 : i32
      %add3A_87 = arith.addi %mul3A_2, %add3A_86 : i32
      %lt3A_88 = vector.broadcast %add3A_87 : i32 to vector<16xi32>
      %lt3A_89 = arith.cmpi slt, %get3A_82, %lt3A_88 : vector<16xi32>
      %and3A = arith.andi %ge3A_85, %lt3A_89 : vector<16xi1>
      %sub3A = vector.broadcast %mul3A_2 : i32 to vector<16xi32>
      %sub3A_90 = arith.subi %get3A_82, %sub3A : vector<16xi32>
      %mul3A_91 = arith.constant 768 : i32
      %mul3A_92 = vector.broadcast %mul3A_91 : i32 to vector<16xi32>
      %mul3A_93 = arith.muli %sub3A_90, %mul3A_92 : vector<16xi32>
      %add3A_94 = arith.addi %mul3A_93, %get3A_80 : vector<16xi32>
      %jit3A_95 = arith.constant 0 : i32
      %broadcast_in_dim3A_96 = vector.broadcast %jit3A_95 : i32 to vector<16xi32>
      %select_n3A_97 = arith.select %and3A, %add3A_94, %broadcast_in_dim3A_96 : vector<16xi1>, vector<16xi32>
      tpu.vector_store_idx %arg9[%select_n3A_97], %mul3A_84 masked %and3A {add = true} : memref<18432xf32, #tpu.memory_space<vmem>>[vector<16xi32>], vector<16xf32>, vector<16xi1>
      %scan3A_98 = arith.constant 0 : i32
      scf.yield %scan3A_98 : i32
    }
    %scan3A_23 = arith.constant 192 : i32
    "tpu.region"() ({
      %run_scoped3A = tpu.sem_alloc : memref<!tpu.dma_semaphore, #tpu.memory_space<semaphore_mem>>
      %dma_start3A = arith.constant 6144 : i32
      %dma_start3A_75 = tpu.memref_slice %arg2[%dma_start3A] : memref<12288xi32, #tpu.memory_space<hbm>> -> memref<3072xi32, #tpu.memory_space<hbm>>
      %dma_start3A_76 = arith.constant 6144 : i32
      %dma_start3A_77 = tpu.memref_slice %arg2[%dma_start3A_76] : memref<12288xi32, #tpu.memory_space<hbm>> -> memref<3072xi32, #tpu.memory_space<hbm>>
      tpu.enqueue_dma source(%dma_start3A_77 : memref<3072xi32, #tpu.memory_space<hbm>>) target(%arg6 : memref<3072xi32, #tpu.memory_space<vmem>>) target_semaphore(%run_scoped3A : memref<!tpu.dma_semaphore, #tpu.memory_space<semaphore_mem>>)
      %dma_wait3A = arith.constant 6144 : i32
      %dma_wait3A_78 = tpu.memref_slice %arg2[%dma_wait3A] : memref<12288xi32, #tpu.memory_space<hbm>> -> memref<3072xi32, #tpu.memory_space<hbm>>
      %dma_wait3A_79 = arith.constant 6144 : i32
      %dma_wait3A_80 = tpu.memref_slice %arg2[%dma_wait3A_79] : memref<12288xi32, #tpu.memory_space<hbm>> -> memref<3072xi32, #tpu.memory_space<hbm>>
      tpu.wait_dma2 semaphore(%run_scoped3A : memref<!tpu.dma_semaphore, #tpu.memory_space<semaphore_mem>>) src(%dma_wait3A_80 : memref<3072xi32, #tpu.memory_space<hbm>>) dst(%arg6 : memref<3072xi32, #tpu.memory_space<vmem>>)
      tpu.yield
    }) : () -> ()
    "tpu.region"() ({
      %run_scoped3A = tpu.sem_alloc : memref<!tpu.dma_semaphore, #tpu.memory_space<semaphore_mem>>
      %dma_start3A = arith.constant 6144 : i32
      %dma_start3A_75 = tpu.memref_slice %arg3[%dma_start3A] : memref<12288xi32, #tpu.memory_space<hbm>> -> memref<3072xi32, #tpu.memory_space<hbm>>
      %dma_start3A_76 = arith.constant 6144 : i32
      %dma_start3A_77 = tpu.memref_slice %arg3[%dma_start3A_76] : memref<12288xi32, #tpu.memory_space<hbm>> -> memref<3072xi32, #tpu.memory_space<hbm>>
      tpu.enqueue_dma source(%dma_start3A_77 : memref<3072xi32, #tpu.memory_space<hbm>>) target(%arg7 : memref<3072xi32, #tpu.memory_space<vmem>>) target_semaphore(%run_scoped3A : memref<!tpu.dma_semaphore, #tpu.memory_space<semaphore_mem>>)
      %dma_wait3A = arith.constant 6144 : i32
      %dma_wait3A_78 = tpu.memref_slice %arg3[%dma_wait3A] : memref<12288xi32, #tpu.memory_space<hbm>> -> memref<3072xi32, #tpu.memory_space<hbm>>
      %dma_wait3A_79 = arith.constant 6144 : i32
      %dma_wait3A_80 = tpu.memref_slice %arg3[%dma_wait3A_79] : memref<12288xi32, #tpu.memory_space<hbm>> -> memref<3072xi32, #tpu.memory_space<hbm>>
      tpu.wait_dma2 semaphore(%run_scoped3A : memref<!tpu.dma_semaphore, #tpu.memory_space<semaphore_mem>>) src(%dma_wait3A_80 : memref<3072xi32, #tpu.memory_space<hbm>>) dst(%arg7 : memref<3072xi32, #tpu.memory_space<vmem>>)
      tpu.yield
    }) : () -> ()
    %scan3A_24 = arith.constant 0 : i32
    %scan3A_25 = arith.constant 0 : i32
    %scan3A_26 = arith.constant 192 : i32
    %scan3A_27 = arith.addi %scan3A_25, %scan3A_26 : i32
    %scan3A_28 = arith.constant 1 : i32
    %scan3A_29 = scf.for %scan3A_75 = %scan3A_25 to %scan3A_27 step %scan3A_28 iter_args(%scan3A_76 = %scan3A_24) -> (i32)  : i32 {
      %mul3A_77 = arith.constant 16 : i32
      %mul3A_78 = arith.muli %scan3A_75, %mul3A_77 : i32
      %multiple_of3A_79 = tpu.assume_multiple %mul3A_78, 16 : i32
      %get3A = arith.index_cast %multiple_of3A_79 : i32 to index
      %get3A_80 = tpu.vector_load %arg6[%get3A] {strides = array<i32>} : memref<3072xi32, #tpu.memory_space<vmem>>, vector<16xi32>,
      %get3A_81 = arith.index_cast %multiple_of3A_79 : i32 to index
      %get3A_82 = tpu.vector_load %arg7[%get3A_81] {strides = array<i32>} : memref<3072xi32, #tpu.memory_space<vmem>>, vector<16xi32>,
      %gather3A = tpu.vector_load_idx %arg8[%get3A_80] : memref<768xf32, #tpu.memory_space<vmem>>[vector<16xi32>], vector<16xf32>,
      %gather3A_83 = tpu.vector_load_idx %arg8[%get3A_82] : memref<768xf32, #tpu.memory_space<vmem>>[vector<16xi32>], vector<16xf32>,
      %mul3A_84 = arith.mulf %gather3A, %gather3A_83 : vector<16xf32>
      %ge3A = vector.broadcast %mul3A_2 : i32 to vector<16xi32>
      %ge3A_85 = arith.cmpi sge, %get3A_82, %ge3A : vector<16xi32>
      %add3A_86 = arith.constant 24 : i32
      %add3A_87 = arith.addi %mul3A_2, %add3A_86 : i32
      %lt3A_88 = vector.broadcast %add3A_87 : i32 to vector<16xi32>
      %lt3A_89 = arith.cmpi slt, %get3A_82, %lt3A_88 : vector<16xi32>
      %and3A = arith.andi %ge3A_85, %lt3A_89 : vector<16xi1>
      %sub3A = vector.broadcast %mul3A_2 : i32 to vector<16xi32>
      %sub3A_90 = arith.subi %get3A_82, %sub3A : vector<16xi32>
      %mul3A_91 = arith.constant 768 : i32
      %mul3A_92 = vector.broadcast %mul3A_91 : i32 to vector<16xi32>
      %mul3A_93 = arith.muli %sub3A_90, %mul3A_92 : vector<16xi32>
      %add3A_94 = arith.addi %mul3A_93, %get3A_80 : vector<16xi32>
      %jit3A_95 = arith.constant 0 : i32
      %broadcast_in_dim3A_96 = vector.broadcast %jit3A_95 : i32 to vector<16xi32>
      %select_n3A_97 = arith.select %and3A, %add3A_94, %broadcast_in_dim3A_96 : vector<16xi1>, vector<16xi32>
      tpu.vector_store_idx %arg9[%select_n3A_97], %mul3A_84 masked %and3A {add = true} : memref<18432xf32, #tpu.memory_space<vmem>>[vector<16xi32>], vector<16xf32>, vector<16xi1>
      %scan3A_98 = arith.constant 0 : i32
      scf.yield %scan3A_98 : i32
    }
    %scan3A_30 = arith.constant 192 : i32
    "tpu.region"() ({
      %run_scoped3A = tpu.sem_alloc : memref<!tpu.dma_semaphore, #tpu.memory_space<semaphore_mem>>
      %dma_start3A = arith.constant 9216 : i32
      %dma_start3A_75 = tpu.memref_slice %arg2[%dma_start3A] : memref<12288xi32, #tpu.memory_space<hbm>> -> memref<3072xi32, #tpu.memory_space<hbm>>
      %dma_start3A_76 = arith.constant 9216 : i32
      %dma_start3A_77 = tpu.memref_slice %arg2[%dma_start3A_76] : memref<12288xi32, #tpu.memory_space<hbm>> -> memref<3072xi32, #tpu.memory_space<hbm>>
      tpu.enqueue_dma source(%dma_start3A_77 : memref<3072xi32, #tpu.memory_space<hbm>>) target(%arg6 : memref<3072xi32, #tpu.memory_space<vmem>>) target_semaphore(%run_scoped3A : memref<!tpu.dma_semaphore, #tpu.memory_space<semaphore_mem>>)
      %dma_wait3A = arith.constant 9216 : i32
      %dma_wait3A_78 = tpu.memref_slice %arg2[%dma_wait3A] : memref<12288xi32, #tpu.memory_space<hbm>> -> memref<3072xi32, #tpu.memory_space<hbm>>
      %dma_wait3A_79 = arith.constant 9216 : i32
      %dma_wait3A_80 = tpu.memref_slice %arg2[%dma_wait3A_79] : memref<12288xi32, #tpu.memory_space<hbm>> -> memref<3072xi32, #tpu.memory_space<hbm>>
      tpu.wait_dma2 semaphore(%run_scoped3A : memref<!tpu.dma_semaphore, #tpu.memory_space<semaphore_mem>>) src(%dma_wait3A_80 : memref<3072xi32, #tpu.memory_space<hbm>>) dst(%arg6 : memref<3072xi32, #tpu.memory_space<vmem>>)
      tpu.yield
    }) : () -> ()
    "tpu.region"() ({
      %run_scoped3A = tpu.sem_alloc : memref<!tpu.dma_semaphore, #tpu.memory_space<semaphore_mem>>
      %dma_start3A = arith.constant 9216 : i32
      %dma_start3A_75 = tpu.memref_slice %arg3[%dma_start3A] : memref<12288xi32, #tpu.memory_space<hbm>> -> memref<3072xi32, #tpu.memory_space<hbm>>
      %dma_start3A_76 = arith.constant 9216 : i32
      %dma_start3A_77 = tpu.memref_slice %arg3[%dma_start3A_76] : memref<12288xi32, #tpu.memory_space<hbm>> -> memref<3072xi32, #tpu.memory_space<hbm>>
      tpu.enqueue_dma source(%dma_start3A_77 : memref<3072xi32, #tpu.memory_space<hbm>>) target(%arg7 : memref<3072xi32, #tpu.memory_space<vmem>>) target_semaphore(%run_scoped3A : memref<!tpu.dma_semaphore, #tpu.memory_space<semaphore_mem>>)
      %dma_wait3A = arith.constant 9216 : i32
      %dma_wait3A_78 = tpu.memref_slice %arg3[%dma_wait3A] : memref<12288xi32, #tpu.memory_space<hbm>> -> memref<3072xi32, #tpu.memory_space<hbm>>
      %dma_wait3A_79 = arith.constant 9216 : i32
      %dma_wait3A_80 = tpu.memref_slice %arg3[%dma_wait3A_79] : memref<12288xi32, #tpu.memory_space<hbm>> -> memref<3072xi32, #tpu.memory_space<hbm>>
      tpu.wait_dma2 semaphore(%run_scoped3A : memref<!tpu.dma_semaphore, #tpu.memory_space<semaphore_mem>>) src(%dma_wait3A_80 : memref<3072xi32, #tpu.memory_space<hbm>>) dst(%arg7 : memref<3072xi32, #tpu.memory_space<vmem>>)
      tpu.yield
    }) : () -> ()
    %scan3A_31 = arith.constant 0 : i32
    %scan3A_32 = arith.constant 0 : i32
    %scan3A_33 = arith.constant 192 : i32
    %scan3A_34 = arith.addi %scan3A_32, %scan3A_33 : i32
    %scan3A_35 = arith.constant 1 : i32
    %scan3A_36 = scf.for %scan3A_75 = %scan3A_32 to %scan3A_34 step %scan3A_35 iter_args(%scan3A_76 = %scan3A_31) -> (i32)  : i32 {
      %mul3A_77 = arith.constant 16 : i32
      %mul3A_78 = arith.muli %scan3A_75, %mul3A_77 : i32
      %multiple_of3A_79 = tpu.assume_multiple %mul3A_78, 16 : i32
      %get3A = arith.index_cast %multiple_of3A_79 : i32 to index
      %get3A_80 = tpu.vector_load %arg6[%get3A] {strides = array<i32>} : memref<3072xi32, #tpu.memory_space<vmem>>, vector<16xi32>,
      %get3A_81 = arith.index_cast %multiple_of3A_79 : i32 to index
      %get3A_82 = tpu.vector_load %arg7[%get3A_81] {strides = array<i32>} : memref<3072xi32, #tpu.memory_space<vmem>>, vector<16xi32>,
      %gather3A = tpu.vector_load_idx %arg8[%get3A_80] : memref<768xf32, #tpu.memory_space<vmem>>[vector<16xi32>], vector<16xf32>,
      %gather3A_83 = tpu.vector_load_idx %arg8[%get3A_82] : memref<768xf32, #tpu.memory_space<vmem>>[vector<16xi32>], vector<16xf32>,
      %mul3A_84 = arith.mulf %gather3A, %gather3A_83 : vector<16xf32>
      %ge3A = vector.broadcast %mul3A_2 : i32 to vector<16xi32>
      %ge3A_85 = arith.cmpi sge, %get3A_82, %ge3A : vector<16xi32>
      %add3A_86 = arith.constant 24 : i32
      %add3A_87 = arith.addi %mul3A_2, %add3A_86 : i32
      %lt3A_88 = vector.broadcast %add3A_87 : i32 to vector<16xi32>
      %lt3A_89 = arith.cmpi slt, %get3A_82, %lt3A_88 : vector<16xi32>
      %and3A = arith.andi %ge3A_85, %lt3A_89 : vector<16xi1>
      %sub3A = vector.broadcast %mul3A_2 : i32 to vector<16xi32>
      %sub3A_90 = arith.subi %get3A_82, %sub3A : vector<16xi32>
      %mul3A_91 = arith.constant 768 : i32
      %mul3A_92 = vector.broadcast %mul3A_91 : i32 to vector<16xi32>
      %mul3A_93 = arith.muli %sub3A_90, %mul3A_92 : vector<16xi32>
      %add3A_94 = arith.addi %mul3A_93, %get3A_80 : vector<16xi32>
      %jit3A_95 = arith.constant 0 : i32
      %broadcast_in_dim3A_96 = vector.broadcast %jit3A_95 : i32 to vector<16xi32>
      %select_n3A_97 = arith.select %and3A, %add3A_94, %broadcast_in_dim3A_96 : vector<16xi1>, vector<16xi32>
      tpu.vector_store_idx %arg9[%select_n3A_97], %mul3A_84 masked %and3A {add = true} : memref<18432xf32, #tpu.memory_space<vmem>>[vector<16xi32>], vector<16xf32>, vector<16xi1>
      %scan3A_98 = arith.constant 0 : i32
      scf.yield %scan3A_98 : i32
    }
    %scan3A_37 = arith.constant 192 : i32
    %broadcast_in_dim3A_38 = arith.constant 1.000000e+00 : f32
    %broadcast_in_dim3A_39 = vector.broadcast %broadcast_in_dim3A_38 : f32 to vector<16xf32>
    %iota3A = tpu.iota {dimensions = array<i32: 0>} : vector<16xi32>
    %add3A_40 = arith.constant 0 : i32
    %add3A_41 = vector.broadcast %add3A_40 : i32 to vector<16xi32>
    %add3A_42 = arith.addi %iota3A, %add3A_41 : vector<16xi32>
    %lt3A = arith.constant 24 : i32
    %lt3A_43 = vector.broadcast %lt3A : i32 to vector<16xi32>
    %lt3A_44 = arith.cmpi slt, %add3A_42, %lt3A_43 : vector<16xi32>
    %add3A_45 = vector.broadcast %mul3A_2 : i32 to vector<16xi32>
    %add3A_46 = arith.addi %add3A_45, %add3A_42 : vector<16xi32>
    %min3A = arith.constant 767 : i32
    %min3A_47 = vector.broadcast %min3A : i32 to vector<16xi32>
    %min3A_48 = arith.minsi %add3A_46, %min3A_47 : vector<16xi32>
    %mul3A_49 = arith.constant 768 : i32
    %mul3A_50 = vector.broadcast %mul3A_49 : i32 to vector<16xi32>
    %mul3A_51 = arith.muli %add3A_42, %mul3A_50 : vector<16xi32>
    %add3A_52 = arith.addi %mul3A_51, %min3A_48 : vector<16xi32>
    %jit3A = arith.constant 0 : i32
    %broadcast_in_dim3A_53 = vector.broadcast %jit3A : i32 to vector<16xi32>
    %select_n3A = arith.select %lt3A_44, %add3A_52, %broadcast_in_dim3A_53 : vector<16xi1>, vector<16xi32>
    tpu.vector_store_idx %arg9[%select_n3A], %broadcast_in_dim3A_39 masked %lt3A_44 {add = true} : memref<18432xf32, #tpu.memory_space<vmem>>[vector<16xi32>], vector<16xf32>, vector<16xi1>
    %iota3A_54 = tpu.iota {dimensions = array<i32: 0>} : vector<16xi32>
    %add3A_55 = arith.constant 16 : i32
    %add3A_56 = vector.broadcast %add3A_55 : i32 to vector<16xi32>
    %add3A_57 = arith.addi %iota3A_54, %add3A_56 : vector<16xi32>
    %lt3A_58 = arith.constant 24 : i32
    %lt3A_59 = vector.broadcast %lt3A_58 : i32 to vector<16xi32>
    %lt3A_60 = arith.cmpi slt, %add3A_57, %lt3A_59 : vector<16xi32>
    %add3A_61 = vector.broadcast %mul3A_2 : i32 to vector<16xi32>
    %add3A_62 = arith.addi %add3A_61, %add3A_57 : vector<16xi32>
    %min3A_63 = arith.constant 767 : i32
    %min3A_64 = vector.broadcast %min3A_63 : i32 to vector<16xi32>
    %min3A_65 = arith.minsi %add3A_62, %min3A_64 : vector<16xi32>
    %mul3A_66 = arith.constant 768 : i32
    %mul3A_67 = vector.broadcast %mul3A_66 : i32 to vector<16xi32>
    %mul3A_68 = arith.muli %add3A_57, %mul3A_67 : vector<16xi32>
    %add3A_69 = arith.addi %mul3A_68, %min3A_65 : vector<16xi32>
    %jit3A_70 = arith.constant 0 : i32
    %broadcast_in_dim3A_71 = vector.broadcast %jit3A_70 : i32 to vector<16xi32>
    %select_n3A_72 = arith.select %lt3A_60, %add3A_69, %broadcast_in_dim3A_71 : vector<16xi1>, vector<16xi32>
    tpu.vector_store_idx %arg9[%select_n3A_72], %broadcast_in_dim3A_39 masked %lt3A_60 {add = true} : memref<18432xf32, #tpu.memory_space<vmem>>[vector<16xi32>], vector<16xf32>, vector<16xi1>
    %mul3A_73 = arith.constant 768 : i32
    %mul3A_74 = arith.muli %mul3A_2, %mul3A_73 : i32
    %multiple_of3A = tpu.assume_multiple %mul3A_74, 16 : i32
    "tpu.region"() ({
      %run_scoped3A = tpu.sem_alloc : memref<!tpu.dma_semaphore, #tpu.memory_space<semaphore_mem>>
      %dma_start3A = tpu.memref_slice %arg5[%multiple_of3A] : memref<589824xf32, #tpu.memory_space<hbm>> -> memref<18432xf32, #tpu.memory_space<hbm>>
      %dma_start3A_75 = tpu.memref_slice %arg5[%multiple_of3A] : memref<589824xf32, #tpu.memory_space<hbm>> -> memref<18432xf32, #tpu.memory_space<hbm>>
      tpu.enqueue_dma source(%arg9 : memref<18432xf32, #tpu.memory_space<vmem>>) target(%dma_start3A_75 : memref<18432xf32, #tpu.memory_space<hbm>>) target_semaphore(%run_scoped3A : memref<!tpu.dma_semaphore, #tpu.memory_space<semaphore_mem>>)
      %dma_wait3A = tpu.memref_slice %arg5[%multiple_of3A] : memref<589824xf32, #tpu.memory_space<hbm>> -> memref<18432xf32, #tpu.memory_space<hbm>>
      %dma_wait3A_76 = tpu.memref_slice %arg5[%multiple_of3A] : memref<589824xf32, #tpu.memory_space<hbm>> -> memref<18432xf32, #tpu.memory_space<hbm>>
      tpu.wait_dma2 semaphore(%run_scoped3A : memref<!tpu.dma_semaphore, #tpu.memory_space<semaphore_mem>>) src(%arg9 : memref<18432xf32, #tpu.memory_space<vmem>>) dst(%dma_wait3A_76 : memref<18432xf32, #tpu.memory_space<hbm>>)
      tpu.yield
    }) : () -> ()
    return
  }
}

#map = affine_map<(d0, d1) -> (0)>
module attributes {stable_mosaic.version = 14 : i64} {
  func.func @build(%arg0: i32, %arg1: i32, %arg2: memref<13312xi32, #tpu.memory_space<hbm>>, %arg3: memref<13312xi32, #tpu.memory_space<hbm>>, %arg4: memref<832xf32, #tpu.memory_space<hbm>>, %arg5: memref<692224xf32, #tpu.memory_space<hbm>>, %arg6: memref<3328xi32, #tpu.memory_space<vmem>>, %arg7: memref<3328xi32, #tpu.memory_space<vmem>>, %arg8: memref<832xf32, #tpu.memory_space<vmem>>, %arg9: memref<21632xf32, #tpu.memory_space<vmem>>) attributes {dimension_semantics = [#tpu.dimension_semantics<core_parallel>, #tpu.dimension_semantics<subcore_parallel>], iteration_bounds = array<i64: 2, 16>, scalar_prefetch = 0 : i64, scratch_operands = 4 : i64, tpu.core_type = #tpu.core_type<sc_vector_subcore>, window_params = [{transform_indices = #map}, {transform_indices = #map}, {transform_indices = #map}, {transform_indices = #map}]} {
    %mul3A = arith.constant 16 : i32
    %mul3A_0 = arith.muli %arg0, %mul3A : i32
    %add3A = arith.addi %mul3A_0, %arg1 : i32
    %mul3A_1 = arith.constant 26 : i32
    %mul3A_2 = arith.muli %add3A, %mul3A_1 : i32
    %broadcast_in_dim3A = arith.constant 0.000000e+00 : f32
    %broadcast_in_dim3A_3 = vector.broadcast %broadcast_in_dim3A : f32 to vector<16xf32>
    "tpu.region"() ({
      %run_scoped3A = tpu.sem_alloc : memref<!tpu.dma_semaphore, #tpu.memory_space<semaphore_mem>>
      tpu.enqueue_dma source(%arg4 : memref<832xf32, #tpu.memory_space<hbm>>) target(%arg8 : memref<832xf32, #tpu.memory_space<vmem>>) target_semaphore(%run_scoped3A : memref<!tpu.dma_semaphore, #tpu.memory_space<semaphore_mem>>)
      tpu.wait_dma2 semaphore(%run_scoped3A : memref<!tpu.dma_semaphore, #tpu.memory_space<semaphore_mem>>) src(%arg4 : memref<832xf32, #tpu.memory_space<hbm>>) dst(%arg8 : memref<832xf32, #tpu.memory_space<vmem>>)
      tpu.yield
    }) : () -> ()
    %scan3A = arith.constant 0 : i32
    %scan3A_4 = arith.constant 0 : i32
    %scan3A_5 = arith.constant 1352 : i32
    %scan3A_6 = arith.addi %scan3A_4, %scan3A_5 : i32
    %scan3A_7 = arith.constant 1 : i32
    %scan3A_8 = scf.for %scan3A_75 = %scan3A_4 to %scan3A_6 step %scan3A_7 iter_args(%scan3A_76 = %scan3A) -> (i32)  : i32 {
      %mul3A_77 = arith.constant 16 : i32
      %mul3A_78 = arith.muli %scan3A_75, %mul3A_77 : i32
      %multiple_of3A_79 = tpu.assume_multiple %mul3A_78, 16 : i32
      %swap3A = arith.index_cast %multiple_of3A_79 : i32 to index
      %swap3A_80 = tpu.vector_load %arg9[%swap3A] {strides = array<i32>} : memref<21632xf32, #tpu.memory_space<vmem>>, vector<16xf32>,
      tpu.vector_store %arg9[%swap3A], %broadcast_in_dim3A_3 {strides = array<i32>} : memref<21632xf32, #tpu.memory_space<vmem>>, vector<16xf32>,
      %scan3A_81 = arith.constant 0 : i32
      scf.yield %scan3A_81 : i32
    }
    %scan3A_9 = arith.constant 1352 : i32
    "tpu.region"() ({
      %run_scoped3A = tpu.sem_alloc : memref<!tpu.dma_semaphore, #tpu.memory_space<semaphore_mem>>
      %dma_start3A = arith.constant 0 : i32
      %dma_start3A_75 = tpu.memref_slice %arg2[%dma_start3A] : memref<13312xi32, #tpu.memory_space<hbm>> -> memref<3328xi32, #tpu.memory_space<hbm>>
      %dma_start3A_76 = arith.constant 0 : i32
      %dma_start3A_77 = tpu.memref_slice %arg2[%dma_start3A_76] : memref<13312xi32, #tpu.memory_space<hbm>> -> memref<3328xi32, #tpu.memory_space<hbm>>
      tpu.enqueue_dma source(%dma_start3A_77 : memref<3328xi32, #tpu.memory_space<hbm>>) target(%arg6 : memref<3328xi32, #tpu.memory_space<vmem>>) target_semaphore(%run_scoped3A : memref<!tpu.dma_semaphore, #tpu.memory_space<semaphore_mem>>)
      %dma_wait3A = arith.constant 0 : i32
      %dma_wait3A_78 = tpu.memref_slice %arg2[%dma_wait3A] : memref<13312xi32, #tpu.memory_space<hbm>> -> memref<3328xi32, #tpu.memory_space<hbm>>
      %dma_wait3A_79 = arith.constant 0 : i32
      %dma_wait3A_80 = tpu.memref_slice %arg2[%dma_wait3A_79] : memref<13312xi32, #tpu.memory_space<hbm>> -> memref<3328xi32, #tpu.memory_space<hbm>>
      tpu.wait_dma2 semaphore(%run_scoped3A : memref<!tpu.dma_semaphore, #tpu.memory_space<semaphore_mem>>) src(%dma_wait3A_80 : memref<3328xi32, #tpu.memory_space<hbm>>) dst(%arg6 : memref<3328xi32, #tpu.memory_space<vmem>>)
      tpu.yield
    }) : () -> ()
    "tpu.region"() ({
      %run_scoped3A = tpu.sem_alloc : memref<!tpu.dma_semaphore, #tpu.memory_space<semaphore_mem>>
      %dma_start3A = arith.constant 0 : i32
      %dma_start3A_75 = tpu.memref_slice %arg3[%dma_start3A] : memref<13312xi32, #tpu.memory_space<hbm>> -> memref<3328xi32, #tpu.memory_space<hbm>>
      %dma_start3A_76 = arith.constant 0 : i32
      %dma_start3A_77 = tpu.memref_slice %arg3[%dma_start3A_76] : memref<13312xi32, #tpu.memory_space<hbm>> -> memref<3328xi32, #tpu.memory_space<hbm>>
      tpu.enqueue_dma source(%dma_start3A_77 : memref<3328xi32, #tpu.memory_space<hbm>>) target(%arg7 : memref<3328xi32, #tpu.memory_space<vmem>>) target_semaphore(%run_scoped3A : memref<!tpu.dma_semaphore, #tpu.memory_space<semaphore_mem>>)
      %dma_wait3A = arith.constant 0 : i32
      %dma_wait3A_78 = tpu.memref_slice %arg3[%dma_wait3A] : memref<13312xi32, #tpu.memory_space<hbm>> -> memref<3328xi32, #tpu.memory_space<hbm>>
      %dma_wait3A_79 = arith.constant 0 : i32
      %dma_wait3A_80 = tpu.memref_slice %arg3[%dma_wait3A_79] : memref<13312xi32, #tpu.memory_space<hbm>> -> memref<3328xi32, #tpu.memory_space<hbm>>
      tpu.wait_dma2 semaphore(%run_scoped3A : memref<!tpu.dma_semaphore, #tpu.memory_space<semaphore_mem>>) src(%dma_wait3A_80 : memref<3328xi32, #tpu.memory_space<hbm>>) dst(%arg7 : memref<3328xi32, #tpu.memory_space<vmem>>)
      tpu.yield
    }) : () -> ()
    %scan3A_10 = arith.constant 0 : i32
    %scan3A_11 = arith.constant 0 : i32
    %scan3A_12 = arith.constant 208 : i32
    %scan3A_13 = arith.addi %scan3A_11, %scan3A_12 : i32
    %scan3A_14 = arith.constant 1 : i32
    %scan3A_15 = scf.for %scan3A_75 = %scan3A_11 to %scan3A_13 step %scan3A_14 iter_args(%scan3A_76 = %scan3A_10) -> (i32)  : i32 {
      %mul3A_77 = arith.constant 16 : i32
      %mul3A_78 = arith.muli %scan3A_75, %mul3A_77 : i32
      %multiple_of3A_79 = tpu.assume_multiple %mul3A_78, 16 : i32
      %get3A = arith.index_cast %multiple_of3A_79 : i32 to index
      %get3A_80 = tpu.vector_load %arg6[%get3A] {strides = array<i32>} : memref<3328xi32, #tpu.memory_space<vmem>>, vector<16xi32>,
      %get3A_81 = arith.index_cast %multiple_of3A_79 : i32 to index
      %get3A_82 = tpu.vector_load %arg7[%get3A_81] {strides = array<i32>} : memref<3328xi32, #tpu.memory_space<vmem>>, vector<16xi32>,
      %gather3A = tpu.vector_load_idx %arg8[%get3A_80] : memref<832xf32, #tpu.memory_space<vmem>>[vector<16xi32>], vector<16xf32>,
      %gather3A_83 = tpu.vector_load_idx %arg8[%get3A_82] : memref<832xf32, #tpu.memory_space<vmem>>[vector<16xi32>], vector<16xf32>,
      %mul3A_84 = arith.mulf %gather3A, %gather3A_83 : vector<16xf32>
      %ge3A = vector.broadcast %mul3A_2 : i32 to vector<16xi32>
      %ge3A_85 = arith.cmpi sge, %get3A_82, %ge3A : vector<16xi32>
      %add3A_86 = arith.constant 26 : i32
      %add3A_87 = arith.addi %mul3A_2, %add3A_86 : i32
      %lt3A_88 = vector.broadcast %add3A_87 : i32 to vector<16xi32>
      %lt3A_89 = arith.cmpi slt, %get3A_82, %lt3A_88 : vector<16xi32>
      %and3A = arith.andi %ge3A_85, %lt3A_89 : vector<16xi1>
      %sub3A = vector.broadcast %mul3A_2 : i32 to vector<16xi32>
      %sub3A_90 = arith.subi %get3A_82, %sub3A : vector<16xi32>
      %mul3A_91 = arith.constant 832 : i32
      %mul3A_92 = vector.broadcast %mul3A_91 : i32 to vector<16xi32>
      %mul3A_93 = arith.muli %sub3A_90, %mul3A_92 : vector<16xi32>
      %add3A_94 = arith.addi %mul3A_93, %get3A_80 : vector<16xi32>
      %jit3A_95 = arith.constant 0 : i32
      %broadcast_in_dim3A_96 = vector.broadcast %jit3A_95 : i32 to vector<16xi32>
      %select_n3A_97 = arith.select %and3A, %add3A_94, %broadcast_in_dim3A_96 : vector<16xi1>, vector<16xi32>
      tpu.vector_store_idx %arg9[%select_n3A_97], %mul3A_84 masked %and3A {add = true} : memref<21632xf32, #tpu.memory_space<vmem>>[vector<16xi32>], vector<16xf32>, vector<16xi1>
      %scan3A_98 = arith.constant 0 : i32
      scf.yield %scan3A_98 : i32
    }
    %scan3A_16 = arith.constant 208 : i32
    "tpu.region"() ({
      %run_scoped3A = tpu.sem_alloc : memref<!tpu.dma_semaphore, #tpu.memory_space<semaphore_mem>>
      %dma_start3A = arith.constant 3328 : i32
      %dma_start3A_75 = tpu.memref_slice %arg2[%dma_start3A] : memref<13312xi32, #tpu.memory_space<hbm>> -> memref<3328xi32, #tpu.memory_space<hbm>>
      %dma_start3A_76 = arith.constant 3328 : i32
      %dma_start3A_77 = tpu.memref_slice %arg2[%dma_start3A_76] : memref<13312xi32, #tpu.memory_space<hbm>> -> memref<3328xi32, #tpu.memory_space<hbm>>
      tpu.enqueue_dma source(%dma_start3A_77 : memref<3328xi32, #tpu.memory_space<hbm>>) target(%arg6 : memref<3328xi32, #tpu.memory_space<vmem>>) target_semaphore(%run_scoped3A : memref<!tpu.dma_semaphore, #tpu.memory_space<semaphore_mem>>)
      %dma_wait3A = arith.constant 3328 : i32
      %dma_wait3A_78 = tpu.memref_slice %arg2[%dma_wait3A] : memref<13312xi32, #tpu.memory_space<hbm>> -> memref<3328xi32, #tpu.memory_space<hbm>>
      %dma_wait3A_79 = arith.constant 3328 : i32
      %dma_wait3A_80 = tpu.memref_slice %arg2[%dma_wait3A_79] : memref<13312xi32, #tpu.memory_space<hbm>> -> memref<3328xi32, #tpu.memory_space<hbm>>
      tpu.wait_dma2 semaphore(%run_scoped3A : memref<!tpu.dma_semaphore, #tpu.memory_space<semaphore_mem>>) src(%dma_wait3A_80 : memref<3328xi32, #tpu.memory_space<hbm>>) dst(%arg6 : memref<3328xi32, #tpu.memory_space<vmem>>)
      tpu.yield
    }) : () -> ()
    "tpu.region"() ({
      %run_scoped3A = tpu.sem_alloc : memref<!tpu.dma_semaphore, #tpu.memory_space<semaphore_mem>>
      %dma_start3A = arith.constant 3328 : i32
      %dma_start3A_75 = tpu.memref_slice %arg3[%dma_start3A] : memref<13312xi32, #tpu.memory_space<hbm>> -> memref<3328xi32, #tpu.memory_space<hbm>>
      %dma_start3A_76 = arith.constant 3328 : i32
      %dma_start3A_77 = tpu.memref_slice %arg3[%dma_start3A_76] : memref<13312xi32, #tpu.memory_space<hbm>> -> memref<3328xi32, #tpu.memory_space<hbm>>
      tpu.enqueue_dma source(%dma_start3A_77 : memref<3328xi32, #tpu.memory_space<hbm>>) target(%arg7 : memref<3328xi32, #tpu.memory_space<vmem>>) target_semaphore(%run_scoped3A : memref<!tpu.dma_semaphore, #tpu.memory_space<semaphore_mem>>)
      %dma_wait3A = arith.constant 3328 : i32
      %dma_wait3A_78 = tpu.memref_slice %arg3[%dma_wait3A] : memref<13312xi32, #tpu.memory_space<hbm>> -> memref<3328xi32, #tpu.memory_space<hbm>>
      %dma_wait3A_79 = arith.constant 3328 : i32
      %dma_wait3A_80 = tpu.memref_slice %arg3[%dma_wait3A_79] : memref<13312xi32, #tpu.memory_space<hbm>> -> memref<3328xi32, #tpu.memory_space<hbm>>
      tpu.wait_dma2 semaphore(%run_scoped3A : memref<!tpu.dma_semaphore, #tpu.memory_space<semaphore_mem>>) src(%dma_wait3A_80 : memref<3328xi32, #tpu.memory_space<hbm>>) dst(%arg7 : memref<3328xi32, #tpu.memory_space<vmem>>)
      tpu.yield
    }) : () -> ()
    %scan3A_17 = arith.constant 0 : i32
    %scan3A_18 = arith.constant 0 : i32
    %scan3A_19 = arith.constant 208 : i32
    %scan3A_20 = arith.addi %scan3A_18, %scan3A_19 : i32
    %scan3A_21 = arith.constant 1 : i32
    %scan3A_22 = scf.for %scan3A_75 = %scan3A_18 to %scan3A_20 step %scan3A_21 iter_args(%scan3A_76 = %scan3A_17) -> (i32)  : i32 {
      %mul3A_77 = arith.constant 16 : i32
      %mul3A_78 = arith.muli %scan3A_75, %mul3A_77 : i32
      %multiple_of3A_79 = tpu.assume_multiple %mul3A_78, 16 : i32
      %get3A = arith.index_cast %multiple_of3A_79 : i32 to index
      %get3A_80 = tpu.vector_load %arg6[%get3A] {strides = array<i32>} : memref<3328xi32, #tpu.memory_space<vmem>>, vector<16xi32>,
      %get3A_81 = arith.index_cast %multiple_of3A_79 : i32 to index
      %get3A_82 = tpu.vector_load %arg7[%get3A_81] {strides = array<i32>} : memref<3328xi32, #tpu.memory_space<vmem>>, vector<16xi32>,
      %gather3A = tpu.vector_load_idx %arg8[%get3A_80] : memref<832xf32, #tpu.memory_space<vmem>>[vector<16xi32>], vector<16xf32>,
      %gather3A_83 = tpu.vector_load_idx %arg8[%get3A_82] : memref<832xf32, #tpu.memory_space<vmem>>[vector<16xi32>], vector<16xf32>,
      %mul3A_84 = arith.mulf %gather3A, %gather3A_83 : vector<16xf32>
      %ge3A = vector.broadcast %mul3A_2 : i32 to vector<16xi32>
      %ge3A_85 = arith.cmpi sge, %get3A_82, %ge3A : vector<16xi32>
      %add3A_86 = arith.constant 26 : i32
      %add3A_87 = arith.addi %mul3A_2, %add3A_86 : i32
      %lt3A_88 = vector.broadcast %add3A_87 : i32 to vector<16xi32>
      %lt3A_89 = arith.cmpi slt, %get3A_82, %lt3A_88 : vector<16xi32>
      %and3A = arith.andi %ge3A_85, %lt3A_89 : vector<16xi1>
      %sub3A = vector.broadcast %mul3A_2 : i32 to vector<16xi32>
      %sub3A_90 = arith.subi %get3A_82, %sub3A : vector<16xi32>
      %mul3A_91 = arith.constant 832 : i32
      %mul3A_92 = vector.broadcast %mul3A_91 : i32 to vector<16xi32>
      %mul3A_93 = arith.muli %sub3A_90, %mul3A_92 : vector<16xi32>
      %add3A_94 = arith.addi %mul3A_93, %get3A_80 : vector<16xi32>
      %jit3A_95 = arith.constant 0 : i32
      %broadcast_in_dim3A_96 = vector.broadcast %jit3A_95 : i32 to vector<16xi32>
      %select_n3A_97 = arith.select %and3A, %add3A_94, %broadcast_in_dim3A_96 : vector<16xi1>, vector<16xi32>
      tpu.vector_store_idx %arg9[%select_n3A_97], %mul3A_84 masked %and3A {add = true} : memref<21632xf32, #tpu.memory_space<vmem>>[vector<16xi32>], vector<16xf32>, vector<16xi1>
      %scan3A_98 = arith.constant 0 : i32
      scf.yield %scan3A_98 : i32
    }
    %scan3A_23 = arith.constant 208 : i32
    "tpu.region"() ({
      %run_scoped3A = tpu.sem_alloc : memref<!tpu.dma_semaphore, #tpu.memory_space<semaphore_mem>>
      %dma_start3A = arith.constant 6656 : i32
      %dma_start3A_75 = tpu.memref_slice %arg2[%dma_start3A] : memref<13312xi32, #tpu.memory_space<hbm>> -> memref<3328xi32, #tpu.memory_space<hbm>>
      %dma_start3A_76 = arith.constant 6656 : i32
      %dma_start3A_77 = tpu.memref_slice %arg2[%dma_start3A_76] : memref<13312xi32, #tpu.memory_space<hbm>> -> memref<3328xi32, #tpu.memory_space<hbm>>
      tpu.enqueue_dma source(%dma_start3A_77 : memref<3328xi32, #tpu.memory_space<hbm>>) target(%arg6 : memref<3328xi32, #tpu.memory_space<vmem>>) target_semaphore(%run_scoped3A : memref<!tpu.dma_semaphore, #tpu.memory_space<semaphore_mem>>)
      %dma_wait3A = arith.constant 6656 : i32
      %dma_wait3A_78 = tpu.memref_slice %arg2[%dma_wait3A] : memref<13312xi32, #tpu.memory_space<hbm>> -> memref<3328xi32, #tpu.memory_space<hbm>>
      %dma_wait3A_79 = arith.constant 6656 : i32
      %dma_wait3A_80 = tpu.memref_slice %arg2[%dma_wait3A_79] : memref<13312xi32, #tpu.memory_space<hbm>> -> memref<3328xi32, #tpu.memory_space<hbm>>
      tpu.wait_dma2 semaphore(%run_scoped3A : memref<!tpu.dma_semaphore, #tpu.memory_space<semaphore_mem>>) src(%dma_wait3A_80 : memref<3328xi32, #tpu.memory_space<hbm>>) dst(%arg6 : memref<3328xi32, #tpu.memory_space<vmem>>)
      tpu.yield
    }) : () -> ()
    "tpu.region"() ({
      %run_scoped3A = tpu.sem_alloc : memref<!tpu.dma_semaphore, #tpu.memory_space<semaphore_mem>>
      %dma_start3A = arith.constant 6656 : i32
      %dma_start3A_75 = tpu.memref_slice %arg3[%dma_start3A] : memref<13312xi32, #tpu.memory_space<hbm>> -> memref<3328xi32, #tpu.memory_space<hbm>>
      %dma_start3A_76 = arith.constant 6656 : i32
      %dma_start3A_77 = tpu.memref_slice %arg3[%dma_start3A_76] : memref<13312xi32, #tpu.memory_space<hbm>> -> memref<3328xi32, #tpu.memory_space<hbm>>
      tpu.enqueue_dma source(%dma_start3A_77 : memref<3328xi32, #tpu.memory_space<hbm>>) target(%arg7 : memref<3328xi32, #tpu.memory_space<vmem>>) target_semaphore(%run_scoped3A : memref<!tpu.dma_semaphore, #tpu.memory_space<semaphore_mem>>)
      %dma_wait3A = arith.constant 6656 : i32
      %dma_wait3A_78 = tpu.memref_slice %arg3[%dma_wait3A] : memref<13312xi32, #tpu.memory_space<hbm>> -> memref<3328xi32, #tpu.memory_space<hbm>>
      %dma_wait3A_79 = arith.constant 6656 : i32
      %dma_wait3A_80 = tpu.memref_slice %arg3[%dma_wait3A_79] : memref<13312xi32, #tpu.memory_space<hbm>> -> memref<3328xi32, #tpu.memory_space<hbm>>
      tpu.wait_dma2 semaphore(%run_scoped3A : memref<!tpu.dma_semaphore, #tpu.memory_space<semaphore_mem>>) src(%dma_wait3A_80 : memref<3328xi32, #tpu.memory_space<hbm>>) dst(%arg7 : memref<3328xi32, #tpu.memory_space<vmem>>)
      tpu.yield
    }) : () -> ()
    %scan3A_24 = arith.constant 0 : i32
    %scan3A_25 = arith.constant 0 : i32
    %scan3A_26 = arith.constant 208 : i32
    %scan3A_27 = arith.addi %scan3A_25, %scan3A_26 : i32
    %scan3A_28 = arith.constant 1 : i32
    %scan3A_29 = scf.for %scan3A_75 = %scan3A_25 to %scan3A_27 step %scan3A_28 iter_args(%scan3A_76 = %scan3A_24) -> (i32)  : i32 {
      %mul3A_77 = arith.constant 16 : i32
      %mul3A_78 = arith.muli %scan3A_75, %mul3A_77 : i32
      %multiple_of3A_79 = tpu.assume_multiple %mul3A_78, 16 : i32
      %get3A = arith.index_cast %multiple_of3A_79 : i32 to index
      %get3A_80 = tpu.vector_load %arg6[%get3A] {strides = array<i32>} : memref<3328xi32, #tpu.memory_space<vmem>>, vector<16xi32>,
      %get3A_81 = arith.index_cast %multiple_of3A_79 : i32 to index
      %get3A_82 = tpu.vector_load %arg7[%get3A_81] {strides = array<i32>} : memref<3328xi32, #tpu.memory_space<vmem>>, vector<16xi32>,
      %gather3A = tpu.vector_load_idx %arg8[%get3A_80] : memref<832xf32, #tpu.memory_space<vmem>>[vector<16xi32>], vector<16xf32>,
      %gather3A_83 = tpu.vector_load_idx %arg8[%get3A_82] : memref<832xf32, #tpu.memory_space<vmem>>[vector<16xi32>], vector<16xf32>,
      %mul3A_84 = arith.mulf %gather3A, %gather3A_83 : vector<16xf32>
      %ge3A = vector.broadcast %mul3A_2 : i32 to vector<16xi32>
      %ge3A_85 = arith.cmpi sge, %get3A_82, %ge3A : vector<16xi32>
      %add3A_86 = arith.constant 26 : i32
      %add3A_87 = arith.addi %mul3A_2, %add3A_86 : i32
      %lt3A_88 = vector.broadcast %add3A_87 : i32 to vector<16xi32>
      %lt3A_89 = arith.cmpi slt, %get3A_82, %lt3A_88 : vector<16xi32>
      %and3A = arith.andi %ge3A_85, %lt3A_89 : vector<16xi1>
      %sub3A = vector.broadcast %mul3A_2 : i32 to vector<16xi32>
      %sub3A_90 = arith.subi %get3A_82, %sub3A : vector<16xi32>
      %mul3A_91 = arith.constant 832 : i32
      %mul3A_92 = vector.broadcast %mul3A_91 : i32 to vector<16xi32>
      %mul3A_93 = arith.muli %sub3A_90, %mul3A_92 : vector<16xi32>
      %add3A_94 = arith.addi %mul3A_93, %get3A_80 : vector<16xi32>
      %jit3A_95 = arith.constant 0 : i32
      %broadcast_in_dim3A_96 = vector.broadcast %jit3A_95 : i32 to vector<16xi32>
      %select_n3A_97 = arith.select %and3A, %add3A_94, %broadcast_in_dim3A_96 : vector<16xi1>, vector<16xi32>
      tpu.vector_store_idx %arg9[%select_n3A_97], %mul3A_84 masked %and3A {add = true} : memref<21632xf32, #tpu.memory_space<vmem>>[vector<16xi32>], vector<16xf32>, vector<16xi1>
      %scan3A_98 = arith.constant 0 : i32
      scf.yield %scan3A_98 : i32
    }
    %scan3A_30 = arith.constant 208 : i32
    "tpu.region"() ({
      %run_scoped3A = tpu.sem_alloc : memref<!tpu.dma_semaphore, #tpu.memory_space<semaphore_mem>>
      %dma_start3A = arith.constant 9984 : i32
      %dma_start3A_75 = tpu.memref_slice %arg2[%dma_start3A] : memref<13312xi32, #tpu.memory_space<hbm>> -> memref<3328xi32, #tpu.memory_space<hbm>>
      %dma_start3A_76 = arith.constant 9984 : i32
      %dma_start3A_77 = tpu.memref_slice %arg2[%dma_start3A_76] : memref<13312xi32, #tpu.memory_space<hbm>> -> memref<3328xi32, #tpu.memory_space<hbm>>
      tpu.enqueue_dma source(%dma_start3A_77 : memref<3328xi32, #tpu.memory_space<hbm>>) target(%arg6 : memref<3328xi32, #tpu.memory_space<vmem>>) target_semaphore(%run_scoped3A : memref<!tpu.dma_semaphore, #tpu.memory_space<semaphore_mem>>)
      %dma_wait3A = arith.constant 9984 : i32
      %dma_wait3A_78 = tpu.memref_slice %arg2[%dma_wait3A] : memref<13312xi32, #tpu.memory_space<hbm>> -> memref<3328xi32, #tpu.memory_space<hbm>>
      %dma_wait3A_79 = arith.constant 9984 : i32
      %dma_wait3A_80 = tpu.memref_slice %arg2[%dma_wait3A_79] : memref<13312xi32, #tpu.memory_space<hbm>> -> memref<3328xi32, #tpu.memory_space<hbm>>
      tpu.wait_dma2 semaphore(%run_scoped3A : memref<!tpu.dma_semaphore, #tpu.memory_space<semaphore_mem>>) src(%dma_wait3A_80 : memref<3328xi32, #tpu.memory_space<hbm>>) dst(%arg6 : memref<3328xi32, #tpu.memory_space<vmem>>)
      tpu.yield
    }) : () -> ()
    "tpu.region"() ({
      %run_scoped3A = tpu.sem_alloc : memref<!tpu.dma_semaphore, #tpu.memory_space<semaphore_mem>>
      %dma_start3A = arith.constant 9984 : i32
      %dma_start3A_75 = tpu.memref_slice %arg3[%dma_start3A] : memref<13312xi32, #tpu.memory_space<hbm>> -> memref<3328xi32, #tpu.memory_space<hbm>>
      %dma_start3A_76 = arith.constant 9984 : i32
      %dma_start3A_77 = tpu.memref_slice %arg3[%dma_start3A_76] : memref<13312xi32, #tpu.memory_space<hbm>> -> memref<3328xi32, #tpu.memory_space<hbm>>
      tpu.enqueue_dma source(%dma_start3A_77 : memref<3328xi32, #tpu.memory_space<hbm>>) target(%arg7 : memref<3328xi32, #tpu.memory_space<vmem>>) target_semaphore(%run_scoped3A : memref<!tpu.dma_semaphore, #tpu.memory_space<semaphore_mem>>)
      %dma_wait3A = arith.constant 9984 : i32
      %dma_wait3A_78 = tpu.memref_slice %arg3[%dma_wait3A] : memref<13312xi32, #tpu.memory_space<hbm>> -> memref<3328xi32, #tpu.memory_space<hbm>>
      %dma_wait3A_79 = arith.constant 9984 : i32
      %dma_wait3A_80 = tpu.memref_slice %arg3[%dma_wait3A_79] : memref<13312xi32, #tpu.memory_space<hbm>> -> memref<3328xi32, #tpu.memory_space<hbm>>
      tpu.wait_dma2 semaphore(%run_scoped3A : memref<!tpu.dma_semaphore, #tpu.memory_space<semaphore_mem>>) src(%dma_wait3A_80 : memref<3328xi32, #tpu.memory_space<hbm>>) dst(%arg7 : memref<3328xi32, #tpu.memory_space<vmem>>)
      tpu.yield
    }) : () -> ()
    %scan3A_31 = arith.constant 0 : i32
    %scan3A_32 = arith.constant 0 : i32
    %scan3A_33 = arith.constant 208 : i32
    %scan3A_34 = arith.addi %scan3A_32, %scan3A_33 : i32
    %scan3A_35 = arith.constant 1 : i32
    %scan3A_36 = scf.for %scan3A_75 = %scan3A_32 to %scan3A_34 step %scan3A_35 iter_args(%scan3A_76 = %scan3A_31) -> (i32)  : i32 {
      %mul3A_77 = arith.constant 16 : i32
      %mul3A_78 = arith.muli %scan3A_75, %mul3A_77 : i32
      %multiple_of3A_79 = tpu.assume_multiple %mul3A_78, 16 : i32
      %get3A = arith.index_cast %multiple_of3A_79 : i32 to index
      %get3A_80 = tpu.vector_load %arg6[%get3A] {strides = array<i32>} : memref<3328xi32, #tpu.memory_space<vmem>>, vector<16xi32>,
      %get3A_81 = arith.index_cast %multiple_of3A_79 : i32 to index
      %get3A_82 = tpu.vector_load %arg7[%get3A_81] {strides = array<i32>} : memref<3328xi32, #tpu.memory_space<vmem>>, vector<16xi32>,
      %gather3A = tpu.vector_load_idx %arg8[%get3A_80] : memref<832xf32, #tpu.memory_space<vmem>>[vector<16xi32>], vector<16xf32>,
      %gather3A_83 = tpu.vector_load_idx %arg8[%get3A_82] : memref<832xf32, #tpu.memory_space<vmem>>[vector<16xi32>], vector<16xf32>,
      %mul3A_84 = arith.mulf %gather3A, %gather3A_83 : vector<16xf32>
      %ge3A = vector.broadcast %mul3A_2 : i32 to vector<16xi32>
      %ge3A_85 = arith.cmpi sge, %get3A_82, %ge3A : vector<16xi32>
      %add3A_86 = arith.constant 26 : i32
      %add3A_87 = arith.addi %mul3A_2, %add3A_86 : i32
      %lt3A_88 = vector.broadcast %add3A_87 : i32 to vector<16xi32>
      %lt3A_89 = arith.cmpi slt, %get3A_82, %lt3A_88 : vector<16xi32>
      %and3A = arith.andi %ge3A_85, %lt3A_89 : vector<16xi1>
      %sub3A = vector.broadcast %mul3A_2 : i32 to vector<16xi32>
      %sub3A_90 = arith.subi %get3A_82, %sub3A : vector<16xi32>
      %mul3A_91 = arith.constant 832 : i32
      %mul3A_92 = vector.broadcast %mul3A_91 : i32 to vector<16xi32>
      %mul3A_93 = arith.muli %sub3A_90, %mul3A_92 : vector<16xi32>
      %add3A_94 = arith.addi %mul3A_93, %get3A_80 : vector<16xi32>
      %jit3A_95 = arith.constant 0 : i32
      %broadcast_in_dim3A_96 = vector.broadcast %jit3A_95 : i32 to vector<16xi32>
      %select_n3A_97 = arith.select %and3A, %add3A_94, %broadcast_in_dim3A_96 : vector<16xi1>, vector<16xi32>
      tpu.vector_store_idx %arg9[%select_n3A_97], %mul3A_84 masked %and3A {add = true} : memref<21632xf32, #tpu.memory_space<vmem>>[vector<16xi32>], vector<16xf32>, vector<16xi1>
      %scan3A_98 = arith.constant 0 : i32
      scf.yield %scan3A_98 : i32
    }
    %scan3A_37 = arith.constant 208 : i32
    %broadcast_in_dim3A_38 = arith.constant 1.000000e+00 : f32
    %broadcast_in_dim3A_39 = vector.broadcast %broadcast_in_dim3A_38 : f32 to vector<16xf32>
    %iota3A = tpu.iota {dimensions = array<i32: 0>} : vector<16xi32>
    %add3A_40 = arith.constant 0 : i32
    %add3A_41 = vector.broadcast %add3A_40 : i32 to vector<16xi32>
    %add3A_42 = arith.addi %iota3A, %add3A_41 : vector<16xi32>
    %lt3A = arith.constant 26 : i32
    %lt3A_43 = vector.broadcast %lt3A : i32 to vector<16xi32>
    %lt3A_44 = arith.cmpi slt, %add3A_42, %lt3A_43 : vector<16xi32>
    %add3A_45 = vector.broadcast %mul3A_2 : i32 to vector<16xi32>
    %add3A_46 = arith.addi %add3A_45, %add3A_42 : vector<16xi32>
    %min3A = arith.constant 831 : i32
    %min3A_47 = vector.broadcast %min3A : i32 to vector<16xi32>
    %min3A_48 = arith.minsi %add3A_46, %min3A_47 : vector<16xi32>
    %mul3A_49 = arith.constant 832 : i32
    %mul3A_50 = vector.broadcast %mul3A_49 : i32 to vector<16xi32>
    %mul3A_51 = arith.muli %add3A_42, %mul3A_50 : vector<16xi32>
    %add3A_52 = arith.addi %mul3A_51, %min3A_48 : vector<16xi32>
    %jit3A = arith.constant 0 : i32
    %broadcast_in_dim3A_53 = vector.broadcast %jit3A : i32 to vector<16xi32>
    %select_n3A = arith.select %lt3A_44, %add3A_52, %broadcast_in_dim3A_53 : vector<16xi1>, vector<16xi32>
    tpu.vector_store_idx %arg9[%select_n3A], %broadcast_in_dim3A_39 masked %lt3A_44 {add = true} : memref<21632xf32, #tpu.memory_space<vmem>>[vector<16xi32>], vector<16xf32>, vector<16xi1>
    %iota3A_54 = tpu.iota {dimensions = array<i32: 0>} : vector<16xi32>
    %add3A_55 = arith.constant 16 : i32
    %add3A_56 = vector.broadcast %add3A_55 : i32 to vector<16xi32>
    %add3A_57 = arith.addi %iota3A_54, %add3A_56 : vector<16xi32>
    %lt3A_58 = arith.constant 26 : i32
    %lt3A_59 = vector.broadcast %lt3A_58 : i32 to vector<16xi32>
    %lt3A_60 = arith.cmpi slt, %add3A_57, %lt3A_59 : vector<16xi32>
    %add3A_61 = vector.broadcast %mul3A_2 : i32 to vector<16xi32>
    %add3A_62 = arith.addi %add3A_61, %add3A_57 : vector<16xi32>
    %min3A_63 = arith.constant 831 : i32
    %min3A_64 = vector.broadcast %min3A_63 : i32 to vector<16xi32>
    %min3A_65 = arith.minsi %add3A_62, %min3A_64 : vector<16xi32>
    %mul3A_66 = arith.constant 832 : i32
    %mul3A_67 = vector.broadcast %mul3A_66 : i32 to vector<16xi32>
    %mul3A_68 = arith.muli %add3A_57, %mul3A_67 : vector<16xi32>
    %add3A_69 = arith.addi %mul3A_68, %min3A_65 : vector<16xi32>
    %jit3A_70 = arith.constant 0 : i32
    %broadcast_in_dim3A_71 = vector.broadcast %jit3A_70 : i32 to vector<16xi32>
    %select_n3A_72 = arith.select %lt3A_60, %add3A_69, %broadcast_in_dim3A_71 : vector<16xi1>, vector<16xi32>
    tpu.vector_store_idx %arg9[%select_n3A_72], %broadcast_in_dim3A_39 masked %lt3A_60 {add = true} : memref<21632xf32, #tpu.memory_space<vmem>>[vector<16xi32>], vector<16xf32>, vector<16xi1>
    %mul3A_73 = arith.constant 832 : i32
    %mul3A_74 = arith.muli %mul3A_2, %mul3A_73 : i32
    %multiple_of3A = tpu.assume_multiple %mul3A_74, 16 : i32
    "tpu.region"() ({
      %run_scoped3A = tpu.sem_alloc : memref<!tpu.dma_semaphore, #tpu.memory_space<semaphore_mem>>
      %dma_start3A = tpu.memref_slice %arg5[%multiple_of3A] : memref<692224xf32, #tpu.memory_space<hbm>> -> memref<21632xf32, #tpu.memory_space<hbm>>
      %dma_start3A_75 = tpu.memref_slice %arg5[%multiple_of3A] : memref<692224xf32, #tpu.memory_space<hbm>> -> memref<21632xf32, #tpu.memory_space<hbm>>
      tpu.enqueue_dma source(%arg9 : memref<21632xf32, #tpu.memory_space<vmem>>) target(%dma_start3A_75 : memref<21632xf32, #tpu.memory_space<hbm>>) target_semaphore(%run_scoped3A : memref<!tpu.dma_semaphore, #tpu.memory_space<semaphore_mem>>)
      %dma_wait3A = tpu.memref_slice %arg5[%multiple_of3A] : memref<692224xf32, #tpu.memory_space<hbm>> -> memref<21632xf32, #tpu.memory_space<hbm>>
      %dma_wait3A_76 = tpu.memref_slice %arg5[%multiple_of3A] : memref<692224xf32, #tpu.memory_space<hbm>> -> memref<21632xf32, #tpu.memory_space<hbm>>
      tpu.wait_dma2 semaphore(%run_scoped3A : memref<!tpu.dma_semaphore, #tpu.memory_space<semaphore_mem>>) src(%arg9 : memref<21632xf32, #tpu.memory_space<vmem>>) dst(%dma_wait3A_76 : memref<21632xf32, #tpu.memory_space<hbm>>)
      tpu.yield
    }) : () -> ()
    return
  }
}

module attributes {stable_mosaic.version = 14 : i64} {
  func.func @_l1p_body(%arg0: i32, %arg1: memref<128xi32, #tpu.memory_space<smem>>, %arg2: memref<1x768x3xf32, #tpu.memory_space<vmem>>, %arg3: memref<1x768x3xf32, #tpu.memory_space<vmem>>, %arg4: memref<1x768x3xf32, #tpu.memory_space<vmem>>, %arg5: memref<1x768x3xf32, #tpu.memory_space<vmem>>, %arg6: memref<3x64xf32, #tpu.memory_space<vmem>>, %arg7: memref<1x64xf32, #tpu.memory_space<vmem>>, %arg8: memref<768x256xf32, #tpu.memory_space<vmem>>) attributes {dimension_semantics = [#tpu.dimension_semantics<arbitrary>], iteration_bounds = array<i64: 32>, scalar_prefetch = 1 : i64, scratch_operands = 0 : i64, tpu.core_type = #tpu.core_type<tc>, window_params = [{transform_indices = @transform_0, window_bounds = array<i64: 1, 768, 3>}, {transform_indices = @transform_1, window_bounds = array<i64: 1, 768, 3>}, {transform_indices = @transform_2, window_bounds = array<i64: 1, 768, 3>}, {transform_indices = @transform_3, window_bounds = array<i64: 1, 768, 3>}, {pipeline_mode = #tpu.pipeline_mode<synchronous>, transform_indices = @transform_4, window_bounds = array<i64: 3, 64>}, {pipeline_mode = #tpu.pipeline_mode<synchronous>, transform_indices = @transform_5, window_bounds = array<i64: 1, 64>}, {transform_indices = @transform_6, window_bounds = array<i64: 768, 256>}]} {
    %get3A = arith.constant 0 : index
    %get3A_0 = arith.constant 0 : index
    %get3A_1 = vector.load %arg6[%get3A, %get3A_0] : memref<3x64xf32, #tpu.memory_space<vmem>>, vector<3x64xf32>
    %get3A_2 = arith.constant 0 : index
    %get3A_3 = arith.constant 0 : index
    %get3A_4 = vector.load %arg7[%get3A_2, %get3A_3] : memref<1x64xf32, #tpu.memory_space<vmem>>, vector<1x64xf32>
    %get3A_5 = arith.constant 0 : index
    %get3A_6 = arith.constant 0 : index
    %get3A_7 = arith.constant 0 : index
    %get3A_8 = vector.load %arg2[%get3A_5, %get3A_6, %get3A_7] : memref<1x768x3xf32, #tpu.memory_space<vmem>>, vector<1x768x3xf32>
    %get3A_9 = vector.shape_cast %get3A_8 : vector<1x768x3xf32> to vector<768x3xf32>
    %dot_general3A = arith.constant dense<0.000000e+00> : vector<768x64xf32>
    %dot_general3A_10 = tpu.matmul %get3A_9, %get3A_1, %dot_general3A {dimension_numbers = #tpu.dot_dimension_numbers<[1], [0], [0], [1], [0, 0, 1, 1], [], []>, transpose_lhs_hint = false} : vector<768x3xf32>, vector<3x64xf32>, vector<768x64xf32> -> vector<768x64xf32>
    %add3A = vector.broadcast %get3A_4 : vector<1x64xf32> to vector<768x64xf32>
    %add3A_11 = arith.addf %dot_general3A_10, %add3A : vector<768x64xf32>
    %get3A_12 = arith.constant 0 : index
    %get3A_13 = arith.constant 0 : index
    %get3A_14 = arith.constant 0 : index
    %get3A_15 = vector.load %arg3[%get3A_12, %get3A_13, %get3A_14] : memref<1x768x3xf32, #tpu.memory_space<vmem>>, vector<1x768x3xf32>
    %get3A_16 = vector.shape_cast %get3A_15 : vector<1x768x3xf32> to vector<768x3xf32>
    %dot_general3A_17 = arith.constant dense<0.000000e+00> : vector<768x64xf32>
    %dot_general3A_18 = tpu.matmul %get3A_16, %get3A_1, %dot_general3A_17 {dimension_numbers = #tpu.dot_dimension_numbers<[1], [0], [0], [1], [0, 0, 1, 1], [], []>, transpose_lhs_hint = false} : vector<768x3xf32>, vector<3x64xf32>, vector<768x64xf32> -> vector<768x64xf32>
    %add3A_19 = vector.broadcast %get3A_4 : vector<1x64xf32> to vector<768x64xf32>
    %add3A_20 = arith.addf %dot_general3A_18, %add3A_19 : vector<768x64xf32>
    %get3A_21 = arith.constant 0 : index
    %get3A_22 = arith.constant 0 : index
    %get3A_23 = arith.constant 0 : index
    %get3A_24 = vector.load %arg4[%get3A_21, %get3A_22, %get3A_23] : memref<1x768x3xf32, #tpu.memory_space<vmem>>, vector<1x768x3xf32>
    %get3A_25 = vector.shape_cast %get3A_24 : vector<1x768x3xf32> to vector<768x3xf32>
    %dot_general3A_26 = arith.constant dense<0.000000e+00> : vector<768x64xf32>
    %dot_general3A_27 = tpu.matmul %get3A_25, %get3A_1, %dot_general3A_26 {dimension_numbers = #tpu.dot_dimension_numbers<[1], [0], [0], [1], [0, 0, 1, 1], [], []>, transpose_lhs_hint = false} : vector<768x3xf32>, vector<3x64xf32>, vector<768x64xf32> -> vector<768x64xf32>
    %add3A_28 = vector.broadcast %get3A_4 : vector<1x64xf32> to vector<768x64xf32>
    %add3A_29 = arith.addf %dot_general3A_27, %add3A_28 : vector<768x64xf32>
    %get3A_30 = arith.constant 0 : index
    %get3A_31 = arith.constant 0 : index
    %get3A_32 = arith.constant 0 : index
    %get3A_33 = vector.load %arg5[%get3A_30, %get3A_31, %get3A_32] : memref<1x768x3xf32, #tpu.memory_space<vmem>>, vector<1x768x3xf32>
    %get3A_34 = vector.shape_cast %get3A_33 : vector<1x768x3xf32> to vector<768x3xf32>
    %dot_general3A_35 = arith.constant dense<0.000000e+00> : vector<768x64xf32>
    %dot_general3A_36 = tpu.matmul %get3A_34, %get3A_1, %dot_general3A_35 {dimension_numbers = #tpu.dot_dimension_numbers<[1], [0], [0], [1], [0, 0, 1, 1], [], []>, transpose_lhs_hint = false} : vector<768x3xf32>, vector<3x64xf32>, vector<768x64xf32> -> vector<768x64xf32>
    %add3A_37 = vector.broadcast %get3A_4 : vector<1x64xf32> to vector<768x64xf32>
    %add3A_38 = arith.addf %dot_general3A_36, %add3A_37 : vector<768x64xf32>
    %concatenate3A = tpu.concatenate %add3A_11, %add3A_20, %add3A_29, %add3A_38 in 1 : vector<768x64xf32>, vector<768x64xf32>, vector<768x64xf32>, vector<768x64xf32> -> vector<768x256xf32>
    %swap3A = arith.constant 0 : index
    %swap3A_39 = arith.constant 0 : index
    %swap3A_40 = vector.load %arg8[%swap3A, %swap3A_39] : memref<768x256xf32, #tpu.memory_space<vmem>>, vector<768x256xf32>
    tpu.vector_store %arg8[%swap3A, %swap3A_39], %concatenate3A {strides = array<i32>} : memref<768x256xf32, #tpu.memory_space<vmem>>, vector<768x256xf32>,
    return
  }
  func.func @transform_0(%arg0: i32, %arg1: memref<128xi32, #tpu.memory_space<smem>>) -> (i32, i32, i32) {
    %mul3A = arith.constant 4 : i32
    %mul3A_0 = arith.muli %mul3A, %arg0 : i32
    %add3A = arith.constant 0 : i32
    %add3A_1 = arith.addi %mul3A_0, %add3A : i32
    %get3A = arith.index_cast %add3A_1 : i32 to index
    %get3A_2 = memref.load %arg1[%get3A] : memref<128xi32, #tpu.memory_space<smem>>
    %c0_i32 = arith.constant 0 : i32
    %c0_i32_3 = arith.constant 0 : i32
    %c0_i32_4 = arith.constant 0 : i32
    return %get3A_2, %c0_i32, %c0_i32_3 : i32, i32, i32
  }
  func.func @transform_1(%arg0: i32, %arg1: memref<128xi32, #tpu.memory_space<smem>>) -> (i32, i32, i32) {
    %mul3A = arith.constant 4 : i32
    %mul3A_0 = arith.muli %mul3A, %arg0 : i32
    %add3A = arith.constant 1 : i32
    %add3A_1 = arith.addi %mul3A_0, %add3A : i32
    %get3A = arith.index_cast %add3A_1 : i32 to index
    %get3A_2 = memref.load %arg1[%get3A] : memref<128xi32, #tpu.memory_space<smem>>
    %c0_i32 = arith.constant 0 : i32
    %c0_i32_3 = arith.constant 0 : i32
    %c0_i32_4 = arith.constant 0 : i32
    return %get3A_2, %c0_i32, %c0_i32_3 : i32, i32, i32
  }
  func.func @transform_2(%arg0: i32, %arg1: memref<128xi32, #tpu.memory_space<smem>>) -> (i32, i32, i32) {
    %mul3A = arith.constant 4 : i32
    %mul3A_0 = arith.muli %mul3A, %arg0 : i32
    %add3A = arith.constant 2 : i32
    %add3A_1 = arith.addi %mul3A_0, %add3A : i32
    %get3A = arith.index_cast %add3A_1 : i32 to index
    %get3A_2 = memref.load %arg1[%get3A] : memref<128xi32, #tpu.memory_space<smem>>
    %c0_i32 = arith.constant 0 : i32
    %c0_i32_3 = arith.constant 0 : i32
    %c0_i32_4 = arith.constant 0 : i32
    return %get3A_2, %c0_i32, %c0_i32_3 : i32, i32, i32
  }
  func.func @transform_3(%arg0: i32, %arg1: memref<128xi32, #tpu.memory_space<smem>>) -> (i32, i32, i32) {
    %mul3A = arith.constant 4 : i32
    %mul3A_0 = arith.muli %mul3A, %arg0 : i32
    %add3A = arith.constant 3 : i32
    %add3A_1 = arith.addi %mul3A_0, %add3A : i32
    %get3A = arith.index_cast %add3A_1 : i32 to index
    %get3A_2 = memref.load %arg1[%get3A] : memref<128xi32, #tpu.memory_space<smem>>
    %c0_i32 = arith.constant 0 : i32
    %c0_i32_3 = arith.constant 0 : i32
    %c0_i32_4 = arith.constant 0 : i32
    return %get3A_2, %c0_i32, %c0_i32_3 : i32, i32, i32
  }
  func.func @transform_4(%arg0: i32, %arg1: memref<128xi32, #tpu.memory_space<smem>>) -> (i32, i32) {
    %c0_i32 = arith.constant 0 : i32
    %c0_i32_0 = arith.constant 0 : i32
    %c0_i32_1 = arith.constant 0 : i32
    return %c0_i32, %c0_i32_0 : i32, i32
  }
  func.func @transform_5(%arg0: i32, %arg1: memref<128xi32, #tpu.memory_space<smem>>) -> (i32, i32) {
    %c0_i32 = arith.constant 0 : i32
    %c0_i32_0 = arith.constant 0 : i32
    %c0_i32_1 = arith.constant 0 : i32
    return %c0_i32, %c0_i32_0 : i32, i32
  }
  func.func @transform_6(%arg0: i32, %arg1: memref<128xi32, #tpu.memory_space<smem>>) -> (i32, i32) {
    %c0_i32 = arith.constant 0 : i32
    %c0_i32_0 = arith.constant 0 : i32
    return %c0_i32, %arg0 : i32, i32
  }
}

module attributes {stable_mosaic.version = 14 : i64} {
  func.func @_l1p_body(%arg0: i32, %arg1: memref<128xi32, #tpu.memory_space<smem>>, %arg2: memref<1x832x3xf32, #tpu.memory_space<vmem>>, %arg3: memref<1x832x3xf32, #tpu.memory_space<vmem>>, %arg4: memref<1x832x3xf32, #tpu.memory_space<vmem>>, %arg5: memref<1x832x3xf32, #tpu.memory_space<vmem>>, %arg6: memref<3x64xf32, #tpu.memory_space<vmem>>, %arg7: memref<1x64xf32, #tpu.memory_space<vmem>>, %arg8: memref<832x256xf32, #tpu.memory_space<vmem>>) attributes {dimension_semantics = [#tpu.dimension_semantics<arbitrary>], iteration_bounds = array<i64: 32>, scalar_prefetch = 1 : i64, scratch_operands = 0 : i64, tpu.core_type = #tpu.core_type<tc>, window_params = [{transform_indices = @transform_0, window_bounds = array<i64: 1, 832, 3>}, {transform_indices = @transform_1, window_bounds = array<i64: 1, 832, 3>}, {transform_indices = @transform_2, window_bounds = array<i64: 1, 832, 3>}, {transform_indices = @transform_3, window_bounds = array<i64: 1, 832, 3>}, {pipeline_mode = #tpu.pipeline_mode<synchronous>, transform_indices = @transform_4, window_bounds = array<i64: 3, 64>}, {pipeline_mode = #tpu.pipeline_mode<synchronous>, transform_indices = @transform_5, window_bounds = array<i64: 1, 64>}, {transform_indices = @transform_6, window_bounds = array<i64: 832, 256>}]} {
    %get3A = arith.constant 0 : index
    %get3A_0 = arith.constant 0 : index
    %get3A_1 = vector.load %arg6[%get3A, %get3A_0] : memref<3x64xf32, #tpu.memory_space<vmem>>, vector<3x64xf32>
    %get3A_2 = arith.constant 0 : index
    %get3A_3 = arith.constant 0 : index
    %get3A_4 = vector.load %arg7[%get3A_2, %get3A_3] : memref<1x64xf32, #tpu.memory_space<vmem>>, vector<1x64xf32>
    %get3A_5 = arith.constant 0 : index
    %get3A_6 = arith.constant 0 : index
    %get3A_7 = arith.constant 0 : index
    %get3A_8 = vector.load %arg2[%get3A_5, %get3A_6, %get3A_7] : memref<1x832x3xf32, #tpu.memory_space<vmem>>, vector<1x832x3xf32>
    %get3A_9 = vector.shape_cast %get3A_8 : vector<1x832x3xf32> to vector<832x3xf32>
    %dot_general3A = arith.constant dense<0.000000e+00> : vector<832x64xf32>
    %dot_general3A_10 = tpu.matmul %get3A_9, %get3A_1, %dot_general3A {dimension_numbers = #tpu.dot_dimension_numbers<[1], [0], [0], [1], [0, 0, 1, 1], [], []>, transpose_lhs_hint = false} : vector<832x3xf32>, vector<3x64xf32>, vector<832x64xf32> -> vector<832x64xf32>
    %add3A = vector.broadcast %get3A_4 : vector<1x64xf32> to vector<832x64xf32>
    %add3A_11 = arith.addf %dot_general3A_10, %add3A : vector<832x64xf32>
    %get3A_12 = arith.constant 0 : index
    %get3A_13 = arith.constant 0 : index
    %get3A_14 = arith.constant 0 : index
    %get3A_15 = vector.load %arg3[%get3A_12, %get3A_13, %get3A_14] : memref<1x832x3xf32, #tpu.memory_space<vmem>>, vector<1x832x3xf32>
    %get3A_16 = vector.shape_cast %get3A_15 : vector<1x832x3xf32> to vector<832x3xf32>
    %dot_general3A_17 = arith.constant dense<0.000000e+00> : vector<832x64xf32>
    %dot_general3A_18 = tpu.matmul %get3A_16, %get3A_1, %dot_general3A_17 {dimension_numbers = #tpu.dot_dimension_numbers<[1], [0], [0], [1], [0, 0, 1, 1], [], []>, transpose_lhs_hint = false} : vector<832x3xf32>, vector<3x64xf32>, vector<832x64xf32> -> vector<832x64xf32>
    %add3A_19 = vector.broadcast %get3A_4 : vector<1x64xf32> to vector<832x64xf32>
    %add3A_20 = arith.addf %dot_general3A_18, %add3A_19 : vector<832x64xf32>
    %get3A_21 = arith.constant 0 : index
    %get3A_22 = arith.constant 0 : index
    %get3A_23 = arith.constant 0 : index
    %get3A_24 = vector.load %arg4[%get3A_21, %get3A_22, %get3A_23] : memref<1x832x3xf32, #tpu.memory_space<vmem>>, vector<1x832x3xf32>
    %get3A_25 = vector.shape_cast %get3A_24 : vector<1x832x3xf32> to vector<832x3xf32>
    %dot_general3A_26 = arith.constant dense<0.000000e+00> : vector<832x64xf32>
    %dot_general3A_27 = tpu.matmul %get3A_25, %get3A_1, %dot_general3A_26 {dimension_numbers = #tpu.dot_dimension_numbers<[1], [0], [0], [1], [0, 0, 1, 1], [], []>, transpose_lhs_hint = false} : vector<832x3xf32>, vector<3x64xf32>, vector<832x64xf32> -> vector<832x64xf32>
    %add3A_28 = vector.broadcast %get3A_4 : vector<1x64xf32> to vector<832x64xf32>
    %add3A_29 = arith.addf %dot_general3A_27, %add3A_28 : vector<832x64xf32>
    %get3A_30 = arith.constant 0 : index
    %get3A_31 = arith.constant 0 : index
    %get3A_32 = arith.constant 0 : index
    %get3A_33 = vector.load %arg5[%get3A_30, %get3A_31, %get3A_32] : memref<1x832x3xf32, #tpu.memory_space<vmem>>, vector<1x832x3xf32>
    %get3A_34 = vector.shape_cast %get3A_33 : vector<1x832x3xf32> to vector<832x3xf32>
    %dot_general3A_35 = arith.constant dense<0.000000e+00> : vector<832x64xf32>
    %dot_general3A_36 = tpu.matmul %get3A_34, %get3A_1, %dot_general3A_35 {dimension_numbers = #tpu.dot_dimension_numbers<[1], [0], [0], [1], [0, 0, 1, 1], [], []>, transpose_lhs_hint = false} : vector<832x3xf32>, vector<3x64xf32>, vector<832x64xf32> -> vector<832x64xf32>
    %add3A_37 = vector.broadcast %get3A_4 : vector<1x64xf32> to vector<832x64xf32>
    %add3A_38 = arith.addf %dot_general3A_36, %add3A_37 : vector<832x64xf32>
    %concatenate3A = tpu.concatenate %add3A_11, %add3A_20, %add3A_29, %add3A_38 in 1 : vector<832x64xf32>, vector<832x64xf32>, vector<832x64xf32>, vector<832x64xf32> -> vector<832x256xf32>
    %swap3A = arith.constant 0 : index
    %swap3A_39 = arith.constant 0 : index
    %swap3A_40 = vector.load %arg8[%swap3A, %swap3A_39] : memref<832x256xf32, #tpu.memory_space<vmem>>, vector<832x256xf32>
    tpu.vector_store %arg8[%swap3A, %swap3A_39], %concatenate3A {strides = array<i32>} : memref<832x256xf32, #tpu.memory_space<vmem>>, vector<832x256xf32>,
    return
  }
  func.func @transform_0(%arg0: i32, %arg1: memref<128xi32, #tpu.memory_space<smem>>) -> (i32, i32, i32) {
    %mul3A = arith.constant 4 : i32
    %mul3A_0 = arith.muli %mul3A, %arg0 : i32
    %add3A = arith.constant 0 : i32
    %add3A_1 = arith.addi %mul3A_0, %add3A : i32
    %get3A = arith.index_cast %add3A_1 : i32 to index
    %get3A_2 = memref.load %arg1[%get3A] : memref<128xi32, #tpu.memory_space<smem>>
    %c0_i32 = arith.constant 0 : i32
    %c0_i32_3 = arith.constant 0 : i32
    %c0_i32_4 = arith.constant 0 : i32
    return %get3A_2, %c0_i32, %c0_i32_3 : i32, i32, i32
  }
  func.func @transform_1(%arg0: i32, %arg1: memref<128xi32, #tpu.memory_space<smem>>) -> (i32, i32, i32) {
    %mul3A = arith.constant 4 : i32
    %mul3A_0 = arith.muli %mul3A, %arg0 : i32
    %add3A = arith.constant 1 : i32
    %add3A_1 = arith.addi %mul3A_0, %add3A : i32
    %get3A = arith.index_cast %add3A_1 : i32 to index
    %get3A_2 = memref.load %arg1[%get3A] : memref<128xi32, #tpu.memory_space<smem>>
    %c0_i32 = arith.constant 0 : i32
    %c0_i32_3 = arith.constant 0 : i32
    %c0_i32_4 = arith.constant 0 : i32
    return %get3A_2, %c0_i32, %c0_i32_3 : i32, i32, i32
  }
  func.func @transform_2(%arg0: i32, %arg1: memref<128xi32, #tpu.memory_space<smem>>) -> (i32, i32, i32) {
    %mul3A = arith.constant 4 : i32
    %mul3A_0 = arith.muli %mul3A, %arg0 : i32
    %add3A = arith.constant 2 : i32
    %add3A_1 = arith.addi %mul3A_0, %add3A : i32
    %get3A = arith.index_cast %add3A_1 : i32 to index
    %get3A_2 = memref.load %arg1[%get3A] : memref<128xi32, #tpu.memory_space<smem>>
    %c0_i32 = arith.constant 0 : i32
    %c0_i32_3 = arith.constant 0 : i32
    %c0_i32_4 = arith.constant 0 : i32
    return %get3A_2, %c0_i32, %c0_i32_3 : i32, i32, i32
  }
  func.func @transform_3(%arg0: i32, %arg1: memref<128xi32, #tpu.memory_space<smem>>) -> (i32, i32, i32) {
    %mul3A = arith.constant 4 : i32
    %mul3A_0 = arith.muli %mul3A, %arg0 : i32
    %add3A = arith.constant 3 : i32
    %add3A_1 = arith.addi %mul3A_0, %add3A : i32
    %get3A = arith.index_cast %add3A_1 : i32 to index
    %get3A_2 = memref.load %arg1[%get3A] : memref<128xi32, #tpu.memory_space<smem>>
    %c0_i32 = arith.constant 0 : i32
    %c0_i32_3 = arith.constant 0 : i32
    %c0_i32_4 = arith.constant 0 : i32
    return %get3A_2, %c0_i32, %c0_i32_3 : i32, i32, i32
  }
  func.func @transform_4(%arg0: i32, %arg1: memref<128xi32, #tpu.memory_space<smem>>) -> (i32, i32) {
    %c0_i32 = arith.constant 0 : i32
    %c0_i32_0 = arith.constant 0 : i32
    %c0_i32_1 = arith.constant 0 : i32
    return %c0_i32, %c0_i32_0 : i32, i32
  }
  func.func @transform_5(%arg0: i32, %arg1: memref<128xi32, #tpu.memory_space<smem>>) -> (i32, i32) {
    %c0_i32 = arith.constant 0 : i32
    %c0_i32_0 = arith.constant 0 : i32
    %c0_i32_1 = arith.constant 0 : i32
    return %c0_i32, %c0_i32_0 : i32, i32
  }
  func.func @transform_6(%arg0: i32, %arg1: memref<128xi32, #tpu.memory_space<smem>>) -> (i32, i32) {
    %c0_i32 = arith.constant 0 : i32
    %c0_i32_0 = arith.constant 0 : i32
    return %c0_i32, %arg0 : i32, i32
  }
}

module attributes {stable_mosaic.version = 14 : i64} {
  func.func @_l1p_body(%arg0: i32, %arg1: memref<64xi32, #tpu.memory_space<smem>>, %arg2: memref<1x1600x3xf32, #tpu.memory_space<vmem>>, %arg3: memref<1x1600x3xf32, #tpu.memory_space<vmem>>, %arg4: memref<1x1600x3xf32, #tpu.memory_space<vmem>>, %arg5: memref<1x1600x3xf32, #tpu.memory_space<vmem>>, %arg6: memref<3x64xf32, #tpu.memory_space<vmem>>, %arg7: memref<1x64xf32, #tpu.memory_space<vmem>>, %arg8: memref<1600x256xf32, #tpu.memory_space<vmem>>) attributes {dimension_semantics = [#tpu.dimension_semantics<arbitrary>], iteration_bounds = array<i64: 16>, scalar_prefetch = 1 : i64, scratch_operands = 0 : i64, tpu.core_type = #tpu.core_type<tc>, window_params = [{transform_indices = @transform_0, window_bounds = array<i64: 1, 1600, 3>}, {transform_indices = @transform_1, window_bounds = array<i64: 1, 1600, 3>}, {transform_indices = @transform_2, window_bounds = array<i64: 1, 1600, 3>}, {transform_indices = @transform_3, window_bounds = array<i64: 1, 1600, 3>}, {pipeline_mode = #tpu.pipeline_mode<synchronous>, transform_indices = @transform_4, window_bounds = array<i64: 3, 64>}, {pipeline_mode = #tpu.pipeline_mode<synchronous>, transform_indices = @transform_5, window_bounds = array<i64: 1, 64>}, {transform_indices = @transform_6, window_bounds = array<i64: 1600, 256>}]} {
    %get3A = arith.constant 0 : index
    %get3A_0 = arith.constant 0 : index
    %get3A_1 = vector.load %arg6[%get3A, %get3A_0] : memref<3x64xf32, #tpu.memory_space<vmem>>, vector<3x64xf32>
    %get3A_2 = arith.constant 0 : index
    %get3A_3 = arith.constant 0 : index
    %get3A_4 = vector.load %arg7[%get3A_2, %get3A_3] : memref<1x64xf32, #tpu.memory_space<vmem>>, vector<1x64xf32>
    %get3A_5 = arith.constant 0 : index
    %get3A_6 = arith.constant 0 : index
    %get3A_7 = arith.constant 0 : index
    %get3A_8 = vector.load %arg2[%get3A_5, %get3A_6, %get3A_7] : memref<1x1600x3xf32, #tpu.memory_space<vmem>>, vector<1x1600x3xf32>
    %get3A_9 = vector.shape_cast %get3A_8 : vector<1x1600x3xf32> to vector<1600x3xf32>
    %dot_general3A = arith.constant dense<0.000000e+00> : vector<1600x64xf32>
    %dot_general3A_10 = tpu.matmul %get3A_9, %get3A_1, %dot_general3A {dimension_numbers = #tpu.dot_dimension_numbers<[1], [0], [0], [1], [0, 0, 1, 1], [], []>, transpose_lhs_hint = false} : vector<1600x3xf32>, vector<3x64xf32>, vector<1600x64xf32> -> vector<1600x64xf32>
    %add3A = vector.broadcast %get3A_4 : vector<1x64xf32> to vector<1600x64xf32>
    %add3A_11 = arith.addf %dot_general3A_10, %add3A : vector<1600x64xf32>
    %get3A_12 = arith.constant 0 : index
    %get3A_13 = arith.constant 0 : index
    %get3A_14 = arith.constant 0 : index
    %get3A_15 = vector.load %arg3[%get3A_12, %get3A_13, %get3A_14] : memref<1x1600x3xf32, #tpu.memory_space<vmem>>, vector<1x1600x3xf32>
    %get3A_16 = vector.shape_cast %get3A_15 : vector<1x1600x3xf32> to vector<1600x3xf32>
    %dot_general3A_17 = arith.constant dense<0.000000e+00> : vector<1600x64xf32>
    %dot_general3A_18 = tpu.matmul %get3A_16, %get3A_1, %dot_general3A_17 {dimension_numbers = #tpu.dot_dimension_numbers<[1], [0], [0], [1], [0, 0, 1, 1], [], []>, transpose_lhs_hint = false} : vector<1600x3xf32>, vector<3x64xf32>, vector<1600x64xf32> -> vector<1600x64xf32>
    %add3A_19 = vector.broadcast %get3A_4 : vector<1x64xf32> to vector<1600x64xf32>
    %add3A_20 = arith.addf %dot_general3A_18, %add3A_19 : vector<1600x64xf32>
    %get3A_21 = arith.constant 0 : index
    %get3A_22 = arith.constant 0 : index
    %get3A_23 = arith.constant 0 : index
    %get3A_24 = vector.load %arg4[%get3A_21, %get3A_22, %get3A_23] : memref<1x1600x3xf32, #tpu.memory_space<vmem>>, vector<1x1600x3xf32>
    %get3A_25 = vector.shape_cast %get3A_24 : vector<1x1600x3xf32> to vector<1600x3xf32>
    %dot_general3A_26 = arith.constant dense<0.000000e+00> : vector<1600x64xf32>
    %dot_general3A_27 = tpu.matmul %get3A_25, %get3A_1, %dot_general3A_26 {dimension_numbers = #tpu.dot_dimension_numbers<[1], [0], [0], [1], [0, 0, 1, 1], [], []>, transpose_lhs_hint = false} : vector<1600x3xf32>, vector<3x64xf32>, vector<1600x64xf32> -> vector<1600x64xf32>
    %add3A_28 = vector.broadcast %get3A_4 : vector<1x64xf32> to vector<1600x64xf32>
    %add3A_29 = arith.addf %dot_general3A_27, %add3A_28 : vector<1600x64xf32>
    %get3A_30 = arith.constant 0 : index
    %get3A_31 = arith.constant 0 : index
    %get3A_32 = arith.constant 0 : index
    %get3A_33 = vector.load %arg5[%get3A_30, %get3A_31, %get3A_32] : memref<1x1600x3xf32, #tpu.memory_space<vmem>>, vector<1x1600x3xf32>
    %get3A_34 = vector.shape_cast %get3A_33 : vector<1x1600x3xf32> to vector<1600x3xf32>
    %dot_general3A_35 = arith.constant dense<0.000000e+00> : vector<1600x64xf32>
    %dot_general3A_36 = tpu.matmul %get3A_34, %get3A_1, %dot_general3A_35 {dimension_numbers = #tpu.dot_dimension_numbers<[1], [0], [0], [1], [0, 0, 1, 1], [], []>, transpose_lhs_hint = false} : vector<1600x3xf32>, vector<3x64xf32>, vector<1600x64xf32> -> vector<1600x64xf32>
    %add3A_37 = vector.broadcast %get3A_4 : vector<1x64xf32> to vector<1600x64xf32>
    %add3A_38 = arith.addf %dot_general3A_36, %add3A_37 : vector<1600x64xf32>
    %concatenate3A = tpu.concatenate %add3A_11, %add3A_20, %add3A_29, %add3A_38 in 1 : vector<1600x64xf32>, vector<1600x64xf32>, vector<1600x64xf32>, vector<1600x64xf32> -> vector<1600x256xf32>
    %swap3A = arith.constant 0 : index
    %swap3A_39 = arith.constant 0 : index
    %swap3A_40 = vector.load %arg8[%swap3A, %swap3A_39] : memref<1600x256xf32, #tpu.memory_space<vmem>>, vector<1600x256xf32>
    tpu.vector_store %arg8[%swap3A, %swap3A_39], %concatenate3A {strides = array<i32>} : memref<1600x256xf32, #tpu.memory_space<vmem>>, vector<1600x256xf32>,
    return
  }
  func.func @transform_0(%arg0: i32, %arg1: memref<64xi32, #tpu.memory_space<smem>>) -> (i32, i32, i32) {
    %mul3A = arith.constant 4 : i32
    %mul3A_0 = arith.muli %mul3A, %arg0 : i32
    %add3A = arith.constant 0 : i32
    %add3A_1 = arith.addi %mul3A_0, %add3A : i32
    %get3A = arith.index_cast %add3A_1 : i32 to index
    %get3A_2 = memref.load %arg1[%get3A] : memref<64xi32, #tpu.memory_space<smem>>
    %c0_i32 = arith.constant 0 : i32
    %c0_i32_3 = arith.constant 0 : i32
    %c0_i32_4 = arith.constant 0 : i32
    return %get3A_2, %c0_i32, %c0_i32_3 : i32, i32, i32
  }
  func.func @transform_1(%arg0: i32, %arg1: memref<64xi32, #tpu.memory_space<smem>>) -> (i32, i32, i32) {
    %mul3A = arith.constant 4 : i32
    %mul3A_0 = arith.muli %mul3A, %arg0 : i32
    %add3A = arith.constant 1 : i32
    %add3A_1 = arith.addi %mul3A_0, %add3A : i32
    %get3A = arith.index_cast %add3A_1 : i32 to index
    %get3A_2 = memref.load %arg1[%get3A] : memref<64xi32, #tpu.memory_space<smem>>
    %c0_i32 = arith.constant 0 : i32
    %c0_i32_3 = arith.constant 0 : i32
    %c0_i32_4 = arith.constant 0 : i32
    return %get3A_2, %c0_i32, %c0_i32_3 : i32, i32, i32
  }
  func.func @transform_2(%arg0: i32, %arg1: memref<64xi32, #tpu.memory_space<smem>>) -> (i32, i32, i32) {
    %mul3A = arith.constant 4 : i32
    %mul3A_0 = arith.muli %mul3A, %arg0 : i32
    %add3A = arith.constant 2 : i32
    %add3A_1 = arith.addi %mul3A_0, %add3A : i32
    %get3A = arith.index_cast %add3A_1 : i32 to index
    %get3A_2 = memref.load %arg1[%get3A] : memref<64xi32, #tpu.memory_space<smem>>
    %c0_i32 = arith.constant 0 : i32
    %c0_i32_3 = arith.constant 0 : i32
    %c0_i32_4 = arith.constant 0 : i32
    return %get3A_2, %c0_i32, %c0_i32_3 : i32, i32, i32
  }
  func.func @transform_3(%arg0: i32, %arg1: memref<64xi32, #tpu.memory_space<smem>>) -> (i32, i32, i32) {
    %mul3A = arith.constant 4 : i32
    %mul3A_0 = arith.muli %mul3A, %arg0 : i32
    %add3A = arith.constant 3 : i32
    %add3A_1 = arith.addi %mul3A_0, %add3A : i32
    %get3A = arith.index_cast %add3A_1 : i32 to index
    %get3A_2 = memref.load %arg1[%get3A] : memref<64xi32, #tpu.memory_space<smem>>
    %c0_i32 = arith.constant 0 : i32
    %c0_i32_3 = arith.constant 0 : i32
    %c0_i32_4 = arith.constant 0 : i32
    return %get3A_2, %c0_i32, %c0_i32_3 : i32, i32, i32
  }
  func.func @transform_4(%arg0: i32, %arg1: memref<64xi32, #tpu.memory_space<smem>>) -> (i32, i32) {
    %c0_i32 = arith.constant 0 : i32
    %c0_i32_0 = arith.constant 0 : i32
    %c0_i32_1 = arith.constant 0 : i32
    return %c0_i32, %c0_i32_0 : i32, i32
  }
  func.func @transform_5(%arg0: i32, %arg1: memref<64xi32, #tpu.memory_space<smem>>) -> (i32, i32) {
    %c0_i32 = arith.constant 0 : i32
    %c0_i32_0 = arith.constant 0 : i32
    %c0_i32_1 = arith.constant 0 : i32
    return %c0_i32, %c0_i32_0 : i32, i32
  }
  func.func @transform_6(%arg0: i32, %arg1: memref<64xi32, #tpu.memory_space<smem>>) -> (i32, i32) {
    %c0_i32 = arith.constant 0 : i32
    %c0_i32_0 = arith.constant 0 : i32
    return %c0_i32, %arg0 : i32, i32
  }
}

module attributes {stable_mosaic.version = 14 : i64} {
  func.func @_dinv_body(%arg0: memref<1600x1600xf32, #tpu.memory_space<vmem>>, %arg1: memref<1600x1xf32, #tpu.memory_space<vmem>>) attributes {dimension_semantics = [], scalar_prefetch = 0 : i64, scratch_operands = 0 : i64, tpu.core_type = #tpu.core_type<tc>} {
    %get3A = arith.constant 0 : index
    %get3A_0 = arith.constant 0 : index
    %get3A_1 = vector.load %arg0[%get3A, %get3A_0] : memref<1600x1600xf32, #tpu.memory_space<vmem>>, vector<1600x1600xf32>
    %reduce_sum3A = arith.constant dense<0.000000e+00> : vector<1600xf32>
    %reduce_sum3A_2 = vector.multi_reduction <add>, %get3A_1, %reduce_sum3A [1] : vector<1600x1600xf32> to vector<1600xf32>
    %broadcast_in_dim3A = vector.shape_cast %reduce_sum3A_2 : vector<1600xf32> to vector<1600x1xf32>
    %rsqrt3A = math.rsqrt %broadcast_in_dim3A : vector<1600x1xf32>
    %swap3A = arith.constant 0 : index
    %swap3A_3 = arith.constant 0 : index
    %swap3A_4 = vector.load %arg1[%swap3A, %swap3A_3] : memref<1600x1xf32, #tpu.memory_space<vmem>>, vector<1600x1xf32>
    tpu.vector_store %arg1[%swap3A, %swap3A_3], %rsqrt3A {strides = array<i32>} : memref<1600x1xf32, #tpu.memory_space<vmem>>, vector<1600x1xf32>,
    return
  }
}

module attributes {stable_mosaic.version = 14 : i64} {
  func.func @_lay_body(%arg0: i32, %arg1: memref<1600x256xf32, #tpu.memory_space<vmem>>, %arg2: memref<2x64xf32, #tpu.memory_space<vmem>>, %arg3: memref<1x64xf32, #tpu.memory_space<vmem>>, %arg4: memref<1x64xf32, #tpu.memory_space<vmem>>, %arg5: memref<1600x1600xf32, #tpu.memory_space<vmem>>, %arg6: memref<1600x1xf32, #tpu.memory_space<vmem>>, %arg7: memref<256x256xf32, #tpu.memory_space<vmem>>, %arg8: memref<1x64xf32, #tpu.memory_space<vmem>>, %arg9: memref<256x64xf32, #tpu.memory_space<vmem>>, %arg10: memref<1600x256xf32, #tpu.memory_space<vmem>>, %arg11: memref<2x64xf32, #tpu.memory_space<vmem>>, %arg12: memref<2x256xf32, #tpu.memory_space<vmem>>) attributes {dimension_semantics = [#tpu.dimension_semantics<arbitrary>], iteration_bounds = array<i64: 16>, scalar_prefetch = 0 : i64, scratch_operands = 1 : i64, tpu.core_type = #tpu.core_type<tc>, window_params = [{transform_indices = @transform_0, window_bounds = array<i64: 1600, 256>}, {pipeline_mode = #tpu.pipeline_mode<synchronous>, transform_indices = @transform_1, window_bounds = array<i64: 2, 64>}, {pipeline_mode = #tpu.pipeline_mode<synchronous>, transform_indices = @transform_2, window_bounds = array<i64: 1, 64>}, {pipeline_mode = #tpu.pipeline_mode<synchronous>, transform_indices = @transform_3, window_bounds = array<i64: 1, 64>}, {pipeline_mode = #tpu.pipeline_mode<synchronous>, transform_indices = @transform_4, window_bounds = array<i64: 1600, 1600>}, {pipeline_mode = #tpu.pipeline_mode<synchronous>, transform_indices = @transform_5, window_bounds = array<i64: 1600, 1>}, {pipeline_mode = #tpu.pipeline_mode<synchronous>, transform_indices = @transform_6, window_bounds = array<i64: 256, 256>}, {pipeline_mode = #tpu.pipeline_mode<synchronous>, transform_indices = @transform_7, window_bounds = array<i64: 1, 64>}, {pipeline_mode = #tpu.pipeline_mode<synchronous>, transform_indices = @transform_8, window_bounds = array<i64: 256, 64>}, {transform_indices = @transform_9, window_bounds = array<i64: 1600, 256>}, {pipeline_mode = #tpu.pipeline_mode<synchronous>, transform_indices = @transform_10, window_bounds = array<i64: 2, 64>}]} {
    %get3A = arith.constant 0 : index
    %get3A_0 = arith.constant 0 : index
    %get3A_1 = vector.load %arg1[%get3A, %get3A_0] : memref<1600x256xf32, #tpu.memory_space<vmem>>, vector<1600x256xf32>
    %get3A_2 = arith.constant 0 : index
    %get3A_3 = arith.constant 0 : index
    %get3A_4 = vector.load %arg6[%get3A_2, %get3A_3] : memref<1600x1xf32, #tpu.memory_space<vmem>>, vector<1600x1xf32>
    %get3A_5 = arith.constant 0 : index
    %get3A_6 = arith.constant 0 : index
    %get3A_7 = vector.load %arg5[%get3A_5, %get3A_6] : memref<1600x1600xf32, #tpu.memory_space<vmem>>, vector<1600x1600xf32>
    %mul3A = vector.broadcast %get3A_4 : vector<1600x1xf32> to vector<1600x256xf32>
    %mul3A_8 = arith.mulf %mul3A, %get3A_1 : vector<1600x256xf32>
    %dot_general3A = arith.constant dense<0.000000e+00> : vector<1600x256xf32>
    %dot_general3A_9 = tpu.matmul %get3A_7, %mul3A_8, %dot_general3A {dimension_numbers = #tpu.dot_dimension_numbers<[1], [0], [0], [1], [0, 0, 1, 1], [], []>, transpose_lhs_hint = false} : vector<1600x1600xf32>, vector<1600x256xf32>, vector<1600x256xf32> -> vector<1600x256xf32>
    %mul3A_10 = vector.broadcast %get3A_4 : vector<1600x1xf32> to vector<1600x256xf32>
    %mul3A_11 = arith.mulf %mul3A_10, %dot_general3A_9 : vector<1600x256xf32>
    %eq3A = arith.constant 0 : i32
    %eq3A_12 = arith.cmpi eq, %arg0, %eq3A : i32
    %convert_element_type3A = arith.extui %eq3A_12 : i1 to i32
    %cond3A = arith.constant 0 : i32
    %cond3A_13 = arith.cmpi ne, %convert_element_type3A, %cond3A : i32
    scf.if %cond3A_13 {
      %broadcast_in_dim3A_39 = arith.constant 0.000000e+00 : f32
      %broadcast_in_dim3A_40 = vector.broadcast %broadcast_in_dim3A_39 : f32 to vector<2x256xf32>
      %swap3A_41 = arith.constant 0 : index
      %swap3A_42 = arith.constant 0 : index
      %swap3A_43 = vector.load %arg12[%swap3A_41, %swap3A_42] : memref<2x256xf32, #tpu.memory_space<vmem>>, vector<2x256xf32>
      tpu.vector_store %arg12[%swap3A_41, %swap3A_42], %broadcast_in_dim3A_40 {strides = array<i32>} : memref<2x256xf32, #tpu.memory_space<vmem>>, vector<2x256xf32>,
    } else {
    }
    %get3A_14 = arith.constant 0 : index
    %get3A_15 = arith.constant 0 : index
    %get3A_16 = vector.load %arg12[%get3A_14, %get3A_15] : memref<2x256xf32, #tpu.memory_space<vmem>>, vector<1x256xf32>
    %reduce_sum3A = arith.constant dense<0.000000e+00> : vector<256xf32>
    %reduce_sum3A_17 = vector.multi_reduction <add>, %mul3A_11, %reduce_sum3A [0] : vector<1600x256xf32> to vector<256xf32>
    %broadcast_in_dim3A = vector.shape_cast %reduce_sum3A_17 : vector<256xf32> to vector<1x256xf32>
    %add3A = arith.addf %get3A_16, %broadcast_in_dim3A : vector<1x256xf32>
    %swap3A = arith.constant 0 : index
    %swap3A_18 = arith.constant 0 : index
    %swap3A_19 = vector.load %arg12[%swap3A, %swap3A_18] : memref<2x256xf32, #tpu.memory_space<vmem>>, vector<1x256xf32>
    tpu.vector_store %arg12[%swap3A, %swap3A_18], %add3A {strides = array<i32>} : memref<2x256xf32, #tpu.memory_space<vmem>>, vector<1x256xf32>,
    %get3A_20 = arith.constant 1 : index
    %get3A_21 = arith.constant 0 : index
    %get3A_22 = vector.load %arg12[%get3A_20, %get3A_21] : memref<2x256xf32, #tpu.memory_space<vmem>>, vector<1x256xf32>
    %mul3A_23 = arith.mulf %mul3A_11, %mul3A_11 : vector<1600x256xf32>
    %reduce_sum3A_24 = arith.constant dense<0.000000e+00> : vector<256xf32>
    %reduce_sum3A_25 = vector.multi_reduction <add>, %mul3A_23, %reduce_sum3A_24 [0] : vector<1600x256xf32> to vector<256xf32>
    %broadcast_in_dim3A_26 = vector.shape_cast %reduce_sum3A_25 : vector<256xf32> to vector<1x256xf32>
    %add3A_27 = arith.addf %get3A_22, %broadcast_in_dim3A_26 : vector<1x256xf32>
    %swap3A_28 = arith.constant 1 : index
    %swap3A_29 = arith.constant 0 : index
    %swap3A_30 = vector.load %arg12[%swap3A_28, %swap3A_29] : memref<2x256xf32, #tpu.memory_space<vmem>>, vector<1x256xf32>
    tpu.vector_store %arg12[%swap3A_28, %swap3A_29], %add3A_27 {strides = array<i32>} : memref<2x256xf32, #tpu.memory_space<vmem>>, vector<1x256xf32>,
    %swap3A_31 = arith.constant 0 : index
    %swap3A_32 = arith.constant 0 : index
    %swap3A_33 = vector.load %arg10[%swap3A_31, %swap3A_32] : memref<1600x256xf32, #tpu.memory_space<vmem>>, vector<1600x256xf32>
    tpu.vector_store %arg10[%swap3A_31, %swap3A_32], %mul3A_11 {strides = array<i32>} : memref<1600x256xf32, #tpu.memory_space<vmem>>, vector<1600x256xf32>,
    %eq3A_34 = arith.constant 15 : i32
    %eq3A_35 = arith.cmpi eq, %arg0, %eq3A_34 : i32
    %convert_element_type3A_36 = arith.extui %eq3A_35 : i1 to i32
    %cond3A_37 = arith.constant 0 : i32
    %cond3A_38 = arith.cmpi ne, %convert_element_type3A_36, %cond3A_37 : i32
    scf.if %cond3A_38 {
      %get3A_39 = arith.constant 0 : index
      %get3A_40 = arith.constant 0 : index
      %get3A_41 = vector.load %arg12[%get3A_39, %get3A_40] : memref<2x256xf32, #tpu.memory_space<vmem>>, vector<2x256xf32>
      %get3A_42 = arith.constant 0 : index
      %get3A_43 = arith.constant 0 : index
      %get3A_44 = vector.load %arg9[%get3A_42, %get3A_43] : memref<256x64xf32, #tpu.memory_space<vmem>>, vector<256x64xf32>
      %dot_general3A_45 = arith.constant dense<0.000000e+00> : vector<2x64xf32>
      %dot_general3A_46 = tpu.matmul %get3A_41, %get3A_44, %dot_general3A_45 {dimension_numbers = #tpu.dot_dimension_numbers<[1], [0], [0], [1], [0, 0, 1, 1], [], []>, transpose_lhs_hint = false} : vector<2x256xf32>, vector<256x64xf32>, vector<2x64xf32> -> vector<2x64xf32>
      %swap3A_47 = arith.constant 0 : index
      %swap3A_48 = arith.constant 0 : index
      %swap3A_49 = vector.load %arg11[%swap3A_47, %swap3A_48] : memref<2x64xf32, #tpu.memory_space<vmem>>, vector<2x64xf32>
      tpu.vector_store %arg11[%swap3A_47, %swap3A_48], %dot_general3A_46 {strides = array<i32>} : memref<2x64xf32, #tpu.memory_space<vmem>>, vector<2x64xf32>,
    } else {
    }
    return
  }
  func.func @transform_0(%arg0: i32) -> (i32, i32) {
    %c0_i32 = arith.constant 0 : i32
    %c0_i32_0 = arith.constant 0 : i32
    return %c0_i32, %arg0 : i32, i32
  }
  func.func @transform_1(%arg0: i32) -> (i32, i32) {
    %c0_i32 = arith.constant 0 : i32
    %c0_i32_0 = arith.constant 0 : i32
    %c0_i32_1 = arith.constant 0 : i32
    return %c0_i32, %c0_i32_0 : i32, i32
  }
  func.func @transform_2(%arg0: i32) -> (i32, i32) {
    %c0_i32 = arith.constant 0 : i32
    %c0_i32_0 = arith.constant 0 : i32
    %c0_i32_1 = arith.constant 0 : i32
    return %c0_i32, %c0_i32_0 : i32, i32
  }
  func.func @transform_3(%arg0: i32) -> (i32, i32) {
    %c0_i32 = arith.constant 0 : i32
    %c0_i32_0 = arith.constant 0 : i32
    %c0_i32_1 = arith.constant 0 : i32
    return %c0_i32, %c0_i32_0 : i32, i32
  }
  func.func @transform_4(%arg0: i32) -> (i32, i32) {
    %c0_i32 = arith.constant 0 : i32
    %c0_i32_0 = arith.constant 0 : i32
    %c0_i32_1 = arith.constant 0 : i32
    return %c0_i32, %c0_i32_0 : i32, i32
  }
  func.func @transform_5(%arg0: i32) -> (i32, i32) {
    %c0_i32 = arith.constant 0 : i32
    %c0_i32_0 = arith.constant 0 : i32
    %c0_i32_1 = arith.constant 0 : i32
    return %c0_i32, %c0_i32_0 : i32, i32
  }
  func.func @transform_6(%arg0: i32) -> (i32, i32) {
    %c0_i32 = arith.constant 0 : i32
    %c0_i32_0 = arith.constant 0 : i32
    %c0_i32_1 = arith.constant 0 : i32
    return %c0_i32, %c0_i32_0 : i32, i32
  }
  func.func @transform_7(%arg0: i32) -> (i32, i32) {
    %c0_i32 = arith.constant 0 : i32
    %c0_i32_0 = arith.constant 0 : i32
    %c0_i32_1 = arith.constant 0 : i32
    return %c0_i32, %c0_i32_0 : i32, i32
  }
  func.func @transform_8(%arg0: i32) -> (i32, i32) {
    %c0_i32 = arith.constant 0 : i32
    %c0_i32_0 = arith.constant 0 : i32
    %c0_i32_1 = arith.constant 0 : i32
    return %c0_i32, %c0_i32_0 : i32, i32
  }
  func.func @transform_9(%arg0: i32) -> (i32, i32) {
    %c0_i32 = arith.constant 0 : i32
    %c0_i32_0 = arith.constant 0 : i32
    return %c0_i32, %arg0 : i32, i32
  }
  func.func @transform_10(%arg0: i32) -> (i32, i32) {
    %c0_i32 = arith.constant 0 : i32
    %c0_i32_0 = arith.constant 0 : i32
    %c0_i32_1 = arith.constant 0 : i32
    return %c0_i32, %c0_i32_0 : i32, i32
  }
}

module attributes {stable_mosaic.version = 14 : i64} {
  func.func @_lay_body(%arg0: i32, %arg1: memref<1600x256xf32, #tpu.memory_space<vmem>>, %arg2: memref<2x64xf32, #tpu.memory_space<vmem>>, %arg3: memref<1x64xf32, #tpu.memory_space<vmem>>, %arg4: memref<1x64xf32, #tpu.memory_space<vmem>>, %arg5: memref<1600x1600xf32, #tpu.memory_space<vmem>>, %arg6: memref<1600x1xf32, #tpu.memory_space<vmem>>, %arg7: memref<256x256xf32, #tpu.memory_space<vmem>>, %arg8: memref<1x64xf32, #tpu.memory_space<vmem>>, %arg9: memref<256x64xf32, #tpu.memory_space<vmem>>, %arg10: memref<1600x256xf32, #tpu.memory_space<vmem>>, %arg11: memref<2x64xf32, #tpu.memory_space<vmem>>, %arg12: memref<2x256xf32, #tpu.memory_space<vmem>>) attributes {dimension_semantics = [#tpu.dimension_semantics<arbitrary>], iteration_bounds = array<i64: 16>, scalar_prefetch = 0 : i64, scratch_operands = 1 : i64, tpu.core_type = #tpu.core_type<tc>, window_params = [{transform_indices = @transform_0, window_bounds = array<i64: 1600, 256>}, {pipeline_mode = #tpu.pipeline_mode<synchronous>, transform_indices = @transform_1, window_bounds = array<i64: 2, 64>}, {pipeline_mode = #tpu.pipeline_mode<synchronous>, transform_indices = @transform_2, window_bounds = array<i64: 1, 64>}, {pipeline_mode = #tpu.pipeline_mode<synchronous>, transform_indices = @transform_3, window_bounds = array<i64: 1, 64>}, {pipeline_mode = #tpu.pipeline_mode<synchronous>, transform_indices = @transform_4, window_bounds = array<i64: 1600, 1600>}, {pipeline_mode = #tpu.pipeline_mode<synchronous>, transform_indices = @transform_5, window_bounds = array<i64: 1600, 1>}, {pipeline_mode = #tpu.pipeline_mode<synchronous>, transform_indices = @transform_6, window_bounds = array<i64: 256, 256>}, {pipeline_mode = #tpu.pipeline_mode<synchronous>, transform_indices = @transform_7, window_bounds = array<i64: 1, 64>}, {pipeline_mode = #tpu.pipeline_mode<synchronous>, transform_indices = @transform_8, window_bounds = array<i64: 256, 64>}, {transform_indices = @transform_9, window_bounds = array<i64: 1600, 256>}, {pipeline_mode = #tpu.pipeline_mode<synchronous>, transform_indices = @transform_10, window_bounds = array<i64: 2, 64>}]} {
    %get3A = arith.constant 0 : index
    %get3A_0 = arith.constant 0 : index
    %get3A_1 = vector.load %arg1[%get3A, %get3A_0] : memref<1600x256xf32, #tpu.memory_space<vmem>>, vector<1600x256xf32>
    %get3A_2 = arith.constant 0 : index
    %get3A_3 = arith.constant 0 : index
    %get3A_4 = vector.load %arg2[%get3A_2, %get3A_3] : memref<2x64xf32, #tpu.memory_space<vmem>>, vector<1x64xf32>
    %div3A = arith.constant 1.024000e+05 : f32
    %div3A_5 = vector.broadcast %div3A : f32 to vector<1x64xf32>
    %div3A_6 = arith.divf %get3A_4, %div3A_5 : vector<1x64xf32>
    %tile3A = tpu.concatenate %div3A_6, %div3A_6, %div3A_6, %div3A_6 in 1 : vector<1x64xf32>, vector<1x64xf32>, vector<1x64xf32>, vector<1x64xf32> -> vector<1x256xf32>
    %get3A_7 = arith.constant 1 : index
    %get3A_8 = arith.constant 0 : index
    %get3A_9 = vector.load %arg2[%get3A_7, %get3A_8] : memref<2x64xf32, #tpu.memory_space<vmem>>, vector<1x64xf32>
    %div3A_10 = arith.constant 1.024000e+05 : f32
    %div3A_11 = vector.broadcast %div3A_10 : f32 to vector<1x64xf32>
    %div3A_12 = arith.divf %get3A_9, %div3A_11 : vector<1x64xf32>
    %tile3A_13 = tpu.concatenate %div3A_12, %div3A_12, %div3A_12, %div3A_12 in 1 : vector<1x64xf32>, vector<1x64xf32>, vector<1x64xf32>, vector<1x64xf32> -> vector<1x256xf32>
    %mul3A = arith.mulf %tile3A, %tile3A : vector<1x256xf32>
    %sub3A = arith.subf %tile3A_13, %mul3A : vector<1x256xf32>
    %get3A_14 = arith.constant 0 : index
    %get3A_15 = arith.constant 0 : index
    %get3A_16 = vector.load %arg3[%get3A_14, %get3A_15] : memref<1x64xf32, #tpu.memory_space<vmem>>, vector<1x64xf32>
    %tile3A_17 = tpu.concatenate %get3A_16, %get3A_16, %get3A_16, %get3A_16 in 1 : vector<1x64xf32>, vector<1x64xf32>, vector<1x64xf32>, vector<1x64xf32> -> vector<1x256xf32>
    %get3A_18 = arith.constant 0 : index
    %get3A_19 = arith.constant 0 : index
    %get3A_20 = vector.load %arg4[%get3A_18, %get3A_19] : memref<1x64xf32, #tpu.memory_space<vmem>>, vector<1x64xf32>
    %tile3A_21 = tpu.concatenate %get3A_20, %get3A_20, %get3A_20, %get3A_20 in 1 : vector<1x64xf32>, vector<1x64xf32>, vector<1x64xf32>, vector<1x64xf32> -> vector<1x256xf32>
    %sub3A_22 = vector.broadcast %tile3A : vector<1x256xf32> to vector<1600x256xf32>
    %sub3A_23 = arith.subf %get3A_1, %sub3A_22 : vector<1600x256xf32>
    %mul3A_24 = vector.broadcast %tile3A_17 : vector<1x256xf32> to vector<1600x256xf32>
    %mul3A_25 = arith.mulf %mul3A_24, %sub3A_23 : vector<1600x256xf32>
    %add3A = arith.constant 9.99999974E-6 : f32
    %add3A_26 = vector.broadcast %add3A : f32 to vector<1x256xf32>
    %add3A_27 = arith.addf %sub3A, %add3A_26 : vector<1x256xf32>
    %rsqrt3A = math.rsqrt %add3A_27 : vector<1x256xf32>
    %mul3A_28 = vector.broadcast %rsqrt3A : vector<1x256xf32> to vector<1600x256xf32>
    %mul3A_29 = arith.mulf %mul3A_25, %mul3A_28 : vector<1600x256xf32>
    %add3A_30 = vector.broadcast %tile3A_21 : vector<1x256xf32> to vector<1600x256xf32>
    %add3A_31 = arith.addf %mul3A_29, %add3A_30 : vector<1600x256xf32>
    %max3A = arith.constant 0.000000e+00 : f32
    %max3A_32 = vector.broadcast %max3A : f32 to vector<1600x256xf32>
    %max3A_33 = arith.maximumf %add3A_31, %max3A_32 : vector<1600x256xf32>
    %get3A_34 = arith.constant 0 : index
    %get3A_35 = arith.constant 0 : index
    %get3A_36 = vector.load %arg7[%get3A_34, %get3A_35] : memref<256x256xf32, #tpu.memory_space<vmem>>, vector<256x256xf32>
    %dot_general3A = arith.constant dense<0.000000e+00> : vector<1600x256xf32>
    %dot_general3A_37 = tpu.matmul %max3A_33, %get3A_36, %dot_general3A {dimension_numbers = #tpu.dot_dimension_numbers<[1], [0], [0], [1], [0, 0, 1, 1], [], []>, transpose_lhs_hint = false} : vector<1600x256xf32>, vector<256x256xf32>, vector<1600x256xf32> -> vector<1600x256xf32>
    %get3A_38 = arith.constant 0 : index
    %get3A_39 = arith.constant 0 : index
    %get3A_40 = vector.load %arg8[%get3A_38, %get3A_39] : memref<1x64xf32, #tpu.memory_space<vmem>>, vector<1x64xf32>
    %tile3A_41 = tpu.concatenate %get3A_40, %get3A_40, %get3A_40, %get3A_40 in 1 : vector<1x64xf32>, vector<1x64xf32>, vector<1x64xf32>, vector<1x64xf32> -> vector<1x256xf32>
    %add3A_42 = vector.broadcast %tile3A_41 : vector<1x256xf32> to vector<1600x256xf32>
    %add3A_43 = arith.addf %dot_general3A_37, %add3A_42 : vector<1600x256xf32>
    %get3A_44 = arith.constant 0 : index
    %get3A_45 = arith.constant 0 : index
    %get3A_46 = vector.load %arg6[%get3A_44, %get3A_45] : memref<1600x1xf32, #tpu.memory_space<vmem>>, vector<1600x1xf32>
    %get3A_47 = arith.constant 0 : index
    %get3A_48 = arith.constant 0 : index
    %get3A_49 = vector.load %arg5[%get3A_47, %get3A_48] : memref<1600x1600xf32, #tpu.memory_space<vmem>>, vector<1600x1600xf32>
    %mul3A_50 = vector.broadcast %get3A_46 : vector<1600x1xf32> to vector<1600x256xf32>
    %mul3A_51 = arith.mulf %mul3A_50, %add3A_43 : vector<1600x256xf32>
    %dot_general3A_52 = arith.constant dense<0.000000e+00> : vector<1600x256xf32>
    %dot_general3A_53 = tpu.matmul %get3A_49, %mul3A_51, %dot_general3A_52 {dimension_numbers = #tpu.dot_dimension_numbers<[1], [0], [0], [1], [0, 0, 1, 1], [], []>, transpose_lhs_hint = false} : vector<1600x1600xf32>, vector<1600x256xf32>, vector<1600x256xf32> -> vector<1600x256xf32>
    %mul3A_54 = vector.broadcast %get3A_46 : vector<1600x1xf32> to vector<1600x256xf32>
    %mul3A_55 = arith.mulf %mul3A_54, %dot_general3A_53 : vector<1600x256xf32>
    %eq3A = arith.constant 0 : i32
    %eq3A_56 = arith.cmpi eq, %arg0, %eq3A : i32
    %convert_element_type3A = arith.extui %eq3A_56 : i1 to i32
    %cond3A = arith.constant 0 : i32
    %cond3A_57 = arith.cmpi ne, %convert_element_type3A, %cond3A : i32
    scf.if %cond3A_57 {
      %broadcast_in_dim3A_84 = arith.constant 0.000000e+00 : f32
      %broadcast_in_dim3A_85 = vector.broadcast %broadcast_in_dim3A_84 : f32 to vector<2x256xf32>
      %swap3A_86 = arith.constant 0 : index
      %swap3A_87 = arith.constant 0 : index
      %swap3A_88 = vector.load %arg12[%swap3A_86, %swap3A_87] : memref<2x256xf32, #tpu.memory_space<vmem>>, vector<2x256xf32>
      tpu.vector_store %arg12[%swap3A_86, %swap3A_87], %broadcast_in_dim3A_85 {strides = array<i32>} : memref<2x256xf32, #tpu.memory_space<vmem>>, vector<2x256xf32>,
    } else {
    }
    %get3A_58 = arith.constant 0 : index
    %get3A_59 = arith.constant 0 : index
    %get3A_60 = vector.load %arg12[%get3A_58, %get3A_59] : memref<2x256xf32, #tpu.memory_space<vmem>>, vector<1x256xf32>
    %reduce_sum3A = arith.constant dense<0.000000e+00> : vector<256xf32>
    %reduce_sum3A_61 = vector.multi_reduction <add>, %mul3A_55, %reduce_sum3A [0] : vector<1600x256xf32> to vector<256xf32>
    %broadcast_in_dim3A = vector.shape_cast %reduce_sum3A_61 : vector<256xf32> to vector<1x256xf32>
    %add3A_62 = arith.addf %get3A_60, %broadcast_in_dim3A : vector<1x256xf32>
    %swap3A = arith.constant 0 : index
    %swap3A_63 = arith.constant 0 : index
    %swap3A_64 = vector.load %arg12[%swap3A, %swap3A_63] : memref<2x256xf32, #tpu.memory_space<vmem>>, vector<1x256xf32>
    tpu.vector_store %arg12[%swap3A, %swap3A_63], %add3A_62 {strides = array<i32>} : memref<2x256xf32, #tpu.memory_space<vmem>>, vector<1x256xf32>,
    %get3A_65 = arith.constant 1 : index
    %get3A_66 = arith.constant 0 : index
    %get3A_67 = vector.load %arg12[%get3A_65, %get3A_66] : memref<2x256xf32, #tpu.memory_space<vmem>>, vector<1x256xf32>
    %mul3A_68 = arith.mulf %mul3A_55, %mul3A_55 : vector<1600x256xf32>
    %reduce_sum3A_69 = arith.constant dense<0.000000e+00> : vector<256xf32>
    %reduce_sum3A_70 = vector.multi_reduction <add>, %mul3A_68, %reduce_sum3A_69 [0] : vector<1600x256xf32> to vector<256xf32>
    %broadcast_in_dim3A_71 = vector.shape_cast %reduce_sum3A_70 : vector<256xf32> to vector<1x256xf32>
    %add3A_72 = arith.addf %get3A_67, %broadcast_in_dim3A_71 : vector<1x256xf32>
    %swap3A_73 = arith.constant 1 : index
    %swap3A_74 = arith.constant 0 : index
    %swap3A_75 = vector.load %arg12[%swap3A_73, %swap3A_74] : memref<2x256xf32, #tpu.memory_space<vmem>>, vector<1x256xf32>
    tpu.vector_store %arg12[%swap3A_73, %swap3A_74], %add3A_72 {strides = array<i32>} : memref<2x256xf32, #tpu.memory_space<vmem>>, vector<1x256xf32>,
    %swap3A_76 = arith.constant 0 : index
    %swap3A_77 = arith.constant 0 : index
    %swap3A_78 = vector.load %arg10[%swap3A_76, %swap3A_77] : memref<1600x256xf32, #tpu.memory_space<vmem>>, vector<1600x256xf32>
    tpu.vector_store %arg10[%swap3A_76, %swap3A_77], %mul3A_55 {strides = array<i32>} : memref<1600x256xf32, #tpu.memory_space<vmem>>, vector<1600x256xf32>,
    %eq3A_79 = arith.constant 15 : i32
    %eq3A_80 = arith.cmpi eq, %arg0, %eq3A_79 : i32
    %convert_element_type3A_81 = arith.extui %eq3A_80 : i1 to i32
    %cond3A_82 = arith.constant 0 : i32
    %cond3A_83 = arith.cmpi ne, %convert_element_type3A_81, %cond3A_82 : i32
    scf.if %cond3A_83 {
      %get3A_84 = arith.constant 0 : index
      %get3A_85 = arith.constant 0 : index
      %get3A_86 = vector.load %arg12[%get3A_84, %get3A_85] : memref<2x256xf32, #tpu.memory_space<vmem>>, vector<2x256xf32>
      %get3A_87 = arith.constant 0 : index
      %get3A_88 = arith.constant 0 : index
      %get3A_89 = vector.load %arg9[%get3A_87, %get3A_88] : memref<256x64xf32, #tpu.memory_space<vmem>>, vector<256x64xf32>
      %dot_general3A_90 = arith.constant dense<0.000000e+00> : vector<2x64xf32>
      %dot_general3A_91 = tpu.matmul %get3A_86, %get3A_89, %dot_general3A_90 {dimension_numbers = #tpu.dot_dimension_numbers<[1], [0], [0], [1], [0, 0, 1, 1], [], []>, transpose_lhs_hint = false} : vector<2x256xf32>, vector<256x64xf32>, vector<2x64xf32> -> vector<2x64xf32>
      %swap3A_92 = arith.constant 0 : index
      %swap3A_93 = arith.constant 0 : index
      %swap3A_94 = vector.load %arg11[%swap3A_92, %swap3A_93] : memref<2x64xf32, #tpu.memory_space<vmem>>, vector<2x64xf32>
      tpu.vector_store %arg11[%swap3A_92, %swap3A_93], %dot_general3A_91 {strides = array<i32>} : memref<2x64xf32, #tpu.memory_space<vmem>>, vector<2x64xf32>,
    } else {
    }
    return
  }
  func.func @transform_0(%arg0: i32) -> (i32, i32) {
    %c0_i32 = arith.constant 0 : i32
    %c0_i32_0 = arith.constant 0 : i32
    return %c0_i32, %arg0 : i32, i32
  }
  func.func @transform_1(%arg0: i32) -> (i32, i32) {
    %c0_i32 = arith.constant 0 : i32
    %c0_i32_0 = arith.constant 0 : i32
    %c0_i32_1 = arith.constant 0 : i32
    return %c0_i32, %c0_i32_0 : i32, i32
  }
  func.func @transform_2(%arg0: i32) -> (i32, i32) {
    %c0_i32 = arith.constant 0 : i32
    %c0_i32_0 = arith.constant 0 : i32
    %c0_i32_1 = arith.constant 0 : i32
    return %c0_i32, %c0_i32_0 : i32, i32
  }
  func.func @transform_3(%arg0: i32) -> (i32, i32) {
    %c0_i32 = arith.constant 0 : i32
    %c0_i32_0 = arith.constant 0 : i32
    %c0_i32_1 = arith.constant 0 : i32
    return %c0_i32, %c0_i32_0 : i32, i32
  }
  func.func @transform_4(%arg0: i32) -> (i32, i32) {
    %c0_i32 = arith.constant 0 : i32
    %c0_i32_0 = arith.constant 0 : i32
    %c0_i32_1 = arith.constant 0 : i32
    return %c0_i32, %c0_i32_0 : i32, i32
  }
  func.func @transform_5(%arg0: i32) -> (i32, i32) {
    %c0_i32 = arith.constant 0 : i32
    %c0_i32_0 = arith.constant 0 : i32
    %c0_i32_1 = arith.constant 0 : i32
    return %c0_i32, %c0_i32_0 : i32, i32
  }
  func.func @transform_6(%arg0: i32) -> (i32, i32) {
    %c0_i32 = arith.constant 0 : i32
    %c0_i32_0 = arith.constant 0 : i32
    %c0_i32_1 = arith.constant 0 : i32
    return %c0_i32, %c0_i32_0 : i32, i32
  }
  func.func @transform_7(%arg0: i32) -> (i32, i32) {
    %c0_i32 = arith.constant 0 : i32
    %c0_i32_0 = arith.constant 0 : i32
    %c0_i32_1 = arith.constant 0 : i32
    return %c0_i32, %c0_i32_0 : i32, i32
  }
  func.func @transform_8(%arg0: i32) -> (i32, i32) {
    %c0_i32 = arith.constant 0 : i32
    %c0_i32_0 = arith.constant 0 : i32
    %c0_i32_1 = arith.constant 0 : i32
    return %c0_i32, %c0_i32_0 : i32, i32
  }
  func.func @transform_9(%arg0: i32) -> (i32, i32) {
    %c0_i32 = arith.constant 0 : i32
    %c0_i32_0 = arith.constant 0 : i32
    return %c0_i32, %arg0 : i32, i32
  }
  func.func @transform_10(%arg0: i32) -> (i32, i32) {
    %c0_i32 = arith.constant 0 : i32
    %c0_i32_0 = arith.constant 0 : i32
    %c0_i32_1 = arith.constant 0 : i32
    return %c0_i32, %c0_i32_0 : i32, i32
  }
}

module attributes {stable_mosaic.version = 14 : i64} {
  func.func @_fin_body(%arg0: i32, %arg1: memref<1600x256xf32, #tpu.memory_space<vmem>>, %arg2: memref<2x64xf32, #tpu.memory_space<vmem>>, %arg3: memref<1x64xf32, #tpu.memory_space<vmem>>, %arg4: memref<1x64xf32, #tpu.memory_space<vmem>>, %arg5: memref<256x240xf32, #tpu.memory_space<vmem>>, %arg6: memref<1x240xf32, #tpu.memory_space<vmem>>, %arg7: memref<1x1x240xf32, #tpu.memory_space<vmem>>) attributes {dimension_semantics = [#tpu.dimension_semantics<arbitrary>], iteration_bounds = array<i64: 16>, scalar_prefetch = 0 : i64, scratch_operands = 0 : i64, tpu.core_type = #tpu.core_type<tc>, window_params = [{transform_indices = @transform_0, window_bounds = array<i64: 1600, 256>}, {pipeline_mode = #tpu.pipeline_mode<synchronous>, transform_indices = @transform_1, window_bounds = array<i64: 2, 64>}, {pipeline_mode = #tpu.pipeline_mode<synchronous>, transform_indices = @transform_2, window_bounds = array<i64: 1, 64>}, {pipeline_mode = #tpu.pipeline_mode<synchronous>, transform_indices = @transform_3, window_bounds = array<i64: 1, 64>}, {pipeline_mode = #tpu.pipeline_mode<synchronous>, transform_indices = @transform_4, window_bounds = array<i64: 256, 240>}, {pipeline_mode = #tpu.pipeline_mode<synchronous>, transform_indices = @transform_5, window_bounds = array<i64: 1, 240>}, {transform_indices = @transform_6, window_bounds = array<i64: 1, 1, 240>}]} {
    %get3A = arith.constant 0 : index
    %get3A_0 = arith.constant 0 : index
    %get3A_1 = vector.load %arg1[%get3A, %get3A_0] : memref<1600x256xf32, #tpu.memory_space<vmem>>, vector<1600x256xf32>
    %get3A_2 = arith.constant 0 : index
    %get3A_3 = arith.constant 0 : index
    %get3A_4 = vector.load %arg2[%get3A_2, %get3A_3] : memref<2x64xf32, #tpu.memory_space<vmem>>, vector<1x64xf32>
    %div3A = arith.constant 1.024000e+05 : f32
    %div3A_5 = vector.broadcast %div3A : f32 to vector<1x64xf32>
    %div3A_6 = arith.divf %get3A_4, %div3A_5 : vector<1x64xf32>
    %tile3A = tpu.concatenate %div3A_6, %div3A_6, %div3A_6, %div3A_6 in 1 : vector<1x64xf32>, vector<1x64xf32>, vector<1x64xf32>, vector<1x64xf32> -> vector<1x256xf32>
    %get3A_7 = arith.constant 1 : index
    %get3A_8 = arith.constant 0 : index
    %get3A_9 = vector.load %arg2[%get3A_7, %get3A_8] : memref<2x64xf32, #tpu.memory_space<vmem>>, vector<1x64xf32>
    %div3A_10 = arith.constant 1.024000e+05 : f32
    %div3A_11 = vector.broadcast %div3A_10 : f32 to vector<1x64xf32>
    %div3A_12 = arith.divf %get3A_9, %div3A_11 : vector<1x64xf32>
    %tile3A_13 = tpu.concatenate %div3A_12, %div3A_12, %div3A_12, %div3A_12 in 1 : vector<1x64xf32>, vector<1x64xf32>, vector<1x64xf32>, vector<1x64xf32> -> vector<1x256xf32>
    %mul3A = arith.mulf %tile3A, %tile3A : vector<1x256xf32>
    %sub3A = arith.subf %tile3A_13, %mul3A : vector<1x256xf32>
    %get3A_14 = arith.constant 0 : index
    %get3A_15 = arith.constant 0 : index
    %get3A_16 = vector.load %arg3[%get3A_14, %get3A_15] : memref<1x64xf32, #tpu.memory_space<vmem>>, vector<1x64xf32>
    %tile3A_17 = tpu.concatenate %get3A_16, %get3A_16, %get3A_16, %get3A_16 in 1 : vector<1x64xf32>, vector<1x64xf32>, vector<1x64xf32>, vector<1x64xf32> -> vector<1x256xf32>
    %get3A_18 = arith.constant 0 : index
    %get3A_19 = arith.constant 0 : index
    %get3A_20 = vector.load %arg4[%get3A_18, %get3A_19] : memref<1x64xf32, #tpu.memory_space<vmem>>, vector<1x64xf32>
    %tile3A_21 = tpu.concatenate %get3A_20, %get3A_20, %get3A_20, %get3A_20 in 1 : vector<1x64xf32>, vector<1x64xf32>, vector<1x64xf32>, vector<1x64xf32> -> vector<1x256xf32>
    %sub3A_22 = vector.broadcast %tile3A : vector<1x256xf32> to vector<1600x256xf32>
    %sub3A_23 = arith.subf %get3A_1, %sub3A_22 : vector<1600x256xf32>
    %mul3A_24 = vector.broadcast %tile3A_17 : vector<1x256xf32> to vector<1600x256xf32>
    %mul3A_25 = arith.mulf %mul3A_24, %sub3A_23 : vector<1600x256xf32>
    %add3A = arith.constant 9.99999974E-6 : f32
    %add3A_26 = vector.broadcast %add3A : f32 to vector<1x256xf32>
    %add3A_27 = arith.addf %sub3A, %add3A_26 : vector<1x256xf32>
    %rsqrt3A = math.rsqrt %add3A_27 : vector<1x256xf32>
    %mul3A_28 = vector.broadcast %rsqrt3A : vector<1x256xf32> to vector<1600x256xf32>
    %mul3A_29 = arith.mulf %mul3A_25, %mul3A_28 : vector<1600x256xf32>
    %add3A_30 = vector.broadcast %tile3A_21 : vector<1x256xf32> to vector<1600x256xf32>
    %add3A_31 = arith.addf %mul3A_29, %add3A_30 : vector<1600x256xf32>
    %max3A = arith.constant 0.000000e+00 : f32
    %max3A_32 = vector.broadcast %max3A : f32 to vector<1600x256xf32>
    %max3A_33 = arith.maximumf %add3A_31, %max3A_32 : vector<1600x256xf32>
    %reduce_sum3A = arith.constant dense<0.000000e+00> : vector<256xf32>
    %reduce_sum3A_34 = vector.multi_reduction <add>, %max3A_33, %reduce_sum3A [0] : vector<1600x256xf32> to vector<256xf32>
    %broadcast_in_dim3A = vector.shape_cast %reduce_sum3A_34 : vector<256xf32> to vector<1x256xf32>
    %mul3A_35 = arith.constant 6.250000e-04 : f32
    %mul3A_36 = vector.broadcast %mul3A_35 : f32 to vector<1x256xf32>
    %mul3A_37 = arith.mulf %broadcast_in_dim3A, %mul3A_36 : vector<1x256xf32>
    %get3A_38 = arith.constant 0 : index
    %get3A_39 = arith.constant 0 : index
    %get3A_40 = vector.load %arg5[%get3A_38, %get3A_39] : memref<256x240xf32, #tpu.memory_space<vmem>>, vector<256x240xf32>
    %dot_general3A = arith.constant dense<0.000000e+00> : vector<1x240xf32>
    %dot_general3A_41 = tpu.matmul %mul3A_37, %get3A_40, %dot_general3A {dimension_numbers = #tpu.dot_dimension_numbers<[1], [0], [0], [1], [0, 0, 1, 1], [], []>, transpose_lhs_hint = false} : vector<1x256xf32>, vector<256x240xf32>, vector<1x240xf32> -> vector<1x240xf32>
    %get3A_42 = arith.constant 0 : index
    %get3A_43 = arith.constant 0 : index
    %get3A_44 = vector.load %arg6[%get3A_42, %get3A_43] : memref<1x240xf32, #tpu.memory_space<vmem>>, vector<1x240xf32>
    %add3A_45 = arith.addf %dot_general3A_41, %get3A_44 : vector<1x240xf32>
    %swap3A = arith.constant 0 : index
    %swap3A_46 = arith.constant 0 : index
    %swap3A_47 = arith.constant 0 : index
    %swap3A_48 = vector.load %arg7[%swap3A, %swap3A_46, %swap3A_47] : memref<1x1x240xf32, #tpu.memory_space<vmem>>, vector<1x1x240xf32>
    %swap3A_49 = vector.shape_cast %swap3A_48 : vector<1x1x240xf32> to vector<1x240xf32>
    %swap3A_50 = vector.shape_cast %add3A_45 : vector<1x240xf32> to vector<1x1x240xf32>
    tpu.vector_store %arg7[%swap3A, %swap3A_46, %swap3A_47], %swap3A_50 {strides = array<i32>} : memref<1x1x240xf32, #tpu.memory_space<vmem>>, vector<1x1x240xf32>,
    return
  }
  func.func @transform_0(%arg0: i32) -> (i32, i32) {
    %c0_i32 = arith.constant 0 : i32
    %c0_i32_0 = arith.constant 0 : i32
    return %c0_i32, %arg0 : i32, i32
  }
  func.func @transform_1(%arg0: i32) -> (i32, i32) {
    %c0_i32 = arith.constant 0 : i32
    %c0_i32_0 = arith.constant 0 : i32
    %c0_i32_1 = arith.constant 0 : i32
    return %c0_i32, %c0_i32_0 : i32, i32
  }
  func.func @transform_2(%arg0: i32) -> (i32, i32) {
    %c0_i32 = arith.constant 0 : i32
    %c0_i32_0 = arith.constant 0 : i32
    %c0_i32_1 = arith.constant 0 : i32
    return %c0_i32, %c0_i32_0 : i32, i32
  }
  func.func @transform_3(%arg0: i32) -> (i32, i32) {
    %c0_i32 = arith.constant 0 : i32
    %c0_i32_0 = arith.constant 0 : i32
    %c0_i32_1 = arith.constant 0 : i32
    return %c0_i32, %c0_i32_0 : i32, i32
  }
  func.func @transform_4(%arg0: i32) -> (i32, i32) {
    %c0_i32 = arith.constant 0 : i32
    %c0_i32_0 = arith.constant 0 : i32
    %c0_i32_1 = arith.constant 0 : i32
    return %c0_i32, %c0_i32_0 : i32, i32
  }
  func.func @transform_5(%arg0: i32) -> (i32, i32) {
    %c0_i32 = arith.constant 0 : i32
    %c0_i32_0 = arith.constant 0 : i32
    %c0_i32_1 = arith.constant 0 : i32
    return %c0_i32, %c0_i32_0 : i32, i32
  }
  func.func @transform_6(%arg0: i32) -> (i32, i32, i32) {
    %c0_i32 = arith.constant 0 : i32
    %c0_i32_0 = arith.constant 0 : i32
    %c0_i32_1 = arith.constant 0 : i32
    return %arg0, %c0_i32, %c0_i32_0 : i32, i32, i32
  }
}

module attributes {stable_mosaic.version = 14 : i64} {
  func.func @_dinv_body(%arg0: memref<768x768xf32, #tpu.memory_space<vmem>>, %arg1: memref<768x1xf32, #tpu.memory_space<vmem>>) attributes {dimension_semantics = [], scalar_prefetch = 0 : i64, scratch_operands = 0 : i64, tpu.core_type = #tpu.core_type<tc>} {
    %get3A = arith.constant 0 : index
    %get3A_0 = arith.constant 0 : index
    %get3A_1 = vector.load %arg0[%get3A, %get3A_0] : memref<768x768xf32, #tpu.memory_space<vmem>>, vector<768x768xf32>
    %reduce_sum3A = arith.constant dense<0.000000e+00> : vector<768xf32>
    %reduce_sum3A_2 = vector.multi_reduction <add>, %get3A_1, %reduce_sum3A [1] : vector<768x768xf32> to vector<768xf32>
    %broadcast_in_dim3A = vector.shape_cast %reduce_sum3A_2 : vector<768xf32> to vector<768x1xf32>
    %rsqrt3A = math.rsqrt %broadcast_in_dim3A : vector<768x1xf32>
    %swap3A = arith.constant 0 : index
    %swap3A_3 = arith.constant 0 : index
    %swap3A_4 = vector.load %arg1[%swap3A, %swap3A_3] : memref<768x1xf32, #tpu.memory_space<vmem>>, vector<768x1xf32>
    tpu.vector_store %arg1[%swap3A, %swap3A_3], %rsqrt3A {strides = array<i32>} : memref<768x1xf32, #tpu.memory_space<vmem>>, vector<768x1xf32>,
    return
  }
}

module attributes {stable_mosaic.version = 14 : i64} {
  func.func @_lay_body(%arg0: i32, %arg1: memref<768x256xf32, #tpu.memory_space<vmem>>, %arg2: memref<2x64xf32, #tpu.memory_space<vmem>>, %arg3: memref<1x64xf32, #tpu.memory_space<vmem>>, %arg4: memref<1x64xf32, #tpu.memory_space<vmem>>, %arg5: memref<768x768xf32, #tpu.memory_space<vmem>>, %arg6: memref<768x1xf32, #tpu.memory_space<vmem>>, %arg7: memref<256x256xf32, #tpu.memory_space<vmem>>, %arg8: memref<1x64xf32, #tpu.memory_space<vmem>>, %arg9: memref<256x64xf32, #tpu.memory_space<vmem>>, %arg10: memref<768x256xf32, #tpu.memory_space<vmem>>, %arg11: memref<2x64xf32, #tpu.memory_space<vmem>>, %arg12: memref<2x256xf32, #tpu.memory_space<vmem>>) attributes {dimension_semantics = [#tpu.dimension_semantics<arbitrary>], iteration_bounds = array<i64: 32>, scalar_prefetch = 0 : i64, scratch_operands = 1 : i64, tpu.core_type = #tpu.core_type<tc>, window_params = [{transform_indices = @transform_0, window_bounds = array<i64: 768, 256>}, {pipeline_mode = #tpu.pipeline_mode<synchronous>, transform_indices = @transform_1, window_bounds = array<i64: 2, 64>}, {pipeline_mode = #tpu.pipeline_mode<synchronous>, transform_indices = @transform_2, window_bounds = array<i64: 1, 64>}, {pipeline_mode = #tpu.pipeline_mode<synchronous>, transform_indices = @transform_3, window_bounds = array<i64: 1, 64>}, {pipeline_mode = #tpu.pipeline_mode<synchronous>, transform_indices = @transform_4, window_bounds = array<i64: 768, 768>}, {pipeline_mode = #tpu.pipeline_mode<synchronous>, transform_indices = @transform_5, window_bounds = array<i64: 768, 1>}, {pipeline_mode = #tpu.pipeline_mode<synchronous>, transform_indices = @transform_6, window_bounds = array<i64: 256, 256>}, {pipeline_mode = #tpu.pipeline_mode<synchronous>, transform_indices = @transform_7, window_bounds = array<i64: 1, 64>}, {pipeline_mode = #tpu.pipeline_mode<synchronous>, transform_indices = @transform_8, window_bounds = array<i64: 256, 64>}, {transform_indices = @transform_9, window_bounds = array<i64: 768, 256>}, {pipeline_mode = #tpu.pipeline_mode<synchronous>, transform_indices = @transform_10, window_bounds = array<i64: 2, 64>}]} {
    %get3A = arith.constant 0 : index
    %get3A_0 = arith.constant 0 : index
    %get3A_1 = vector.load %arg1[%get3A, %get3A_0] : memref<768x256xf32, #tpu.memory_space<vmem>>, vector<768x256xf32>
    %get3A_2 = arith.constant 0 : index
    %get3A_3 = arith.constant 0 : index
    %get3A_4 = vector.load %arg6[%get3A_2, %get3A_3] : memref<768x1xf32, #tpu.memory_space<vmem>>, vector<768x1xf32>
    %get3A_5 = arith.constant 0 : index
    %get3A_6 = arith.constant 0 : index
    %get3A_7 = vector.load %arg5[%get3A_5, %get3A_6] : memref<768x768xf32, #tpu.memory_space<vmem>>, vector<768x768xf32>
    %mul3A = vector.broadcast %get3A_4 : vector<768x1xf32> to vector<768x256xf32>
    %mul3A_8 = arith.mulf %mul3A, %get3A_1 : vector<768x256xf32>
    %dot_general3A = arith.constant dense<0.000000e+00> : vector<768x256xf32>
    %dot_general3A_9 = tpu.matmul %get3A_7, %mul3A_8, %dot_general3A {dimension_numbers = #tpu.dot_dimension_numbers<[1], [0], [0], [1], [0, 0, 1, 1], [], []>, transpose_lhs_hint = false} : vector<768x768xf32>, vector<768x256xf32>, vector<768x256xf32> -> vector<768x256xf32>
    %mul3A_10 = vector.broadcast %get3A_4 : vector<768x1xf32> to vector<768x256xf32>
    %mul3A_11 = arith.mulf %mul3A_10, %dot_general3A_9 : vector<768x256xf32>
    %eq3A = arith.constant 0 : i32
    %eq3A_12 = arith.cmpi eq, %arg0, %eq3A : i32
    %convert_element_type3A = arith.extui %eq3A_12 : i1 to i32
    %cond3A = arith.constant 0 : i32
    %cond3A_13 = arith.cmpi ne, %convert_element_type3A, %cond3A : i32
    scf.if %cond3A_13 {
      %broadcast_in_dim3A_39 = arith.constant 0.000000e+00 : f32
      %broadcast_in_dim3A_40 = vector.broadcast %broadcast_in_dim3A_39 : f32 to vector<2x256xf32>
      %swap3A_41 = arith.constant 0 : index
      %swap3A_42 = arith.constant 0 : index
      %swap3A_43 = vector.load %arg12[%swap3A_41, %swap3A_42] : memref<2x256xf32, #tpu.memory_space<vmem>>, vector<2x256xf32>
      tpu.vector_store %arg12[%swap3A_41, %swap3A_42], %broadcast_in_dim3A_40 {strides = array<i32>} : memref<2x256xf32, #tpu.memory_space<vmem>>, vector<2x256xf32>,
    } else {
    }
    %get3A_14 = arith.constant 0 : index
    %get3A_15 = arith.constant 0 : index
    %get3A_16 = vector.load %arg12[%get3A_14, %get3A_15] : memref<2x256xf32, #tpu.memory_space<vmem>>, vector<1x256xf32>
    %reduce_sum3A = arith.constant dense<0.000000e+00> : vector<256xf32>
    %reduce_sum3A_17 = vector.multi_reduction <add>, %mul3A_11, %reduce_sum3A [0] : vector<768x256xf32> to vector<256xf32>
    %broadcast_in_dim3A = vector.shape_cast %reduce_sum3A_17 : vector<256xf32> to vector<1x256xf32>
    %add3A = arith.addf %get3A_16, %broadcast_in_dim3A : vector<1x256xf32>
    %swap3A = arith.constant 0 : index
    %swap3A_18 = arith.constant 0 : index
    %swap3A_19 = vector.load %arg12[%swap3A, %swap3A_18] : memref<2x256xf32, #tpu.memory_space<vmem>>, vector<1x256xf32>
    tpu.vector_store %arg12[%swap3A, %swap3A_18], %add3A {strides = array<i32>} : memref<2x256xf32, #tpu.memory_space<vmem>>, vector<1x256xf32>,
    %get3A_20 = arith.constant 1 : index
    %get3A_21 = arith.constant 0 : index
    %get3A_22 = vector.load %arg12[%get3A_20, %get3A_21] : memref<2x256xf32, #tpu.memory_space<vmem>>, vector<1x256xf32>
    %mul3A_23 = arith.mulf %mul3A_11, %mul3A_11 : vector<768x256xf32>
    %reduce_sum3A_24 = arith.constant dense<0.000000e+00> : vector<256xf32>
    %reduce_sum3A_25 = vector.multi_reduction <add>, %mul3A_23, %reduce_sum3A_24 [0] : vector<768x256xf32> to vector<256xf32>
    %broadcast_in_dim3A_26 = vector.shape_cast %reduce_sum3A_25 : vector<256xf32> to vector<1x256xf32>
    %add3A_27 = arith.addf %get3A_22, %broadcast_in_dim3A_26 : vector<1x256xf32>
    %swap3A_28 = arith.constant 1 : index
    %swap3A_29 = arith.constant 0 : index
    %swap3A_30 = vector.load %arg12[%swap3A_28, %swap3A_29] : memref<2x256xf32, #tpu.memory_space<vmem>>, vector<1x256xf32>
    tpu.vector_store %arg12[%swap3A_28, %swap3A_29], %add3A_27 {strides = array<i32>} : memref<2x256xf32, #tpu.memory_space<vmem>>, vector<1x256xf32>,
    %swap3A_31 = arith.constant 0 : index
    %swap3A_32 = arith.constant 0 : index
    %swap3A_33 = vector.load %arg10[%swap3A_31, %swap3A_32] : memref<768x256xf32, #tpu.memory_space<vmem>>, vector<768x256xf32>
    tpu.vector_store %arg10[%swap3A_31, %swap3A_32], %mul3A_11 {strides = array<i32>} : memref<768x256xf32, #tpu.memory_space<vmem>>, vector<768x256xf32>,
    %eq3A_34 = arith.constant 31 : i32
    %eq3A_35 = arith.cmpi eq, %arg0, %eq3A_34 : i32
    %convert_element_type3A_36 = arith.extui %eq3A_35 : i1 to i32
    %cond3A_37 = arith.constant 0 : i32
    %cond3A_38 = arith.cmpi ne, %convert_element_type3A_36, %cond3A_37 : i32
    scf.if %cond3A_38 {
      %get3A_39 = arith.constant 0 : index
      %get3A_40 = arith.constant 0 : index
      %get3A_41 = vector.load %arg12[%get3A_39, %get3A_40] : memref<2x256xf32, #tpu.memory_space<vmem>>, vector<2x256xf32>
      %get3A_42 = arith.constant 0 : index
      %get3A_43 = arith.constant 0 : index
      %get3A_44 = vector.load %arg9[%get3A_42, %get3A_43] : memref<256x64xf32, #tpu.memory_space<vmem>>, vector<256x64xf32>
      %dot_general3A_45 = arith.constant dense<0.000000e+00> : vector<2x64xf32>
      %dot_general3A_46 = tpu.matmul %get3A_41, %get3A_44, %dot_general3A_45 {dimension_numbers = #tpu.dot_dimension_numbers<[1], [0], [0], [1], [0, 0, 1, 1], [], []>, transpose_lhs_hint = false} : vector<2x256xf32>, vector<256x64xf32>, vector<2x64xf32> -> vector<2x64xf32>
      %swap3A_47 = arith.constant 0 : index
      %swap3A_48 = arith.constant 0 : index
      %swap3A_49 = vector.load %arg11[%swap3A_47, %swap3A_48] : memref<2x64xf32, #tpu.memory_space<vmem>>, vector<2x64xf32>
      tpu.vector_store %arg11[%swap3A_47, %swap3A_48], %dot_general3A_46 {strides = array<i32>} : memref<2x64xf32, #tpu.memory_space<vmem>>, vector<2x64xf32>,
    } else {
    }
    return
  }
  func.func @transform_0(%arg0: i32) -> (i32, i32) {
    %c0_i32 = arith.constant 0 : i32
    %c0_i32_0 = arith.constant 0 : i32
    return %c0_i32, %arg0 : i32, i32
  }
  func.func @transform_1(%arg0: i32) -> (i32, i32) {
    %c0_i32 = arith.constant 0 : i32
    %c0_i32_0 = arith.constant 0 : i32
    %c0_i32_1 = arith.constant 0 : i32
    return %c0_i32, %c0_i32_0 : i32, i32
  }
  func.func @transform_2(%arg0: i32) -> (i32, i32) {
    %c0_i32 = arith.constant 0 : i32
    %c0_i32_0 = arith.constant 0 : i32
    %c0_i32_1 = arith.constant 0 : i32
    return %c0_i32, %c0_i32_0 : i32, i32
  }
  func.func @transform_3(%arg0: i32) -> (i32, i32) {
    %c0_i32 = arith.constant 0 : i32
    %c0_i32_0 = arith.constant 0 : i32
    %c0_i32_1 = arith.constant 0 : i32
    return %c0_i32, %c0_i32_0 : i32, i32
  }
  func.func @transform_4(%arg0: i32) -> (i32, i32) {
    %c0_i32 = arith.constant 0 : i32
    %c0_i32_0 = arith.constant 0 : i32
    %c0_i32_1 = arith.constant 0 : i32
    return %c0_i32, %c0_i32_0 : i32, i32
  }
  func.func @transform_5(%arg0: i32) -> (i32, i32) {
    %c0_i32 = arith.constant 0 : i32
    %c0_i32_0 = arith.constant 0 : i32
    %c0_i32_1 = arith.constant 0 : i32
    return %c0_i32, %c0_i32_0 : i32, i32
  }
  func.func @transform_6(%arg0: i32) -> (i32, i32) {
    %c0_i32 = arith.constant 0 : i32
    %c0_i32_0 = arith.constant 0 : i32
    %c0_i32_1 = arith.constant 0 : i32
    return %c0_i32, %c0_i32_0 : i32, i32
  }
  func.func @transform_7(%arg0: i32) -> (i32, i32) {
    %c0_i32 = arith.constant 0 : i32
    %c0_i32_0 = arith.constant 0 : i32
    %c0_i32_1 = arith.constant 0 : i32
    return %c0_i32, %c0_i32_0 : i32, i32
  }
  func.func @transform_8(%arg0: i32) -> (i32, i32) {
    %c0_i32 = arith.constant 0 : i32
    %c0_i32_0 = arith.constant 0 : i32
    %c0_i32_1 = arith.constant 0 : i32
    return %c0_i32, %c0_i32_0 : i32, i32
  }
  func.func @transform_9(%arg0: i32) -> (i32, i32) {
    %c0_i32 = arith.constant 0 : i32
    %c0_i32_0 = arith.constant 0 : i32
    return %c0_i32, %arg0 : i32, i32
  }
  func.func @transform_10(%arg0: i32) -> (i32, i32) {
    %c0_i32 = arith.constant 0 : i32
    %c0_i32_0 = arith.constant 0 : i32
    %c0_i32_1 = arith.constant 0 : i32
    return %c0_i32, %c0_i32_0 : i32, i32
  }
}

module attributes {stable_mosaic.version = 14 : i64} {
  func.func @_lay_body(%arg0: i32, %arg1: memref<768x256xf32, #tpu.memory_space<vmem>>, %arg2: memref<2x64xf32, #tpu.memory_space<vmem>>, %arg3: memref<1x64xf32, #tpu.memory_space<vmem>>, %arg4: memref<1x64xf32, #tpu.memory_space<vmem>>, %arg5: memref<768x768xf32, #tpu.memory_space<vmem>>, %arg6: memref<768x1xf32, #tpu.memory_space<vmem>>, %arg7: memref<256x256xf32, #tpu.memory_space<vmem>>, %arg8: memref<1x64xf32, #tpu.memory_space<vmem>>, %arg9: memref<256x64xf32, #tpu.memory_space<vmem>>, %arg10: memref<768x256xf32, #tpu.memory_space<vmem>>, %arg11: memref<2x64xf32, #tpu.memory_space<vmem>>, %arg12: memref<2x256xf32, #tpu.memory_space<vmem>>) attributes {dimension_semantics = [#tpu.dimension_semantics<arbitrary>], iteration_bounds = array<i64: 32>, scalar_prefetch = 0 : i64, scratch_operands = 1 : i64, tpu.core_type = #tpu.core_type<tc>, window_params = [{transform_indices = @transform_0, window_bounds = array<i64: 768, 256>}, {pipeline_mode = #tpu.pipeline_mode<synchronous>, transform_indices = @transform_1, window_bounds = array<i64: 2, 64>}, {pipeline_mode = #tpu.pipeline_mode<synchronous>, transform_indices = @transform_2, window_bounds = array<i64: 1, 64>}, {pipeline_mode = #tpu.pipeline_mode<synchronous>, transform_indices = @transform_3, window_bounds = array<i64: 1, 64>}, {pipeline_mode = #tpu.pipeline_mode<synchronous>, transform_indices = @transform_4, window_bounds = array<i64: 768, 768>}, {pipeline_mode = #tpu.pipeline_mode<synchronous>, transform_indices = @transform_5, window_bounds = array<i64: 768, 1>}, {pipeline_mode = #tpu.pipeline_mode<synchronous>, transform_indices = @transform_6, window_bounds = array<i64: 256, 256>}, {pipeline_mode = #tpu.pipeline_mode<synchronous>, transform_indices = @transform_7, window_bounds = array<i64: 1, 64>}, {pipeline_mode = #tpu.pipeline_mode<synchronous>, transform_indices = @transform_8, window_bounds = array<i64: 256, 64>}, {transform_indices = @transform_9, window_bounds = array<i64: 768, 256>}, {pipeline_mode = #tpu.pipeline_mode<synchronous>, transform_indices = @transform_10, window_bounds = array<i64: 2, 64>}]} {
    %get3A = arith.constant 0 : index
    %get3A_0 = arith.constant 0 : index
    %get3A_1 = vector.load %arg1[%get3A, %get3A_0] : memref<768x256xf32, #tpu.memory_space<vmem>>, vector<768x256xf32>
    %get3A_2 = arith.constant 0 : index
    %get3A_3 = arith.constant 0 : index
    %get3A_4 = vector.load %arg2[%get3A_2, %get3A_3] : memref<2x64xf32, #tpu.memory_space<vmem>>, vector<1x64xf32>
    %div3A = arith.constant 9.830400e+04 : f32
    %div3A_5 = vector.broadcast %div3A : f32 to vector<1x64xf32>
    %div3A_6 = arith.divf %get3A_4, %div3A_5 : vector<1x64xf32>
    %tile3A = tpu.concatenate %div3A_6, %div3A_6, %div3A_6, %div3A_6 in 1 : vector<1x64xf32>, vector<1x64xf32>, vector<1x64xf32>, vector<1x64xf32> -> vector<1x256xf32>
    %get3A_7 = arith.constant 1 : index
    %get3A_8 = arith.constant 0 : index
    %get3A_9 = vector.load %arg2[%get3A_7, %get3A_8] : memref<2x64xf32, #tpu.memory_space<vmem>>, vector<1x64xf32>
    %div3A_10 = arith.constant 9.830400e+04 : f32
    %div3A_11 = vector.broadcast %div3A_10 : f32 to vector<1x64xf32>
    %div3A_12 = arith.divf %get3A_9, %div3A_11 : vector<1x64xf32>
    %tile3A_13 = tpu.concatenate %div3A_12, %div3A_12, %div3A_12, %div3A_12 in 1 : vector<1x64xf32>, vector<1x64xf32>, vector<1x64xf32>, vector<1x64xf32> -> vector<1x256xf32>
    %mul3A = arith.mulf %tile3A, %tile3A : vector<1x256xf32>
    %sub3A = arith.subf %tile3A_13, %mul3A : vector<1x256xf32>
    %get3A_14 = arith.constant 0 : index
    %get3A_15 = arith.constant 0 : index
    %get3A_16 = vector.load %arg3[%get3A_14, %get3A_15] : memref<1x64xf32, #tpu.memory_space<vmem>>, vector<1x64xf32>
    %tile3A_17 = tpu.concatenate %get3A_16, %get3A_16, %get3A_16, %get3A_16 in 1 : vector<1x64xf32>, vector<1x64xf32>, vector<1x64xf32>, vector<1x64xf32> -> vector<1x256xf32>
    %get3A_18 = arith.constant 0 : index
    %get3A_19 = arith.constant 0 : index
    %get3A_20 = vector.load %arg4[%get3A_18, %get3A_19] : memref<1x64xf32, #tpu.memory_space<vmem>>, vector<1x64xf32>
    %tile3A_21 = tpu.concatenate %get3A_20, %get3A_20, %get3A_20, %get3A_20 in 1 : vector<1x64xf32>, vector<1x64xf32>, vector<1x64xf32>, vector<1x64xf32> -> vector<1x256xf32>
    %sub3A_22 = vector.broadcast %tile3A : vector<1x256xf32> to vector<768x256xf32>
    %sub3A_23 = arith.subf %get3A_1, %sub3A_22 : vector<768x256xf32>
    %mul3A_24 = vector.broadcast %tile3A_17 : vector<1x256xf32> to vector<768x256xf32>
    %mul3A_25 = arith.mulf %mul3A_24, %sub3A_23 : vector<768x256xf32>
    %add3A = arith.constant 9.99999974E-6 : f32
    %add3A_26 = vector.broadcast %add3A : f32 to vector<1x256xf32>
    %add3A_27 = arith.addf %sub3A, %add3A_26 : vector<1x256xf32>
    %rsqrt3A = math.rsqrt %add3A_27 : vector<1x256xf32>
    %mul3A_28 = vector.broadcast %rsqrt3A : vector<1x256xf32> to vector<768x256xf32>
    %mul3A_29 = arith.mulf %mul3A_25, %mul3A_28 : vector<768x256xf32>
    %add3A_30 = vector.broadcast %tile3A_21 : vector<1x256xf32> to vector<768x256xf32>
    %add3A_31 = arith.addf %mul3A_29, %add3A_30 : vector<768x256xf32>
    %max3A = arith.constant 0.000000e+00 : f32
    %max3A_32 = vector.broadcast %max3A : f32 to vector<768x256xf32>
    %max3A_33 = arith.maximumf %add3A_31, %max3A_32 : vector<768x256xf32>
    %get3A_34 = arith.constant 0 : index
    %get3A_35 = arith.constant 0 : index
    %get3A_36 = vector.load %arg7[%get3A_34, %get3A_35] : memref<256x256xf32, #tpu.memory_space<vmem>>, vector<256x256xf32>
    %dot_general3A = arith.constant dense<0.000000e+00> : vector<768x256xf32>
    %dot_general3A_37 = tpu.matmul %max3A_33, %get3A_36, %dot_general3A {dimension_numbers = #tpu.dot_dimension_numbers<[1], [0], [0], [1], [0, 0, 1, 1], [], []>, transpose_lhs_hint = false} : vector<768x256xf32>, vector<256x256xf32>, vector<768x256xf32> -> vector<768x256xf32>
    %get3A_38 = arith.constant 0 : index
    %get3A_39 = arith.constant 0 : index
    %get3A_40 = vector.load %arg8[%get3A_38, %get3A_39] : memref<1x64xf32, #tpu.memory_space<vmem>>, vector<1x64xf32>
    %tile3A_41 = tpu.concatenate %get3A_40, %get3A_40, %get3A_40, %get3A_40 in 1 : vector<1x64xf32>, vector<1x64xf32>, vector<1x64xf32>, vector<1x64xf32> -> vector<1x256xf32>
    %add3A_42 = vector.broadcast %tile3A_41 : vector<1x256xf32> to vector<768x256xf32>
    %add3A_43 = arith.addf %dot_general3A_37, %add3A_42 : vector<768x256xf32>
    %get3A_44 = arith.constant 0 : index
    %get3A_45 = arith.constant 0 : index
    %get3A_46 = vector.load %arg6[%get3A_44, %get3A_45] : memref<768x1xf32, #tpu.memory_space<vmem>>, vector<768x1xf32>
    %get3A_47 = arith.constant 0 : index
    %get3A_48 = arith.constant 0 : index
    %get3A_49 = vector.load %arg5[%get3A_47, %get3A_48] : memref<768x768xf32, #tpu.memory_space<vmem>>, vector<768x768xf32>
    %mul3A_50 = vector.broadcast %get3A_46 : vector<768x1xf32> to vector<768x256xf32>
    %mul3A_51 = arith.mulf %mul3A_50, %add3A_43 : vector<768x256xf32>
    %dot_general3A_52 = arith.constant dense<0.000000e+00> : vector<768x256xf32>
    %dot_general3A_53 = tpu.matmul %get3A_49, %mul3A_51, %dot_general3A_52 {dimension_numbers = #tpu.dot_dimension_numbers<[1], [0], [0], [1], [0, 0, 1, 1], [], []>, transpose_lhs_hint = false} : vector<768x768xf32>, vector<768x256xf32>, vector<768x256xf32> -> vector<768x256xf32>
    %mul3A_54 = vector.broadcast %get3A_46 : vector<768x1xf32> to vector<768x256xf32>
    %mul3A_55 = arith.mulf %mul3A_54, %dot_general3A_53 : vector<768x256xf32>
    %eq3A = arith.constant 0 : i32
    %eq3A_56 = arith.cmpi eq, %arg0, %eq3A : i32
    %convert_element_type3A = arith.extui %eq3A_56 : i1 to i32
    %cond3A = arith.constant 0 : i32
    %cond3A_57 = arith.cmpi ne, %convert_element_type3A, %cond3A : i32
    scf.if %cond3A_57 {
      %broadcast_in_dim3A_84 = arith.constant 0.000000e+00 : f32
      %broadcast_in_dim3A_85 = vector.broadcast %broadcast_in_dim3A_84 : f32 to vector<2x256xf32>
      %swap3A_86 = arith.constant 0 : index
      %swap3A_87 = arith.constant 0 : index
      %swap3A_88 = vector.load %arg12[%swap3A_86, %swap3A_87] : memref<2x256xf32, #tpu.memory_space<vmem>>, vector<2x256xf32>
      tpu.vector_store %arg12[%swap3A_86, %swap3A_87], %broadcast_in_dim3A_85 {strides = array<i32>} : memref<2x256xf32, #tpu.memory_space<vmem>>, vector<2x256xf32>,
    } else {
    }
    %get3A_58 = arith.constant 0 : index
    %get3A_59 = arith.constant 0 : index
    %get3A_60 = vector.load %arg12[%get3A_58, %get3A_59] : memref<2x256xf32, #tpu.memory_space<vmem>>, vector<1x256xf32>
    %reduce_sum3A = arith.constant dense<0.000000e+00> : vector<256xf32>
    %reduce_sum3A_61 = vector.multi_reduction <add>, %mul3A_55, %reduce_sum3A [0] : vector<768x256xf32> to vector<256xf32>
    %broadcast_in_dim3A = vector.shape_cast %reduce_sum3A_61 : vector<256xf32> to vector<1x256xf32>
    %add3A_62 = arith.addf %get3A_60, %broadcast_in_dim3A : vector<1x256xf32>
    %swap3A = arith.constant 0 : index
    %swap3A_63 = arith.constant 0 : index
    %swap3A_64 = vector.load %arg12[%swap3A, %swap3A_63] : memref<2x256xf32, #tpu.memory_space<vmem>>, vector<1x256xf32>
    tpu.vector_store %arg12[%swap3A, %swap3A_63], %add3A_62 {strides = array<i32>} : memref<2x256xf32, #tpu.memory_space<vmem>>, vector<1x256xf32>,
    %get3A_65 = arith.constant 1 : index
    %get3A_66 = arith.constant 0 : index
    %get3A_67 = vector.load %arg12[%get3A_65, %get3A_66] : memref<2x256xf32, #tpu.memory_space<vmem>>, vector<1x256xf32>
    %mul3A_68 = arith.mulf %mul3A_55, %mul3A_55 : vector<768x256xf32>
    %reduce_sum3A_69 = arith.constant dense<0.000000e+00> : vector<256xf32>
    %reduce_sum3A_70 = vector.multi_reduction <add>, %mul3A_68, %reduce_sum3A_69 [0] : vector<768x256xf32> to vector<256xf32>
    %broadcast_in_dim3A_71 = vector.shape_cast %reduce_sum3A_70 : vector<256xf32> to vector<1x256xf32>
    %add3A_72 = arith.addf %get3A_67, %broadcast_in_dim3A_71 : vector<1x256xf32>
    %swap3A_73 = arith.constant 1 : index
    %swap3A_74 = arith.constant 0 : index
    %swap3A_75 = vector.load %arg12[%swap3A_73, %swap3A_74] : memref<2x256xf32, #tpu.memory_space<vmem>>, vector<1x256xf32>
    tpu.vector_store %arg12[%swap3A_73, %swap3A_74], %add3A_72 {strides = array<i32>} : memref<2x256xf32, #tpu.memory_space<vmem>>, vector<1x256xf32>,
    %swap3A_76 = arith.constant 0 : index
    %swap3A_77 = arith.constant 0 : index
    %swap3A_78 = vector.load %arg10[%swap3A_76, %swap3A_77] : memref<768x256xf32, #tpu.memory_space<vmem>>, vector<768x256xf32>
    tpu.vector_store %arg10[%swap3A_76, %swap3A_77], %mul3A_55 {strides = array<i32>} : memref<768x256xf32, #tpu.memory_space<vmem>>, vector<768x256xf32>,
    %eq3A_79 = arith.constant 31 : i32
    %eq3A_80 = arith.cmpi eq, %arg0, %eq3A_79 : i32
    %convert_element_type3A_81 = arith.extui %eq3A_80 : i1 to i32
    %cond3A_82 = arith.constant 0 : i32
    %cond3A_83 = arith.cmpi ne, %convert_element_type3A_81, %cond3A_82 : i32
    scf.if %cond3A_83 {
      %get3A_84 = arith.constant 0 : index
      %get3A_85 = arith.constant 0 : index
      %get3A_86 = vector.load %arg12[%get3A_84, %get3A_85] : memref<2x256xf32, #tpu.memory_space<vmem>>, vector<2x256xf32>
      %get3A_87 = arith.constant 0 : index
      %get3A_88 = arith.constant 0 : index
      %get3A_89 = vector.load %arg9[%get3A_87, %get3A_88] : memref<256x64xf32, #tpu.memory_space<vmem>>, vector<256x64xf32>
      %dot_general3A_90 = arith.constant dense<0.000000e+00> : vector<2x64xf32>
      %dot_general3A_91 = tpu.matmul %get3A_86, %get3A_89, %dot_general3A_90 {dimension_numbers = #tpu.dot_dimension_numbers<[1], [0], [0], [1], [0, 0, 1, 1], [], []>, transpose_lhs_hint = false} : vector<2x256xf32>, vector<256x64xf32>, vector<2x64xf32> -> vector<2x64xf32>
      %swap3A_92 = arith.constant 0 : index
      %swap3A_93 = arith.constant 0 : index
      %swap3A_94 = vector.load %arg11[%swap3A_92, %swap3A_93] : memref<2x64xf32, #tpu.memory_space<vmem>>, vector<2x64xf32>
      tpu.vector_store %arg11[%swap3A_92, %swap3A_93], %dot_general3A_91 {strides = array<i32>} : memref<2x64xf32, #tpu.memory_space<vmem>>, vector<2x64xf32>,
    } else {
    }
    return
  }
  func.func @transform_0(%arg0: i32) -> (i32, i32) {
    %c0_i32 = arith.constant 0 : i32
    %c0_i32_0 = arith.constant 0 : i32
    return %c0_i32, %arg0 : i32, i32
  }
  func.func @transform_1(%arg0: i32) -> (i32, i32) {
    %c0_i32 = arith.constant 0 : i32
    %c0_i32_0 = arith.constant 0 : i32
    %c0_i32_1 = arith.constant 0 : i32
    return %c0_i32, %c0_i32_0 : i32, i32
  }
  func.func @transform_2(%arg0: i32) -> (i32, i32) {
    %c0_i32 = arith.constant 0 : i32
    %c0_i32_0 = arith.constant 0 : i32
    %c0_i32_1 = arith.constant 0 : i32
    return %c0_i32, %c0_i32_0 : i32, i32
  }
  func.func @transform_3(%arg0: i32) -> (i32, i32) {
    %c0_i32 = arith.constant 0 : i32
    %c0_i32_0 = arith.constant 0 : i32
    %c0_i32_1 = arith.constant 0 : i32
    return %c0_i32, %c0_i32_0 : i32, i32
  }
  func.func @transform_4(%arg0: i32) -> (i32, i32) {
    %c0_i32 = arith.constant 0 : i32
    %c0_i32_0 = arith.constant 0 : i32
    %c0_i32_1 = arith.constant 0 : i32
    return %c0_i32, %c0_i32_0 : i32, i32
  }
  func.func @transform_5(%arg0: i32) -> (i32, i32) {
    %c0_i32 = arith.constant 0 : i32
    %c0_i32_0 = arith.constant 0 : i32
    %c0_i32_1 = arith.constant 0 : i32
    return %c0_i32, %c0_i32_0 : i32, i32
  }
  func.func @transform_6(%arg0: i32) -> (i32, i32) {
    %c0_i32 = arith.constant 0 : i32
    %c0_i32_0 = arith.constant 0 : i32
    %c0_i32_1 = arith.constant 0 : i32
    return %c0_i32, %c0_i32_0 : i32, i32
  }
  func.func @transform_7(%arg0: i32) -> (i32, i32) {
    %c0_i32 = arith.constant 0 : i32
    %c0_i32_0 = arith.constant 0 : i32
    %c0_i32_1 = arith.constant 0 : i32
    return %c0_i32, %c0_i32_0 : i32, i32
  }
  func.func @transform_8(%arg0: i32) -> (i32, i32) {
    %c0_i32 = arith.constant 0 : i32
    %c0_i32_0 = arith.constant 0 : i32
    %c0_i32_1 = arith.constant 0 : i32
    return %c0_i32, %c0_i32_0 : i32, i32
  }
  func.func @transform_9(%arg0: i32) -> (i32, i32) {
    %c0_i32 = arith.constant 0 : i32
    %c0_i32_0 = arith.constant 0 : i32
    return %c0_i32, %arg0 : i32, i32
  }
  func.func @transform_10(%arg0: i32) -> (i32, i32) {
    %c0_i32 = arith.constant 0 : i32
    %c0_i32_0 = arith.constant 0 : i32
    %c0_i32_1 = arith.constant 0 : i32
    return %c0_i32, %c0_i32_0 : i32, i32
  }
}

module attributes {stable_mosaic.version = 14 : i64} {
  func.func @_fin_body(%arg0: i32, %arg1: memref<768x256xf32, #tpu.memory_space<vmem>>, %arg2: memref<2x64xf32, #tpu.memory_space<vmem>>, %arg3: memref<1x64xf32, #tpu.memory_space<vmem>>, %arg4: memref<1x64xf32, #tpu.memory_space<vmem>>, %arg5: memref<256x240xf32, #tpu.memory_space<vmem>>, %arg6: memref<1x240xf32, #tpu.memory_space<vmem>>, %arg7: memref<1x1x240xf32, #tpu.memory_space<vmem>>) attributes {dimension_semantics = [#tpu.dimension_semantics<arbitrary>], iteration_bounds = array<i64: 32>, scalar_prefetch = 0 : i64, scratch_operands = 0 : i64, tpu.core_type = #tpu.core_type<tc>, window_params = [{transform_indices = @transform_0, window_bounds = array<i64: 768, 256>}, {pipeline_mode = #tpu.pipeline_mode<synchronous>, transform_indices = @transform_1, window_bounds = array<i64: 2, 64>}, {pipeline_mode = #tpu.pipeline_mode<synchronous>, transform_indices = @transform_2, window_bounds = array<i64: 1, 64>}, {pipeline_mode = #tpu.pipeline_mode<synchronous>, transform_indices = @transform_3, window_bounds = array<i64: 1, 64>}, {pipeline_mode = #tpu.pipeline_mode<synchronous>, transform_indices = @transform_4, window_bounds = array<i64: 256, 240>}, {pipeline_mode = #tpu.pipeline_mode<synchronous>, transform_indices = @transform_5, window_bounds = array<i64: 1, 240>}, {transform_indices = @transform_6, window_bounds = array<i64: 1, 1, 240>}]} {
    %get3A = arith.constant 0 : index
    %get3A_0 = arith.constant 0 : index
    %get3A_1 = vector.load %arg1[%get3A, %get3A_0] : memref<768x256xf32, #tpu.memory_space<vmem>>, vector<768x256xf32>
    %get3A_2 = arith.constant 0 : index
    %get3A_3 = arith.constant 0 : index
    %get3A_4 = vector.load %arg2[%get3A_2, %get3A_3] : memref<2x64xf32, #tpu.memory_space<vmem>>, vector<1x64xf32>
    %div3A = arith.constant 9.830400e+04 : f32
    %div3A_5 = vector.broadcast %div3A : f32 to vector<1x64xf32>
    %div3A_6 = arith.divf %get3A_4, %div3A_5 : vector<1x64xf32>
    %tile3A = tpu.concatenate %div3A_6, %div3A_6, %div3A_6, %div3A_6 in 1 : vector<1x64xf32>, vector<1x64xf32>, vector<1x64xf32>, vector<1x64xf32> -> vector<1x256xf32>
    %get3A_7 = arith.constant 1 : index
    %get3A_8 = arith.constant 0 : index
    %get3A_9 = vector.load %arg2[%get3A_7, %get3A_8] : memref<2x64xf32, #tpu.memory_space<vmem>>, vector<1x64xf32>
    %div3A_10 = arith.constant 9.830400e+04 : f32
    %div3A_11 = vector.broadcast %div3A_10 : f32 to vector<1x64xf32>
    %div3A_12 = arith.divf %get3A_9, %div3A_11 : vector<1x64xf32>
    %tile3A_13 = tpu.concatenate %div3A_12, %div3A_12, %div3A_12, %div3A_12 in 1 : vector<1x64xf32>, vector<1x64xf32>, vector<1x64xf32>, vector<1x64xf32> -> vector<1x256xf32>
    %mul3A = arith.mulf %tile3A, %tile3A : vector<1x256xf32>
    %sub3A = arith.subf %tile3A_13, %mul3A : vector<1x256xf32>
    %get3A_14 = arith.constant 0 : index
    %get3A_15 = arith.constant 0 : index
    %get3A_16 = vector.load %arg3[%get3A_14, %get3A_15] : memref<1x64xf32, #tpu.memory_space<vmem>>, vector<1x64xf32>
    %tile3A_17 = tpu.concatenate %get3A_16, %get3A_16, %get3A_16, %get3A_16 in 1 : vector<1x64xf32>, vector<1x64xf32>, vector<1x64xf32>, vector<1x64xf32> -> vector<1x256xf32>
    %get3A_18 = arith.constant 0 : index
    %get3A_19 = arith.constant 0 : index
    %get3A_20 = vector.load %arg4[%get3A_18, %get3A_19] : memref<1x64xf32, #tpu.memory_space<vmem>>, vector<1x64xf32>
    %tile3A_21 = tpu.concatenate %get3A_20, %get3A_20, %get3A_20, %get3A_20 in 1 : vector<1x64xf32>, vector<1x64xf32>, vector<1x64xf32>, vector<1x64xf32> -> vector<1x256xf32>
    %sub3A_22 = vector.broadcast %tile3A : vector<1x256xf32> to vector<768x256xf32>
    %sub3A_23 = arith.subf %get3A_1, %sub3A_22 : vector<768x256xf32>
    %mul3A_24 = vector.broadcast %tile3A_17 : vector<1x256xf32> to vector<768x256xf32>
    %mul3A_25 = arith.mulf %mul3A_24, %sub3A_23 : vector<768x256xf32>
    %add3A = arith.constant 9.99999974E-6 : f32
    %add3A_26 = vector.broadcast %add3A : f32 to vector<1x256xf32>
    %add3A_27 = arith.addf %sub3A, %add3A_26 : vector<1x256xf32>
    %rsqrt3A = math.rsqrt %add3A_27 : vector<1x256xf32>
    %mul3A_28 = vector.broadcast %rsqrt3A : vector<1x256xf32> to vector<768x256xf32>
    %mul3A_29 = arith.mulf %mul3A_25, %mul3A_28 : vector<768x256xf32>
    %add3A_30 = vector.broadcast %tile3A_21 : vector<1x256xf32> to vector<768x256xf32>
    %add3A_31 = arith.addf %mul3A_29, %add3A_30 : vector<768x256xf32>
    %max3A = arith.constant 0.000000e+00 : f32
    %max3A_32 = vector.broadcast %max3A : f32 to vector<768x256xf32>
    %max3A_33 = arith.maximumf %add3A_31, %max3A_32 : vector<768x256xf32>
    %reduce_sum3A = arith.constant dense<0.000000e+00> : vector<256xf32>
    %reduce_sum3A_34 = vector.multi_reduction <add>, %max3A_33, %reduce_sum3A [0] : vector<768x256xf32> to vector<256xf32>
    %broadcast_in_dim3A = vector.shape_cast %reduce_sum3A_34 : vector<256xf32> to vector<1x256xf32>
    %mul3A_35 = arith.constant 0.00130208337 : f32
    %mul3A_36 = vector.broadcast %mul3A_35 : f32 to vector<1x256xf32>
    %mul3A_37 = arith.mulf %broadcast_in_dim3A, %mul3A_36 : vector<1x256xf32>
    %get3A_38 = arith.constant 0 : index
    %get3A_39 = arith.constant 0 : index
    %get3A_40 = vector.load %arg5[%get3A_38, %get3A_39] : memref<256x240xf32, #tpu.memory_space<vmem>>, vector<256x240xf32>
    %dot_general3A = arith.constant dense<0.000000e+00> : vector<1x240xf32>
    %dot_general3A_41 = tpu.matmul %mul3A_37, %get3A_40, %dot_general3A {dimension_numbers = #tpu.dot_dimension_numbers<[1], [0], [0], [1], [0, 0, 1, 1], [], []>, transpose_lhs_hint = false} : vector<1x256xf32>, vector<256x240xf32>, vector<1x240xf32> -> vector<1x240xf32>
    %get3A_42 = arith.constant 0 : index
    %get3A_43 = arith.constant 0 : index
    %get3A_44 = vector.load %arg6[%get3A_42, %get3A_43] : memref<1x240xf32, #tpu.memory_space<vmem>>, vector<1x240xf32>
    %add3A_45 = arith.addf %dot_general3A_41, %get3A_44 : vector<1x240xf32>
    %swap3A = arith.constant 0 : index
    %swap3A_46 = arith.constant 0 : index
    %swap3A_47 = arith.constant 0 : index
    %swap3A_48 = vector.load %arg7[%swap3A, %swap3A_46, %swap3A_47] : memref<1x1x240xf32, #tpu.memory_space<vmem>>, vector<1x1x240xf32>
    %swap3A_49 = vector.shape_cast %swap3A_48 : vector<1x1x240xf32> to vector<1x240xf32>
    %swap3A_50 = vector.shape_cast %add3A_45 : vector<1x240xf32> to vector<1x1x240xf32>
    tpu.vector_store %arg7[%swap3A, %swap3A_46, %swap3A_47], %swap3A_50 {strides = array<i32>} : memref<1x1x240xf32, #tpu.memory_space<vmem>>, vector<1x1x240xf32>,
    return
  }
  func.func @transform_0(%arg0: i32) -> (i32, i32) {
    %c0_i32 = arith.constant 0 : i32
    %c0_i32_0 = arith.constant 0 : i32
    return %c0_i32, %arg0 : i32, i32
  }
  func.func @transform_1(%arg0: i32) -> (i32, i32) {
    %c0_i32 = arith.constant 0 : i32
    %c0_i32_0 = arith.constant 0 : i32
    %c0_i32_1 = arith.constant 0 : i32
    return %c0_i32, %c0_i32_0 : i32, i32
  }
  func.func @transform_2(%arg0: i32) -> (i32, i32) {
    %c0_i32 = arith.constant 0 : i32
    %c0_i32_0 = arith.constant 0 : i32
    %c0_i32_1 = arith.constant 0 : i32
    return %c0_i32, %c0_i32_0 : i32, i32
  }
  func.func @transform_3(%arg0: i32) -> (i32, i32) {
    %c0_i32 = arith.constant 0 : i32
    %c0_i32_0 = arith.constant 0 : i32
    %c0_i32_1 = arith.constant 0 : i32
    return %c0_i32, %c0_i32_0 : i32, i32
  }
  func.func @transform_4(%arg0: i32) -> (i32, i32) {
    %c0_i32 = arith.constant 0 : i32
    %c0_i32_0 = arith.constant 0 : i32
    %c0_i32_1 = arith.constant 0 : i32
    return %c0_i32, %c0_i32_0 : i32, i32
  }
  func.func @transform_5(%arg0: i32) -> (i32, i32) {
    %c0_i32 = arith.constant 0 : i32
    %c0_i32_0 = arith.constant 0 : i32
    %c0_i32_1 = arith.constant 0 : i32
    return %c0_i32, %c0_i32_0 : i32, i32
  }
  func.func @transform_6(%arg0: i32) -> (i32, i32, i32) {
    %c0_i32 = arith.constant 0 : i32
    %c0_i32_0 = arith.constant 0 : i32
    %c0_i32_1 = arith.constant 0 : i32
    return %arg0, %c0_i32, %c0_i32_0 : i32, i32, i32
  }
}

module attributes {stable_mosaic.version = 14 : i64} {
  func.func @_dinv_body(%arg0: memref<832x832xf32, #tpu.memory_space<vmem>>, %arg1: memref<832x1xf32, #tpu.memory_space<vmem>>) attributes {dimension_semantics = [], scalar_prefetch = 0 : i64, scratch_operands = 0 : i64, tpu.core_type = #tpu.core_type<tc>} {
    %get3A = arith.constant 0 : index
    %get3A_0 = arith.constant 0 : index
    %get3A_1 = vector.load %arg0[%get3A, %get3A_0] : memref<832x832xf32, #tpu.memory_space<vmem>>, vector<832x832xf32>
    %reduce_sum3A = arith.constant dense<0.000000e+00> : vector<832xf32>
    %reduce_sum3A_2 = vector.multi_reduction <add>, %get3A_1, %reduce_sum3A [1] : vector<832x832xf32> to vector<832xf32>
    %broadcast_in_dim3A = vector.shape_cast %reduce_sum3A_2 : vector<832xf32> to vector<832x1xf32>
    %rsqrt3A = math.rsqrt %broadcast_in_dim3A : vector<832x1xf32>
    %swap3A = arith.constant 0 : index
    %swap3A_3 = arith.constant 0 : index
    %swap3A_4 = vector.load %arg1[%swap3A, %swap3A_3] : memref<832x1xf32, #tpu.memory_space<vmem>>, vector<832x1xf32>
    tpu.vector_store %arg1[%swap3A, %swap3A_3], %rsqrt3A {strides = array<i32>} : memref<832x1xf32, #tpu.memory_space<vmem>>, vector<832x1xf32>,
    return
  }
}

module attributes {stable_mosaic.version = 14 : i64} {
  func.func @_lay_body(%arg0: i32, %arg1: memref<832x256xf32, #tpu.memory_space<vmem>>, %arg2: memref<2x64xf32, #tpu.memory_space<vmem>>, %arg3: memref<1x64xf32, #tpu.memory_space<vmem>>, %arg4: memref<1x64xf32, #tpu.memory_space<vmem>>, %arg5: memref<832x832xf32, #tpu.memory_space<vmem>>, %arg6: memref<832x1xf32, #tpu.memory_space<vmem>>, %arg7: memref<256x256xf32, #tpu.memory_space<vmem>>, %arg8: memref<1x64xf32, #tpu.memory_space<vmem>>, %arg9: memref<256x64xf32, #tpu.memory_space<vmem>>, %arg10: memref<832x256xf32, #tpu.memory_space<vmem>>, %arg11: memref<2x64xf32, #tpu.memory_space<vmem>>, %arg12: memref<2x256xf32, #tpu.memory_space<vmem>>) attributes {dimension_semantics = [#tpu.dimension_semantics<arbitrary>], iteration_bounds = array<i64: 32>, scalar_prefetch = 0 : i64, scratch_operands = 1 : i64, tpu.core_type = #tpu.core_type<tc>, window_params = [{transform_indices = @transform_0, window_bounds = array<i64: 832, 256>}, {pipeline_mode = #tpu.pipeline_mode<synchronous>, transform_indices = @transform_1, window_bounds = array<i64: 2, 64>}, {pipeline_mode = #tpu.pipeline_mode<synchronous>, transform_indices = @transform_2, window_bounds = array<i64: 1, 64>}, {pipeline_mode = #tpu.pipeline_mode<synchronous>, transform_indices = @transform_3, window_bounds = array<i64: 1, 64>}, {pipeline_mode = #tpu.pipeline_mode<synchronous>, transform_indices = @transform_4, window_bounds = array<i64: 832, 832>}, {pipeline_mode = #tpu.pipeline_mode<synchronous>, transform_indices = @transform_5, window_bounds = array<i64: 832, 1>}, {pipeline_mode = #tpu.pipeline_mode<synchronous>, transform_indices = @transform_6, window_bounds = array<i64: 256, 256>}, {pipeline_mode = #tpu.pipeline_mode<synchronous>, transform_indices = @transform_7, window_bounds = array<i64: 1, 64>}, {pipeline_mode = #tpu.pipeline_mode<synchronous>, transform_indices = @transform_8, window_bounds = array<i64: 256, 64>}, {transform_indices = @transform_9, window_bounds = array<i64: 832, 256>}, {pipeline_mode = #tpu.pipeline_mode<synchronous>, transform_indices = @transform_10, window_bounds = array<i64: 2, 64>}]} {
    %get3A = arith.constant 0 : index
    %get3A_0 = arith.constant 0 : index
    %get3A_1 = vector.load %arg1[%get3A, %get3A_0] : memref<832x256xf32, #tpu.memory_space<vmem>>, vector<832x256xf32>
    %get3A_2 = arith.constant 0 : index
    %get3A_3 = arith.constant 0 : index
    %get3A_4 = vector.load %arg6[%get3A_2, %get3A_3] : memref<832x1xf32, #tpu.memory_space<vmem>>, vector<832x1xf32>
    %get3A_5 = arith.constant 0 : index
    %get3A_6 = arith.constant 0 : index
    %get3A_7 = vector.load %arg5[%get3A_5, %get3A_6] : memref<832x832xf32, #tpu.memory_space<vmem>>, vector<832x832xf32>
    %mul3A = vector.broadcast %get3A_4 : vector<832x1xf32> to vector<832x256xf32>
    %mul3A_8 = arith.mulf %mul3A, %get3A_1 : vector<832x256xf32>
    %dot_general3A = arith.constant dense<0.000000e+00> : vector<832x256xf32>
    %dot_general3A_9 = tpu.matmul %get3A_7, %mul3A_8, %dot_general3A {dimension_numbers = #tpu.dot_dimension_numbers<[1], [0], [0], [1], [0, 0, 1, 1], [], []>, transpose_lhs_hint = false} : vector<832x832xf32>, vector<832x256xf32>, vector<832x256xf32> -> vector<832x256xf32>
    %mul3A_10 = vector.broadcast %get3A_4 : vector<832x1xf32> to vector<832x256xf32>
    %mul3A_11 = arith.mulf %mul3A_10, %dot_general3A_9 : vector<832x256xf32>
    %eq3A = arith.constant 0 : i32
    %eq3A_12 = arith.cmpi eq, %arg0, %eq3A : i32
    %convert_element_type3A = arith.extui %eq3A_12 : i1 to i32
    %cond3A = arith.constant 0 : i32
    %cond3A_13 = arith.cmpi ne, %convert_element_type3A, %cond3A : i32
    scf.if %cond3A_13 {
      %broadcast_in_dim3A_39 = arith.constant 0.000000e+00 : f32
      %broadcast_in_dim3A_40 = vector.broadcast %broadcast_in_dim3A_39 : f32 to vector<2x256xf32>
      %swap3A_41 = arith.constant 0 : index
      %swap3A_42 = arith.constant 0 : index
      %swap3A_43 = vector.load %arg12[%swap3A_41, %swap3A_42] : memref<2x256xf32, #tpu.memory_space<vmem>>, vector<2x256xf32>
      tpu.vector_store %arg12[%swap3A_41, %swap3A_42], %broadcast_in_dim3A_40 {strides = array<i32>} : memref<2x256xf32, #tpu.memory_space<vmem>>, vector<2x256xf32>,
    } else {
    }
    %get3A_14 = arith.constant 0 : index
    %get3A_15 = arith.constant 0 : index
    %get3A_16 = vector.load %arg12[%get3A_14, %get3A_15] : memref<2x256xf32, #tpu.memory_space<vmem>>, vector<1x256xf32>
    %reduce_sum3A = arith.constant dense<0.000000e+00> : vector<256xf32>
    %reduce_sum3A_17 = vector.multi_reduction <add>, %mul3A_11, %reduce_sum3A [0] : vector<832x256xf32> to vector<256xf32>
    %broadcast_in_dim3A = vector.shape_cast %reduce_sum3A_17 : vector<256xf32> to vector<1x256xf32>
    %add3A = arith.addf %get3A_16, %broadcast_in_dim3A : vector<1x256xf32>
    %swap3A = arith.constant 0 : index
    %swap3A_18 = arith.constant 0 : index
    %swap3A_19 = vector.load %arg12[%swap3A, %swap3A_18] : memref<2x256xf32, #tpu.memory_space<vmem>>, vector<1x256xf32>
    tpu.vector_store %arg12[%swap3A, %swap3A_18], %add3A {strides = array<i32>} : memref<2x256xf32, #tpu.memory_space<vmem>>, vector<1x256xf32>,
    %get3A_20 = arith.constant 1 : index
    %get3A_21 = arith.constant 0 : index
    %get3A_22 = vector.load %arg12[%get3A_20, %get3A_21] : memref<2x256xf32, #tpu.memory_space<vmem>>, vector<1x256xf32>
    %mul3A_23 = arith.mulf %mul3A_11, %mul3A_11 : vector<832x256xf32>
    %reduce_sum3A_24 = arith.constant dense<0.000000e+00> : vector<256xf32>
    %reduce_sum3A_25 = vector.multi_reduction <add>, %mul3A_23, %reduce_sum3A_24 [0] : vector<832x256xf32> to vector<256xf32>
    %broadcast_in_dim3A_26 = vector.shape_cast %reduce_sum3A_25 : vector<256xf32> to vector<1x256xf32>
    %add3A_27 = arith.addf %get3A_22, %broadcast_in_dim3A_26 : vector<1x256xf32>
    %swap3A_28 = arith.constant 1 : index
    %swap3A_29 = arith.constant 0 : index
    %swap3A_30 = vector.load %arg12[%swap3A_28, %swap3A_29] : memref<2x256xf32, #tpu.memory_space<vmem>>, vector<1x256xf32>
    tpu.vector_store %arg12[%swap3A_28, %swap3A_29], %add3A_27 {strides = array<i32>} : memref<2x256xf32, #tpu.memory_space<vmem>>, vector<1x256xf32>,
    %swap3A_31 = arith.constant 0 : index
    %swap3A_32 = arith.constant 0 : index
    %swap3A_33 = vector.load %arg10[%swap3A_31, %swap3A_32] : memref<832x256xf32, #tpu.memory_space<vmem>>, vector<832x256xf32>
    tpu.vector_store %arg10[%swap3A_31, %swap3A_32], %mul3A_11 {strides = array<i32>} : memref<832x256xf32, #tpu.memory_space<vmem>>, vector<832x256xf32>,
    %eq3A_34 = arith.constant 31 : i32
    %eq3A_35 = arith.cmpi eq, %arg0, %eq3A_34 : i32
    %convert_element_type3A_36 = arith.extui %eq3A_35 : i1 to i32
    %cond3A_37 = arith.constant 0 : i32
    %cond3A_38 = arith.cmpi ne, %convert_element_type3A_36, %cond3A_37 : i32
    scf.if %cond3A_38 {
      %get3A_39 = arith.constant 0 : index
      %get3A_40 = arith.constant 0 : index
      %get3A_41 = vector.load %arg12[%get3A_39, %get3A_40] : memref<2x256xf32, #tpu.memory_space<vmem>>, vector<2x256xf32>
      %get3A_42 = arith.constant 0 : index
      %get3A_43 = arith.constant 0 : index
      %get3A_44 = vector.load %arg9[%get3A_42, %get3A_43] : memref<256x64xf32, #tpu.memory_space<vmem>>, vector<256x64xf32>
      %dot_general3A_45 = arith.constant dense<0.000000e+00> : vector<2x64xf32>
      %dot_general3A_46 = tpu.matmul %get3A_41, %get3A_44, %dot_general3A_45 {dimension_numbers = #tpu.dot_dimension_numbers<[1], [0], [0], [1], [0, 0, 1, 1], [], []>, transpose_lhs_hint = false} : vector<2x256xf32>, vector<256x64xf32>, vector<2x64xf32> -> vector<2x64xf32>
      %swap3A_47 = arith.constant 0 : index
      %swap3A_48 = arith.constant 0 : index
      %swap3A_49 = vector.load %arg11[%swap3A_47, %swap3A_48] : memref<2x64xf32, #tpu.memory_space<vmem>>, vector<2x64xf32>
      tpu.vector_store %arg11[%swap3A_47, %swap3A_48], %dot_general3A_46 {strides = array<i32>} : memref<2x64xf32, #tpu.memory_space<vmem>>, vector<2x64xf32>,
    } else {
    }
    return
  }
  func.func @transform_0(%arg0: i32) -> (i32, i32) {
    %c0_i32 = arith.constant 0 : i32
    %c0_i32_0 = arith.constant 0 : i32
    return %c0_i32, %arg0 : i32, i32
  }
  func.func @transform_1(%arg0: i32) -> (i32, i32) {
    %c0_i32 = arith.constant 0 : i32
    %c0_i32_0 = arith.constant 0 : i32
    %c0_i32_1 = arith.constant 0 : i32
    return %c0_i32, %c0_i32_0 : i32, i32
  }
  func.func @transform_2(%arg0: i32) -> (i32, i32) {
    %c0_i32 = arith.constant 0 : i32
    %c0_i32_0 = arith.constant 0 : i32
    %c0_i32_1 = arith.constant 0 : i32
    return %c0_i32, %c0_i32_0 : i32, i32
  }
  func.func @transform_3(%arg0: i32) -> (i32, i32) {
    %c0_i32 = arith.constant 0 : i32
    %c0_i32_0 = arith.constant 0 : i32
    %c0_i32_1 = arith.constant 0 : i32
    return %c0_i32, %c0_i32_0 : i32, i32
  }
  func.func @transform_4(%arg0: i32) -> (i32, i32) {
    %c0_i32 = arith.constant 0 : i32
    %c0_i32_0 = arith.constant 0 : i32
    %c0_i32_1 = arith.constant 0 : i32
    return %c0_i32, %c0_i32_0 : i32, i32
  }
  func.func @transform_5(%arg0: i32) -> (i32, i32) {
    %c0_i32 = arith.constant 0 : i32
    %c0_i32_0 = arith.constant 0 : i32
    %c0_i32_1 = arith.constant 0 : i32
    return %c0_i32, %c0_i32_0 : i32, i32
  }
  func.func @transform_6(%arg0: i32) -> (i32, i32) {
    %c0_i32 = arith.constant 0 : i32
    %c0_i32_0 = arith.constant 0 : i32
    %c0_i32_1 = arith.constant 0 : i32
    return %c0_i32, %c0_i32_0 : i32, i32
  }
  func.func @transform_7(%arg0: i32) -> (i32, i32) {
    %c0_i32 = arith.constant 0 : i32
    %c0_i32_0 = arith.constant 0 : i32
    %c0_i32_1 = arith.constant 0 : i32
    return %c0_i32, %c0_i32_0 : i32, i32
  }
  func.func @transform_8(%arg0: i32) -> (i32, i32) {
    %c0_i32 = arith.constant 0 : i32
    %c0_i32_0 = arith.constant 0 : i32
    %c0_i32_1 = arith.constant 0 : i32
    return %c0_i32, %c0_i32_0 : i32, i32
  }
  func.func @transform_9(%arg0: i32) -> (i32, i32) {
    %c0_i32 = arith.constant 0 : i32
    %c0_i32_0 = arith.constant 0 : i32
    return %c0_i32, %arg0 : i32, i32
  }
  func.func @transform_10(%arg0: i32) -> (i32, i32) {
    %c0_i32 = arith.constant 0 : i32
    %c0_i32_0 = arith.constant 0 : i32
    %c0_i32_1 = arith.constant 0 : i32
    return %c0_i32, %c0_i32_0 : i32, i32
  }
}

module attributes {stable_mosaic.version = 14 : i64} {
  func.func @_lay_body(%arg0: i32, %arg1: memref<832x256xf32, #tpu.memory_space<vmem>>, %arg2: memref<2x64xf32, #tpu.memory_space<vmem>>, %arg3: memref<1x64xf32, #tpu.memory_space<vmem>>, %arg4: memref<1x64xf32, #tpu.memory_space<vmem>>, %arg5: memref<832x832xf32, #tpu.memory_space<vmem>>, %arg6: memref<832x1xf32, #tpu.memory_space<vmem>>, %arg7: memref<256x256xf32, #tpu.memory_space<vmem>>, %arg8: memref<1x64xf32, #tpu.memory_space<vmem>>, %arg9: memref<256x64xf32, #tpu.memory_space<vmem>>, %arg10: memref<832x256xf32, #tpu.memory_space<vmem>>, %arg11: memref<2x64xf32, #tpu.memory_space<vmem>>, %arg12: memref<2x256xf32, #tpu.memory_space<vmem>>) attributes {dimension_semantics = [#tpu.dimension_semantics<arbitrary>], iteration_bounds = array<i64: 32>, scalar_prefetch = 0 : i64, scratch_operands = 1 : i64, tpu.core_type = #tpu.core_type<tc>, window_params = [{transform_indices = @transform_0, window_bounds = array<i64: 832, 256>}, {pipeline_mode = #tpu.pipeline_mode<synchronous>, transform_indices = @transform_1, window_bounds = array<i64: 2, 64>}, {pipeline_mode = #tpu.pipeline_mode<synchronous>, transform_indices = @transform_2, window_bounds = array<i64: 1, 64>}, {pipeline_mode = #tpu.pipeline_mode<synchronous>, transform_indices = @transform_3, window_bounds = array<i64: 1, 64>}, {pipeline_mode = #tpu.pipeline_mode<synchronous>, transform_indices = @transform_4, window_bounds = array<i64: 832, 832>}, {pipeline_mode = #tpu.pipeline_mode<synchronous>, transform_indices = @transform_5, window_bounds = array<i64: 832, 1>}, {pipeline_mode = #tpu.pipeline_mode<synchronous>, transform_indices = @transform_6, window_bounds = array<i64: 256, 256>}, {pipeline_mode = #tpu.pipeline_mode<synchronous>, transform_indices = @transform_7, window_bounds = array<i64: 1, 64>}, {pipeline_mode = #tpu.pipeline_mode<synchronous>, transform_indices = @transform_8, window_bounds = array<i64: 256, 64>}, {transform_indices = @transform_9, window_bounds = array<i64: 832, 256>}, {pipeline_mode = #tpu.pipeline_mode<synchronous>, transform_indices = @transform_10, window_bounds = array<i64: 2, 64>}]} {
    %get3A = arith.constant 0 : index
    %get3A_0 = arith.constant 0 : index
    %get3A_1 = vector.load %arg1[%get3A, %get3A_0] : memref<832x256xf32, #tpu.memory_space<vmem>>, vector<832x256xf32>
    %get3A_2 = arith.constant 0 : index
    %get3A_3 = arith.constant 0 : index
    %get3A_4 = vector.load %arg2[%get3A_2, %get3A_3] : memref<2x64xf32, #tpu.memory_space<vmem>>, vector<1x64xf32>
    %div3A = arith.constant 1.064960e+05 : f32
    %div3A_5 = vector.broadcast %div3A : f32 to vector<1x64xf32>
    %div3A_6 = arith.divf %get3A_4, %div3A_5 : vector<1x64xf32>
    %tile3A = tpu.concatenate %div3A_6, %div3A_6, %div3A_6, %div3A_6 in 1 : vector<1x64xf32>, vector<1x64xf32>, vector<1x64xf32>, vector<1x64xf32> -> vector<1x256xf32>
    %get3A_7 = arith.constant 1 : index
    %get3A_8 = arith.constant 0 : index
    %get3A_9 = vector.load %arg2[%get3A_7, %get3A_8] : memref<2x64xf32, #tpu.memory_space<vmem>>, vector<1x64xf32>
    %div3A_10 = arith.constant 1.064960e+05 : f32
    %div3A_11 = vector.broadcast %div3A_10 : f32 to vector<1x64xf32>
    %div3A_12 = arith.divf %get3A_9, %div3A_11 : vector<1x64xf32>
    %tile3A_13 = tpu.concatenate %div3A_12, %div3A_12, %div3A_12, %div3A_12 in 1 : vector<1x64xf32>, vector<1x64xf32>, vector<1x64xf32>, vector<1x64xf32> -> vector<1x256xf32>
    %mul3A = arith.mulf %tile3A, %tile3A : vector<1x256xf32>
    %sub3A = arith.subf %tile3A_13, %mul3A : vector<1x256xf32>
    %get3A_14 = arith.constant 0 : index
    %get3A_15 = arith.constant 0 : index
    %get3A_16 = vector.load %arg3[%get3A_14, %get3A_15] : memref<1x64xf32, #tpu.memory_space<vmem>>, vector<1x64xf32>
    %tile3A_17 = tpu.concatenate %get3A_16, %get3A_16, %get3A_16, %get3A_16 in 1 : vector<1x64xf32>, vector<1x64xf32>, vector<1x64xf32>, vector<1x64xf32> -> vector<1x256xf32>
    %get3A_18 = arith.constant 0 : index
    %get3A_19 = arith.constant 0 : index
    %get3A_20 = vector.load %arg4[%get3A_18, %get3A_19] : memref<1x64xf32, #tpu.memory_space<vmem>>, vector<1x64xf32>
    %tile3A_21 = tpu.concatenate %get3A_20, %get3A_20, %get3A_20, %get3A_20 in 1 : vector<1x64xf32>, vector<1x64xf32>, vector<1x64xf32>, vector<1x64xf32> -> vector<1x256xf32>
    %sub3A_22 = vector.broadcast %tile3A : vector<1x256xf32> to vector<832x256xf32>
    %sub3A_23 = arith.subf %get3A_1, %sub3A_22 : vector<832x256xf32>
    %mul3A_24 = vector.broadcast %tile3A_17 : vector<1x256xf32> to vector<832x256xf32>
    %mul3A_25 = arith.mulf %mul3A_24, %sub3A_23 : vector<832x256xf32>
    %add3A = arith.constant 9.99999974E-6 : f32
    %add3A_26 = vector.broadcast %add3A : f32 to vector<1x256xf32>
    %add3A_27 = arith.addf %sub3A, %add3A_26 : vector<1x256xf32>
    %rsqrt3A = math.rsqrt %add3A_27 : vector<1x256xf32>
    %mul3A_28 = vector.broadcast %rsqrt3A : vector<1x256xf32> to vector<832x256xf32>
    %mul3A_29 = arith.mulf %mul3A_25, %mul3A_28 : vector<832x256xf32>
    %add3A_30 = vector.broadcast %tile3A_21 : vector<1x256xf32> to vector<832x256xf32>
    %add3A_31 = arith.addf %mul3A_29, %add3A_30 : vector<832x256xf32>
    %max3A = arith.constant 0.000000e+00 : f32
    %max3A_32 = vector.broadcast %max3A : f32 to vector<832x256xf32>
    %max3A_33 = arith.maximumf %add3A_31, %max3A_32 : vector<832x256xf32>
    %get3A_34 = arith.constant 0 : index
    %get3A_35 = arith.constant 0 : index
    %get3A_36 = vector.load %arg7[%get3A_34, %get3A_35] : memref<256x256xf32, #tpu.memory_space<vmem>>, vector<256x256xf32>
    %dot_general3A = arith.constant dense<0.000000e+00> : vector<832x256xf32>
    %dot_general3A_37 = tpu.matmul %max3A_33, %get3A_36, %dot_general3A {dimension_numbers = #tpu.dot_dimension_numbers<[1], [0], [0], [1], [0, 0, 1, 1], [], []>, transpose_lhs_hint = false} : vector<832x256xf32>, vector<256x256xf32>, vector<832x256xf32> -> vector<832x256xf32>
    %get3A_38 = arith.constant 0 : index
    %get3A_39 = arith.constant 0 : index
    %get3A_40 = vector.load %arg8[%get3A_38, %get3A_39] : memref<1x64xf32, #tpu.memory_space<vmem>>, vector<1x64xf32>
    %tile3A_41 = tpu.concatenate %get3A_40, %get3A_40, %get3A_40, %get3A_40 in 1 : vector<1x64xf32>, vector<1x64xf32>, vector<1x64xf32>, vector<1x64xf32> -> vector<1x256xf32>
    %add3A_42 = vector.broadcast %tile3A_41 : vector<1x256xf32> to vector<832x256xf32>
    %add3A_43 = arith.addf %dot_general3A_37, %add3A_42 : vector<832x256xf32>
    %get3A_44 = arith.constant 0 : index
    %get3A_45 = arith.constant 0 : index
    %get3A_46 = vector.load %arg6[%get3A_44, %get3A_45] : memref<832x1xf32, #tpu.memory_space<vmem>>, vector<832x1xf32>
    %get3A_47 = arith.constant 0 : index
    %get3A_48 = arith.constant 0 : index
    %get3A_49 = vector.load %arg5[%get3A_47, %get3A_48] : memref<832x832xf32, #tpu.memory_space<vmem>>, vector<832x832xf32>
    %mul3A_50 = vector.broadcast %get3A_46 : vector<832x1xf32> to vector<832x256xf32>
    %mul3A_51 = arith.mulf %mul3A_50, %add3A_43 : vector<832x256xf32>
    %dot_general3A_52 = arith.constant dense<0.000000e+00> : vector<832x256xf32>
    %dot_general3A_53 = tpu.matmul %get3A_49, %mul3A_51, %dot_general3A_52 {dimension_numbers = #tpu.dot_dimension_numbers<[1], [0], [0], [1], [0, 0, 1, 1], [], []>, transpose_lhs_hint = false} : vector<832x832xf32>, vector<832x256xf32>, vector<832x256xf32> -> vector<832x256xf32>
    %mul3A_54 = vector.broadcast %get3A_46 : vector<832x1xf32> to vector<832x256xf32>
    %mul3A_55 = arith.mulf %mul3A_54, %dot_general3A_53 : vector<832x256xf32>
    %eq3A = arith.constant 0 : i32
    %eq3A_56 = arith.cmpi eq, %arg0, %eq3A : i32
    %convert_element_type3A = arith.extui %eq3A_56 : i1 to i32
    %cond3A = arith.constant 0 : i32
    %cond3A_57 = arith.cmpi ne, %convert_element_type3A, %cond3A : i32
    scf.if %cond3A_57 {
      %broadcast_in_dim3A_84 = arith.constant 0.000000e+00 : f32
      %broadcast_in_dim3A_85 = vector.broadcast %broadcast_in_dim3A_84 : f32 to vector<2x256xf32>
      %swap3A_86 = arith.constant 0 : index
      %swap3A_87 = arith.constant 0 : index
      %swap3A_88 = vector.load %arg12[%swap3A_86, %swap3A_87] : memref<2x256xf32, #tpu.memory_space<vmem>>, vector<2x256xf32>
      tpu.vector_store %arg12[%swap3A_86, %swap3A_87], %broadcast_in_dim3A_85 {strides = array<i32>} : memref<2x256xf32, #tpu.memory_space<vmem>>, vector<2x256xf32>,
    } else {
    }
    %get3A_58 = arith.constant 0 : index
    %get3A_59 = arith.constant 0 : index
    %get3A_60 = vector.load %arg12[%get3A_58, %get3A_59] : memref<2x256xf32, #tpu.memory_space<vmem>>, vector<1x256xf32>
    %reduce_sum3A = arith.constant dense<0.000000e+00> : vector<256xf32>
    %reduce_sum3A_61 = vector.multi_reduction <add>, %mul3A_55, %reduce_sum3A [0] : vector<832x256xf32> to vector<256xf32>
    %broadcast_in_dim3A = vector.shape_cast %reduce_sum3A_61 : vector<256xf32> to vector<1x256xf32>
    %add3A_62 = arith.addf %get3A_60, %broadcast_in_dim3A : vector<1x256xf32>
    %swap3A = arith.constant 0 : index
    %swap3A_63 = arith.constant 0 : index
    %swap3A_64 = vector.load %arg12[%swap3A, %swap3A_63] : memref<2x256xf32, #tpu.memory_space<vmem>>, vector<1x256xf32>
    tpu.vector_store %arg12[%swap3A, %swap3A_63], %add3A_62 {strides = array<i32>} : memref<2x256xf32, #tpu.memory_space<vmem>>, vector<1x256xf32>,
    %get3A_65 = arith.constant 1 : index
    %get3A_66 = arith.constant 0 : index
    %get3A_67 = vector.load %arg12[%get3A_65, %get3A_66] : memref<2x256xf32, #tpu.memory_space<vmem>>, vector<1x256xf32>
    %mul3A_68 = arith.mulf %mul3A_55, %mul3A_55 : vector<832x256xf32>
    %reduce_sum3A_69 = arith.constant dense<0.000000e+00> : vector<256xf32>
    %reduce_sum3A_70 = vector.multi_reduction <add>, %mul3A_68, %reduce_sum3A_69 [0] : vector<832x256xf32> to vector<256xf32>
    %broadcast_in_dim3A_71 = vector.shape_cast %reduce_sum3A_70 : vector<256xf32> to vector<1x256xf32>
    %add3A_72 = arith.addf %get3A_67, %broadcast_in_dim3A_71 : vector<1x256xf32>
    %swap3A_73 = arith.constant 1 : index
    %swap3A_74 = arith.constant 0 : index
    %swap3A_75 = vector.load %arg12[%swap3A_73, %swap3A_74] : memref<2x256xf32, #tpu.memory_space<vmem>>, vector<1x256xf32>
    tpu.vector_store %arg12[%swap3A_73, %swap3A_74], %add3A_72 {strides = array<i32>} : memref<2x256xf32, #tpu.memory_space<vmem>>, vector<1x256xf32>,
    %swap3A_76 = arith.constant 0 : index
    %swap3A_77 = arith.constant 0 : index
    %swap3A_78 = vector.load %arg10[%swap3A_76, %swap3A_77] : memref<832x256xf32, #tpu.memory_space<vmem>>, vector<832x256xf32>
    tpu.vector_store %arg10[%swap3A_76, %swap3A_77], %mul3A_55 {strides = array<i32>} : memref<832x256xf32, #tpu.memory_space<vmem>>, vector<832x256xf32>,
    %eq3A_79 = arith.constant 31 : i32
    %eq3A_80 = arith.cmpi eq, %arg0, %eq3A_79 : i32
    %convert_element_type3A_81 = arith.extui %eq3A_80 : i1 to i32
    %cond3A_82 = arith.constant 0 : i32
    %cond3A_83 = arith.cmpi ne, %convert_element_type3A_81, %cond3A_82 : i32
    scf.if %cond3A_83 {
      %get3A_84 = arith.constant 0 : index
      %get3A_85 = arith.constant 0 : index
      %get3A_86 = vector.load %arg12[%get3A_84, %get3A_85] : memref<2x256xf32, #tpu.memory_space<vmem>>, vector<2x256xf32>
      %get3A_87 = arith.constant 0 : index
      %get3A_88 = arith.constant 0 : index
      %get3A_89 = vector.load %arg9[%get3A_87, %get3A_88] : memref<256x64xf32, #tpu.memory_space<vmem>>, vector<256x64xf32>
      %dot_general3A_90 = arith.constant dense<0.000000e+00> : vector<2x64xf32>
      %dot_general3A_91 = tpu.matmul %get3A_86, %get3A_89, %dot_general3A_90 {dimension_numbers = #tpu.dot_dimension_numbers<[1], [0], [0], [1], [0, 0, 1, 1], [], []>, transpose_lhs_hint = false} : vector<2x256xf32>, vector<256x64xf32>, vector<2x64xf32> -> vector<2x64xf32>
      %swap3A_92 = arith.constant 0 : index
      %swap3A_93 = arith.constant 0 : index
      %swap3A_94 = vector.load %arg11[%swap3A_92, %swap3A_93] : memref<2x64xf32, #tpu.memory_space<vmem>>, vector<2x64xf32>
      tpu.vector_store %arg11[%swap3A_92, %swap3A_93], %dot_general3A_91 {strides = array<i32>} : memref<2x64xf32, #tpu.memory_space<vmem>>, vector<2x64xf32>,
    } else {
    }
    return
  }
  func.func @transform_0(%arg0: i32) -> (i32, i32) {
    %c0_i32 = arith.constant 0 : i32
    %c0_i32_0 = arith.constant 0 : i32
    return %c0_i32, %arg0 : i32, i32
  }
  func.func @transform_1(%arg0: i32) -> (i32, i32) {
    %c0_i32 = arith.constant 0 : i32
    %c0_i32_0 = arith.constant 0 : i32
    %c0_i32_1 = arith.constant 0 : i32
    return %c0_i32, %c0_i32_0 : i32, i32
  }
  func.func @transform_2(%arg0: i32) -> (i32, i32) {
    %c0_i32 = arith.constant 0 : i32
    %c0_i32_0 = arith.constant 0 : i32
    %c0_i32_1 = arith.constant 0 : i32
    return %c0_i32, %c0_i32_0 : i32, i32
  }
  func.func @transform_3(%arg0: i32) -> (i32, i32) {
    %c0_i32 = arith.constant 0 : i32
    %c0_i32_0 = arith.constant 0 : i32
    %c0_i32_1 = arith.constant 0 : i32
    return %c0_i32, %c0_i32_0 : i32, i32
  }
  func.func @transform_4(%arg0: i32) -> (i32, i32) {
    %c0_i32 = arith.constant 0 : i32
    %c0_i32_0 = arith.constant 0 : i32
    %c0_i32_1 = arith.constant 0 : i32
    return %c0_i32, %c0_i32_0 : i32, i32
  }
  func.func @transform_5(%arg0: i32) -> (i32, i32) {
    %c0_i32 = arith.constant 0 : i32
    %c0_i32_0 = arith.constant 0 : i32
    %c0_i32_1 = arith.constant 0 : i32
    return %c0_i32, %c0_i32_0 : i32, i32
  }
  func.func @transform_6(%arg0: i32) -> (i32, i32) {
    %c0_i32 = arith.constant 0 : i32
    %c0_i32_0 = arith.constant 0 : i32
    %c0_i32_1 = arith.constant 0 : i32
    return %c0_i32, %c0_i32_0 : i32, i32
  }
  func.func @transform_7(%arg0: i32) -> (i32, i32) {
    %c0_i32 = arith.constant 0 : i32
    %c0_i32_0 = arith.constant 0 : i32
    %c0_i32_1 = arith.constant 0 : i32
    return %c0_i32, %c0_i32_0 : i32, i32
  }
  func.func @transform_8(%arg0: i32) -> (i32, i32) {
    %c0_i32 = arith.constant 0 : i32
    %c0_i32_0 = arith.constant 0 : i32
    %c0_i32_1 = arith.constant 0 : i32
    return %c0_i32, %c0_i32_0 : i32, i32
  }
  func.func @transform_9(%arg0: i32) -> (i32, i32) {
    %c0_i32 = arith.constant 0 : i32
    %c0_i32_0 = arith.constant 0 : i32
    return %c0_i32, %arg0 : i32, i32
  }
  func.func @transform_10(%arg0: i32) -> (i32, i32) {
    %c0_i32 = arith.constant 0 : i32
    %c0_i32_0 = arith.constant 0 : i32
    %c0_i32_1 = arith.constant 0 : i32
    return %c0_i32, %c0_i32_0 : i32, i32
  }
}

module attributes {stable_mosaic.version = 14 : i64} {
  func.func @_fin_body(%arg0: i32, %arg1: memref<832x256xf32, #tpu.memory_space<vmem>>, %arg2: memref<2x64xf32, #tpu.memory_space<vmem>>, %arg3: memref<1x64xf32, #tpu.memory_space<vmem>>, %arg4: memref<1x64xf32, #tpu.memory_space<vmem>>, %arg5: memref<256x240xf32, #tpu.memory_space<vmem>>, %arg6: memref<1x240xf32, #tpu.memory_space<vmem>>, %arg7: memref<1x1x240xf32, #tpu.memory_space<vmem>>) attributes {dimension_semantics = [#tpu.dimension_semantics<arbitrary>], iteration_bounds = array<i64: 32>, scalar_prefetch = 0 : i64, scratch_operands = 0 : i64, tpu.core_type = #tpu.core_type<tc>, window_params = [{transform_indices = @transform_0, window_bounds = array<i64: 832, 256>}, {pipeline_mode = #tpu.pipeline_mode<synchronous>, transform_indices = @transform_1, window_bounds = array<i64: 2, 64>}, {pipeline_mode = #tpu.pipeline_mode<synchronous>, transform_indices = @transform_2, window_bounds = array<i64: 1, 64>}, {pipeline_mode = #tpu.pipeline_mode<synchronous>, transform_indices = @transform_3, window_bounds = array<i64: 1, 64>}, {pipeline_mode = #tpu.pipeline_mode<synchronous>, transform_indices = @transform_4, window_bounds = array<i64: 256, 240>}, {pipeline_mode = #tpu.pipeline_mode<synchronous>, transform_indices = @transform_5, window_bounds = array<i64: 1, 240>}, {transform_indices = @transform_6, window_bounds = array<i64: 1, 1, 240>}]} {
    %get3A = arith.constant 0 : index
    %get3A_0 = arith.constant 0 : index
    %get3A_1 = vector.load %arg1[%get3A, %get3A_0] : memref<832x256xf32, #tpu.memory_space<vmem>>, vector<832x256xf32>
    %get3A_2 = arith.constant 0 : index
    %get3A_3 = arith.constant 0 : index
    %get3A_4 = vector.load %arg2[%get3A_2, %get3A_3] : memref<2x64xf32, #tpu.memory_space<vmem>>, vector<1x64xf32>
    %div3A = arith.constant 1.064960e+05 : f32
    %div3A_5 = vector.broadcast %div3A : f32 to vector<1x64xf32>
    %div3A_6 = arith.divf %get3A_4, %div3A_5 : vector<1x64xf32>
    %tile3A = tpu.concatenate %div3A_6, %div3A_6, %div3A_6, %div3A_6 in 1 : vector<1x64xf32>, vector<1x64xf32>, vector<1x64xf32>, vector<1x64xf32> -> vector<1x256xf32>
    %get3A_7 = arith.constant 1 : index
    %get3A_8 = arith.constant 0 : index
    %get3A_9 = vector.load %arg2[%get3A_7, %get3A_8] : memref<2x64xf32, #tpu.memory_space<vmem>>, vector<1x64xf32>
    %div3A_10 = arith.constant 1.064960e+05 : f32
    %div3A_11 = vector.broadcast %div3A_10 : f32 to vector<1x64xf32>
    %div3A_12 = arith.divf %get3A_9, %div3A_11 : vector<1x64xf32>
    %tile3A_13 = tpu.concatenate %div3A_12, %div3A_12, %div3A_12, %div3A_12 in 1 : vector<1x64xf32>, vector<1x64xf32>, vector<1x64xf32>, vector<1x64xf32> -> vector<1x256xf32>
    %mul3A = arith.mulf %tile3A, %tile3A : vector<1x256xf32>
    %sub3A = arith.subf %tile3A_13, %mul3A : vector<1x256xf32>
    %get3A_14 = arith.constant 0 : index
    %get3A_15 = arith.constant 0 : index
    %get3A_16 = vector.load %arg3[%get3A_14, %get3A_15] : memref<1x64xf32, #tpu.memory_space<vmem>>, vector<1x64xf32>
    %tile3A_17 = tpu.concatenate %get3A_16, %get3A_16, %get3A_16, %get3A_16 in 1 : vector<1x64xf32>, vector<1x64xf32>, vector<1x64xf32>, vector<1x64xf32> -> vector<1x256xf32>
    %get3A_18 = arith.constant 0 : index
    %get3A_19 = arith.constant 0 : index
    %get3A_20 = vector.load %arg4[%get3A_18, %get3A_19] : memref<1x64xf32, #tpu.memory_space<vmem>>, vector<1x64xf32>
    %tile3A_21 = tpu.concatenate %get3A_20, %get3A_20, %get3A_20, %get3A_20 in 1 : vector<1x64xf32>, vector<1x64xf32>, vector<1x64xf32>, vector<1x64xf32> -> vector<1x256xf32>
    %sub3A_22 = vector.broadcast %tile3A : vector<1x256xf32> to vector<832x256xf32>
    %sub3A_23 = arith.subf %get3A_1, %sub3A_22 : vector<832x256xf32>
    %mul3A_24 = vector.broadcast %tile3A_17 : vector<1x256xf32> to vector<832x256xf32>
    %mul3A_25 = arith.mulf %mul3A_24, %sub3A_23 : vector<832x256xf32>
    %add3A = arith.constant 9.99999974E-6 : f32
    %add3A_26 = vector.broadcast %add3A : f32 to vector<1x256xf32>
    %add3A_27 = arith.addf %sub3A, %add3A_26 : vector<1x256xf32>
    %rsqrt3A = math.rsqrt %add3A_27 : vector<1x256xf32>
    %mul3A_28 = vector.broadcast %rsqrt3A : vector<1x256xf32> to vector<832x256xf32>
    %mul3A_29 = arith.mulf %mul3A_25, %mul3A_28 : vector<832x256xf32>
    %add3A_30 = vector.broadcast %tile3A_21 : vector<1x256xf32> to vector<832x256xf32>
    %add3A_31 = arith.addf %mul3A_29, %add3A_30 : vector<832x256xf32>
    %max3A = arith.constant 0.000000e+00 : f32
    %max3A_32 = vector.broadcast %max3A : f32 to vector<832x256xf32>
    %max3A_33 = arith.maximumf %add3A_31, %max3A_32 : vector<832x256xf32>
    %reduce_sum3A = arith.constant dense<0.000000e+00> : vector<256xf32>
    %reduce_sum3A_34 = vector.multi_reduction <add>, %max3A_33, %reduce_sum3A [0] : vector<832x256xf32> to vector<256xf32>
    %broadcast_in_dim3A = vector.shape_cast %reduce_sum3A_34 : vector<256xf32> to vector<1x256xf32>
    %mul3A_35 = arith.constant 0.00120192312 : f32
    %mul3A_36 = vector.broadcast %mul3A_35 : f32 to vector<1x256xf32>
    %mul3A_37 = arith.mulf %broadcast_in_dim3A, %mul3A_36 : vector<1x256xf32>
    %get3A_38 = arith.constant 0 : index
    %get3A_39 = arith.constant 0 : index
    %get3A_40 = vector.load %arg5[%get3A_38, %get3A_39] : memref<256x240xf32, #tpu.memory_space<vmem>>, vector<256x240xf32>
    %dot_general3A = arith.constant dense<0.000000e+00> : vector<1x240xf32>
    %dot_general3A_41 = tpu.matmul %mul3A_37, %get3A_40, %dot_general3A {dimension_numbers = #tpu.dot_dimension_numbers<[1], [0], [0], [1], [0, 0, 1, 1], [], []>, transpose_lhs_hint = false} : vector<1x256xf32>, vector<256x240xf32>, vector<1x240xf32> -> vector<1x240xf32>
    %get3A_42 = arith.constant 0 : index
    %get3A_43 = arith.constant 0 : index
    %get3A_44 = vector.load %arg6[%get3A_42, %get3A_43] : memref<1x240xf32, #tpu.memory_space<vmem>>, vector<1x240xf32>
    %add3A_45 = arith.addf %dot_general3A_41, %get3A_44 : vector<1x240xf32>
    %swap3A = arith.constant 0 : index
    %swap3A_46 = arith.constant 0 : index
    %swap3A_47 = arith.constant 0 : index
    %swap3A_48 = vector.load %arg7[%swap3A, %swap3A_46, %swap3A_47] : memref<1x1x240xf32, #tpu.memory_space<vmem>>, vector<1x1x240xf32>
    %swap3A_49 = vector.shape_cast %swap3A_48 : vector<1x1x240xf32> to vector<1x240xf32>
    %swap3A_50 = vector.shape_cast %add3A_45 : vector<1x240xf32> to vector<1x1x240xf32>
    tpu.vector_store %arg7[%swap3A, %swap3A_46, %swap3A_47], %swap3A_50 {strides = array<i32>} : memref<1x1x240xf32, #tpu.memory_space<vmem>>, vector<1x1x240xf32>,
    return
  }
  func.func @transform_0(%arg0: i32) -> (i32, i32) {
    %c0_i32 = arith.constant 0 : i32
    %c0_i32_0 = arith.constant 0 : i32
    return %c0_i32, %arg0 : i32, i32
  }
  func.func @transform_1(%arg0: i32) -> (i32, i32) {
    %c0_i32 = arith.constant 0 : i32
    %c0_i32_0 = arith.constant 0 : i32
    %c0_i32_1 = arith.constant 0 : i32
    return %c0_i32, %c0_i32_0 : i32, i32
  }
  func.func @transform_2(%arg0: i32) -> (i32, i32) {
    %c0_i32 = arith.constant 0 : i32
    %c0_i32_0 = arith.constant 0 : i32
    %c0_i32_1 = arith.constant 0 : i32
    return %c0_i32, %c0_i32_0 : i32, i32
  }
  func.func @transform_3(%arg0: i32) -> (i32, i32) {
    %c0_i32 = arith.constant 0 : i32
    %c0_i32_0 = arith.constant 0 : i32
    %c0_i32_1 = arith.constant 0 : i32
    return %c0_i32, %c0_i32_0 : i32, i32
  }
  func.func @transform_4(%arg0: i32) -> (i32, i32) {
    %c0_i32 = arith.constant 0 : i32
    %c0_i32_0 = arith.constant 0 : i32
    %c0_i32_1 = arith.constant 0 : i32
    return %c0_i32, %c0_i32_0 : i32, i32
  }
  func.func @transform_5(%arg0: i32) -> (i32, i32) {
    %c0_i32 = arith.constant 0 : i32
    %c0_i32_0 = arith.constant 0 : i32
    %c0_i32_1 = arith.constant 0 : i32
    return %c0_i32, %c0_i32_0 : i32, i32
  }
  func.func @transform_6(%arg0: i32) -> (i32, i32, i32) {
    %c0_i32 = arith.constant 0 : i32
    %c0_i32_0 = arith.constant 0 : i32
    %c0_i32_1 = arith.constant 0 : i32
    return %arg0, %c0_i32, %c0_i32_0 : i32, i32, i32
  }
}

module attributes {stable_mosaic.version = 14 : i64} {
  func.func @_loss_body(%arg0: memref<64x60xf32, #tpu.memory_space<vmem>>, %arg1: memref<128x60xf32, #tpu.memory_space<vmem>>, %arg2: memref<128x60xf32, #tpu.memory_space<vmem>>, %arg3: memref<1x128xi32, #tpu.memory_space<vmem>>, %arg4: memref<1x64xi32, #tpu.memory_space<vmem>>, %arg5: memref<1x64xi32, #tpu.memory_space<vmem>>, %arg6: memref<1x128xi32, #tpu.memory_space<vmem>>, %arg7: memref<1x128xi32, #tpu.memory_space<vmem>>, %arg8: memref<1x1xf32, #tpu.memory_space<vmem>>, %arg9: memref<1x1xf32, #tpu.memory_space<vmem>>, %arg10: memref<1x1xf32, #tpu.memory_space<vmem>>) attributes {dimension_semantics = [], scalar_prefetch = 0 : i64, scratch_operands = 0 : i64, tpu.core_type = #tpu.core_type<tc>} {
    %get3A = arith.constant 0 : index
    %get3A_0 = arith.constant 0 : index
    %get3A_1 = vector.load %arg0[%get3A, %get3A_0] : memref<64x60xf32, #tpu.memory_space<vmem>>, vector<64x60xf32>
    %reduce_max3A = arith.constant dense<0xFF800000> : vector<64xf32>
    %reduce_max3A_2 = vector.multi_reduction <maximumf>, %get3A_1, %reduce_max3A [1] : vector<64x60xf32> to vector<64xf32>
    %broadcast_in_dim3A = vector.shape_cast %reduce_max3A_2 : vector<64xf32> to vector<64x1xf32>
    %sub3A = vector.broadcast %broadcast_in_dim3A : vector<64x1xf32> to vector<64x60xf32>
    %sub3A_3 = arith.subf %get3A_1, %sub3A : vector<64x60xf32>
    %sub3A_4 = vector.broadcast %broadcast_in_dim3A : vector<64x1xf32> to vector<64x60xf32>
    %sub3A_5 = arith.subf %get3A_1, %sub3A_4 : vector<64x60xf32>
    %exp3A = math.exp %sub3A_5 : vector<64x60xf32>
    %reduce_sum3A = arith.constant dense<0.000000e+00> : vector<64xf32>
    %reduce_sum3A_6 = vector.multi_reduction <add>, %exp3A, %reduce_sum3A [1] : vector<64x60xf32> to vector<64xf32>
    %broadcast_in_dim3A_7 = vector.shape_cast %reduce_sum3A_6 : vector<64xf32> to vector<64x1xf32>
    %log3A = math.log %broadcast_in_dim3A_7 : vector<64x1xf32>
    %sub3A_8 = vector.broadcast %log3A : vector<64x1xf32> to vector<64x60xf32>
    %sub3A_9 = arith.subf %sub3A_3, %sub3A_8 : vector<64x60xf32>
    %get3A_10 = arith.constant 0 : index
    %get3A_11 = arith.constant 0 : index
    %get3A_12 = vector.load %arg1[%get3A_10, %get3A_11] : memref<128x60xf32, #tpu.memory_space<vmem>>, vector<128x60xf32>
    %reduce_max3A_13 = arith.constant dense<0xFF800000> : vector<128xf32>
    %reduce_max3A_14 = vector.multi_reduction <maximumf>, %get3A_12, %reduce_max3A_13 [1] : vector<128x60xf32> to vector<128xf32>
    %broadcast_in_dim3A_15 = vector.shape_cast %reduce_max3A_14 : vector<128xf32> to vector<128x1xf32>
    %sub3A_16 = vector.broadcast %broadcast_in_dim3A_15 : vector<128x1xf32> to vector<128x60xf32>
    %sub3A_17 = arith.subf %get3A_12, %sub3A_16 : vector<128x60xf32>
    %sub3A_18 = vector.broadcast %broadcast_in_dim3A_15 : vector<128x1xf32> to vector<128x60xf32>
    %sub3A_19 = arith.subf %get3A_12, %sub3A_18 : vector<128x60xf32>
    %exp3A_20 = math.exp %sub3A_19 : vector<128x60xf32>
    %reduce_sum3A_21 = arith.constant dense<0.000000e+00> : vector<128xf32>
    %reduce_sum3A_22 = vector.multi_reduction <add>, %exp3A_20, %reduce_sum3A_21 [1] : vector<128x60xf32> to vector<128xf32>
    %broadcast_in_dim3A_23 = vector.shape_cast %reduce_sum3A_22 : vector<128xf32> to vector<128x1xf32>
    %log3A_24 = math.log %broadcast_in_dim3A_23 : vector<128x1xf32>
    %sub3A_25 = vector.broadcast %log3A_24 : vector<128x1xf32> to vector<128x60xf32>
    %sub3A_26 = arith.subf %sub3A_17, %sub3A_25 : vector<128x60xf32>
    %get3A_27 = arith.constant 0 : index
    %get3A_28 = arith.constant 0 : index
    %get3A_29 = vector.load %arg2[%get3A_27, %get3A_28] : memref<128x60xf32, #tpu.memory_space<vmem>>, vector<128x60xf32>
    %reduce_max3A_30 = arith.constant dense<0xFF800000> : vector<128xf32>
    %reduce_max3A_31 = vector.multi_reduction <maximumf>, %get3A_29, %reduce_max3A_30 [1] : vector<128x60xf32> to vector<128xf32>
    %broadcast_in_dim3A_32 = vector.shape_cast %reduce_max3A_31 : vector<128xf32> to vector<128x1xf32>
    %sub3A_33 = vector.broadcast %broadcast_in_dim3A_32 : vector<128x1xf32> to vector<128x60xf32>
    %sub3A_34 = arith.subf %get3A_29, %sub3A_33 : vector<128x60xf32>
    %sub3A_35 = vector.broadcast %broadcast_in_dim3A_32 : vector<128x1xf32> to vector<128x60xf32>
    %sub3A_36 = arith.subf %get3A_29, %sub3A_35 : vector<128x60xf32>
    %exp3A_37 = math.exp %sub3A_36 : vector<128x60xf32>
    %reduce_sum3A_38 = arith.constant dense<0.000000e+00> : vector<128xf32>
    %reduce_sum3A_39 = vector.multi_reduction <add>, %exp3A_37, %reduce_sum3A_38 [1] : vector<128x60xf32> to vector<128xf32>
    %broadcast_in_dim3A_40 = vector.shape_cast %reduce_sum3A_39 : vector<128xf32> to vector<128x1xf32>
    %log3A_41 = math.log %broadcast_in_dim3A_40 : vector<128x1xf32>
    %sub3A_42 = vector.broadcast %log3A_41 : vector<128x1xf32> to vector<128x60xf32>
    %sub3A_43 = arith.subf %sub3A_34, %sub3A_42 : vector<128x60xf32>
    %reduce_max3A_44 = arith.constant dense<0xFF800000> : vector<64xf32>
    %reduce_max3A_45 = vector.multi_reduction <maximumf>, %sub3A_9, %reduce_max3A_44 [1] : vector<64x60xf32> to vector<64xf32>
    %broadcast_in_dim3A_46 = vector.shape_cast %reduce_max3A_45 : vector<64xf32> to vector<64x1xf32>
    %iota3A = tpu.iota {dimensions = array<i32: 1>} : vector<64x60xi32>
    %ge3A = vector.broadcast %broadcast_in_dim3A_46 : vector<64x1xf32> to vector<64x60xf32>
    %ge3A_47 = arith.cmpf oge, %sub3A_9, %ge3A : vector<64x60xf32>
    %jit3A = arith.constant 60 : i32
    %broadcast_in_dim3A_48 = vector.broadcast %jit3A : i32 to vector<64x60xi32>
    %select_n3A = arith.select %ge3A_47, %iota3A, %broadcast_in_dim3A_48 : vector<64x60xi1>, vector<64x60xi32>
    %reduce_min3A = arith.constant dense<2147483647> : vector<64xi32>
    %reduce_min3A_49 = vector.multi_reduction <minsi>, %select_n3A, %reduce_min3A [1] : vector<64x60xi32> to vector<64xi32>
    %reduce_max3A_50 = arith.constant dense<0xFF800000> : vector<128xf32>
    %reduce_max3A_51 = vector.multi_reduction <maximumf>, %sub3A_26, %reduce_max3A_50 [1] : vector<128x60xf32> to vector<128xf32>
    %broadcast_in_dim3A_52 = vector.shape_cast %reduce_max3A_51 : vector<128xf32> to vector<128x1xf32>
    %iota3A_53 = tpu.iota {dimensions = array<i32: 1>} : vector<128x60xi32>
    %ge3A_54 = vector.broadcast %broadcast_in_dim3A_52 : vector<128x1xf32> to vector<128x60xf32>
    %ge3A_55 = arith.cmpf oge, %sub3A_26, %ge3A_54 : vector<128x60xf32>
    %jit3A_56 = arith.constant 60 : i32
    %broadcast_in_dim3A_57 = vector.broadcast %jit3A_56 : i32 to vector<128x60xi32>
    %select_n3A_58 = arith.select %ge3A_55, %iota3A_53, %broadcast_in_dim3A_57 : vector<128x60xi1>, vector<128x60xi32>
    %reduce_min3A_59 = arith.constant dense<2147483647> : vector<128xi32>
    %reduce_min3A_60 = vector.multi_reduction <minsi>, %select_n3A_58, %reduce_min3A_59 [1] : vector<128x60xi32> to vector<128xi32>
    %reduce_max3A_61 = arith.constant dense<0xFF800000> : vector<128xf32>
    %reduce_max3A_62 = vector.multi_reduction <maximumf>, %sub3A_43, %reduce_max3A_61 [1] : vector<128x60xf32> to vector<128xf32>
    %broadcast_in_dim3A_63 = vector.shape_cast %reduce_max3A_62 : vector<128xf32> to vector<128x1xf32>
    %iota3A_64 = tpu.iota {dimensions = array<i32: 1>} : vector<128x60xi32>
    %ge3A_65 = vector.broadcast %broadcast_in_dim3A_63 : vector<128x1xf32> to vector<128x60xf32>
    %ge3A_66 = arith.cmpf oge, %sub3A_43, %ge3A_65 : vector<128x60xf32>
    %jit3A_67 = arith.constant 60 : i32
    %broadcast_in_dim3A_68 = vector.broadcast %jit3A_67 : i32 to vector<128x60xi32>
    %select_n3A_69 = arith.select %ge3A_66, %iota3A_64, %broadcast_in_dim3A_68 : vector<128x60xi1>, vector<128x60xi32>
    %reduce_min3A_70 = arith.constant dense<2147483647> : vector<128xi32>
    %reduce_min3A_71 = vector.multi_reduction <minsi>, %select_n3A_69, %reduce_min3A_70 [1] : vector<128x60xi32> to vector<128xi32>
    %broadcast_in_dim3A_72 = vector.shape_cast %reduce_min3A_49 : vector<64xi32> to vector<1x64xi32>
    %swap3A = arith.constant 0 : index
    %swap3A_73 = arith.constant 0 : index
    %swap3A_74 = vector.load %arg5[%swap3A, %swap3A_73] : memref<1x64xi32, #tpu.memory_space<vmem>>, vector<1x64xi32>
    tpu.vector_store %arg5[%swap3A, %swap3A_73], %broadcast_in_dim3A_72 {strides = array<i32>} : memref<1x64xi32, #tpu.memory_space<vmem>>, vector<1x64xi32>,
    %broadcast_in_dim3A_75 = vector.shape_cast %reduce_min3A_60 : vector<128xi32> to vector<1x128xi32>
    %swap3A_76 = arith.constant 0 : index
    %swap3A_77 = arith.constant 0 : index
    %swap3A_78 = vector.load %arg6[%swap3A_76, %swap3A_77] : memref<1x128xi32, #tpu.memory_space<vmem>>, vector<1x128xi32>
    tpu.vector_store %arg6[%swap3A_76, %swap3A_77], %broadcast_in_dim3A_75 {strides = array<i32>} : memref<1x128xi32, #tpu.memory_space<vmem>>, vector<1x128xi32>,
    %broadcast_in_dim3A_79 = vector.shape_cast %reduce_min3A_71 : vector<128xi32> to vector<1x128xi32>
    %swap3A_80 = arith.constant 0 : index
    %swap3A_81 = arith.constant 0 : index
    %swap3A_82 = vector.load %arg7[%swap3A_80, %swap3A_81] : memref<1x128xi32, #tpu.memory_space<vmem>>, vector<1x128xi32>
    tpu.vector_store %arg7[%swap3A_80, %swap3A_81], %broadcast_in_dim3A_79 {strides = array<i32>} : memref<1x128xi32, #tpu.memory_space<vmem>>, vector<1x128xi32>,
    %get3A_83 = arith.constant 0 : index
    %get3A_84 = arith.constant 0 : index
    %get3A_85 = vector.load %arg4[%get3A_83, %get3A_84] : memref<1x64xi32, #tpu.memory_space<vmem>>, vector<1x64xi32>
    %reshape3A = vector.shape_cast %get3A_85 : vector<1x64xi32> to vector<64x1xi32>
    %iota3A_86 = tpu.iota {dimensions = array<i32: 1>} : vector<64x128xi32>
    %get3A_87 = arith.constant 0 : index
    %get3A_88 = arith.constant 0 : index
    %get3A_89 = vector.load %arg3[%get3A_87, %get3A_88] : memref<1x128xi32, #tpu.memory_space<vmem>>, vector<1x128xi32>
    %broadcast_in_dim3A_90 = vector.shape_cast %get3A_89 : vector<1x128xi32> to vector<1x128xi32>
    %broadcast_in_dim3A_91 = vector.broadcast %broadcast_in_dim3A_90 : vector<1x128xi32> to vector<64x128xi32>
    %eq3A = vector.broadcast %reshape3A : vector<64x1xi32> to vector<64x128xi32>
    %eq3A_92 = arith.cmpi eq, %iota3A_86, %eq3A : vector<64x128xi32>
    %jit3A_93 = arith.constant 0 : i32
    %broadcast_in_dim3A_94 = vector.broadcast %jit3A_93 : i32 to vector<64x128xi32>
    %select_n3A_95 = arith.select %eq3A_92, %broadcast_in_dim3A_91, %broadcast_in_dim3A_94 : vector<64x128xi1>, vector<64x128xi32>
    %reduce_sum3A_96 = arith.constant dense<0> : vector<64xi32>
    %reduce_sum3A_97 = vector.multi_reduction <add>, %select_n3A_95, %reduce_sum3A_96 [1] : vector<64x128xi32> to vector<64xi32>
    %iota3A_98 = tpu.iota {dimensions = array<i32: 1>} : vector<64x60xi32>
    %broadcast_in_dim3A_99 = vector.shape_cast %reduce_sum3A_97 : vector<64xi32> to vector<64x1xi32>
    %eq3A_100 = vector.broadcast %broadcast_in_dim3A_99 : vector<64x1xi32> to vector<64x60xi32>
    %eq3A_101 = arith.cmpi eq, %iota3A_98, %eq3A_100 : vector<64x60xi32>
    %jit3A_102 = arith.constant 0.000000e+00 : f32
    %broadcast_in_dim3A_103 = vector.broadcast %jit3A_102 : f32 to vector<64x60xf32>
    %select_n3A_104 = arith.select %eq3A_101, %sub3A_9, %broadcast_in_dim3A_103 : vector<64x60xi1>, vector<64x60xf32>
    %reduce_sum3A_105 = arith.constant dense<0.000000e+00> : vector<64xf32>
    %reduce_sum3A_106 = vector.multi_reduction <add>, %select_n3A_104, %reduce_sum3A_105 [1] : vector<64x60xf32> to vector<64xf32>
    %reduce_sum3A_107 = vector.shape_cast %reduce_sum3A_106 : vector<64xf32> to vector<1x64xf32>
    %reduce_sum3A_108 = arith.constant dense<0.000000e+00> : vector<1xf32>
    %reduce_sum3A_109 = vector.multi_reduction <add>, %reduce_sum3A_107, %reduce_sum3A_108 [1] : vector<1x64xf32> to vector<1xf32>
    %reduce_sum3A_110 = vector.shape_cast %reduce_sum3A_109 : vector<1xf32> to vector<1x1xf32>
    %reduce_sum3A_111 = vector.extract %reduce_sum3A_110[0, 0] : f32 from vector<1x1xf32>
    %div3A = arith.constant 6.400000e+01 : f32
    %div3A_112 = arith.divf %reduce_sum3A_111, %div3A : f32
    %neg3A = arith.constant 0.000000e+00 : f32
    %neg3A_113 = arith.subf %neg3A, %div3A_112 : f32
    %reshape3A_114 = vector.broadcast %neg3A_113 : f32 to vector<1x1xf32>
    %swap3A_115 = arith.constant 0 : index
    %swap3A_116 = arith.constant 0 : index
    %swap3A_117 = vector.load %arg8[%swap3A_115, %swap3A_116] : memref<1x1xf32, #tpu.memory_space<vmem>>, vector<1x1xf32>
    tpu.vector_store %arg8[%swap3A_115, %swap3A_116], %reshape3A_114 {strides = array<i32>} : memref<1x1xf32, #tpu.memory_space<vmem>>, vector<1x1xf32>,
    %iota3A_118 = tpu.iota {dimensions = array<i32: 1>} : vector<128x60xi32>
    %broadcast_in_dim3A_119 = vector.shape_cast %reduce_min3A_71 : vector<128xi32> to vector<128x1xi32>
    %eq3A_120 = vector.broadcast %broadcast_in_dim3A_119 : vector<128x1xi32> to vector<128x60xi32>
    %eq3A_121 = arith.cmpi eq, %iota3A_118, %eq3A_120 : vector<128x60xi32>
    %jit3A_122 = arith.constant 0.000000e+00 : f32
    %broadcast_in_dim3A_123 = vector.broadcast %jit3A_122 : f32 to vector<128x60xf32>
    %select_n3A_124 = arith.select %eq3A_121, %sub3A_26, %broadcast_in_dim3A_123 : vector<128x60xi1>, vector<128x60xf32>
    %reduce_sum3A_125 = arith.constant dense<0.000000e+00> : vector<128xf32>
    %reduce_sum3A_126 = vector.multi_reduction <add>, %select_n3A_124, %reduce_sum3A_125 [1] : vector<128x60xf32> to vector<128xf32>
    %reduce_sum3A_127 = vector.shape_cast %reduce_sum3A_126 : vector<128xf32> to vector<1x128xf32>
    %reduce_sum3A_128 = arith.constant dense<0.000000e+00> : vector<1xf32>
    %reduce_sum3A_129 = vector.multi_reduction <add>, %reduce_sum3A_127, %reduce_sum3A_128 [1] : vector<1x128xf32> to vector<1xf32>
    %reduce_sum3A_130 = vector.shape_cast %reduce_sum3A_129 : vector<1xf32> to vector<1x1xf32>
    %reduce_sum3A_131 = vector.extract %reduce_sum3A_130[0, 0] : f32 from vector<1x1xf32>
    %div3A_132 = arith.constant 1.280000e+02 : f32
    %div3A_133 = arith.divf %reduce_sum3A_131, %div3A_132 : f32
    %neg3A_134 = arith.constant 0.000000e+00 : f32
    %neg3A_135 = arith.subf %neg3A_134, %div3A_133 : f32
    %reshape3A_136 = vector.broadcast %neg3A_135 : f32 to vector<1x1xf32>
    %swap3A_137 = arith.constant 0 : index
    %swap3A_138 = arith.constant 0 : index
    %swap3A_139 = vector.load %arg9[%swap3A_137, %swap3A_138] : memref<1x1xf32, #tpu.memory_space<vmem>>, vector<1x1xf32>
    tpu.vector_store %arg9[%swap3A_137, %swap3A_138], %reshape3A_136 {strides = array<i32>} : memref<1x1xf32, #tpu.memory_space<vmem>>, vector<1x1xf32>,
    %iota3A_140 = tpu.iota {dimensions = array<i32: 1>} : vector<128x60xi32>
    %broadcast_in_dim3A_141 = vector.shape_cast %reduce_min3A_60 : vector<128xi32> to vector<128x1xi32>
    %eq3A_142 = vector.broadcast %broadcast_in_dim3A_141 : vector<128x1xi32> to vector<128x60xi32>
    %eq3A_143 = arith.cmpi eq, %iota3A_140, %eq3A_142 : vector<128x60xi32>
    %jit3A_144 = arith.constant 0.000000e+00 : f32
    %broadcast_in_dim3A_145 = vector.broadcast %jit3A_144 : f32 to vector<128x60xf32>
    %select_n3A_146 = arith.select %eq3A_143, %sub3A_43, %broadcast_in_dim3A_145 : vector<128x60xi1>, vector<128x60xf32>
    %reduce_sum3A_147 = arith.constant dense<0.000000e+00> : vector<128xf32>
    %reduce_sum3A_148 = vector.multi_reduction <add>, %select_n3A_146, %reduce_sum3A_147 [1] : vector<128x60xf32> to vector<128xf32>
    %reduce_sum3A_149 = vector.shape_cast %reduce_sum3A_148 : vector<128xf32> to vector<1x128xf32>
    %reduce_sum3A_150 = arith.constant dense<0.000000e+00> : vector<1xf32>
    %reduce_sum3A_151 = vector.multi_reduction <add>, %reduce_sum3A_149, %reduce_sum3A_150 [1] : vector<1x128xf32> to vector<1xf32>
    %reduce_sum3A_152 = vector.shape_cast %reduce_sum3A_151 : vector<1xf32> to vector<1x1xf32>
    %reduce_sum3A_153 = vector.extract %reduce_sum3A_152[0, 0] : f32 from vector<1x1xf32>
    %div3A_154 = arith.constant 1.280000e+02 : f32
    %div3A_155 = arith.divf %reduce_sum3A_153, %div3A_154 : f32
    %neg3A_156 = arith.constant 0.000000e+00 : f32
    %neg3A_157 = arith.subf %neg3A_156, %div3A_155 : f32
    %reshape3A_158 = vector.broadcast %neg3A_157 : f32 to vector<1x1xf32>
    %swap3A_159 = arith.constant 0 : index
    %swap3A_160 = arith.constant 0 : index
    %swap3A_161 = vector.load %arg10[%swap3A_159, %swap3A_160] : memref<1x1xf32, #tpu.memory_space<vmem>>, vector<1x1xf32>
    tpu.vector_store %arg10[%swap3A_159, %swap3A_160], %reshape3A_158 {strides = array<i32>} : memref<1x1xf32, #tpu.memory_space<vmem>>, vector<1x1xf32>,
    return
  }
}

</mosaic_0001>

<sc_bundles>
// kernel: kernel.24.cloned.1.call-start
scs
__scs_entry_jumppad:
0x0: {  	(pc) =	sbr.rel $0x88, $3  }
0x1: {  	(tag) =	ssettag $0x0;
	lr =	simm.s32 $0x1  }
0x2: {  	[smem:$0x3F6E] =	sst lr;
	_ =	strace $0xD0000000  }
0x3: {  	_ = 	snop  }
0x4: {  	_ = 	snop  }
0x5: {  	_ = 	snop  }
0x6: {  	_ = 	snop  }
0x7: {  	_ = 	snop  }
__scs_overlays_trampoline_lowered:
0x8: {  	[smem:$0x3F7D] =	sst s0  }
0x9: {  	[smem:$0x3F7E] =	sst s1  }
0xa: {  	[smem:$0x3F7F] =	sst s2  }
0xb: {  	[smem:$0x3F80] =	sst s3  }
0xc: {  	[smem:$0x3F81] =	sst s4  }
0xd: {  	[smem:$0x3F82] =	sst s5  }
0xe: {  	[smem:$0x3F83] =	sst s6  }
0xf: {  	[smem:$0x3F84] =	sst s7  }
0x10: {  	[smem:$0x3F85] =	sst s8  }
0x11: {  	[smem:$0x3F86] =	sst s9;
	s0 =	simm.s32 @!p0 $0x0  }
0x12: {  	s1 =	sld [smem:$0x3F6C];
	s0 =	simm.s32 @p0 $0x1  }
0x13: {  	[smem:$0x3F87] =	sst s0;
	s0 =	simm.s32 @!p1 $0x0  }
0x14: {  	s2 =	sld [smem:$0x3F6B];
	s0 =	simm.s32 @p1 $0x1  }
0x15: {  	[smem:$0x3F88] =	sst s0;
	s0 =	simm.s32 @!p2 $0x0  }
0x16: {  	s3 =	sld [smem:$0x3FDB];
	s0 =	simm.s32 @p2 $0x1  }
0x17: {  	s4 =	simm.s32 $0x1BF5;
	[smem:$0x3F8A] =	sst s0  }
0x18: {  	s0 =	sld [smem:$0x3F6D];
	_ =	swait.ge [sflag:s4], $0x0  }
0x19: {  	s7 =	sld [smem:$0x3F6E]  }
0x1a: {  	s8 =	sadd.s32 $0xFFFFE003, lr  }
0x1b: {  	s9 =	sadd.s32 $0xFFFFFEF7, lr;
	s5 =	simm.s32 $0xFFFFFFFF;
	p2 =	slt.u32 s8, $0xFFFFF086  }
0x1c: {  	p1 =	slt.u32 s9, $0xF7A;
	s5 =	simm.s32 @!p2 $0x0  }
0x1d: {  	s5 =	simm.s32 @p1 $0x1;
	p0 =	seq.s32 s7, s2  }
0x1e: {  	s7 =	smul.u32 @!p0 $0xF7A, s2;
	p2 =	seq.s32 @!p0 s5, $0x0  }
0x1f: {  	s9 =	smul.u32 $0xF7A, s1;
	s8 =	simm.s32 @!p0 $0x1BF5;
	p2 =	por !p2, p0  }
0x20: {  	[sflag:s8] =	ssyncset.s32 @!p0 $0xFFFFF086;
	s6 =	sadd.s32 @!p0 s3, s7;
	s7 =	simm.s32 @!p0 $0x108  }
0x21: {  	s3 =	sadd.s32 s3, s9;
	s6 =	sadd.s32 @!p0 $0x88, s6;
	s7 =	simm.s32 @p2 $0x1082  }
0x22: {  	[simem:s7], [sflag:s8] =	dma.local @!p0 [hbm:s6], $0xF7A  }
0x23: {  	s9 =	sor.u32 $0xD0000000, s2;
	s6 =	simm.s32 $0x108;
	_ =	swait.ge @!p0 [sflag:s8], $0x0  }
0x24: {  	s3 =	sadd.s32 $0x88, s3;
	s6 =	simm.s32 @!p1 $0x1082;
	[sflag:s4] =	ssyncset.s32 $0xFFFFF086  }
0x25: {  	[simem:s6], [sflag:s4] =	dma.local [hbm:s3], $0xF7A  }
0x26: {  	[smem:$0x3F6E] =	sst s1;
	(tag) =	ssettag s2;
	_ =	strace s9  }
0x27: {  	s1 =	sld [smem:$0x3F7E]  }
0x28: {  	s2 =	sld [smem:$0x3F7F]  }
0x29: {  	s4 =	sld [smem:$0x3F81]  }
0x2a: {  	p0 =	seq.s32 s5, $0x0;
	s5 =	sld [smem:$0x3F82]  }
0x2b: {  	s6 =	sld [smem:$0x3F83]  }
0x2c: {  	s7 =	sld [smem:$0x3F84]  }
0x2d: {  	s3 =	simm.s32 $0x108;
	s8 =	sld [smem:$0x3F85]  }
0x2e: {  	s3 =	simm.s32 @!p0 $0x1082;
	s9 =	sld [smem:$0x3F86]  }
0x2f: {  	lr =	sadd.s32 s0, s3;
	s0 =	sld [smem:$0x3F7D]  }
0x30: {  	s3 =	sld [smem:$0x3F80]  }
0x31: {  	[smem:$0x3F89] =	sst s10  }
0x32: {  	s10 =	sld [smem:$0x3F87];
	_ =	sdelay $0x3  }
0x33: {  	p0 =	seq.s32 s10, $0x1;
	s10 =	sld [smem:$0x3F89];
	_ =	sdelay $0x3  }
0x34: {  	[smem:$0x3F89] =	sst s10  }
0x35: {  	s10 =	sld [smem:$0x3F88];
	_ =	sdelay $0x3  }
0x36: {  	p1 =	seq.s32 s10, $0x1;
	s10 =	sld [smem:$0x3F89];
	_ =	sdelay $0x3  }
0x37: {  	[smem:$0x3F89] =	sst s10  }
0x38: {  	s10 =	sld [smem:$0x3F8A]  }
0x39: {  	_ = 	snop;
	(pc) =	sbr.ind lr, $3  }
0x3a: {  	_ = 	snop  }
0x3b: {  	_ = 	snop  }
0x3c: {  	p2 =	seq.s32 s10, $0x1;
	s10 =	sld [smem:$0x3F89]  }
0x3d: {  	_ =	shalt  }
0x3e: {  	_ =	shalt  }
0x3f: {  	_ =	shalt  }
0x40: {  	_ =	shalt  }
0x41: {  	_ =	shalt  }
0x42: {  	_ =	shalt  }
0x43: {  	_ =	shalt  }
0x44: {  	_ =	shalt  }
0x45: {  	_ =	shalt  }
0x46: {  	_ =	shalt  }
0x47: {  	_ =	shalt  }
0x48: {  	_ =	shalt  }
0x49: {  	_ =	shalt  }
0x4a: {  	_ =	shalt  }
0x4b: {  	_ =	shalt  }
0x4c: {  	_ =	shalt  }
0x4d: {  	_ =	shalt  }
0x4e: {  	_ =	shalt  }
0x4f: {  	_ =	shalt  }
0x50: {  	_ =	shalt  }
0x51: {  	_ =	shalt  }
0x52: {  	_ =	shalt  }
0x53: {  	_ =	shalt  }
0x54: {  	_ =	shalt  }
0x55: {  	_ =	shalt  }
0x56: {  	_ =	shalt  }
0x57: {  	_ =	shalt  }
0x58: {  	_ =	shalt  }
0x59: {  	_ =	shalt  }
0x5a: {  	_ =	shalt  }
0x5b: {  	_ =	shalt  }
0x5c: {  	_ =	shalt  }
0x5d: {  	_ =	shalt  }
0x5e: {  	_ =	shalt  }
0x5f: {  	_ =	shalt  }
0x60: {  	_ =	shalt  }
0x61: {  	_ =	shalt  }
0x62: {  	_ =	shalt  }
0x63: {  	_ =	shalt  }
0x64: {  	_ =	shalt  }
0x65: {  	_ =	shalt  }
0x66: {  	_ =	shalt  }
0x67: {  	_ =	shalt  }
0x68: {  	_ =	shalt  }
0x69: {  	_ =	shalt  }
0x6a: {  	_ =	shalt  }
0x6b: {  	_ =	shalt  }
0x6c: {  	_ =	shalt  }
0x6d: {  	_ =	shalt  }
0x6e: {  	_ =	shalt  }
0x6f: {  	_ =	shalt  }
0x70: {  	_ =	shalt  }
0x71: {  	_ =	shalt  }
0x72: {  	_ =	shalt  }
0x73: {  	_ =	shalt  }
0x74: {  	_ =	shalt  }
0x75: {  	_ =	shalt  }
0x76: {  	_ =	shalt  }
0x77: {  	_ =	shalt  }
0x78: {  	_ =	shalt  }
0x79: {  	_ =	shalt  }
0x7a: {  	_ =	shalt  }
0x7b: {  	_ =	shalt  }
0x7c: {  	_ =	shalt  }
0x7d: {  	_ =	shalt  }
0x7e: {  	_ =	shalt  }
0x7f: {  	_ =	shalt  }
0x80: {  	_ =	shalt  }
0x81: {  	_ =	shalt  }
0x82: {  	_ =	shalt  }
0x83: {  	_ =	shalt  }
0x84: {  	_ =	shalt  }
0x85: {  	_ =	shalt  }
0x86: {  	_ =	shalt  }
0x87: {  	_ =	shalt  }
.Lfunc_end0:
.L_simem_size_0:
called_computation_lowered:
.L_overlay_start_0:
0x88: {  	s2 =	sld [smem:$0x3FD9]  }
0x89: {  	s3 =	sld [smem:$0x3FFE];
	_ =	sdelay $0x1  }
0x8a: {  	s1 =	srdreg.scid  }
0x8b: {  	s0 =	sand.u32 $0x1, s1  }
0x8c: {  	s16 =	sshll.u32 s0, $0xA;
	s2 =	sadd.s32 s3, s2  }
0x8d: {  	s2 =	sadd.s32 s2, s16  }
0x8e: {  	[smem:$0x3F95] =	sst s2  }
0x8f: {  	_ = 	snop  }
0x90: {  	(tm) =	ssettm $0x1  }
0x91: {  	s17 =	sld [smem:$0x3FFB];
	_ =	sdelay $0x3  }
0x92: {  	_ =	strace s17  }
0x93: {  	s2 =	sld [smem:$0x3FFC];
	_ =	sdelay $0x3  }
0x94: {  	_ =	strace s2  }
0x95: {  	s2 =	sld [smem:$0x3FFD];
	_ =	sdelay $0x3  }
0x96: {  	_ =	strace s2  }
0x97: {  	_ =	strace $0x8FFFFFFF  }
0x98: {  	s18 =	sld [smem:$0x3FDB];
	_ =	sdelay $0x1  }
0x99: {  	s19 =	simm.s32 $_scs_section_size  }
0x9a: {  	s4 =	simm.s32 $_size__tile_overlayer_lowered;
	s5 =	simm.s32 $_tile_overlayer_lowered  }
0x9b: {  	s22 =	simm.s32 $0x1BFF;
	s21 =	sshll.u32 s5, $0x1;
	s2 =	sadd.s32 s19, s18  }
0x9c: {  	s6 =	simm.s32 $0x0;
	s20 =	sshll.u32 s4, $0x1;
	s4 =	sadd.s32 s21, s2  }
0x9d: {  	[timem:s6], [sflag:s22] =	dma.local [hbm:s4], s20  }
0x9e: {  	_ =	swait.ge [sflag:s22], s20  }
0x9f: {  	s3 =	ssub.s32 $0x0, s20;
	[sflag:s22] =	ssyncset.done $0x0  }
0xa0: {  	[sflag:s22] =	ssyncadd.s32 s3;
	_ =	sdelay $0x1  }
0xa1: {  	s23 =	simm.s32 $0x1B8B  }
0xa2: {  	_ =	swait.ge [sflag:s23], $0x1  }
0xa3: {  	[sflag:s23] =	ssyncset.done $0x0  }
0xa4: {  	s25 =	simm.s32 $0x1B8E;
	s24 =	sld [smem:$0x3FFE];
	[sflag:s23] =	ssyncadd.s32 $0xFFFFFFFF  }
0xa5: {  	s26 =	simm.s32 $execute0_lowered;
	[smem:$0x3FD2] =	sst s25  }
0xa6: {  	s4 =	sshll.u32 s26, $0x1;
	_ =	strace $0x80000046;
	[dreg:$0x1] =	wrdreg $0xFFFFFFFF  }
0xa7: {  	s28 =	simm.s32 $_size_execute0_lowered;
	s2 =	sadd.s32 s2, s4;
	[dreg:$0x0] =	wrdreg $0x0  }
0xa8: {  	s4 =	sshll.u32 s28, $0x1;
	[dreg:$0x2] =	wrdreg s2  }
0xa9: {  	[dreg:$0x3] =	wrdreg s4  }
0xaa: {  	[dreg:$0x4] =	wrdreg $0xC0  }
0xab: {  	_ =	task [dreg:s6], $0x5FFFF  }
0xac: {  	[dreg:$0x1] =	wrdreg $0xFFFFFFFF  }
0xad: {  	[dreg:$0x0] =	wrdreg $0x60  }
0xae: {  	[dreg:$0x2] =	wrdreg s24  }
0xaf: {  	[dreg:$0x3] =	wrdreg $0x9  }
0xb0: {  	_ =	task.clear_ibuf [dreg:s6], $0x4FFFF;
	_ =	strace $0x90000046  }
0xb1: {  	s29 =	simm.s32 $0x9;
	_ =	strace $0x80000048  }
0xb2: {  	_ =	swait.ge [sflag:s29], $0x1  }
0xb3: {  	[sflag:s29] =	ssyncadd.s32 $0xFFFFFFFF  }
0xb4: {  	_ =	strace $0x90000048  }
0xb5: {  	_ =	sfence  }
0xb6: {  	s30 =	sld [smem:$0x0];
	_ =	sdelay $0x2  }
0xb7: {  	s31 =	sshll.u32 s1, $0xD;
	s1 =	sshrl.u32 s1, $0x2  }
0xb8: {  	s3 =	sand.u32 $0x4000, s31;
	s1 =	sadd.s32 s1, s30  }
0xb9: {  	s0 =	sor.u32 s3, s0;
	s1 =	sshll.u32 s1, $0x11  }
0xba: {  	s0 =	sor.u32 s1, s0  }
0xbb: {  	s0 =	sadd.s32 $0x8F2B, s0  }
0xbc: {  	[sflag:s0] =	ssyncadd.remote.s32 $0x1  }
0xbd: {  	_ =	sfence.sel $0xFFFF  }
0xbe: {  	[dreg:$0x0] =	wrdreg $0xFFFFFFFF;
	(pc) =	sbr.abs _section_cstart, $3  }
0xbf: {  	[dreg:$0x1] =	wrdreg $0xFFFFFFFF  }
0xc0: {  	_ =	task.clear_ibuf [dreg:s6], $0x2FFFF;
	_ =	strace $0x9FFFFFFF  }
0xc1: {  	(tm) =	ssettm $0x7FFFFFFF  }
tec
execute0_lowered:
.L_overlay_start_1:
0x0: {  	(tag) =	ssettag $0x1  }
0x1: {  	s0 =	srdreg.scid  }
0x2: {  	s4 =	sand.u32 $0x1, s0  }
0x3: {  	s0 =	stileid.u32;
	s1 =	sshll.u32 s4, $0x4  }
0x4: {  	s11 =	rddreg [dreg:$0x0];
	v3 =	vlaneseq.u32;
	s5 =	sor.u32 s0, s1  }
0x5: {  	s2 =	simm.s32 $0x0;
	s14 =	simm.s32 $0x3200;
	v4 =	vmul.u32 $0x640, v3;
	s10 =	smul.u32 $0x32, s5  }
0x6: {  	vm0 =	vmmov $0x3;
	s15 =	simm.s32 $0x1;
	s16 =	simm.s32 $0x1900;
	s17 =	simm.s32 $0x3880;
	v5 =	vor.u32 $0x10, v3;
	v6 =	vor.u32 $0x20, v3  }
0x7: {  	s18 =	simm.s32 $0x0;
	[smem:$0x7FF] =	sst s2;
	s3 =	sadd.s32 $0xAE00, s11;
	v8 =	vor.u32 $0x30, v3;
	v7 =	vadd.s32 $0x6400, v4;
	v0 =	vmov s10  }
0x8: {  	s9 =	sadd.s32 $0xA640, s11;
	s8 =	ssub.s32 $0x2, s4;
	s6 =	sadd.s32 $0x32, s10;
	v2 =	vadd.s32 s10, v3;
	v5 =	vadd.s32 s10, v5;
	v6 =	vadd.s32 s10, v6  }
0x9: {  	s4 =	sadd.s32 $0xA000, s11;
	s1 =	rddreg [dreg:$0x1];
	s31 =	sshrl.u32 s8, $0x1;
	v1 =	vmov s6;
	v2 =	vmin.u32 v2, $0x63F;
	v5 =	vmin.u32 v5, $0x63F  }
0xa: {  	_ =	strace $0x80000047;
	s7 =	smul.u32 $0x2710, s5;
	s13 =	ssub.s32 s8, s31;
	v3 =	vadd.s32 v7, v5;
	v5 =	vmin.u32 v6, $0x63F;
	v6 =	vadd.s32 s10, v8  }
0xb: {  	s5 =	sadd.s32 $0xBC00, s11;
	s8 =	sadd.s32 $0xB440, s11;
	s13 =	smax.u32 s13, $0x1;
	v7 =	vadd.s32 $0xC800, v4;
	v8 =	vadd.s32 $0x12C00, v4;
	v6 =	vmin.u32 v6, $0x63F  }
0xc: {  	s12 =	sadd.s32 s7, s11;
	s7 =	sadd.s32 $0xA320, s11;
	s6 =	sadd.s32 $0xB120, s11;
	v2 =	vadd.s32 v4, v2;
	v4 =	vadd.s32 v7, v5;
	v5 =	vadd.s32 v8, v6  }
0xd: {  	s12 =	sadd.s32 $0xBE00, s12;
	s10 =	sadd.s32 $0xB760, s11;
	s11 =	sadd.s32 $0xA960, s11;
	v7 =	vimm.f32 $1.000000000e+00;
	v6 =	vimm.f32 $0.0e+00;
	v5 =	vnsel vm0, $0x0, v5  }
.LBB2_1:
0xe: {  	[tilespmem:s14], [sflag:$0x1] =	stream.linear.gather [hbm4b:s5+s2], $0x680, $0x38;
	[tilespmem:$0x17100] =	vst v63  }
0xf: {  	_ =	swait.ge [sflag:s15], $0x680  }
0x10: {  	[sflag:s15] =	ssyncset.done $0x0  }
0x11: {  	s19 =	simm.s32 $0x40;
	s20 =	simm.s32 $0x0;
	[sflag:s15] =	ssyncadd.s32 $0xFFFFF980  }
.LBB2_2:
0x12: {  	p0 =	sne.s32 s19, $0x4E1C0;
	[tilespmem:s20+$0x3880] =	vst v6;
	s20 =	smov.u32 s19;
	s19 =	sadd.s32 $0x40, s19  }
.Ltmp0:
0x13: {  	(pc) =	sbr.rel @p0 .LBB2_2-.Ltmp0, $2  }
0x14: {  	_ =	sdelay $0x2  }
0x15: {  	s20 =	sshra.s32 s20, $0x2  }
0x16: {  	[tilespmem:s20+$0x3880] =	vst v6;
	s19 =	simm.s32 $0x0  }
0x17: {  	[tilespmem:s19], [sflag:$0x1] =	stream.linear.gather [hbm4b:s3+s19], $0x1900, $0x38;
	[tilespmem:$0x17100] =	vst v63  }
0x18: {  	_ =	swait.ge [sflag:s15], $0x1900  }
0x19: {  	[sflag:s15] =	ssyncset.done $0x0  }
0x1a: {  	[sflag:s15] =	ssyncadd.s32 $0xFFFFE700  }
0x1b: {  	[tilespmem:s16], [sflag:$0x1] =	stream.linear.gather [hbm4b:s4+s19], $0x1900, $0x38;
	[tilespmem:$0x17100] =	vst v63  }
0x1c: {  	_ =	swait.ge [sflag:s15], $0x1900  }
0x1d: {  	[sflag:s15] =	ssyncset.done $0x0  }
0x1e: {  	s20 =	simm.s32 $0x0;
	[sflag:s15] =	ssyncadd.s32 $0xFFFFE700  }
0x1f: {  	s19 =	simm.s32 $0x40;
	v8 =	vld [tilespmem:s20+$0x0]  }
.LBB2_4:
0x20: {  	p0 =	sne.s32 s19, $0x63C0;
	v9 =	vld [tilespmem:s20+$0x1900];
	_ =	sdelay $0x6  }
0x21: {  	v11 =	vsub.s32 v9, v0;
	v10 =	vld.idx.msk [tilespmem:v8+s14+$0x0], $0xffff  }
0x22: {  	v11 =	vmul.u32 $0x640, v11;
	v12 =	vld.idx.msk [tilespmem:v9+s14+$0x0], $0xffff  }
0x23: {  	vm0 =	vge.s32 v9, v0;
	vm1 =	vlt.s32 v9, v1  }
0x24: {  	vm0 =	vmand vm0, vm1;
	v8 =	vadd.s32 v8, v11  }
0x25: {  	v8 =	vnsel vm0, $0x0, v8;
	_ =	sdelay $0x1  }
.Ltmp1:
0x26: {  	(pc) =	sbr.rel @p0 .LBB2_4-.Ltmp1, $3  }
0x27: {  	v9 =	vmul.f32 v12, v10;
	_ =	sdelay $0x1  }
0x28: {  	s20 =	sshra.s32 s19, $0x2;
	[tilespmem:v8+s17+$0x0] =	vst.idx.add.f32.msk vm0, v9  }
0x29: {  	s19 =	sadd.s32 $0x40, s19;
	v8 =	vld [tilespmem:s20+$0x0]  }
0x2a: {  	_ = 	snop  }
0x2b: {  	v9 =	vld [tilespmem:s20+$0x1900];
	_ =	sdelay $0x5  }
0x2c: {  	v10 =	vsub.s32 v9, v0  }
0x2d: {  	v11 =	vld.idx.msk [tilespmem:v8+s14+$0x0], $0xffff;
	v10 =	vmul.u32 $0x640, v10  }
0x2e: {  	vm0 =	vge.s32 v9, v0;
	vm1 =	vlt.s32 v9, v1;
	v12 =	vld.idx.msk [tilespmem:v9+s14+$0x0], $0xffff  }
0x2f: {  	vm0 =	vmand vm0, vm1;
	v8 =	vadd.s32 v8, v10  }
0x30: {  	v8 =	vnsel vm0, $0x0, v8;
	_ =	sdelay $0x2  }
0x31: {  	v9 =	vmul.f32 v12, v11;
	_ =	sdelay $0x1  }
0x32: {  	s19 =	simm.s32 $0x0;
	[tilespmem:v8+s17+$0x0] =	vst.idx.add.f32.msk vm0, v9  }
0x33: {  	[tilespmem:s19], [sflag:$0x1] =	stream.linear.gather [hbm4b:s6+s19], $0x1900, $0x38;
	[tilespmem:$0x17100] =	vst v63  }
0x34: {  	_ =	swait.ge [sflag:s15], $0x1900  }
0x35: {  	[sflag:s15] =	ssyncset.done $0x0  }
0x36: {  	[sflag:s15] =	ssyncadd.s32 $0xFFFFE700  }
0x37: {  	[tilespmem:s16], [sflag:$0x1] =	stream.linear.gather [hbm4b:s7+s19], $0x1900, $0x38;
	[tilespmem:$0x17100] =	vst v63  }
0x38: {  	_ =	swait.ge [sflag:s15], $0x1900  }
0x39: {  	[sflag:s15] =	ssyncset.done $0x0  }
0x3a: {  	s20 =	simm.s32 $0x0;
	[sflag:s15] =	ssyncadd.s32 $0xFFFFE700  }
0x3b: {  	s19 =	simm.s32 $0x40;
	v8 =	vld [tilespmem:s20+$0x0]  }
.LBB2_6:
0x3c: {  	p0 =	sne.s32 s19, $0x63C0;
	v9 =	vld [tilespmem:s20+$0x1900];
	_ =	sdelay $0x6  }
0x3d: {  	v11 =	vsub.s32 v9, v0;
	v10 =	vld.idx.msk [tilespmem:v8+s14+$0x0], $0xffff  }
0x3e: {  	v11 =	vmul.u32 $0x640, v11;
	v12 =	vld.idx.msk [tilespmem:v9+s14+$0x0], $0xffff  }
0x3f: {  	vm0 =	vge.s32 v9, v0;
	vm1 =	vlt.s32 v9, v1  }
0x40: {  	vm0 =	vmand vm0, vm1;
	v8 =	vadd.s32 v8, v11  }
0x41: {  	v8 =	vnsel vm0, $0x0, v8;
	_ =	sdelay $0x1  }
.Ltmp2:
0x42: {  	(pc) =	sbr.rel @p0 .LBB2_6-.Ltmp2, $3  }
0x43: {  	v9 =	vmul.f32 v12, v10;
	_ =	sdelay $0x1  }
0x44: {  	s20 =	sshra.s32 s19, $0x2;
	[tilespmem:v8+s17+$0x0] =	vst.idx.add.f32.msk vm0, v9  }
0x45: {  	s19 =	sadd.s32 $0x40, s19;
	v8 =	vld [tilespmem:s20+$0x0]  }
0x46: {  	_ = 	snop  }
0x47: {  	v9 =	vld [tilespmem:s20+$0x1900];
	_ =	sdelay $0x5  }
0x48: {  	v10 =	vsub.s32 v9, v0  }
0x49: {  	v11 =	vld.idx.msk [tilespmem:v8+s14+$0x0], $0xffff;
	v10 =	vmul.u32 $0x640, v10  }
0x4a: {  	vm0 =	vge.s32 v9, v0;
	vm1 =	vlt.s32 v9, v1;
	v12 =	vld.idx.msk [tilespmem:v9+s14+$0x0], $0xffff  }
0x4b: {  	vm0 =	vmand vm0, vm1;
	v8 =	vadd.s32 v8, v10  }
0x4c: {  	v8 =	vnsel vm0, $0x0, v8;
	_ =	sdelay $0x2  }
0x4d: {  	v9 =	vmul.f32 v12, v11;
	_ =	sdelay $0x1  }
0x4e: {  	s19 =	simm.s32 $0x0;
	[tilespmem:v8+s17+$0x0] =	vst.idx.add.f32.msk vm0, v9  }
0x4f: {  	[tilespmem:s19], [sflag:$0x1] =	stream.linear.gather [hbm4b:s8+s19], $0x1900, $0x38;
	[tilespmem:$0x17100] =	vst v63  }
0x50: {  	_ =	swait.ge [sflag:s15], $0x1900  }
0x51: {  	[sflag:s15] =	ssyncset.done $0x0  }
0x52: {  	[sflag:s15] =	ssyncadd.s32 $0xFFFFE700  }
0x53: {  	[tilespmem:s16], [sflag:$0x1] =	stream.linear.gather [hbm4b:s9+s19], $0x1900, $0x38;
	[tilespmem:$0x17100] =	vst v63  }
0x54: {  	_ =	swait.ge [sflag:s15], $0x1900  }
0x55: {  	[sflag:s15] =	ssyncset.done $0x0  }
0x56: {  	s20 =	simm.s32 $0x0;
	[sflag:s15] =	ssyncadd.s32 $0xFFFFE700  }
0x57: {  	s19 =	simm.s32 $0x40;
	v8 =	vld [tilespmem:s20+$0x0]  }
.LBB2_8:
0x58: {  	p0 =	sne.s32 s19, $0x63C0;
	v9 =	vld [tilespmem:s20+$0x1900];
	_ =	sdelay $0x6  }
0x59: {  	v11 =	vsub.s32 v9, v0;
	v10 =	vld.idx.msk [tilespmem:v8+s14+$0x0], $0xffff  }
0x5a: {  	v11 =	vmul.u32 $0x640, v11;
	v12 =	vld.idx.msk [tilespmem:v9+s14+$0x0], $0xffff  }
0x5b: {  	vm0 =	vge.s32 v9, v0;
	vm1 =	vlt.s32 v9, v1  }
0x5c: {  	vm0 =	vmand vm0, vm1;
	v8 =	vadd.s32 v8, v11  }
0x5d: {  	v8 =	vnsel vm0, $0x0, v8;
	_ =	sdelay $0x1  }
.Ltmp3:
0x5e: {  	(pc) =	sbr.rel @p0 .LBB2_8-.Ltmp3, $3  }
0x5f: {  	v9 =	vmul.f32 v12, v10;
	_ =	sdelay $0x1  }
0x60: {  	s20 =	sshra.s32 s19, $0x2;
	[tilespmem:v8+s17+$0x0] =	vst.idx.add.f32.msk vm0, v9  }
0x61: {  	s19 =	sadd.s32 $0x40, s19;
	v8 =	vld [tilespmem:s20+$0x0]  }
0x62: {  	_ = 	snop  }
0x63: {  	v9 =	vld [tilespmem:s20+$0x1900];
	_ =	sdelay $0x5  }
0x64: {  	v10 =	vsub.s32 v9, v0  }
0x65: {  	v11 =	vld.idx.msk [tilespmem:v8+s14+$0x0], $0xffff;
	v10 =	vmul.u32 $0x640, v10  }
0x66: {  	vm0 =	vge.s32 v9, v0;
	vm1 =	vlt.s32 v9, v1;
	v12 =	vld.idx.msk [tilespmem:v9+s14+$0x0], $0xffff  }
0x67: {  	vm0 =	vmand vm0, vm1;
	v8 =	vadd.s32 v8, v10  }
0x68: {  	v8 =	vnsel vm0, $0x0, v8;
	_ =	sdelay $0x2  }
0x69: {  	v9 =	vmul.f32 v12, v11;
	_ =	sdelay $0x1  }
0x6a: {  	s19 =	simm.s32 $0x0;
	[tilespmem:v8+s17+$0x0] =	vst.idx.add.f32.msk vm0, v9  }
0x6b: {  	[tilespmem:s19], [sflag:$0x1] =	stream.linear.gather [hbm4b:s10+s19], $0x1900, $0x38;
	[tilespmem:$0x17100] =	vst v63  }
0x6c: {  	_ =	swait.ge [sflag:s15], $0x1900  }
0x6d: {  	[sflag:s15] =	ssyncset.done $0x0  }
0x6e: {  	[sflag:s15] =	ssyncadd.s32 $0xFFFFE700  }
0x6f: {  	[tilespmem:s16], [sflag:$0x1] =	stream.linear.gather [hbm4b:s11+s19], $0x1900, $0x38;
	[tilespmem:$0x17100] =	vst v63  }
0x70: {  	_ =	swait.ge [sflag:s15], $0x1900  }
0x71: {  	[sflag:s15] =	ssyncset.done $0x0  }
0x72: {  	s20 =	simm.s32 $0x0;
	[sflag:s15] =	ssyncadd.s32 $0xFFFFE700  }
0x73: {  	s19 =	simm.s32 $0x40;
	v8 =	vld [tilespmem:s20+$0x0]  }
.LBB2_10:
0x74: {  	p0 =	sne.s32 s19, $0x63C0;
	v9 =	vld [tilespmem:s20+$0x1900];
	_ =	sdelay $0x6  }
0x75: {  	v11 =	vsub.s32 v9, v0;
	v10 =	vld.idx.msk [tilespmem:v8+s14+$0x0], $0xffff  }
0x76: {  	v11 =	vmul.u32 $0x640, v11;
	v12 =	vld.idx.msk [tilespmem:v9+s14+$0x0], $0xffff  }
0x77: {  	vm0 =	vge.s32 v9, v0;
	vm1 =	vlt.s32 v9, v1  }
0x78: {  	vm0 =	vmand vm0, vm1;
	v8 =	vadd.s32 v8, v11  }
0x79: {  	v8 =	vnsel vm0, $0x0, v8;
	_ =	sdelay $0x1  }
.Ltmp4:
0x7a: {  	(pc) =	sbr.rel @p0 .LBB2_10-.Ltmp4, $3  }
0x7b: {  	v9 =	vmul.f32 v12, v10;
	_ =	sdelay $0x1  }
0x7c: {  	s20 =	sshra.s32 s19, $0x2;
	[tilespmem:v8+s17+$0x0] =	vst.idx.add.f32.msk vm0, v9  }
0x7d: {  	s19 =	sadd.s32 $0x40, s19;
	v8 =	vld [tilespmem:s20+$0x0]  }
0x7e: {  	_ = 	snop  }
0x7f: {  	v9 =	vld [tilespmem:s20+$0x1900];
	_ =	sdelay $0x5  }
0x80: {  	v10 =	vsub.s32 v9, v0  }
0x81: {  	v11 =	vld.idx.msk [tilespmem:v8+s14+$0x0], $0xffff;
	v10 =	vmul.u32 $0x640, v10  }
0x82: {  	vm0 =	vge.s32 v9, v0;
	vm1 =	vlt.s32 v9, v1;
	v12 =	vld.idx.msk [tilespmem:v9+s14+$0x0], $0xffff  }
0x83: {  	vm0 =	vmand vm0, vm1;
	v8 =	vadd.s32 v8, v10  }
0x84: {  	v8 =	vnsel vm0, $0x0, v8;
	_ =	sdelay $0x2  }
0x85: {  	v63 =	vmul.f32 v12, v11;
	_ =	sdelay $0x1  }
0x86: {  	[tilespmem:v8+s17+$0x0] =	vst.idx.add.f32.msk vm0, v63  }
0x87: {  	[tilespmem:v2+s17+$0x0] =	vst.idx.add.f32.msk $0xffff, v7  }
0x88: {  	s18 =	sadd.s32 $0x1, s18;
	[tilespmem:v3+s17+$0x0] =	vst.idx.add.f32.msk $0xffff, v7  }
0x89: {  	p0 =	sne.s32 s18, s13;
	[tilespmem:v4+s17+$0x0] =	vst.idx.add.f32.msk $0xffff, v7  }
.Ltmp5:
0x8a: {  	[tilespmem:v5+s17+$0x0] =	vst.idx.add.f32.msk $0x3, v7;
	(pc) =	sbr.rel @p0 .LBB2_1-.Ltmp5, $4  }
0x8b: {  	[hbm4b:s12+s2] =	stream.linear.scatter [tilespmem:s17], [sflag:$0x1], $0x13880, $0x38;
	[tilespmem:$0x17100] =	vst v63  }
0x8c: {  	_ =	swait.ge [sflag:s15], $0x13880  }
0x8d: {  	[sflag:s15] =	ssyncset.done $0x0  }
0x8e: {  	[sflag:s15] =	ssyncadd.s32 $0xFFFEC780  }
0x8f: {  	_ =	sfence.sel $0x180000  }
0x90: {  	[bflag:$0x0] =	sbarrier.arrive $0xFFFF  }
0x91: {  	p0 =	sne.s32 s0, $0x0;
	_ =	strace $0x90000047  }
0x92: {  	s0 =	sadd.s32 @!p0 $0x100000, s1;
	[bflag:$0x2] =	sbarrier.arrive $0xFFFF  }
0x93: {  	[sflag:s0] =	ssyncadd.tile.s32 @!p0 $0x1;
	_ =	shalt  }
.Lfunc_end2:
_tile_overlayer_lowered:
.L_overlay_start_2:
0x94: {  	(tag) =	ssettag $0x2  }
0x95: {  	s0 =	rddreg [dreg:$0x0];
	s2 =	stileid.u32  }
0x96: {  	s1 =	rddreg [dreg:$0x1];
	p0 =	sne.s32 s2, $0x0  }
0x97: {  	s3 =	rddreg [dreg:$0x2];
	[bflag:$0x3] =	sbarrier.arrive $0xFFFF;
	s2 =	simm.s32 @!p0 $0x1C01  }
0x98: {  	[timem:s3], [sflag:s2] =	dma.local @!p0 [hbm:s0], s1  }
0x99: {  	s0 =	simm.s32 @!p0 $0x1  }
0x9a: {  	_ =	swait.ge @!p0 [sflag:s0], s1  }
0x9b: {  	s1 =	ssub.s32 @!p0 $0x0, s1;
	[sflag:s0] =	ssyncset.done @!p0 $0x0  }
0x9c: {  	[sflag:s0] =	ssyncadd.s32 @!p0 s1  }
0x9d: {  	[bflag:$0x3] =	sbarrier.arrive $0xFFFF  }
0x9e: {  	_ =	shalt  }

// kernel: kernel.27.cloned.1.call-start
scs
__scs_entry_jumppad:
0x0: {  	(pc) =	sbr.rel $0x88, $3  }
0x1: {  	(tag) =	ssettag $0x0;
	lr =	simm.s32 $0x1  }
0x2: {  	[smem:$0x3F6E] =	sst lr;
	_ =	strace $0xD0000000  }
0x3: {  	_ = 	snop  }
0x4: {  	_ = 	snop  }
0x5: {  	_ = 	snop  }
0x6: {  	_ = 	snop  }
0x7: {  	_ = 	snop  }
__scs_overlays_trampoline_lowered:
0x8: {  	[smem:$0x3F7D] =	sst s0  }
0x9: {  	[smem:$0x3F7E] =	sst s1  }
0xa: {  	[smem:$0x3F7F] =	sst s2  }
0xb: {  	[smem:$0x3F80] =	sst s3  }
0xc: {  	[smem:$0x3F81] =	sst s4  }
0xd: {  	[smem:$0x3F82] =	sst s5  }
0xe: {  	[smem:$0x3F83] =	sst s6  }
0xf: {  	[smem:$0x3F84] =	sst s7  }
0x10: {  	[smem:$0x3F85] =	sst s8  }
0x11: {  	[smem:$0x3F86] =	sst s9;
	s0 =	simm.s32 @!p0 $0x0  }
0x12: {  	s1 =	sld [smem:$0x3F6C];
	s0 =	simm.s32 @p0 $0x1  }
0x13: {  	[smem:$0x3F87] =	sst s0;
	s0 =	simm.s32 @!p1 $0x0  }
0x14: {  	s2 =	sld [smem:$0x3F6B];
	s0 =	simm.s32 @p1 $0x1  }
0x15: {  	[smem:$0x3F88] =	sst s0;
	s0 =	simm.s32 @!p2 $0x0  }
0x16: {  	s3 =	sld [smem:$0x3FDB];
	s0 =	simm.s32 @p2 $0x1  }
0x17: {  	s4 =	simm.s32 $0x1BF5;
	[smem:$0x3F8A] =	sst s0  }
0x18: {  	s0 =	sld [smem:$0x3F6D];
	_ =	swait.ge [sflag:s4], $0x0  }
0x19: {  	s7 =	sld [smem:$0x3F6E]  }
0x1a: {  	s8 =	sadd.s32 $0xFFFFE003, lr  }
0x1b: {  	s9 =	sadd.s32 $0xFFFFFEF7, lr;
	s5 =	simm.s32 $0xFFFFFFFF;
	p2 =	slt.u32 s8, $0xFFFFF086  }
0x1c: {  	p1 =	slt.u32 s9, $0xF7A;
	s5 =	simm.s32 @!p2 $0x0  }
0x1d: {  	s5 =	simm.s32 @p1 $0x1;
	p0 =	seq.s32 s7, s2  }
0x1e: {  	s7 =	smul.u32 @!p0 $0xF7A, s2;
	p2 =	seq.s32 @!p0 s5, $0x0  }
0x1f: {  	s9 =	smul.u32 $0xF7A, s1;
	s8 =	simm.s32 @!p0 $0x1BF5;
	p2 =	por !p2, p0  }
0x20: {  	[sflag:s8] =	ssyncset.s32 @!p0 $0xFFFFF086;
	s6 =	sadd.s32 @!p0 s3, s7;
	s7 =	simm.s32 @!p0 $0x108  }
0x21: {  	s3 =	sadd.s32 s3, s9;
	s6 =	sadd.s32 @!p0 $0x88, s6;
	s7 =	simm.s32 @p2 $0x1082  }
0x22: {  	[simem:s7], [sflag:s8] =	dma.local @!p0 [hbm:s6], $0xF7A  }
0x23: {  	s9 =	sor.u32 $0xD0000000, s2;
	s6 =	simm.s32 $0x108;
	_ =	swait.ge @!p0 [sflag:s8], $0x0  }
0x24: {  	s3 =	sadd.s32 $0x88, s3;
	s6 =	simm.s32 @!p1 $0x1082;
	[sflag:s4] =	ssyncset.s32 $0xFFFFF086  }
0x25: {  	[simem:s6], [sflag:s4] =	dma.local [hbm:s3], $0xF7A  }
0x26: {  	[smem:$0x3F6E] =	sst s1;
	(tag) =	ssettag s2;
	_ =	strace s9  }
0x27: {  	s1 =	sld [smem:$0x3F7E]  }
0x28: {  	s2 =	sld [smem:$0x3F7F]  }
0x29: {  	s4 =	sld [smem:$0x3F81]  }
0x2a: {  	p0 =	seq.s32 s5, $0x0;
	s5 =	sld [smem:$0x3F82]  }
0x2b: {  	s6 =	sld [smem:$0x3F83]  }
0x2c: {  	s7 =	sld [smem:$0x3F84]  }
0x2d: {  	s3 =	simm.s32 $0x108;
	s8 =	sld [smem:$0x3F85]  }
0x2e: {  	s3 =	simm.s32 @!p0 $0x1082;
	s9 =	sld [smem:$0x3F86]  }
0x2f: {  	lr =	sadd.s32 s0, s3;
	s0 =	sld [smem:$0x3F7D]  }
0x30: {  	s3 =	sld [smem:$0x3F80]  }
0x31: {  	[smem:$0x3F89] =	sst s10  }
0x32: {  	s10 =	sld [smem:$0x3F87];
	_ =	sdelay $0x3  }
0x33: {  	p0 =	seq.s32 s10, $0x1;
	s10 =	sld [smem:$0x3F89];
	_ =	sdelay $0x3  }
0x34: {  	[smem:$0x3F89] =	sst s10  }
0x35: {  	s10 =	sld [smem:$0x3F88];
	_ =	sdelay $0x3  }
0x36: {  	p1 =	seq.s32 s10, $0x1;
	s10 =	sld [smem:$0x3F89];
	_ =	sdelay $0x3  }
0x37: {  	[smem:$0x3F89] =	sst s10  }
0x38: {  	s10 =	sld [smem:$0x3F8A]  }
0x39: {  	_ = 	snop;
	(pc) =	sbr.ind lr, $3  }
0x3a: {  	_ = 	snop  }
0x3b: {  	_ = 	snop  }
0x3c: {  	p2 =	seq.s32 s10, $0x1;
	s10 =	sld [smem:$0x3F89]  }
0x3d: {  	_ =	shalt  }
0x3e: {  	_ =	shalt  }
0x3f: {  	_ =	shalt  }
0x40: {  	_ =	shalt  }
0x41: {  	_ =	shalt  }
0x42: {  	_ =	shalt  }
0x43: {  	_ =	shalt  }
0x44: {  	_ =	shalt  }
0x45: {  	_ =	shalt  }
0x46: {  	_ =	shalt  }
0x47: {  	_ =	shalt  }
0x48: {  	_ =	shalt  }
0x49: {  	_ =	shalt  }
0x4a: {  	_ =	shalt  }
0x4b: {  	_ =	shalt  }
0x4c: {  	_ =	shalt  }
0x4d: {  	_ =	shalt  }
0x4e: {  	_ =	shalt  }
0x4f: {  	_ =	shalt  }
0x50: {  	_ =	shalt  }
0x51: {  	_ =	shalt  }
0x52: {  	_ =	shalt  }
0x53: {  	_ =	shalt  }
0x54: {  	_ =	shalt  }
0x55: {  	_ =	shalt  }
0x56: {  	_ =	shalt  }
0x57: {  	_ =	shalt  }
0x58: {  	_ =	shalt  }
0x59: {  	_ =	shalt  }
0x5a: {  	_ =	shalt  }
0x5b: {  	_ =	shalt  }
0x5c: {  	_ =	shalt  }
0x5d: {  	_ =	shalt  }
0x5e: {  	_ =	shalt  }
0x5f: {  	_ =	shalt  }
0x60: {  	_ =	shalt  }
0x61: {  	_ =	shalt  }
0x62: {  	_ =	shalt  }
0x63: {  	_ =	shalt  }
0x64: {  	_ =	shalt  }
0x65: {  	_ =	shalt  }
0x66: {  	_ =	shalt  }
0x67: {  	_ =	shalt  }
0x68: {  	_ =	shalt  }
0x69: {  	_ =	shalt  }
0x6a: {  	_ =	shalt  }
0x6b: {  	_ =	shalt  }
0x6c: {  	_ =	shalt  }
0x6d: {  	_ =	shalt  }
0x6e: {  	_ =	shalt  }
0x6f: {  	_ =	shalt  }
0x70: {  	_ =	shalt  }
0x71: {  	_ =	shalt  }
0x72: {  	_ =	shalt  }
0x73: {  	_ =	shalt  }
0x74: {  	_ =	shalt  }
0x75: {  	_ =	shalt  }
0x76: {  	_ =	shalt  }
0x77: {  	_ =	shalt  }
0x78: {  	_ =	shalt  }
0x79: {  	_ =	shalt  }
0x7a: {  	_ =	shalt  }
0x7b: {  	_ =	shalt  }
0x7c: {  	_ =	shalt  }
0x7d: {  	_ =	shalt  }
0x7e: {  	_ =	shalt  }
0x7f: {  	_ =	shalt  }
0x80: {  	_ =	shalt  }
0x81: {  	_ =	shalt  }
0x82: {  	_ =	shalt  }
0x83: {  	_ =	shalt  }
0x84: {  	_ =	shalt  }
0x85: {  	_ =	shalt  }
0x86: {  	_ =	shalt  }
0x87: {  	_ =	shalt  }
.Lfunc_end0:
.L_simem_size_0:
called_computation.1_lowered:
.L_overlay_start_0:
0x88: {  	s2 =	sld [smem:$0x3FD9]  }
0x89: {  	s3 =	sld [smem:$0x3FFE];
	_ =	sdelay $0x1  }
0x8a: {  	s1 =	srdreg.scid  }
0x8b: {  	s0 =	sand.u32 $0x1, s1  }
0x8c: {  	s17 =	sshll.u32 s0, $0xA;
	s2 =	sadd.s32 s3, s2  }
0x8d: {  	s2 =	sadd.s32 s2, s17  }
0x8e: {  	[smem:$0x3F95] =	sst s2  }
0x8f: {  	_ = 	snop  }
0x90: {  	(tm) =	ssettm $0x1  }
0x91: {  	s18 =	sld [smem:$0x3FFB];
	_ =	sdelay $0x3  }
0x92: {  	_ =	strace s18  }
0x93: {  	s2 =	sld [smem:$0x3FFC];
	_ =	sdelay $0x3  }
0x94: {  	_ =	strace s2  }
0x95: {  	s2 =	sld [smem:$0x3FFD];
	_ =	sdelay $0x3  }
0x96: {  	_ =	strace s2  }
0x97: {  	_ =	strace $0x8FFFFFFF  }
0x98: {  	s19 =	sld [smem:$0x3FDB];
	_ =	sdelay $0x1  }
0x99: {  	s20 =	simm.s32 $_scs_section_size  }
0x9a: {  	s4 =	simm.s32 $_size__tile_overlayer_lowered;
	s5 =	simm.s32 $_tile_overlayer_lowered  }
0x9b: {  	s6 =	simm.s32 $0x1BFF;
	s21 =	sshll.u32 s5, $0x1;
	s3 =	sadd.s32 s20, s19  }
0x9c: {  	s22 =	simm.s32 $0x0;
	s4 =	sshll.u32 s4, $0x1;
	s5 =	sadd.s32 s21, s3  }
0x9d: {  	[timem:s22], [sflag:s6] =	dma.local [hbm:s5], s4  }
0x9e: {  	_ =	swait.ge [sflag:s6], s4  }
0x9f: {  	s4 =	ssub.s32 $0x0, s4;
	[sflag:s6] =	ssyncset.done $0x0  }
0xa0: {  	[sflag:s6] =	ssyncadd.s32 s4;
	_ =	sdelay $0x1  }
0xa1: {  	s23 =	simm.s32 $0x1B8B  }
0xa2: {  	_ =	swait.ge [sflag:s23], $0x1  }
0xa3: {  	[sflag:s23] =	ssyncset.done $0x0  }
0xa4: {  	[sflag:s23] =	ssyncadd.s32 $0xFFFFFFFF  }
0xa5: {  	s4 =	sld [smem:$0x0]  }
0xa6: {  	s5 =	sand.u32 $0xFFFFFFFE, s1  }
0xa7: {  	p0 =	sne.s32 s1, s5  }
0xa8: {  	s5 =	sshll.u32 @p0 s5, $0xE  }
0xa9: {  	s5 =	sadd.s32 @p0 $0x11B8D, s5;
	s6 =	sshll.u32 @p0 s4, $0x11  }
0xaa: {  	s5 =	sor.u32 @p0 s6, s5  }
0xab: {  	[sflag:s5] =	ssyncadd.remote.s32 @p0 $0x1;
	_ =	sdelay $0x1  }
0xac: {  	s5 =	simm.s32 @p0 $0x1B8D  }
0xad: {  	_ =	swait.eq @p0 [sflag:s5], $0x1  }
0xae: {  	[sflag:s5] =	ssyncadd.s32 @p0 $0xFFFFFFFF  }
0xaf: {  	s6 =	sshll.u32 @!p0 s1, $0xE  }
0xb0: {  	s6 =	sor.u32 @!p0 $0x4000, s6;
	s5 =	simm.s32 @!p0 $0x1B8D  }
0xb1: {  	s4 =	sshll.u32 @!p0 s4, $0x11;
	s6 =	sadd.s32 @!p0 $0x11B8D, s6;
	_ =	swait.eq @!p0 [sflag:s5], $0x1  }
0xb2: {  	s4 =	sor.u32 @!p0 s4, s6;
	[sflag:s5] =	ssyncadd.s32 @!p0 $0xFFFFFFFF  }
0xb3: {  	s25 =	simm.s32 $0x1B8E;
	s24 =	sld [smem:$0x3FFE];
	[sflag:s4] =	ssyncadd.remote.s32 @!p0 $0x1  }
0xb4: {  	s26 =	simm.s32 $execute0_lowered;
	[smem:$0x3FD2] =	sst s25  }
0xb5: {  	s5 =	sshll.u32 s26, $0x1;
	_ =	strace $0x80000049;
	[dreg:$0x1] =	wrdreg $0xFFFFFFFF  }
0xb6: {  	s28 =	simm.s32 $_size_execute0_lowered;
	s3 =	sadd.s32 s3, s5;
	[dreg:$0x0] =	wrdreg $0x0  }
0xb7: {  	s5 =	sshll.u32 s28, $0x1;
	[dreg:$0x2] =	wrdreg s3  }
0xb8: {  	[dreg:$0x3] =	wrdreg s5  }
0xb9: {  	[dreg:$0x4] =	wrdreg $0xC0  }
0xba: {  	_ =	task [dreg:s22], $0x5FFFF  }
0xbb: {  	[dreg:$0x1] =	wrdreg $0xFFFFFFFF  }
0xbc: {  	[dreg:$0x0] =	wrdreg $0x60  }
0xbd: {  	[dreg:$0x2] =	wrdreg s24  }
0xbe: {  	[dreg:$0x3] =	wrdreg $0xA  }
0xbf: {  	_ =	task.clear_ibuf [dreg:s22], $0x4FFFF;
	_ =	strace $0x90000049  }
0xc0: {  	s29 =	simm.s32 $0xA;
	_ =	strace $0x8000004B  }
0xc1: {  	_ =	swait.ge [sflag:s29], $0x1  }
0xc2: {  	[sflag:s29] =	ssyncadd.s32 $0xFFFFFFFF  }
0xc3: {  	_ =	strace $0x9000004B  }
0xc4: {  	_ =	sfence  }
0xc5: {  	s30 =	sld [smem:$0x0];
	_ =	sdelay $0x2  }
0xc6: {  	s31 =	sshll.u32 s1, $0xD;
	s1 =	sshrl.u32 s1, $0x2  }
0xc7: {  	s4 =	sand.u32 $0x4000, s31;
	s1 =	sadd.s32 s1, s30  }
0xc8: {  	s0 =	sor.u32 s4, s0;
	s1 =	sshll.u32 s1, $0x11  }
0xc9: {  	s0 =	sor.u32 s1, s0  }
0xca: {  	s0 =	sadd.s32 $0x8F2B, s0  }
0xcb: {  	[sflag:s0] =	ssyncadd.remote.s32 $0x1  }
0xcc: {  	_ =	sfence.sel $0xFFFF  }
0xcd: {  	[dreg:$0x0] =	wrdreg $0xFFFFFFFF;
	(pc) =	sbr.abs _section_cstart, $3  }
0xce: {  	[dreg:$0x1] =	wrdreg $0xFFFFFFFF  }
0xcf: {  	_ =	task.clear_ibuf [dreg:s22], $0x2FFFF;
	_ =	strace $0x9FFFFFFF  }
0xd0: {  	(tm) =	ssettm $0x7FFFFFFF  }
0xd1: {  	_ =	shalt  }
tec
execute0_lowered:
.L_overlay_start_1:
0x0: {  	(tag) =	ssettag $0x1  }
0x1: {  	s11 =	rddreg [dreg:$0x0]  }
0x2: {  	s1 =	srdreg.scid;
	s0 =	rddreg [dreg:$0x1]  }
0x3: {  	s2 =	simm.s32 $0x0;
	s14 =	simm.s32 $0x1800;
	s15 =	simm.s32 $0x1  }
0x4: {  	s16 =	simm.s32 $0xC00;
	s17 =	simm.s32 $0x1B00;
	s5 =	sand.u32 $0x1, s1  }
0x5: {  	s18 =	simm.s32 $0x0;
	s1 =	stileid.u32;
	s3 =	sshll.u32 s5, $0x4  }
0x6: {  	v2 =	vlaneseq.u32;
	[smem:$0x7FF] =	sst s2;
	s4 =	sadd.s32 $0x5A200, s11;
	s6 =	sor.u32 s1, s3  }
0x7: {  	v3 =	vmul.u32 $0x300, v2;
	s9 =	sadd.s32 $0x5A500, s11;
	s8 =	ssub.s32 $0x2, s5;
	s10 =	smul.u32 $0x18, s6  }
0x8: {  	vm0 =	vmmov $0xff;
	v4 =	vor.u32 $0x10, v2;
	_ =	strace $0x8000004A;
	s5 =	sadd.s32 $0x5A000, s11;
	s30 =	sshrl.u32 s8, $0x1  }
0x9: {  	s3 =	sadd.s32 $0x5A800, s11;
	v5 =	vadd.s32 $0x3000, v3;
	s7 =	smul.u32 $0x900, s6;
	s13 =	ssub.s32 s8, s30;
	v2 =	vadd.s32 s10, v2;
	v4 =	vadd.s32 s10, v4  }
0xa: {  	s6 =	sadd.s32 $0x5A980, s11;
	s8 =	sadd.s32 $0x5AB00, s11;
	v0 =	vmov s10;
	s31 =	sadd.s32 $0x18, s10;
	v2 =	vmin.u32 v2, $0x2FF;
	v4 =	vmin.u32 v4, $0x2FF  }
0xb: {  	s13 =	smax.u32 s13, $0x1;
	s12 =	sadd.s32 s7, s11;
	s7 =	sadd.s32 $0x5A380, s11;
	v1 =	vmov s31;
	v2 =	vadd.s32 v3, v2;
	v3 =	vadd.s32 v5, v4  }
0xc: {  	s10 =	sadd.s32 $0x5AC80, s11;
	s11 =	sadd.s32 $0x5A680, s11;
	s12 =	sadd.s32 $0x5AE00, s12;
	v4 =	vimm.f32 $0.0e+00;
	v5 =	vimm.f32 $1.000000000e+00;
	v3 =	vnsel vm0, $0x0, v3  }
.LBB2_1:
0xd: {  	[tilespmem:s14], [sflag:$0x1] =	stream.linear.gather [hbm4b:s5+s2], $0x300, $0x38;
	[tilespmem:$0x6300] =	vst v63  }
0xe: {  	_ =	swait.ge [sflag:s15], $0x300  }
0xf: {  	[sflag:s15] =	ssyncset.done $0x0  }
0x10: {  	s19 =	simm.s32 $0x40;
	s20 =	simm.s32 $0x0;
	[sflag:s15] =	ssyncadd.s32 $0xFFFFFD00  }
.LBB2_2:
0x11: {  	p0 =	sne.s32 s19, $0x11FC0;
	[tilespmem:s20+$0x1B00] =	vst v4;
	s20 =	smov.u32 s19;
	s19 =	sadd.s32 $0x40, s19  }
.Ltmp0:
0x12: {  	(pc) =	sbr.rel @p0 .LBB2_2-.Ltmp0, $2  }
0x13: {  	_ =	sdelay $0x2  }
0x14: {  	s20 =	sshra.s32 s20, $0x2  }
0x15: {  	[tilespmem:s20+$0x1B00] =	vst v4;
	s19 =	simm.s32 $0x0  }
0x16: {  	[tilespmem:s19], [sflag:$0x1] =	stream.linear.gather [hbm4b:s3+s19], $0xC00, $0x38;
	[tilespmem:$0x6300] =	vst v63  }
0x17: {  	_ =	swait.ge [sflag:s15], $0xC00  }
0x18: {  	[sflag:s15] =	ssyncset.done $0x0  }
0x19: {  	[sflag:s15] =	ssyncadd.s32 $0xFFFFF400  }
0x1a: {  	[tilespmem:s16], [sflag:$0x1] =	stream.linear.gather [hbm4b:s4+s19], $0xC00, $0x38;
	[tilespmem:$0x6300] =	vst v63  }
0x1b: {  	_ =	swait.ge [sflag:s15], $0xC00  }
0x1c: {  	[sflag:s15] =	ssyncset.done $0x0  }
0x1d: {  	s20 =	simm.s32 $0x0;
	[sflag:s15] =	ssyncadd.s32 $0xFFFFF400  }
0x1e: {  	s19 =	simm.s32 $0x40;
	v6 =	vld [tilespmem:s20+$0x0]  }
.LBB2_4:
0x1f: {  	p0 =	sne.s32 s19, $0x2FC0;
	v7 =	vld [tilespmem:s20+$0xC00];
	_ =	sdelay $0x6  }
0x20: {  	v9 =	vsub.s32 v7, v0;
	v8 =	vld.idx.msk [tilespmem:v6+s14+$0x0], $0xffff  }
0x21: {  	v9 =	vmul.u32 $0x300, v9;
	v10 =	vld.idx.msk [tilespmem:v7+s14+$0x0], $0xffff  }
0x22: {  	vm0 =	vge.s32 v7, v0;
	vm1 =	vlt.s32 v7, v1  }
0x23: {  	vm0 =	vmand vm0, vm1;
	v6 =	vadd.s32 v6, v9  }
0x24: {  	v6 =	vnsel vm0, $0x0, v6;
	_ =	sdelay $0x1  }
.Ltmp1:
0x25: {  	(pc) =	sbr.rel @p0 .LBB2_4-.Ltmp1, $3  }
0x26: {  	v7 =	vmul.f32 v10, v8;
	_ =	sdelay $0x1  }
0x27: {  	s20 =	sshra.s32 s19, $0x2;
	[tilespmem:v6+s17+$0x0] =	vst.idx.add.f32.msk vm0, v7  }
0x28: {  	s19 =	sadd.s32 $0x40, s19;
	v6 =	vld [tilespmem:s20+$0x0]  }
0x29: {  	_ = 	snop  }
0x2a: {  	v7 =	vld [tilespmem:s20+$0xC00];
	_ =	sdelay $0x5  }
0x2b: {  	v8 =	vsub.s32 v7, v0  }
0x2c: {  	v9 =	vld.idx.msk [tilespmem:v6+s14+$0x0], $0xffff;
	v8 =	vmul.u32 $0x300, v8  }
0x2d: {  	vm0 =	vge.s32 v7, v0;
	vm1 =	vlt.s32 v7, v1;
	v10 =	vld.idx.msk [tilespmem:v7+s14+$0x0], $0xffff  }
0x2e: {  	vm0 =	vmand vm0, vm1;
	v6 =	vadd.s32 v6, v8  }
0x2f: {  	v6 =	vnsel vm0, $0x0, v6;
	_ =	sdelay $0x2  }
0x30: {  	v7 =	vmul.f32 v10, v9;
	_ =	sdelay $0x1  }
0x31: {  	s19 =	simm.s32 $0x0;
	[tilespmem:v6+s17+$0x0] =	vst.idx.add.f32.msk vm0, v7  }
0x32: {  	[tilespmem:s19], [sflag:$0x1] =	stream.linear.gather [hbm4b:s6+s19], $0xC00, $0x38;
	[tilespmem:$0x6300] =	vst v63  }
0x33: {  	_ =	swait.ge [sflag:s15], $0xC00  }
0x34: {  	[sflag:s15] =	ssyncset.done $0x0  }
0x35: {  	[sflag:s15] =	ssyncadd.s32 $0xFFFFF400  }
0x36: {  	[tilespmem:s16], [sflag:$0x1] =	stream.linear.gather [hbm4b:s7+s19], $0xC00, $0x38;
	[tilespmem:$0x6300] =	vst v63  }
0x37: {  	_ =	swait.ge [sflag:s15], $0xC00  }
0x38: {  	[sflag:s15] =	ssyncset.done $0x0  }
0x39: {  	s20 =	simm.s32 $0x0;
	[sflag:s15] =	ssyncadd.s32 $0xFFFFF400  }
0x3a: {  	s19 =	simm.s32 $0x40;
	v6 =	vld [tilespmem:s20+$0x0]  }
.LBB2_6:
0x3b: {  	p0 =	sne.s32 s19, $0x2FC0;
	v7 =	vld [tilespmem:s20+$0xC00];
	_ =	sdelay $0x6  }
0x3c: {  	v9 =	vsub.s32 v7, v0;
	v8 =	vld.idx.msk [tilespmem:v6+s14+$0x0], $0xffff  }
0x3d: {  	v9 =	vmul.u32 $0x300, v9;
	v10 =	vld.idx.msk [tilespmem:v7+s14+$0x0], $0xffff  }
0x3e: {  	vm0 =	vge.s32 v7, v0;
	vm1 =	vlt.s32 v7, v1  }
0x3f: {  	vm0 =	vmand vm0, vm1;
	v6 =	vadd.s32 v6, v9  }
0x40: {  	v6 =	vnsel vm0, $0x0, v6;
	_ =	sdelay $0x1  }
.Ltmp2:
0x41: {  	(pc) =	sbr.rel @p0 .LBB2_6-.Ltmp2, $3  }
0x42: {  	v7 =	vmul.f32 v10, v8;
	_ =	sdelay $0x1  }
0x43: {  	s20 =	sshra.s32 s19, $0x2;
	[tilespmem:v6+s17+$0x0] =	vst.idx.add.f32.msk vm0, v7  }
0x44: {  	s19 =	sadd.s32 $0x40, s19;
	v6 =	vld [tilespmem:s20+$0x0]  }
0x45: {  	_ = 	snop  }
0x46: {  	v7 =	vld [tilespmem:s20+$0xC00];
	_ =	sdelay $0x5  }
0x47: {  	v8 =	vsub.s32 v7, v0  }
0x48: {  	v9 =	vld.idx.msk [tilespmem:v6+s14+$0x0], $0xffff;
	v8 =	vmul.u32 $0x300, v8  }
0x49: {  	vm0 =	vge.s32 v7, v0;
	vm1 =	vlt.s32 v7, v1;
	v10 =	vld.idx.msk [tilespmem:v7+s14+$0x0], $0xffff  }
0x4a: {  	vm0 =	vmand vm0, vm1;
	v6 =	vadd.s32 v6, v8  }
0x4b: {  	v6 =	vnsel vm0, $0x0, v6;
	_ =	sdelay $0x2  }
0x4c: {  	v7 =	vmul.f32 v10, v9;
	_ =	sdelay $0x1  }
0x4d: {  	s19 =	simm.s32 $0x0;
	[tilespmem:v6+s17+$0x0] =	vst.idx.add.f32.msk vm0, v7  }
0x4e: {  	[tilespmem:s19], [sflag:$0x1] =	stream.linear.gather [hbm4b:s8+s19], $0xC00, $0x38;
	[tilespmem:$0x6300] =	vst v63  }
0x4f: {  	_ =	swait.ge [sflag:s15], $0xC00  }
0x50: {  	[sflag:s15] =	ssyncset.done $0x0  }
0x51: {  	[sflag:s15] =	ssyncadd.s32 $0xFFFFF400  }
0x52: {  	[tilespmem:s16], [sflag:$0x1] =	stream.linear.gather [hbm4b:s9+s19], $0xC00, $0x38;
	[tilespmem:$0x6300] =	vst v63  }
0x53: {  	_ =	swait.ge [sflag:s15], $0xC00  }
0x54: {  	[sflag:s15] =	ssyncset.done $0x0  }
0x55: {  	s20 =	simm.s32 $0x0;
	[sflag:s15] =	ssyncadd.s32 $0xFFFFF400  }
0x56: {  	s19 =	simm.s32 $0x40;
	v6 =	vld [tilespmem:s20+$0x0]  }
.LBB2_8:
0x57: {  	p0 =	sne.s32 s19, $0x2FC0;
	v7 =	vld [tilespmem:s20+$0xC00];
	_ =	sdelay $0x6  }
0x58: {  	v9 =	vsub.s32 v7, v0;
	v8 =	vld.idx.msk [tilespmem:v6+s14+$0x0], $0xffff  }
0x59: {  	v9 =	vmul.u32 $0x300, v9;
	v10 =	vld.idx.msk [tilespmem:v7+s14+$0x0], $0xffff  }
0x5a: {  	vm0 =	vge.s32 v7, v0;
	vm1 =	vlt.s32 v7, v1  }
0x5b: {  	vm0 =	vmand vm0, vm1;
	v6 =	vadd.s32 v6, v9  }
0x5c: {  	v6 =	vnsel vm0, $0x0, v6;
	_ =	sdelay $0x1  }
.Ltmp3:
0x5d: {  	(pc) =	sbr.rel @p0 .LBB2_8-.Ltmp3, $3  }
0x5e: {  	v7 =	vmul.f32 v10, v8;
	_ =	sdelay $0x1  }
0x5f: {  	s20 =	sshra.s32 s19, $0x2;
	[tilespmem:v6+s17+$0x0] =	vst.idx.add.f32.msk vm0, v7  }
0x60: {  	s19 =	sadd.s32 $0x40, s19;
	v6 =	vld [tilespmem:s20+$0x0]  }
0x61: {  	_ = 	snop  }
0x62: {  	v7 =	vld [tilespmem:s20+$0xC00];
	_ =	sdelay $0x5  }
0x63: {  	v8 =	vsub.s32 v7, v0  }
0x64: {  	v9 =	vld.idx.msk [tilespmem:v6+s14+$0x0], $0xffff;
	v8 =	vmul.u32 $0x300, v8  }
0x65: {  	vm0 =	vge.s32 v7, v0;
	vm1 =	vlt.s32 v7, v1;
	v10 =	vld.idx.msk [tilespmem:v7+s14+$0x0], $0xffff  }
0x66: {  	vm0 =	vmand vm0, vm1;
	v6 =	vadd.s32 v6, v8  }
0x67: {  	v6 =	vnsel vm0, $0x0, v6;
	_ =	sdelay $0x2  }
0x68: {  	v7 =	vmul.f32 v10, v9;
	_ =	sdelay $0x1  }
0x69: {  	s19 =	simm.s32 $0x0;
	[tilespmem:v6+s17+$0x0] =	vst.idx.add.f32.msk vm0, v7  }
0x6a: {  	[tilespmem:s19], [sflag:$0x1] =	stream.linear.gather [hbm4b:s10+s19], $0xC00, $0x38;
	[tilespmem:$0x6300] =	vst v63  }
0x6b: {  	_ =	swait.ge [sflag:s15], $0xC00  }
0x6c: {  	[sflag:s15] =	ssyncset.done $0x0  }
0x6d: {  	[sflag:s15] =	ssyncadd.s32 $0xFFFFF400  }
0x6e: {  	[tilespmem:s16], [sflag:$0x1] =	stream.linear.gather [hbm4b:s11+s19], $0xC00, $0x38;
	[tilespmem:$0x6300] =	vst v63  }
0x6f: {  	_ =	swait.ge [sflag:s15], $0xC00  }
0x70: {  	[sflag:s15] =	ssyncset.done $0x0  }
0x71: {  	s20 =	simm.s32 $0x0;
	[sflag:s15] =	ssyncadd.s32 $0xFFFFF400  }
0x72: {  	s19 =	simm.s32 $0x40;
	v6 =	vld [tilespmem:s20+$0x0]  }
.LBB2_10:
0x73: {  	p0 =	sne.s32 s19, $0x2FC0;
	v7 =	vld [tilespmem:s20+$0xC00];
	_ =	sdelay $0x6  }
0x74: {  	v9 =	vsub.s32 v7, v0;
	v8 =	vld.idx.msk [tilespmem:v6+s14+$0x0], $0xffff  }
0x75: {  	v9 =	vmul.u32 $0x300, v9;
	v10 =	vld.idx.msk [tilespmem:v7+s14+$0x0], $0xffff  }
0x76: {  	vm0 =	vge.s32 v7, v0;
	vm1 =	vlt.s32 v7, v1  }
0x77: {  	vm0 =	vmand vm0, vm1;
	v6 =	vadd.s32 v6, v9  }
0x78: {  	v6 =	vnsel vm0, $0x0, v6;
	_ =	sdelay $0x1  }
.Ltmp4:
0x79: {  	(pc) =	sbr.rel @p0 .LBB2_10-.Ltmp4, $3  }
0x7a: {  	v7 =	vmul.f32 v10, v8;
	_ =	sdelay $0x1  }
0x7b: {  	s20 =	sshra.s32 s19, $0x2;
	[tilespmem:v6+s17+$0x0] =	vst.idx.add.f32.msk vm0, v7  }
0x7c: {  	s19 =	sadd.s32 $0x40, s19;
	v6 =	vld [tilespmem:s20+$0x0]  }
0x7d: {  	_ = 	snop  }
0x7e: {  	v7 =	vld [tilespmem:s20+$0xC00];
	_ =	sdelay $0x5  }
0x7f: {  	v8 =	vsub.s32 v7, v0  }
0x80: {  	v9 =	vld.idx.msk [tilespmem:v6+s14+$0x0], $0xffff;
	v8 =	vmul.u32 $0x300, v8  }
0x81: {  	vm0 =	vge.s32 v7, v0;
	vm1 =	vlt.s32 v7, v1;
	v10 =	vld.idx.msk [tilespmem:v7+s14+$0x0], $0xffff  }
0x82: {  	vm0 =	vmand vm0, vm1;
	v6 =	vadd.s32 v6, v8  }
0x83: {  	v6 =	vnsel vm0, $0x0, v6;
	_ =	sdelay $0x2  }
0x84: {  	v7 =	vmul.f32 v10, v9;
	_ =	sdelay $0x1  }
0x85: {  	s18 =	sadd.s32 $0x1, s18;
	[tilespmem:v6+s17+$0x0] =	vst.idx.add.f32.msk vm0, v7  }
0x86: {  	p0 =	sne.s32 s18, s13;
	[tilespmem:v2+s17+$0x0] =	vst.idx.add.f32.msk $0xffff, v5  }
.Ltmp5:
0x87: {  	[tilespmem:v3+s17+$0x0] =	vst.idx.add.f32.msk $0xff, v5;
	(pc) =	sbr.rel @p0 .LBB2_1-.Ltmp5, $4  }
0x88: {  	[hbm4b:s12+s2] =	stream.linear.scatter [tilespmem:s17], [sflag:$0x1], $0x4800, $0x38;
	[tilespmem:$0x6300] =	vst v63  }
0x89: {  	_ =	swait.ge [sflag:s15], $0x4800  }
0x8a: {  	[sflag:s15] =	ssyncset.done $0x0  }
0x8b: {  	[sflag:s15] =	ssyncadd.s32 $0xFFFFB800  }
0x8c: {  	_ =	sfence.sel $0x180000  }
0x8d: {  	[bflag:$0x0] =	sbarrier.arrive $0xFFFF  }
0x8e: {  	p0 =	sne.s32 s1, $0x0;
	_ =	strace $0x9000004A  }
0x8f: {  	s0 =	sadd.s32 @!p0 $0x100000, s0;
	[bflag:$0x2] =	sbarrier.arrive $0xFFFF  }
0x90: {  	[sflag:s0] =	ssyncadd.tile.s32 @!p0 $0x1;
	_ =	shalt  }
.Lfunc_end2:
_tile_overlayer_lowered:
.L_overlay_start_2:
0x91: {  	(tag) =	ssettag $0x2  }
0x92: {  	s0 =	rddreg [dreg:$0x0];
	s2 =	stileid.u32  }
0x93: {  	s1 =	rddreg [dreg:$0x1];
	p0 =	sne.s32 s2, $0x0  }
0x94: {  	s3 =	rddreg [dreg:$0x2];
	[bflag:$0x3] =	sbarrier.arrive $0xFFFF;
	s2 =	simm.s32 @!p0 $0x1C01  }
0x95: {  	[timem:s3], [sflag:s2] =	dma.local @!p0 [hbm:s0], s1  }
0x96: {  	s0 =	simm.s32 @!p0 $0x1  }
0x97: {  	_ =	swait.ge @!p0 [sflag:s0], s1  }
0x98: {  	s1 =	ssub.s32 @!p0 $0x0, s1;
	[sflag:s0] =	ssyncset.done @!p0 $0x0  }
0x99: {  	[sflag:s0] =	ssyncadd.s32 @!p0 s1  }
0x9a: {  	[bflag:$0x3] =	sbarrier.arrive $0xFFFF  }
0x9b: {  	_ =	shalt  }

// kernel: kernel.30.cloned.1.call-start
scs
__scs_entry_jumppad:
0x0: {  	(pc) =	sbr.rel $0x88, $3  }
0x1: {  	(tag) =	ssettag $0x0;
	lr =	simm.s32 $0x1  }
0x2: {  	[smem:$0x3F6E] =	sst lr;
	_ =	strace $0xD0000000  }
0x3: {  	_ = 	snop  }
0x4: {  	_ = 	snop  }
0x5: {  	_ = 	snop  }
0x6: {  	_ = 	snop  }
0x7: {  	_ = 	snop  }
__scs_overlays_trampoline_lowered:
0x8: {  	[smem:$0x3F7D] =	sst s0  }
0x9: {  	[smem:$0x3F7E] =	sst s1  }
0xa: {  	[smem:$0x3F7F] =	sst s2  }
0xb: {  	[smem:$0x3F80] =	sst s3  }
0xc: {  	[smem:$0x3F81] =	sst s4  }
0xd: {  	[smem:$0x3F82] =	sst s5  }
0xe: {  	[smem:$0x3F83] =	sst s6  }
0xf: {  	[smem:$0x3F84] =	sst s7  }
0x10: {  	[smem:$0x3F85] =	sst s8  }
0x11: {  	[smem:$0x3F86] =	sst s9;
	s0 =	simm.s32 @!p0 $0x0  }
0x12: {  	s1 =	sld [smem:$0x3F6C];
	s0 =	simm.s32 @p0 $0x1  }
0x13: {  	[smem:$0x3F87] =	sst s0;
	s0 =	simm.s32 @!p1 $0x0  }
0x14: {  	s2 =	sld [smem:$0x3F6B];
	s0 =	simm.s32 @p1 $0x1  }
0x15: {  	[smem:$0x3F88] =	sst s0;
	s0 =	simm.s32 @!p2 $0x0  }
0x16: {  	s3 =	sld [smem:$0x3FDB];
	s0 =	simm.s32 @p2 $0x1  }
0x17: {  	s4 =	simm.s32 $0x1BF5;
	[smem:$0x3F8A] =	sst s0  }
0x18: {  	s0 =	sld [smem:$0x3F6D];
	_ =	swait.ge [sflag:s4], $0x0  }
0x19: {  	s7 =	sld [smem:$0x3F6E]  }
0x1a: {  	s8 =	sadd.s32 $0xFFFFE003, lr  }
0x1b: {  	s9 =	sadd.s32 $0xFFFFFEF7, lr;
	s5 =	simm.s32 $0xFFFFFFFF;
	p2 =	slt.u32 s8, $0xFFFFF086  }
0x1c: {  	p1 =	slt.u32 s9, $0xF7A;
	s5 =	simm.s32 @!p2 $0x0  }
0x1d: {  	s5 =	simm.s32 @p1 $0x1;
	p0 =	seq.s32 s7, s2  }
0x1e: {  	s7 =	smul.u32 @!p0 $0xF7A, s2;
	p2 =	seq.s32 @!p0 s5, $0x0  }
0x1f: {  	s9 =	smul.u32 $0xF7A, s1;
	s8 =	simm.s32 @!p0 $0x1BF5;
	p2 =	por !p2, p0  }
0x20: {  	[sflag:s8] =	ssyncset.s32 @!p0 $0xFFFFF086;
	s6 =	sadd.s32 @!p0 s3, s7;
	s7 =	simm.s32 @!p0 $0x108  }
0x21: {  	s3 =	sadd.s32 s3, s9;
	s6 =	sadd.s32 @!p0 $0x88, s6;
	s7 =	simm.s32 @p2 $0x1082  }
0x22: {  	[simem:s7], [sflag:s8] =	dma.local @!p0 [hbm:s6], $0xF7A  }
0x23: {  	s9 =	sor.u32 $0xD0000000, s2;
	s6 =	simm.s32 $0x108;
	_ =	swait.ge @!p0 [sflag:s8], $0x0  }
0x24: {  	s3 =	sadd.s32 $0x88, s3;
	s6 =	simm.s32 @!p1 $0x1082;
	[sflag:s4] =	ssyncset.s32 $0xFFFFF086  }
0x25: {  	[simem:s6], [sflag:s4] =	dma.local [hbm:s3], $0xF7A  }
0x26: {  	[smem:$0x3F6E] =	sst s1;
	(tag) =	ssettag s2;
	_ =	strace s9  }
0x27: {  	s1 =	sld [smem:$0x3F7E]  }
0x28: {  	s2 =	sld [smem:$0x3F7F]  }
0x29: {  	s4 =	sld [smem:$0x3F81]  }
0x2a: {  	p0 =	seq.s32 s5, $0x0;
	s5 =	sld [smem:$0x3F82]  }
0x2b: {  	s6 =	sld [smem:$0x3F83]  }
0x2c: {  	s7 =	sld [smem:$0x3F84]  }
0x2d: {  	s3 =	simm.s32 $0x108;
	s8 =	sld [smem:$0x3F85]  }
0x2e: {  	s3 =	simm.s32 @!p0 $0x1082;
	s9 =	sld [smem:$0x3F86]  }
0x2f: {  	lr =	sadd.s32 s0, s3;
	s0 =	sld [smem:$0x3F7D]  }
0x30: {  	s3 =	sld [smem:$0x3F80]  }
0x31: {  	[smem:$0x3F89] =	sst s10  }
0x32: {  	s10 =	sld [smem:$0x3F87];
	_ =	sdelay $0x3  }
0x33: {  	p0 =	seq.s32 s10, $0x1;
	s10 =	sld [smem:$0x3F89];
	_ =	sdelay $0x3  }
0x34: {  	[smem:$0x3F89] =	sst s10  }
0x35: {  	s10 =	sld [smem:$0x3F88];
	_ =	sdelay $0x3  }
0x36: {  	p1 =	seq.s32 s10, $0x1;
	s10 =	sld [smem:$0x3F89];
	_ =	sdelay $0x3  }
0x37: {  	[smem:$0x3F89] =	sst s10  }
0x38: {  	s10 =	sld [smem:$0x3F8A]  }
0x39: {  	_ = 	snop;
	(pc) =	sbr.ind lr, $3  }
0x3a: {  	_ = 	snop  }
0x3b: {  	_ = 	snop  }
0x3c: {  	p2 =	seq.s32 s10, $0x1;
	s10 =	sld [smem:$0x3F89]  }
0x3d: {  	_ =	shalt  }
0x3e: {  	_ =	shalt  }
0x3f: {  	_ =	shalt  }
0x40: {  	_ =	shalt  }
0x41: {  	_ =	shalt  }
0x42: {  	_ =	shalt  }
0x43: {  	_ =	shalt  }
0x44: {  	_ =	shalt  }
0x45: {  	_ =	shalt  }
0x46: {  	_ =	shalt  }
0x47: {  	_ =	shalt  }
0x48: {  	_ =	shalt  }
0x49: {  	_ =	shalt  }
0x4a: {  	_ =	shalt  }
0x4b: {  	_ =	shalt  }
0x4c: {  	_ =	shalt  }
0x4d: {  	_ =	shalt  }
0x4e: {  	_ =	shalt  }
0x4f: {  	_ =	shalt  }
0x50: {  	_ =	shalt  }
0x51: {  	_ =	shalt  }
0x52: {  	_ =	shalt  }
0x53: {  	_ =	shalt  }
0x54: {  	_ =	shalt  }
0x55: {  	_ =	shalt  }
0x56: {  	_ =	shalt  }
0x57: {  	_ =	shalt  }
0x58: {  	_ =	shalt  }
0x59: {  	_ =	shalt  }
0x5a: {  	_ =	shalt  }
0x5b: {  	_ =	shalt  }
0x5c: {  	_ =	shalt  }
0x5d: {  	_ =	shalt  }
0x5e: {  	_ =	shalt  }
0x5f: {  	_ =	shalt  }
0x60: {  	_ =	shalt  }
0x61: {  	_ =	shalt  }
0x62: {  	_ =	shalt  }
0x63: {  	_ =	shalt  }
0x64: {  	_ =	shalt  }
0x65: {  	_ =	shalt  }
0x66: {  	_ =	shalt  }
0x67: {  	_ =	shalt  }
0x68: {  	_ =	shalt  }
0x69: {  	_ =	shalt  }
0x6a: {  	_ =	shalt  }
0x6b: {  	_ =	shalt  }
0x6c: {  	_ =	shalt  }
0x6d: {  	_ =	shalt  }
0x6e: {  	_ =	shalt  }
0x6f: {  	_ =	shalt  }
0x70: {  	_ =	shalt  }
0x71: {  	_ =	shalt  }
0x72: {  	_ =	shalt  }
0x73: {  	_ =	shalt  }
0x74: {  	_ =	shalt  }
0x75: {  	_ =	shalt  }
0x76: {  	_ =	shalt  }
0x77: {  	_ =	shalt  }
0x78: {  	_ =	shalt  }
0x79: {  	_ =	shalt  }
0x7a: {  	_ =	shalt  }
0x7b: {  	_ =	shalt  }
0x7c: {  	_ =	shalt  }
0x7d: {  	_ =	shalt  }
0x7e: {  	_ =	shalt  }
0x7f: {  	_ =	shalt  }
0x80: {  	_ =	shalt  }
0x81: {  	_ =	shalt  }
0x82: {  	_ =	shalt  }
0x83: {  	_ =	shalt  }
0x84: {  	_ =	shalt  }
0x85: {  	_ =	shalt  }
0x86: {  	_ =	shalt  }
0x87: {  	_ =	shalt  }
.Lfunc_end0:
.L_simem_size_0:
called_computation.2_lowered:
.L_overlay_start_0:
0x88: {  	s2 =	sld [smem:$0x3FD9]  }
0x89: {  	s3 =	sld [smem:$0x3FFE];
	_ =	sdelay $0x1  }
0x8a: {  	s1 =	srdreg.scid  }
0x8b: {  	s0 =	sand.u32 $0x1, s1  }
0x8c: {  	s17 =	sshll.u32 s0, $0xA;
	s2 =	sadd.s32 s3, s2  }
0x8d: {  	s2 =	sadd.s32 s2, s17  }
0x8e: {  	[smem:$0x3F95] =	sst s2  }
0x8f: {  	_ = 	snop  }
0x90: {  	(tm) =	ssettm $0x1  }
0x91: {  	s18 =	sld [smem:$0x3FFB];
	_ =	sdelay $0x3  }
0x92: {  	_ =	strace s18  }
0x93: {  	s2 =	sld [smem:$0x3FFC];
	_ =	sdelay $0x3  }
0x94: {  	_ =	strace s2  }
0x95: {  	s2 =	sld [smem:$0x3FFD];
	_ =	sdelay $0x3  }
0x96: {  	_ =	strace s2  }
0x97: {  	_ =	strace $0x8FFFFFFF  }
0x98: {  	s19 =	sld [smem:$0x3FDB];
	_ =	sdelay $0x1  }
0x99: {  	s20 =	simm.s32 $_scs_section_size  }
0x9a: {  	s4 =	simm.s32 $_size__tile_overlayer_lowered;
	s5 =	simm.s32 $_tile_overlayer_lowered  }
0x9b: {  	s6 =	simm.s32 $0x1BFF;
	s21 =	sshll.u32 s5, $0x1;
	s3 =	sadd.s32 s20, s19  }
0x9c: {  	s22 =	simm.s32 $0x0;
	s4 =	sshll.u32 s4, $0x1;
	s5 =	sadd.s32 s21, s3  }
0x9d: {  	[timem:s22], [sflag:s6] =	dma.local [hbm:s5], s4  }
0x9e: {  	_ =	swait.ge [sflag:s6], s4  }
0x9f: {  	s4 =	ssub.s32 $0x0, s4;
	[sflag:s6] =	ssyncset.done $0x0  }
0xa0: {  	[sflag:s6] =	ssyncadd.s32 s4;
	_ =	sdelay $0x1  }
0xa1: {  	s23 =	simm.s32 $0x1B8B  }
0xa2: {  	_ =	swait.ge [sflag:s23], $0x1  }
0xa3: {  	[sflag:s23] =	ssyncset.done $0x0  }
0xa4: {  	[sflag:s23] =	ssyncadd.s32 $0xFFFFFFFF  }
0xa5: {  	s4 =	sld [smem:$0x0]  }
0xa6: {  	s5 =	sand.u32 $0xFFFFFFFE, s1  }
0xa7: {  	p0 =	sne.s32 s1, s5  }
0xa8: {  	s5 =	sshll.u32 @p0 s5, $0xE  }
0xa9: {  	s5 =	sadd.s32 @p0 $0x11B8D, s5;
	s6 =	sshll.u32 @p0 s4, $0x11  }
0xaa: {  	s5 =	sor.u32 @p0 s6, s5  }
0xab: {  	[sflag:s5] =	ssyncadd.remote.s32 @p0 $0x1;
	_ =	sdelay $0x1  }
0xac: {  	s5 =	simm.s32 @p0 $0x1B8D  }
0xad: {  	_ =	swait.eq @p0 [sflag:s5], $0x1  }
0xae: {  	[sflag:s5] =	ssyncadd.s32 @p0 $0xFFFFFFFF  }
0xaf: {  	s6 =	sshll.u32 @!p0 s1, $0xE  }
0xb0: {  	s6 =	sor.u32 @!p0 $0x4000, s6;
	s5 =	simm.s32 @!p0 $0x1B8D  }
0xb1: {  	s4 =	sshll.u32 @!p0 s4, $0x11;
	s6 =	sadd.s32 @!p0 $0x11B8D, s6;
	_ =	swait.eq @!p0 [sflag:s5], $0x1  }
0xb2: {  	s4 =	sor.u32 @!p0 s4, s6;
	[sflag:s5] =	ssyncadd.s32 @!p0 $0xFFFFFFFF  }
0xb3: {  	s25 =	simm.s32 $0x1B8E;
	s24 =	sld [smem:$0x3FFE];
	[sflag:s4] =	ssyncadd.remote.s32 @!p0 $0x1  }
0xb4: {  	s26 =	simm.s32 $execute0_lowered;
	[smem:$0x3FD2] =	sst s25  }
0xb5: {  	s5 =	sshll.u32 s26, $0x1;
	_ =	strace $0x8000004C;
	[dreg:$0x1] =	wrdreg $0xFFFFFFFF  }
0xb6: {  	s28 =	simm.s32 $_size_execute0_lowered;
	s3 =	sadd.s32 s3, s5;
	[dreg:$0x0] =	wrdreg $0x0  }
0xb7: {  	s5 =	sshll.u32 s28, $0x1;
	[dreg:$0x2] =	wrdreg s3  }
0xb8: {  	[dreg:$0x3] =	wrdreg s5  }
0xb9: {  	[dreg:$0x4] =	wrdreg $0xC0  }
0xba: {  	_ =	task [dreg:s22], $0x5FFFF  }
0xbb: {  	[dreg:$0x1] =	wrdreg $0xFFFFFFFF  }
0xbc: {  	[dreg:$0x0] =	wrdreg $0x60  }
0xbd: {  	[dreg:$0x2] =	wrdreg s24  }
0xbe: {  	[dreg:$0x3] =	wrdreg $0xB  }
0xbf: {  	_ =	task.clear_ibuf [dreg:s22], $0x4FFFF;
	_ =	strace $0x9000004C  }
0xc0: {  	s29 =	simm.s32 $0xB;
	_ =	strace $0x8000004E  }
0xc1: {  	_ =	swait.ge [sflag:s29], $0x1  }
0xc2: {  	[sflag:s29] =	ssyncadd.s32 $0xFFFFFFFF  }
0xc3: {  	_ =	strace $0x9000004E  }
0xc4: {  	_ =	sfence  }
0xc5: {  	s30 =	sld [smem:$0x0];
	_ =	sdelay $0x2  }
0xc6: {  	s31 =	sshll.u32 s1, $0xD;
	s1 =	sshrl.u32 s1, $0x2  }
0xc7: {  	s4 =	sand.u32 $0x4000, s31;
	s1 =	sadd.s32 s1, s30  }
0xc8: {  	s0 =	sor.u32 s4, s0;
	s1 =	sshll.u32 s1, $0x11  }
0xc9: {  	s0 =	sor.u32 s1, s0  }
0xca: {  	s0 =	sadd.s32 $0x8F2B, s0  }
0xcb: {  	[sflag:s0] =	ssyncadd.remote.s32 $0x1  }
0xcc: {  	_ =	sfence.sel $0xFFFF  }
0xcd: {  	[dreg:$0x0] =	wrdreg $0xFFFFFFFF;
	(pc) =	sbr.abs _section_cstart, $3  }
0xce: {  	[dreg:$0x1] =	wrdreg $0xFFFFFFFF  }
0xcf: {  	_ =	task.clear_ibuf [dreg:s22], $0x2FFFF;
	_ =	strace $0x9FFFFFFF  }
0xd0: {  	(tm) =	ssettm $0x7FFFFFFF  }
0xd1: {  	_ =	shalt  }
tec
execute0_lowered:
.L_overlay_start_1:
0x0: {  	(tag) =	ssettag $0x1  }
0x1: {  	s11 =	rddreg [dreg:$0x0]  }
0x2: {  	s1 =	srdreg.scid;
	s0 =	rddreg [dreg:$0x1]  }
0x3: {  	s2 =	simm.s32 $0x0;
	s14 =	simm.s32 $0x1A00;
	s15 =	simm.s32 $0x1  }
0x4: {  	s16 =	simm.s32 $0xD00;
	s17 =	simm.s32 $0x1D80;
	s5 =	sand.u32 $0x1, s1  }
0x5: {  	s18 =	simm.s32 $0x0;
	s1 =	stileid.u32;
	s3 =	sshll.u32 s5, $0x4  }
0x6: {  	v2 =	vlaneseq.u32;
	[smem:$0x7FF] =	sst s2;
	s4 =	sadd.s32 $0x6D000, s11;
	s6 =	sor.u32 s1, s3  }
0x7: {  	v3 =	vmul.u32 $0x340, v2;
	s9 =	sadd.s32 $0x6D340, s11;
	s8 =	ssub.s32 $0x2, s5;
	s10 =	smul.u32 $0x1A, s6  }
0x8: {  	vm0 =	vmmov $0x3ff;
	v4 =	vor.u32 $0x10, v2;
	_ =	strace $0x8000004D;
	s5 =	sadd.s32 $0x6CE00, s11;
	s30 =	sshrl.u32 s8, $0x1  }
0x9: {  	s3 =	sadd.s32 $0x6D800, s11;
	v5 =	vadd.s32 $0x3400, v3;
	s7 =	smul.u32 $0xA90, s6;
	s13 =	ssub.s32 s8, s30;
	v2 =	vadd.s32 s10, v2;
	v4 =	vadd.s32 s10, v4  }
0xa: {  	s6 =	sadd.s32 $0x6D9A0, s11;
	s8 =	sadd.s32 $0x6DB40, s11;
	v0 =	vmov s10;
	s31 =	sadd.s32 $0x1A, s10;
	v2 =	vmin.u32 v2, $0x33F;
	v4 =	vmin.u32 v4, $0x33F  }
0xb: {  	s13 =	smax.u32 s13, $0x1;
	s12 =	sadd.s32 s7, s11;
	s7 =	sadd.s32 $0x6D1A0, s11;
	v1 =	vmov s31;
	v2 =	vadd.s32 v3, v2;
	v3 =	vadd.s32 v5, v4  }
0xc: {  	s10 =	sadd.s32 $0x6DCE0, s11;
	s11 =	sadd.s32 $0x6D4E0, s11;
	s12 =	sadd.s32 $0x6E000, s12;
	v4 =	vimm.f32 $0.0e+00;
	v5 =	vimm.f32 $1.000000000e+00;
	v3 =	vnsel vm0, $0x0, v3  }
.LBB2_1:
0xd: {  	[tilespmem:s14], [sflag:$0x1] =	stream.linear.gather [hbm4b:s5+s2], $0x380, $0x38;
	[tilespmem:$0x7200] =	vst v63  }
0xe: {  	_ =	swait.ge [sflag:s15], $0x380  }
0xf: {  	[sflag:s15] =	ssyncset.done $0x0  }
0x10: {  	s19 =	simm.s32 $0x40;
	s20 =	simm.s32 $0x0;
	[sflag:s15] =	ssyncadd.s32 $0xFFFFFC80  }
.LBB2_2:
0x11: {  	p0 =	sne.s32 s19, $0x151C0;
	[tilespmem:s20+$0x1D80] =	vst v4;
	s20 =	smov.u32 s19;
	s19 =	sadd.s32 $0x40, s19  }
.Ltmp0:
0x12: {  	(pc) =	sbr.rel @p0 .LBB2_2-.Ltmp0, $2  }
0x13: {  	_ =	sdelay $0x2  }
0x14: {  	s20 =	sshra.s32 s20, $0x2  }
0x15: {  	[tilespmem:s20+$0x1D80] =	vst v4;
	s19 =	simm.s32 $0x0  }
0x16: {  	[tilespmem:s19], [sflag:$0x1] =	stream.linear.gather [hbm4b:s3+s19], $0xD00, $0x38;
	[tilespmem:$0x7200] =	vst v63  }
0x17: {  	_ =	swait.ge [sflag:s15], $0xD00  }
0x18: {  	[sflag:s15] =	ssyncset.done $0x0  }
0x19: {  	[sflag:s15] =	ssyncadd.s32 $0xFFFFF300  }
0x1a: {  	[tilespmem:s16], [sflag:$0x1] =	stream.linear.gather [hbm4b:s4+s19], $0xD00, $0x38;
	[tilespmem:$0x7200] =	vst v63  }
0x1b: {  	_ =	swait.ge [sflag:s15], $0xD00  }
0x1c: {  	[sflag:s15] =	ssyncset.done $0x0  }
0x1d: {  	s20 =	simm.s32 $0x0;
	[sflag:s15] =	ssyncadd.s32 $0xFFFFF300  }
0x1e: {  	s19 =	simm.s32 $0x40;
	v6 =	vld [tilespmem:s20+$0x0]  }
.LBB2_4:
0x1f: {  	p0 =	sne.s32 s19, $0x33C0;
	v7 =	vld [tilespmem:s20+$0xD00];
	_ =	sdelay $0x6  }
0x20: {  	v9 =	vsub.s32 v7, v0;
	v8 =	vld.idx.msk [tilespmem:v6+s14+$0x0], $0xffff  }
0x21: {  	v9 =	vmul.u32 $0x340, v9;
	v10 =	vld.idx.msk [tilespmem:v7+s14+$0x0], $0xffff  }
0x22: {  	vm0 =	vge.s32 v7, v0;
	vm1 =	vlt.s32 v7, v1  }
0x23: {  	vm0 =	vmand vm0, vm1;
	v6 =	vadd.s32 v6, v9  }
0x24: {  	v6 =	vnsel vm0, $0x0, v6;
	_ =	sdelay $0x1  }
.Ltmp1:
0x25: {  	(pc) =	sbr.rel @p0 .LBB2_4-.Ltmp1, $3  }
0x26: {  	v7 =	vmul.f32 v10, v8;
	_ =	sdelay $0x1  }
0x27: {  	s20 =	sshra.s32 s19, $0x2;
	[tilespmem:v6+s17+$0x0] =	vst.idx.add.f32.msk vm0, v7  }
0x28: {  	s19 =	sadd.s32 $0x40, s19;
	v6 =	vld [tilespmem:s20+$0x0]  }
0x29: {  	_ = 	snop  }
0x2a: {  	v7 =	vld [tilespmem:s20+$0xD00];
	_ =	sdelay $0x5  }
0x2b: {  	v8 =	vsub.s32 v7, v0  }
0x2c: {  	v9 =	vld.idx.msk [tilespmem:v6+s14+$0x0], $0xffff;
	v8 =	vmul.u32 $0x340, v8  }
0x2d: {  	vm0 =	vge.s32 v7, v0;
	vm1 =	vlt.s32 v7, v1;
	v10 =	vld.idx.msk [tilespmem:v7+s14+$0x0], $0xffff  }
0x2e: {  	vm0 =	vmand vm0, vm1;
	v6 =	vadd.s32 v6, v8  }
0x2f: {  	v6 =	vnsel vm0, $0x0, v6;
	_ =	sdelay $0x2  }
0x30: {  	v7 =	vmul.f32 v10, v9;
	_ =	sdelay $0x1  }
0x31: {  	s19 =	simm.s32 $0x0;
	[tilespmem:v6+s17+$0x0] =	vst.idx.add.f32.msk vm0, v7  }
0x32: {  	[tilespmem:s19], [sflag:$0x1] =	stream.linear.gather [hbm4b:s6+s19], $0xD00, $0x38;
	[tilespmem:$0x7200] =	vst v63  }
0x33: {  	_ =	swait.ge [sflag:s15], $0xD00  }
0x34: {  	[sflag:s15] =	ssyncset.done $0x0  }
0x35: {  	[sflag:s15] =	ssyncadd.s32 $0xFFFFF300  }
0x36: {  	[tilespmem:s16], [sflag:$0x1] =	stream.linear.gather [hbm4b:s7+s19], $0xD00, $0x38;
	[tilespmem:$0x7200] =	vst v63  }
0x37: {  	_ =	swait.ge [sflag:s15], $0xD00  }
0x38: {  	[sflag:s15] =	ssyncset.done $0x0  }
0x39: {  	s20 =	simm.s32 $0x0;
	[sflag:s15] =	ssyncadd.s32 $0xFFFFF300  }
0x3a: {  	s19 =	simm.s32 $0x40;
	v6 =	vld [tilespmem:s20+$0x0]  }
.LBB2_6:
0x3b: {  	p0 =	sne.s32 s19, $0x33C0;
	v7 =	vld [tilespmem:s20+$0xD00];
	_ =	sdelay $0x6  }
0x3c: {  	v9 =	vsub.s32 v7, v0;
	v8 =	vld.idx.msk [tilespmem:v6+s14+$0x0], $0xffff  }
0x3d: {  	v9 =	vmul.u32 $0x340, v9;
	v10 =	vld.idx.msk [tilespmem:v7+s14+$0x0], $0xffff  }
0x3e: {  	vm0 =	vge.s32 v7, v0;
	vm1 =	vlt.s32 v7, v1  }
0x3f: {  	vm0 =	vmand vm0, vm1;
	v6 =	vadd.s32 v6, v9  }
0x40: {  	v6 =	vnsel vm0, $0x0, v6;
	_ =	sdelay $0x1  }
.Ltmp2:
0x41: {  	(pc) =	sbr.rel @p0 .LBB2_6-.Ltmp2, $3  }
0x42: {  	v7 =	vmul.f32 v10, v8;
	_ =	sdelay $0x1  }
0x43: {  	s20 =	sshra.s32 s19, $0x2;
	[tilespmem:v6+s17+$0x0] =	vst.idx.add.f32.msk vm0, v7  }
0x44: {  	s19 =	sadd.s32 $0x40, s19;
	v6 =	vld [tilespmem:s20+$0x0]  }
0x45: {  	_ = 	snop  }
0x46: {  	v7 =	vld [tilespmem:s20+$0xD00];
	_ =	sdelay $0x5  }
0x47: {  	v8 =	vsub.s32 v7, v0  }
0x48: {  	v9 =	vld.idx.msk [tilespmem:v6+s14+$0x0], $0xffff;
	v8 =	vmul.u32 $0x340, v8  }
0x49: {  	vm0 =	vge.s32 v7, v0;
	vm1 =	vlt.s32 v7, v1;
	v10 =	vld.idx.msk [tilespmem:v7+s14+$0x0], $0xffff  }
0x4a: {  	vm0 =	vmand vm0, vm1;
	v6 =	vadd.s32 v6, v8  }
0x4b: {  	v6 =	vnsel vm0, $0x0, v6;
	_ =	sdelay $0x2  }
0x4c: {  	v7 =	vmul.f32 v10, v9;
	_ =	sdelay $0x1  }
0x4d: {  	s19 =	simm.s32 $0x0;
	[tilespmem:v6+s17+$0x0] =	vst.idx.add.f32.msk vm0, v7  }
0x4e: {  	[tilespmem:s19], [sflag:$0x1] =	stream.linear.gather [hbm4b:s8+s19], $0xD00, $0x38;
	[tilespmem:$0x7200] =	vst v63  }
0x4f: {  	_ =	swait.ge [sflag:s15], $0xD00  }
0x50: {  	[sflag:s15] =	ssyncset.done $0x0  }
0x51: {  	[sflag:s15] =	ssyncadd.s32 $0xFFFFF300  }
0x52: {  	[tilespmem:s16], [sflag:$0x1] =	stream.linear.gather [hbm4b:s9+s19], $0xD00, $0x38;
	[tilespmem:$0x7200] =	vst v63  }
0x53: {  	_ =	swait.ge [sflag:s15], $0xD00  }
0x54: {  	[sflag:s15] =	ssyncset.done $0x0  }
0x55: {  	s20 =	simm.s32 $0x0;
	[sflag:s15] =	ssyncadd.s32 $0xFFFFF300  }
0x56: {  	s19 =	simm.s32 $0x40;
	v6 =	vld [tilespmem:s20+$0x0]  }
.LBB2_8:
0x57: {  	p0 =	sne.s32 s19, $0x33C0;
	v7 =	vld [tilespmem:s20+$0xD00];
	_ =	sdelay $0x6  }
0x58: {  	v9 =	vsub.s32 v7, v0;
	v8 =	vld.idx.msk [tilespmem:v6+s14+$0x0], $0xffff  }
0x59: {  	v9 =	vmul.u32 $0x340, v9;
	v10 =	vld.idx.msk [tilespmem:v7+s14+$0x0], $0xffff  }
0x5a: {  	vm0 =	vge.s32 v7, v0;
	vm1 =	vlt.s32 v7, v1  }
0x5b: {  	vm0 =	vmand vm0, vm1;
	v6 =	vadd.s32 v6, v9  }
0x5c: {  	v6 =	vnsel vm0, $0x0, v6;
	_ =	sdelay $0x1  }
.Ltmp3:
0x5d: {  	(pc) =	sbr.rel @p0 .LBB2_8-.Ltmp3, $3  }
0x5e: {  	v7 =	vmul.f32 v10, v8;
	_ =	sdelay $0x1  }
0x5f: {  	s20 =	sshra.s32 s19, $0x2;
	[tilespmem:v6+s17+$0x0] =	vst.idx.add.f32.msk vm0, v7  }
0x60: {  	s19 =	sadd.s32 $0x40, s19;
	v6 =	vld [tilespmem:s20+$0x0]  }
0x61: {  	_ = 	snop  }
0x62: {  	v7 =	vld [tilespmem:s20+$0xD00];
	_ =	sdelay $0x5  }
0x63: {  	v8 =	vsub.s32 v7, v0  }
0x64: {  	v9 =	vld.idx.msk [tilespmem:v6+s14+$0x0], $0xffff;
	v8 =	vmul.u32 $0x340, v8  }
0x65: {  	vm0 =	vge.s32 v7, v0;
	vm1 =	vlt.s32 v7, v1;
	v10 =	vld.idx.msk [tilespmem:v7+s14+$0x0], $0xffff  }
0x66: {  	vm0 =	vmand vm0, vm1;
	v6 =	vadd.s32 v6, v8  }
0x67: {  	v6 =	vnsel vm0, $0x0, v6;
	_ =	sdelay $0x2  }
0x68: {  	v7 =	vmul.f32 v10, v9;
	_ =	sdelay $0x1  }
0x69: {  	s19 =	simm.s32 $0x0;
	[tilespmem:v6+s17+$0x0] =	vst.idx.add.f32.msk vm0, v7  }
0x6a: {  	[tilespmem:s19], [sflag:$0x1] =	stream.linear.gather [hbm4b:s10+s19], $0xD00, $0x38;
	[tilespmem:$0x7200] =	vst v63  }
0x6b: {  	_ =	swait.ge [sflag:s15], $0xD00  }
0x6c: {  	[sflag:s15] =	ssyncset.done $0x0  }
0x6d: {  	[sflag:s15] =	ssyncadd.s32 $0xFFFFF300  }
0x6e: {  	[tilespmem:s16], [sflag:$0x1] =	stream.linear.gather [hbm4b:s11+s19], $0xD00, $0x38;
	[tilespmem:$0x7200] =	vst v63  }
0x6f: {  	_ =	swait.ge [sflag:s15], $0xD00  }
0x70: {  	[sflag:s15] =	ssyncset.done $0x0  }
0x71: {  	s20 =	simm.s32 $0x0;
	[sflag:s15] =	ssyncadd.s32 $0xFFFFF300  }
0x72: {  	s19 =	simm.s32 $0x40;
	v6 =	vld [tilespmem:s20+$0x0]  }
.LBB2_10:
0x73: {  	p0 =	sne.s32 s19, $0x33C0;
	v7 =	vld [tilespmem:s20+$0xD00];
	_ =	sdelay $0x6  }
0x74: {  	v9 =	vsub.s32 v7, v0;
	v8 =	vld.idx.msk [tilespmem:v6+s14+$0x0], $0xffff  }
0x75: {  	v9 =	vmul.u32 $0x340, v9;
	v10 =	vld.idx.msk [tilespmem:v7+s14+$0x0], $0xffff  }
0x76: {  	vm0 =	vge.s32 v7, v0;
	vm1 =	vlt.s32 v7, v1  }
0x77: {  	vm0 =	vmand vm0, vm1;
	v6 =	vadd.s32 v6, v9  }
0x78: {  	v6 =	vnsel vm0, $0x0, v6;
	_ =	sdelay $0x1  }
.Ltmp4:
0x79: {  	(pc) =	sbr.rel @p0 .LBB2_10-.Ltmp4, $3  }
0x7a: {  	v7 =	vmul.f32 v10, v8;
	_ =	sdelay $0x1  }
0x7b: {  	s20 =	sshra.s32 s19, $0x2;
	[tilespmem:v6+s17+$0x0] =	vst.idx.add.f32.msk vm0, v7  }
0x7c: {  	s19 =	sadd.s32 $0x40, s19;
	v6 =	vld [tilespmem:s20+$0x0]  }
0x7d: {  	_ = 	snop  }
0x7e: {  	v7 =	vld [tilespmem:s20+$0xD00];
	_ =	sdelay $0x5  }
0x7f: {  	v8 =	vsub.s32 v7, v0  }
0x80: {  	v9 =	vld.idx.msk [tilespmem:v6+s14+$0x0], $0xffff;
	v8 =	vmul.u32 $0x340, v8  }
0x81: {  	vm0 =	vge.s32 v7, v0;
	vm1 =	vlt.s32 v7, v1;
	v10 =	vld.idx.msk [tilespmem:v7+s14+$0x0], $0xffff  }
0x82: {  	vm0 =	vmand vm0, vm1;
	v6 =	vadd.s32 v6, v8  }
0x83: {  	v6 =	vnsel vm0, $0x0, v6;
	_ =	sdelay $0x2  }
0x84: {  	v7 =	vmul.f32 v10, v9;
	_ =	sdelay $0x1  }
0x85: {  	s18 =	sadd.s32 $0x1, s18;
	[tilespmem:v6+s17+$0x0] =	vst.idx.add.f32.msk vm0, v7  }
0x86: {  	p0 =	sne.s32 s18, s13;
	[tilespmem:v2+s17+$0x0] =	vst.idx.add.f32.msk $0xffff, v5  }
.Ltmp5:
0x87: {  	[tilespmem:v3+s17+$0x0] =	vst.idx.add.f32.msk $0x3ff, v5;
	(pc) =	sbr.rel @p0 .LBB2_1-.Ltmp5, $4  }
0x88: {  	[hbm4b:s12+s2] =	stream.linear.scatter [tilespmem:s17], [sflag:$0x1], $0x5480, $0x38;
	[tilespmem:$0x7200] =	vst v63  }
0x89: {  	_ =	swait.ge [sflag:s15], $0x5480  }
0x8a: {  	[sflag:s15] =	ssyncset.done $0x0  }
0x8b: {  	[sflag:s15] =	ssyncadd.s32 $0xFFFFAB80  }
0x8c: {  	_ =	sfence.sel $0x180000  }
0x8d: {  	[bflag:$0x0] =	sbarrier.arrive $0xFFFF  }
0x8e: {  	p0 =	sne.s32 s1, $0x0;
	_ =	strace $0x9000004D  }
0x8f: {  	s0 =	sadd.s32 @!p0 $0x100000, s0;
	[bflag:$0x2] =	sbarrier.arrive $0xFFFF  }
0x90: {  	[sflag:s0] =	ssyncadd.tile.s32 @!p0 $0x1;
	_ =	shalt  }
.Lfunc_end2:
_tile_overlayer_lowered:
.L_overlay_start_2:
0x91: {  	(tag) =	ssettag $0x2  }
0x92: {  	s0 =	rddreg [dreg:$0x0];
	s2 =	stileid.u32  }
0x93: {  	s1 =	rddreg [dreg:$0x1];
	p0 =	sne.s32 s2, $0x0  }
0x94: {  	s3 =	rddreg [dreg:$0x2];
	[bflag:$0x3] =	sbarrier.arrive $0xFFFF;
	s2 =	simm.s32 @!p0 $0x1C01  }
0x95: {  	[timem:s3], [sflag:s2] =	dma.local @!p0 [hbm:s0], s1  }
0x96: {  	s0 =	simm.s32 @!p0 $0x1  }
0x97: {  	_ =	swait.ge @!p0 [sflag:s0], s1  }
0x98: {  	s1 =	ssub.s32 @!p0 $0x0, s1;
	[sflag:s0] =	ssyncset.done @!p0 $0x0  }
0x99: {  	[sflag:s0] =	ssyncadd.s32 @!p0 s1  }
0x9a: {  	[bflag:$0x3] =	sbarrier.arrive $0xFFFF  }
0x9b: {  	_ =	shalt  }

</sc_bundles>
